<compile_context>
chip_gen: v7x
topology: tpu7x:2x2x1
jax: 0.10.2.dev20260603
libtpu: 0.0.44.dev20260713+nightly
codegen_flags: <defaults>
</compile_context>

<pallas_src>
import functools

import jax
import jax.numpy as jnp
from jax import lax
from jax.experimental import pallas as pl
from jax.experimental.pallas import tpu as pltpu
from jax.experimental.pallas import tpu_sc as plsc

_N = 10000
_E = 320000
_D = 128
_L = 8
_H = 8
_HD = _D // _H
_NG = 50
_BQ = 200
_NB = _N // _BQ

_NC = 2
_NS = 16
_NW = _NC * _NS
_EPW = _E // _NW
_CH = 80
_NCH = _EPW // _CH


def _sc_scatter_add(x, src, dst, zeros_nd):
    mesh = plsc.VectorSubcoreMesh(core_axis_name="c", subcore_axis_name="s")

    @functools.partial(
        pl.kernel,
        out_type=jax.ShapeDtypeStruct((_NC, _N, _D), jnp.float32),
        mesh=mesh,
        scratch_types=[
            pltpu.VMEM((_CH,), jnp.int32),
            pltpu.VMEM((_CH,), jnp.int32),
            pltpu.VMEM((_CH, _D), jnp.float32),
            pltpu.VMEM_SHARED((_N, _D), jnp.float32),
            pltpu.SemaphoreType.DMA,
        ],
    )
    def body(x_hbm, src_hbm, dst_hbm, z_hbm, out_hbm, sidx, didx, rows, acc, sem):
        c = lax.axis_index("c")
        s = lax.axis_index("s")
        wid = c * _NS + s

        @pl.when(s == 0)
        def _():
            pltpu.sync_copy(z_hbm, acc)

        plsc.subcore_barrier()

        base = wid * _EPW

        def step(i, carry):
            off = pl.multiple_of(base + i * _CH, 8)
            pltpu.sync_copy(src_hbm.at[pl.ds(off, _CH)], sidx)
            pltpu.sync_copy(dst_hbm.at[pl.ds(off, _CH)], didx)
            pltpu.async_copy(x_hbm.at[sidx], rows, sem).wait()
            pltpu.sync_copy(rows, acc.at[didx], add=True)
            return carry

        lax.fori_loop(0, _NCH, step, 0)
        plsc.subcore_barrier()

        @pl.when(s == 0)
        def _():
            pltpu.sync_copy(acc, out_hbm.at[c])

    return body(x, src, dst, zeros_nd)


def _qkv_kernel(x_ref, w_ref, b_ref, o_ref):
    o_ref[...] = (
        jnp.dot(x_ref[...], w_ref[...], preferred_element_type=jnp.float32)
        + b_ref[0:1, :]
    )


def _qkv(x, winT, bin8):
    return pl.pallas_call(
        _qkv_kernel,
        grid=(10,),
        in_specs=[
            pl.BlockSpec((_N // 10, _D), lambda i: (i, 0)),
            pl.BlockSpec((_D, 3 * _D), lambda i: (0, 0)),
            pl.BlockSpec((8, 3 * _D), lambda i: (0, 0)),
        ],
        out_specs=pl.BlockSpec((_N // 10, 3 * _D), lambda i: (i, 0)),
        out_shape=jax.ShapeDtypeStruct((_N, 3 * _D), jnp.float32),
    )(x, winT, bin8)


def _attn_kernel(ranges_ref, qkv_ref, bq_ref, br_ref, o_ref):
    i = pl.program_id(0)
    kb_lo = ranges_ref[2 * i]
    kb_n = ranges_ref[2 * i + 1]
    scale = 1.0 / (_HD ** 0.5)

    q = qkv_ref[pl.ds(pl.multiple_of(i * _BQ, 8), _BQ), 0:_D] * scale
    bq = bq_ref[...]

    def step(j, carry):
        kb = kb_lo + j
        off = pl.multiple_of(kb * _BQ, 8)
        kk = qkv_ref[pl.ds(off, _BQ), _D:2 * _D]
        vv = qkv_ref[pl.ds(off, _BQ), 2 * _D:3 * _D]
        bk = br_ref[pl.ds(kb, 1), :, :].reshape(1, _BQ)
        msk = bq == bk
        new = []
        for h in range(_H):
            o, m, l = carry[h]
            sl = slice(h * _HD, (h + 1) * _HD)
            s = lax.dot_general(q[:, sl], kk[:, sl], (((1,), (1,)), ((), ())),
                                preferred_element_type=jnp.float32)
            s = jnp.where(msk, s, -1e9)
            m2 = jnp.maximum(m, jnp.max(s, axis=1, keepdims=True))
            p = jnp.exp(s - m2)
            alpha = jnp.exp(m - m2)
            l2 = l * alpha + jnp.sum(p, axis=1, keepdims=True)
            o2 = o * alpha + jnp.dot(p, vv[:, sl], preferred_element_type=jnp.float32)
            new.append((o2, m2, l2))
        return tuple(new)

    init = tuple(
        (jnp.zeros((_BQ, _HD), jnp.float32),
         jnp.full((_BQ, 1), -1e30, jnp.float32),
         jnp.zeros((_BQ, 1), jnp.float32))
        for _ in range(_H)
    )
    fin = lax.fori_loop(0, kb_n, step, init)
    o_ref[...] = jnp.concatenate([o / l for (o, m, l) in fin], axis=1)


def _attention(qkv, b_col, b_row, ranges):
    grid_spec = pltpu.PrefetchScalarGridSpec(
        num_scalar_prefetch=1,
        grid=(_NB,),
        in_specs=[
            pl.BlockSpec((_N, 3 * _D), lambda i, r: (0, 0)),
            pl.BlockSpec((_BQ, 1), lambda i, r: (i, 0)),
            pl.BlockSpec((_NB, 1, _BQ), lambda i, r: (0, 0, 0)),
        ],
        out_specs=pl.BlockSpec((_BQ, _D), lambda i, r: (i, 0)),
    )
    return pl.pallas_call(
        _attn_kernel,
        grid_spec=grid_spec,
        out_shape=jax.ShapeDtypeStruct((_N, _D), jnp.float32),
    )(ranges, qkv, b_col, b_row)


def _bn(h, g, b, eps=1e-5):
    mean = jnp.mean(h, axis=0, keepdims=True)
    var = jnp.mean((h - mean) ** 2, axis=0, keepdims=True)
    return g * (h - mean) / jnp.sqrt(var + eps) + b


def _dense_kernel(x_ref, a0_ref, a1_ref, at_ref,
                  gw1_ref, gb1_ref, gw2_ref, gb2_ref,
                  woT_ref, bo_ref, mw1_ref, mb1_ref, mw2_ref, mb2_ref,
                  nrm_ref, o_ref):
    x = x_ref[...]
    h = x + a0_ref[...] + a1_ref[...]
    t = jax.nn.relu(jnp.dot(h, gw1_ref[...], preferred_element_type=jnp.float32)
                    + gb1_ref[0:1, :])
    t = jnp.dot(t, gw2_ref[...], preferred_element_type=jnp.float32) + gb2_ref[0:1, :]
    t = t + x
    h1 = _bn(t, nrm_ref[0:1, :], nrm_ref[3:4, :])

    a = jnp.dot(at_ref[...], woT_ref[...], preferred_element_type=jnp.float32) + bo_ref[0:1, :]
    h2 = _bn(a + x, nrm_ref[1:2, :], nrm_ref[4:5, :])

    out = h1 + h2
    m = jax.nn.relu(jnp.dot(out, mw1_ref[...], preferred_element_type=jnp.float32)
                    + mb1_ref[0:1, :_D * 2])
    m = jnp.dot(m, mw2_ref[...], preferred_element_type=jnp.float32) + mb2_ref[0:1, :]
    out = out + m
    o_ref[...] = _bn(out, nrm_ref[2:3, :], nrm_ref[5:6, :])


def _dense(x, a0, a1, attn_raw, gw1, gb1, gw2, gb2, woT, bo, mw1, mb1, mw2, mb2, nrm):
    full = lambda shp: pl.BlockSpec(shp, lambda: tuple(0 for _ in shp))
    args = (x, a0, a1, attn_raw, gw1, gb1, gw2, gb2, woT, bo, mw1, mb1, mw2, mb2, nrm)
    return pl.pallas_call(
        _dense_kernel,
        grid=(),
        in_specs=[full(a.shape) for a in args],
        out_specs=full((_N, _D)),
        out_shape=jax.ShapeDtypeStruct((_N, _D), jnp.float32),
    )(*args)


def _pad8(b):
    return jnp.broadcast_to(b[None, :], (8, b.shape[0]))


def kernel(x, edge_index, batch, gin_w1, gin_b1, gin_w2, gin_b2,
           attn_win, attn_bin, attn_wout, attn_bout,
           mlp_w1, mlp_b1, mlp_w2, mlp_b2, norm_gamma, norm_beta):
    src = edge_index[0]
    dst = edge_index[1]
    zeros_nd = jnp.zeros((_N, _D), jnp.float32)

    starts = jnp.searchsorted(batch, jnp.arange(_NG + 1, dtype=jnp.int32))
    gf = batch[::_BQ]
    gl = batch[_BQ - 1::_BQ]
    k_lo = starts[gf]
    k_hi = starts[gl + 1]
    kb_lo = (k_lo // _BQ).astype(jnp.int32)
    kb_n = ((k_hi + _BQ - 1) // _BQ).astype(jnp.int32) - kb_lo
    ranges = jnp.stack([kb_lo, kb_n], axis=1).reshape(-1)

    b_col = batch[:, None]
    b_row = batch.reshape(_NB, 1, _BQ)

    winT = jnp.transpose(attn_win, (0, 2, 1))
    woutT = jnp.transpose(attn_wout, (0, 2, 1))
    nrm = jnp.concatenate([norm_gamma, norm_beta], axis=1)
    nrm = jnp.pad(nrm, ((0, 0), (0, 2), (0, 0)))

    for l in range(_L):
        agg = _sc_scatter_add(x, src, dst, zeros_nd)
        qkv = _qkv(x, winT[l], _pad8(attn_bin[l]))
        attn_raw = _attention(qkv, b_col, b_row, ranges)
        x = _dense(x, agg[0], agg[1], attn_raw,
                   gin_w1[l], _pad8(gin_b1[l]), gin_w2[l], _pad8(gin_b2[l]),
                   woutT[l], _pad8(attn_bout[l]),
                   mlp_w1[l], _pad8(mlp_b1[l]), mlp_w2[l], _pad8(mlp_b2[l]),
                   nrm[l])
    return x

# --- scband reference (transcript-rebuilt; emitter-appended) ---
"""Pipeline reference for scband-gpsmodel-35983236006252 (READ-ONLY COPY).

The authoritative reference and input builder live on the scoring server;
editing this copy changes nothing except your own understanding.
"""

import jax, jax.numpy as jnp
import numpy as np

N = 10000
E = 320000
D = 128
L = 8
H = 8
NG = 50


def setup_inputs(seed: int = 0):
    key = jax.random.key(seed)
    ks = jax.random.split(key, 12)

    def pmat(k, shape):
        return jax.random.normal(k, shape, dtype=jnp.float32) * 0.05

    x = jax.random.normal(ks[0], (N, D), dtype=jnp.float32)
    edge_index = jax.random.randint(ks[1], (2, E), 0, N, dtype=jnp.int32)
    batch = jnp.sort(jax.random.randint(ks[2], (N,), 0, NG, dtype=jnp.int32))
    return {
        'x': x, 'edge_index': edge_index, 'batch': batch,
        'gin_w1': pmat(ks[3], (L, D, D)), 'gin_b1': jnp.zeros((L, D), jnp.float32),
        'gin_w2': pmat(ks[4], (L, D, D)), 'gin_b2': jnp.zeros((L, D), jnp.float32),
        'attn_win': pmat(ks[5], (L, 3 * D, D)), 'attn_bin': jnp.zeros((L, 3 * D), jnp.float32),
        'attn_wout': pmat(ks[6], (L, D, D)), 'attn_bout': jnp.zeros((L, D), jnp.float32),
        'mlp_w1': pmat(ks[7], (L, D, 2 * D)), 'mlp_b1': jnp.zeros((L, 2 * D), jnp.float32),
        'mlp_w2': pmat(ks[8], (L, 2 * D, D)), 'mlp_b2': jnp.zeros((L, D), jnp.float32),
        'norm_gamma': jnp.ones((L, 3, D), jnp.float32),
        'norm_beta': jnp.zeros((L, 3, D), jnp.float32),
    }


def _batch_norm(h, gamma, beta, eps=1e-5):
    mean = h.mean(axis=0)
    var = ((h - mean) ** 2).mean(axis=0)
    return gamma * (h - mean) / jnp.sqrt(var + eps) + beta


def _gin(x, src, dst, w1, b1, w2, b2):
    # GINConv eps=0: nn(x + sum_{j in N(i)} x_j), scatter-add over edges
    agg = jnp.zeros_like(x).at[dst].add(x[src])
    h = x + agg
    h = jax.nn.relu(h @ w1 + b1)
    return h @ w2 + b2


def _mha(h, group_mask, win, bin_, wout, bout):
    n, d = h.shape
    hdim = d // H
    qkv = h @ win.T + bin_
    q, k, v = jnp.split(qkv, 3, axis=-1)

    def rs(t):
        return t.reshape(n, H, hdim).transpose(1, 0, 2)

    q, k, v = rs(q), rs(k), rs(v)
    scores = jnp.einsum('hqd,hkd->hqk', q, k) / jnp.sqrt(jnp.float32(hdim))
    scores = jnp.where(group_mask[None, :, :], scores, -1e9)
    attn = jax.nn.softmax(scores, axis=-1)
    out = jnp.einsum('hqk,hkd->hqd', attn, v)
    out = out.transpose(1, 0, 2).reshape(n, d)
    return out @ wout.T + bout


def reference(x, edge_index, batch, gin_w1, gin_b1, gin_w2, gin_b2,
              attn_win, attn_bin, attn_wout, attn_bout,
              mlp_w1, mlp_b1, mlp_w2, mlp_b2, norm_gamma, norm_beta):
    src, dst = edge_index[0], edge_index[1]
    # grouped attention bookkeeping (batch is sorted): each node may only
    # attend to nodes of its own group; padded/out-of-group keys get -1e9
    group_mask = batch[:, None] == batch[None, :]

    for l in range(L):
        # local MPNN branch
        h1 = _gin(x, src, dst, gin_w1[l], gin_b1[l], gin_w2[l], gin_b2[l])
        h1 = h1 + x
        h1 = _batch_norm(h1, norm_gamma[l, 0], norm_beta[l, 0])
        # global attention branch (group-masked MHA over all nodes)
        a = _mha(x, group_mask, attn_win[l], attn_bin[l], attn_wout[l], attn_bout[l])
        h2 = a + x
        h2 = _batch_norm(h2, norm_gamma[l, 1], norm_beta[l, 1])
        out = h1 + h2
        # feed-forward block with residual
        m = jax.nn.relu(out @ mlp_w1[l] + mlp_b1[l])
        m = m @ mlp_w2[l] + mlp_b2[l]
        out = out + m
        x = _batch_norm(out, norm_gamma[l, 2], norm_beta[l, 2])
    return x

if __name__ == "__main__":
    import jax
    _d = setup_inputs()
    print(jax.jit(kernel)(*tuple(_d.values())))

</pallas_src>

<mosaic_0001>
#map = affine_map<(d0, d1) -> (0, 0)>
#map1 = affine_map<(d0, d1) -> (0)>
#map2 = affine_map<(d0, d1) -> (0, 0, 0)>
module attributes {stable_mosaic.version = 14 : i64} {
  func.func @body(%arg0: i32, %arg1: i32, %arg2: memref<10000x128xf32, #tpu.memory_space<hbm>>, %arg3: memref<320000xi32, #tpu.memory_space<hbm>>, %arg4: memref<320000xi32, #tpu.memory_space<hbm>>, %arg5: memref<10000x128xf32, #tpu.memory_space<hbm>>, %arg6: memref<2x10000x128xf32, #tpu.memory_space<hbm>>, %arg7: memref<80xi32, #tpu.memory_space<vmem>>, %arg8: memref<80xi32, #tpu.memory_space<vmem>>, %arg9: memref<80x128xf32, #tpu.memory_space<vmem>>, %arg10: memref<10000x128xf32, #tpu.memory_space<vmem_shared>>, %arg11: memref<!tpu.dma_semaphore, #tpu.memory_space<semaphore_mem>>) attributes {dimension_semantics = [#tpu.dimension_semantics<core_parallel>, #tpu.dimension_semantics<subcore_parallel>], iteration_bounds = array<i64: 2, 16>, scalar_prefetch = 0 : i64, scratch_operands = 5 : i64, tpu.core_type = #tpu.core_type<sc_vector_subcore>, window_params = [{transform_indices = #map}, {transform_indices = #map1}, {transform_indices = #map1}, {transform_indices = #map}, {transform_indices = #map2}]} {
    %mul3A = arith.constant 16 : i32
    %mul3A_0 = arith.muli %arg0, %mul3A : i32
    %add3A = arith.addi %mul3A_0, %arg1 : i32
    %eq3A = arith.constant 0 : i32
    %eq3A_1 = arith.cmpi eq, %arg1, %eq3A : i32
    %convert_element_type3A = arith.extui %eq3A_1 : i1 to i32
    %cond3A = arith.constant 0 : i32
    %cond3A_2 = arith.cmpi ne, %convert_element_type3A, %cond3A : i32
    scf.if %cond3A_2 {
      "tpu.region"() ({
        %run_scoped3A = tpu.sem_alloc : memref<!tpu.dma_semaphore, #tpu.memory_space<semaphore_mem>>
        tpu.enqueue_dma source(%arg5 : memref<10000x128xf32, #tpu.memory_space<hbm>>) target(%arg10 : memref<10000x128xf32, #tpu.memory_space<vmem_shared>>) target_semaphore(%run_scoped3A : memref<!tpu.dma_semaphore, #tpu.memory_space<semaphore_mem>>)
        tpu.wait_dma2 semaphore(%run_scoped3A : memref<!tpu.dma_semaphore, #tpu.memory_space<semaphore_mem>>) src(%arg5 : memref<10000x128xf32, #tpu.memory_space<hbm>>) dst(%arg10 : memref<10000x128xf32, #tpu.memory_space<vmem_shared>>)
        tpu.yield
      }) : () -> ()
    } else {
    }
    %barrier3A = arith.constant 0 : index
    tpu.barrier barrier_id(%barrier3A)
    %mul3A_3 = arith.constant 10000 : i32
    %mul3A_4 = arith.muli %add3A, %mul3A_3 : i32
    %scan3A = arith.constant 0 : i32
    %scan3A_5 = arith.constant 0 : i32
    %scan3A_6 = arith.constant 125 : i32
    %scan3A_7 = arith.addi %scan3A_5, %scan3A_6 : i32
    %scan3A_8 = arith.constant 1 : i32
    scf.for %scan3A_16 = %scan3A_5 to %scan3A_7 step %scan3A_8  : i32 {
      %mul3A_17 = arith.constant 80 : i32
      %mul3A_18 = arith.muli %scan3A_16, %mul3A_17 : i32
      %add3A_19 = arith.addi %mul3A_4, %mul3A_18 : i32
      %multiple_of3A = tpu.assume_multiple %add3A_19, 8 : i32
      "tpu.region"() ({
        %run_scoped3A = tpu.sem_alloc : memref<!tpu.dma_semaphore, #tpu.memory_space<semaphore_mem>>
        %dma_start3A_24 = tpu.memref_slice %arg3[%multiple_of3A] : memref<320000xi32, #tpu.memory_space<hbm>> -> memref<80xi32, #tpu.memory_space<hbm>>
        %dma_start3A_25 = tpu.memref_slice %arg3[%multiple_of3A] : memref<320000xi32, #tpu.memory_space<hbm>> -> memref<80xi32, #tpu.memory_space<hbm>>
        tpu.enqueue_dma source(%dma_start3A_25 : memref<80xi32, #tpu.memory_space<hbm>>) target(%arg7 : memref<80xi32, #tpu.memory_space<vmem>>) target_semaphore(%run_scoped3A : memref<!tpu.dma_semaphore, #tpu.memory_space<semaphore_mem>>)
        %dma_wait3A_26 = tpu.memref_slice %arg3[%multiple_of3A] : memref<320000xi32, #tpu.memory_space<hbm>> -> memref<80xi32, #tpu.memory_space<hbm>>
        %dma_wait3A_27 = tpu.memref_slice %arg3[%multiple_of3A] : memref<320000xi32, #tpu.memory_space<hbm>> -> memref<80xi32, #tpu.memory_space<hbm>>
        tpu.wait_dma2 semaphore(%run_scoped3A : memref<!tpu.dma_semaphore, #tpu.memory_space<semaphore_mem>>) src(%dma_wait3A_27 : memref<80xi32, #tpu.memory_space<hbm>>) dst(%arg7 : memref<80xi32, #tpu.memory_space<vmem>>)
        tpu.yield
      }) : () -> ()
      "tpu.region"() ({
        %run_scoped3A = tpu.sem_alloc : memref<!tpu.dma_semaphore, #tpu.memory_space<semaphore_mem>>
        %dma_start3A_24 = tpu.memref_slice %arg4[%multiple_of3A] : memref<320000xi32, #tpu.memory_space<hbm>> -> memref<80xi32, #tpu.memory_space<hbm>>
        %dma_start3A_25 = tpu.memref_slice %arg4[%multiple_of3A] : memref<320000xi32, #tpu.memory_space<hbm>> -> memref<80xi32, #tpu.memory_space<hbm>>
        tpu.enqueue_dma source(%dma_start3A_25 : memref<80xi32, #tpu.memory_space<hbm>>) target(%arg8 : memref<80xi32, #tpu.memory_space<vmem>>) target_semaphore(%run_scoped3A : memref<!tpu.dma_semaphore, #tpu.memory_space<semaphore_mem>>)
        %dma_wait3A_26 = tpu.memref_slice %arg4[%multiple_of3A] : memref<320000xi32, #tpu.memory_space<hbm>> -> memref<80xi32, #tpu.memory_space<hbm>>
        %dma_wait3A_27 = tpu.memref_slice %arg4[%multiple_of3A] : memref<320000xi32, #tpu.memory_space<hbm>> -> memref<80xi32, #tpu.memory_space<hbm>>
        tpu.wait_dma2 semaphore(%run_scoped3A : memref<!tpu.dma_semaphore, #tpu.memory_space<semaphore_mem>>) src(%dma_wait3A_27 : memref<80xi32, #tpu.memory_space<hbm>>) dst(%arg8 : memref<80xi32, #tpu.memory_space<vmem>>)
        tpu.yield
      }) : () -> ()
      %dma_start3A = arith.constant 0 : i32
      %dma_start3A_20 = arith.constant 0 : i32
      %dma_start3A_21 = tpu.memref_slice %arg2[%dma_start3A, %dma_start3A_20] : memref<10000x128xf32, #tpu.memory_space<hbm>> -> memref<10000x128xf32, #tpu.memory_space<hbm>>
      tpu.enqueue_indirect_dma source(%dma_start3A_21 : memref<10000x128xf32, #tpu.memory_space<hbm>>) target(%arg9 : memref<80x128xf32, #tpu.memory_space<vmem>>) offsets(%arg7 : memref<80xi32, #tpu.memory_space<vmem>>) semaphore(%arg11 : memref<!tpu.dma_semaphore, #tpu.memory_space<semaphore_mem>>)
      %dma_wait3A = arith.constant 0 : i32
      %dma_wait3A_22 = arith.constant 0 : i32
      %dma_wait3A_23 = tpu.memref_slice %arg2[%dma_wait3A, %dma_wait3A_22] : memref<10000x128xf32, #tpu.memory_space<hbm>> -> memref<10000x128xf32, #tpu.memory_space<hbm>>
      tpu.wait_indirect_dma semaphore(%arg11 : memref<!tpu.dma_semaphore, #tpu.memory_space<semaphore_mem>>) src(%dma_wait3A_23 : memref<10000x128xf32, #tpu.memory_space<hbm>>) dst(%arg9 : memref<80x128xf32, #tpu.memory_space<vmem>>)
      "tpu.region"() ({
        %run_scoped3A = tpu.sem_alloc : memref<!tpu.dma_semaphore, #tpu.memory_space<semaphore_mem>>
        %dma_start3A_24 = arith.constant 0 : i32
        %dma_start3A_25 = arith.constant 0 : i32
        %dma_start3A_26 = tpu.memref_slice %arg10[%dma_start3A_24, %dma_start3A_25] : memref<10000x128xf32, #tpu.memory_space<vmem_shared>> -> memref<10000x128xf32, #tpu.memory_space<vmem_shared>>
        tpu.enqueue_indirect_dma source(%arg9 : memref<80x128xf32, #tpu.memory_space<vmem>>) target(%dma_start3A_26 : memref<10000x128xf32, #tpu.memory_space<vmem_shared>>) offsets(%arg8 : memref<80xi32, #tpu.memory_space<vmem>>) semaphore(%run_scoped3A : memref<!tpu.dma_semaphore, #tpu.memory_space<semaphore_mem>>) {add = true}
        %dma_wait3A_27 = arith.constant 0 : i32
        %dma_wait3A_28 = arith.constant 0 : i32
        %dma_wait3A_29 = tpu.memref_slice %arg10[%dma_wait3A_27, %dma_wait3A_28] : memref<10000x128xf32, #tpu.memory_space<vmem_shared>> -> memref<10000x128xf32, #tpu.memory_space<vmem_shared>>
        tpu.wait_indirect_dma semaphore(%run_scoped3A : memref<!tpu.dma_semaphore, #tpu.memory_space<semaphore_mem>>) src(%arg9 : memref<80x128xf32, #tpu.memory_space<vmem>>) dst(%dma_wait3A_29 : memref<10000x128xf32, #tpu.memory_space<vmem_shared>>)
        tpu.yield
      }) : () -> ()
    }
    %scan3A_9 = arith.constant 125 : i32
    %barrier3A_10 = arith.constant 0 : index
    tpu.barrier barrier_id(%barrier3A_10)
    %eq3A_11 = arith.constant 0 : i32
    %eq3A_12 = arith.cmpi eq, %arg1, %eq3A_11 : i32
    %convert_element_type3A_13 = arith.extui %eq3A_12 : i1 to i32
    %cond3A_14 = arith.constant 0 : i32
    %cond3A_15 = arith.cmpi ne, %convert_element_type3A_13, %cond3A_14 : i32
    scf.if %cond3A_15 {
      "tpu.region"() ({
        %run_scoped3A = tpu.sem_alloc : memref<!tpu.dma_semaphore, #tpu.memory_space<semaphore_mem>>
        %dma_start3A = arith.constant 0 : i32
        %dma_start3A_16 = arith.constant 0 : i32
        %dma_start3A_17 = tpu.memref_slice %arg6[%arg0, %dma_start3A, %dma_start3A_16] : memref<2x10000x128xf32, #tpu.memory_space<hbm>> -> memref<1x10000x128xf32, #tpu.memory_space<hbm>>
        %dma_start3A_18 = tpu.memref_squeeze %dma_start3A_17 : memref<1x10000x128xf32, #tpu.memory_space<hbm>> -> memref<10000x128xf32, #tpu.memory_space<hbm>>
        tpu.enqueue_dma source(%arg10 : memref<10000x128xf32, #tpu.memory_space<vmem_shared>>) target(%dma_start3A_18 : memref<10000x128xf32, #tpu.memory_space<hbm>>) target_semaphore(%run_scoped3A : memref<!tpu.dma_semaphore, #tpu.memory_space<semaphore_mem>>)
        %dma_wait3A = arith.constant 0 : i32
        %dma_wait3A_19 = arith.constant 0 : i32
        %dma_wait3A_20 = tpu.memref_slice %arg6[%arg0, %dma_wait3A, %dma_wait3A_19] : memref<2x10000x128xf32, #tpu.memory_space<hbm>> -> memref<1x10000x128xf32, #tpu.memory_space<hbm>>
        %dma_wait3A_21 = tpu.memref_squeeze %dma_wait3A_20 : memref<1x10000x128xf32, #tpu.memory_space<hbm>> -> memref<10000x128xf32, #tpu.memory_space<hbm>>
        tpu.wait_dma2 semaphore(%run_scoped3A : memref<!tpu.dma_semaphore, #tpu.memory_space<semaphore_mem>>) src(%arg10 : memref<10000x128xf32, #tpu.memory_space<vmem_shared>>) dst(%dma_wait3A_21 : memref<10000x128xf32, #tpu.memory_space<hbm>>)
        tpu.yield
      }) : () -> ()
    } else {
    }
    return
  }
}

#map = affine_map<(d0, d1) -> (0, 0)>
#map1 = affine_map<(d0, d1) -> (0)>
#map2 = affine_map<(d0, d1) -> (0, 0, 0)>
module attributes {stable_mosaic.version = 14 : i64} {
  func.func @body(%arg0: i32, %arg1: i32, %arg2: memref<10000x128xf32, #tpu.memory_space<hbm>>, %arg3: memref<320000xi32, #tpu.memory_space<hbm>>, %arg4: memref<320000xi32, #tpu.memory_space<hbm>>, %arg5: memref<10000x128xf32, #tpu.memory_space<hbm>>, %arg6: memref<2x10000x128xf32, #tpu.memory_space<hbm>>, %arg7: memref<80xi32, #tpu.memory_space<vmem>>, %arg8: memref<80xi32, #tpu.memory_space<vmem>>, %arg9: memref<80x128xf32, #tpu.memory_space<vmem>>, %arg10: memref<10000x128xf32, #tpu.memory_space<vmem_shared>>, %arg11: memref<!tpu.dma_semaphore, #tpu.memory_space<semaphore_mem>>) attributes {dimension_semantics = [#tpu.dimension_semantics<core_parallel>, #tpu.dimension_semantics<subcore_parallel>], iteration_bounds = array<i64: 2, 16>, scalar_prefetch = 0 : i64, scratch_operands = 5 : i64, tpu.core_type = #tpu.core_type<sc_vector_subcore>, window_params = [{transform_indices = #map}, {transform_indices = #map1}, {transform_indices = #map1}, {transform_indices = #map}, {transform_indices = #map2}]} {
    %mul3A = arith.constant 16 : i32
    %mul3A_0 = arith.muli %arg0, %mul3A : i32
    %add3A = arith.addi %mul3A_0, %arg1 : i32
    %eq3A = arith.constant 0 : i32
    %eq3A_1 = arith.cmpi eq, %arg1, %eq3A : i32
    %convert_element_type3A = arith.extui %eq3A_1 : i1 to i32
    %cond3A = arith.constant 0 : i32
    %cond3A_2 = arith.cmpi ne, %convert_element_type3A, %cond3A : i32
    scf.if %cond3A_2 {
      "tpu.region"() ({
        %run_scoped3A = tpu.sem_alloc : memref<!tpu.dma_semaphore, #tpu.memory_space<semaphore_mem>>
        tpu.enqueue_dma source(%arg5 : memref<10000x128xf32, #tpu.memory_space<hbm>>) target(%arg10 : memref<10000x128xf32, #tpu.memory_space<vmem_shared>>) target_semaphore(%run_scoped3A : memref<!tpu.dma_semaphore, #tpu.memory_space<semaphore_mem>>)
        tpu.wait_dma2 semaphore(%run_scoped3A : memref<!tpu.dma_semaphore, #tpu.memory_space<semaphore_mem>>) src(%arg5 : memref<10000x128xf32, #tpu.memory_space<hbm>>) dst(%arg10 : memref<10000x128xf32, #tpu.memory_space<vmem_shared>>)
        tpu.yield
      }) : () -> ()
    } else {
    }
    %barrier3A = arith.constant 0 : index
    tpu.barrier barrier_id(%barrier3A)
    %mul3A_3 = arith.constant 10000 : i32
    %mul3A_4 = arith.muli %add3A, %mul3A_3 : i32
    %scan3A = arith.constant 0 : i32
    %scan3A_5 = arith.constant 0 : i32
    %scan3A_6 = arith.constant 125 : i32
    %scan3A_7 = arith.addi %scan3A_5, %scan3A_6 : i32
    %scan3A_8 = arith.constant 1 : i32
    scf.for %scan3A_16 = %scan3A_5 to %scan3A_7 step %scan3A_8  : i32 {
      %mul3A_17 = arith.constant 80 : i32
      %mul3A_18 = arith.muli %scan3A_16, %mul3A_17 : i32
      %add3A_19 = arith.addi %mul3A_4, %mul3A_18 : i32
      %multiple_of3A = tpu.assume_multiple %add3A_19, 8 : i32
      "tpu.region"() ({
        %run_scoped3A = tpu.sem_alloc : memref<!tpu.dma_semaphore, #tpu.memory_space<semaphore_mem>>
        %dma_start3A_24 = tpu.memref_slice %arg3[%multiple_of3A] : memref<320000xi32, #tpu.memory_space<hbm>> -> memref<80xi32, #tpu.memory_space<hbm>>
        %dma_start3A_25 = tpu.memref_slice %arg3[%multiple_of3A] : memref<320000xi32, #tpu.memory_space<hbm>> -> memref<80xi32, #tpu.memory_space<hbm>>
        tpu.enqueue_dma source(%dma_start3A_25 : memref<80xi32, #tpu.memory_space<hbm>>) target(%arg7 : memref<80xi32, #tpu.memory_space<vmem>>) target_semaphore(%run_scoped3A : memref<!tpu.dma_semaphore, #tpu.memory_space<semaphore_mem>>)
        %dma_wait3A_26 = tpu.memref_slice %arg3[%multiple_of3A] : memref<320000xi32, #tpu.memory_space<hbm>> -> memref<80xi32, #tpu.memory_space<hbm>>
        %dma_wait3A_27 = tpu.memref_slice %arg3[%multiple_of3A] : memref<320000xi32, #tpu.memory_space<hbm>> -> memref<80xi32, #tpu.memory_space<hbm>>
        tpu.wait_dma2 semaphore(%run_scoped3A : memref<!tpu.dma_semaphore, #tpu.memory_space<semaphore_mem>>) src(%dma_wait3A_27 : memref<80xi32, #tpu.memory_space<hbm>>) dst(%arg7 : memref<80xi32, #tpu.memory_space<vmem>>)
        tpu.yield
      }) : () -> ()
      "tpu.region"() ({
        %run_scoped3A = tpu.sem_alloc : memref<!tpu.dma_semaphore, #tpu.memory_space<semaphore_mem>>
        %dma_start3A_24 = tpu.memref_slice %arg4[%multiple_of3A] : memref<320000xi32, #tpu.memory_space<hbm>> -> memref<80xi32, #tpu.memory_space<hbm>>
        %dma_start3A_25 = tpu.memref_slice %arg4[%multiple_of3A] : memref<320000xi32, #tpu.memory_space<hbm>> -> memref<80xi32, #tpu.memory_space<hbm>>
        tpu.enqueue_dma source(%dma_start3A_25 : memref<80xi32, #tpu.memory_space<hbm>>) target(%arg8 : memref<80xi32, #tpu.memory_space<vmem>>) target_semaphore(%run_scoped3A : memref<!tpu.dma_semaphore, #tpu.memory_space<semaphore_mem>>)
        %dma_wait3A_26 = tpu.memref_slice %arg4[%multiple_of3A] : memref<320000xi32, #tpu.memory_space<hbm>> -> memref<80xi32, #tpu.memory_space<hbm>>
        %dma_wait3A_27 = tpu.memref_slice %arg4[%multiple_of3A] : memref<320000xi32, #tpu.memory_space<hbm>> -> memref<80xi32, #tpu.memory_space<hbm>>
        tpu.wait_dma2 semaphore(%run_scoped3A : memref<!tpu.dma_semaphore, #tpu.memory_space<semaphore_mem>>) src(%dma_wait3A_27 : memref<80xi32, #tpu.memory_space<hbm>>) dst(%arg8 : memref<80xi32, #tpu.memory_space<vmem>>)
        tpu.yield
      }) : () -> ()
      %dma_start3A = arith.constant 0 : i32
      %dma_start3A_20 = arith.constant 0 : i32
      %dma_start3A_21 = tpu.memref_slice %arg2[%dma_start3A, %dma_start3A_20] : memref<10000x128xf32, #tpu.memory_space<hbm>> -> memref<10000x128xf32, #tpu.memory_space<hbm>>
      tpu.enqueue_indirect_dma source(%dma_start3A_21 : memref<10000x128xf32, #tpu.memory_space<hbm>>) target(%arg9 : memref<80x128xf32, #tpu.memory_space<vmem>>) offsets(%arg7 : memref<80xi32, #tpu.memory_space<vmem>>) semaphore(%arg11 : memref<!tpu.dma_semaphore, #tpu.memory_space<semaphore_mem>>)
      %dma_wait3A = arith.constant 0 : i32
      %dma_wait3A_22 = arith.constant 0 : i32
      %dma_wait3A_23 = tpu.memref_slice %arg2[%dma_wait3A, %dma_wait3A_22] : memref<10000x128xf32, #tpu.memory_space<hbm>> -> memref<10000x128xf32, #tpu.memory_space<hbm>>
      tpu.wait_indirect_dma semaphore(%arg11 : memref<!tpu.dma_semaphore, #tpu.memory_space<semaphore_mem>>) src(%dma_wait3A_23 : memref<10000x128xf32, #tpu.memory_space<hbm>>) dst(%arg9 : memref<80x128xf32, #tpu.memory_space<vmem>>)
      "tpu.region"() ({
        %run_scoped3A = tpu.sem_alloc : memref<!tpu.dma_semaphore, #tpu.memory_space<semaphore_mem>>
        %dma_start3A_24 = arith.constant 0 : i32
        %dma_start3A_25 = arith.constant 0 : i32
        %dma_start3A_26 = tpu.memref_slice %arg10[%dma_start3A_24, %dma_start3A_25] : memref<10000x128xf32, #tpu.memory_space<vmem_shared>> -> memref<10000x128xf32, #tpu.memory_space<vmem_shared>>
        tpu.enqueue_indirect_dma source(%arg9 : memref<80x128xf32, #tpu.memory_space<vmem>>) target(%dma_start3A_26 : memref<10000x128xf32, #tpu.memory_space<vmem_shared>>) offsets(%arg8 : memref<80xi32, #tpu.memory_space<vmem>>) semaphore(%run_scoped3A : memref<!tpu.dma_semaphore, #tpu.memory_space<semaphore_mem>>) {add = true}
        %dma_wait3A_27 = arith.constant 0 : i32
        %dma_wait3A_28 = arith.constant 0 : i32
        %dma_wait3A_29 = tpu.memref_slice %arg10[%dma_wait3A_27, %dma_wait3A_28] : memref<10000x128xf32, #tpu.memory_space<vmem_shared>> -> memref<10000x128xf32, #tpu.memory_space<vmem_shared>>
        tpu.wait_indirect_dma semaphore(%run_scoped3A : memref<!tpu.dma_semaphore, #tpu.memory_space<semaphore_mem>>) src(%arg9 : memref<80x128xf32, #tpu.memory_space<vmem>>) dst(%dma_wait3A_29 : memref<10000x128xf32, #tpu.memory_space<vmem_shared>>)
        tpu.yield
      }) : () -> ()
    }
    %scan3A_9 = arith.constant 125 : i32
    %barrier3A_10 = arith.constant 0 : index
    tpu.barrier barrier_id(%barrier3A_10)
    %eq3A_11 = arith.constant 0 : i32
    %eq3A_12 = arith.cmpi eq, %arg1, %eq3A_11 : i32
    %convert_element_type3A_13 = arith.extui %eq3A_12 : i1 to i32
    %cond3A_14 = arith.constant 0 : i32
    %cond3A_15 = arith.cmpi ne, %convert_element_type3A_13, %cond3A_14 : i32
    scf.if %cond3A_15 {
      "tpu.region"() ({
        %run_scoped3A = tpu.sem_alloc : memref<!tpu.dma_semaphore, #tpu.memory_space<semaphore_mem>>
        %dma_start3A = arith.constant 0 : i32
        %dma_start3A_16 = arith.constant 0 : i32
        %dma_start3A_17 = tpu.memref_slice %arg6[%arg0, %dma_start3A, %dma_start3A_16] : memref<2x10000x128xf32, #tpu.memory_space<hbm>> -> memref<1x10000x128xf32, #tpu.memory_space<hbm>>
        %dma_start3A_18 = tpu.memref_squeeze %dma_start3A_17 : memref<1x10000x128xf32, #tpu.memory_space<hbm>> -> memref<10000x128xf32, #tpu.memory_space<hbm>>
        tpu.enqueue_dma source(%arg10 : memref<10000x128xf32, #tpu.memory_space<vmem_shared>>) target(%dma_start3A_18 : memref<10000x128xf32, #tpu.memory_space<hbm>>) target_semaphore(%run_scoped3A : memref<!tpu.dma_semaphore, #tpu.memory_space<semaphore_mem>>)
        %dma_wait3A = arith.constant 0 : i32
        %dma_wait3A_19 = arith.constant 0 : i32
        %dma_wait3A_20 = tpu.memref_slice %arg6[%arg0, %dma_wait3A, %dma_wait3A_19] : memref<2x10000x128xf32, #tpu.memory_space<hbm>> -> memref<1x10000x128xf32, #tpu.memory_space<hbm>>
        %dma_wait3A_21 = tpu.memref_squeeze %dma_wait3A_20 : memref<1x10000x128xf32, #tpu.memory_space<hbm>> -> memref<10000x128xf32, #tpu.memory_space<hbm>>
        tpu.wait_dma2 semaphore(%run_scoped3A : memref<!tpu.dma_semaphore, #tpu.memory_space<semaphore_mem>>) src(%arg10 : memref<10000x128xf32, #tpu.memory_space<vmem_shared>>) dst(%dma_wait3A_21 : memref<10000x128xf32, #tpu.memory_space<hbm>>)
        tpu.yield
      }) : () -> ()
    } else {
    }
    return
  }
}

#map = affine_map<(d0, d1) -> (0, 0)>
#map1 = affine_map<(d0, d1) -> (0)>
#map2 = affine_map<(d0, d1) -> (0, 0, 0)>
module attributes {stable_mosaic.version = 14 : i64} {
  func.func @body(%arg0: i32, %arg1: i32, %arg2: memref<10000x128xf32, #tpu.memory_space<hbm>>, %arg3: memref<320000xi32, #tpu.memory_space<hbm>>, %arg4: memref<320000xi32, #tpu.memory_space<hbm>>, %arg5: memref<10000x128xf32, #tpu.memory_space<hbm>>, %arg6: memref<2x10000x128xf32, #tpu.memory_space<hbm>>, %arg7: memref<80xi32, #tpu.memory_space<vmem>>, %arg8: memref<80xi32, #tpu.memory_space<vmem>>, %arg9: memref<80x128xf32, #tpu.memory_space<vmem>>, %arg10: memref<10000x128xf32, #tpu.memory_space<vmem_shared>>, %arg11: memref<!tpu.dma_semaphore, #tpu.memory_space<semaphore_mem>>) attributes {dimension_semantics = [#tpu.dimension_semantics<core_parallel>, #tpu.dimension_semantics<subcore_parallel>], iteration_bounds = array<i64: 2, 16>, scalar_prefetch = 0 : i64, scratch_operands = 5 : i64, tpu.core_type = #tpu.core_type<sc_vector_subcore>, window_params = [{transform_indices = #map}, {transform_indices = #map1}, {transform_indices = #map1}, {transform_indices = #map}, {transform_indices = #map2}]} {
    %mul3A = arith.constant 16 : i32
    %mul3A_0 = arith.muli %arg0, %mul3A : i32
    %add3A = arith.addi %mul3A_0, %arg1 : i32
    %eq3A = arith.constant 0 : i32
    %eq3A_1 = arith.cmpi eq, %arg1, %eq3A : i32
    %convert_element_type3A = arith.extui %eq3A_1 : i1 to i32
    %cond3A = arith.constant 0 : i32
    %cond3A_2 = arith.cmpi ne, %convert_element_type3A, %cond3A : i32
    scf.if %cond3A_2 {
      "tpu.region"() ({
        %run_scoped3A = tpu.sem_alloc : memref<!tpu.dma_semaphore, #tpu.memory_space<semaphore_mem>>
        tpu.enqueue_dma source(%arg5 : memref<10000x128xf32, #tpu.memory_space<hbm>>) target(%arg10 : memref<10000x128xf32, #tpu.memory_space<vmem_shared>>) target_semaphore(%run_scoped3A : memref<!tpu.dma_semaphore, #tpu.memory_space<semaphore_mem>>)
        tpu.wait_dma2 semaphore(%run_scoped3A : memref<!tpu.dma_semaphore, #tpu.memory_space<semaphore_mem>>) src(%arg5 : memref<10000x128xf32, #tpu.memory_space<hbm>>) dst(%arg10 : memref<10000x128xf32, #tpu.memory_space<vmem_shared>>)
        tpu.yield
      }) : () -> ()
    } else {
    }
    %barrier3A = arith.constant 0 : index
    tpu.barrier barrier_id(%barrier3A)
    %mul3A_3 = arith.constant 10000 : i32
    %mul3A_4 = arith.muli %add3A, %mul3A_3 : i32
    %scan3A = arith.constant 0 : i32
    %scan3A_5 = arith.constant 0 : i32
    %scan3A_6 = arith.constant 125 : i32
    %scan3A_7 = arith.addi %scan3A_5, %scan3A_6 : i32
    %scan3A_8 = arith.constant 1 : i32
    scf.for %scan3A_16 = %scan3A_5 to %scan3A_7 step %scan3A_8  : i32 {
      %mul3A_17 = arith.constant 80 : i32
      %mul3A_18 = arith.muli %scan3A_16, %mul3A_17 : i32
      %add3A_19 = arith.addi %mul3A_4, %mul3A_18 : i32
      %multiple_of3A = tpu.assume_multiple %add3A_19, 8 : i32
      "tpu.region"() ({
        %run_scoped3A = tpu.sem_alloc : memref<!tpu.dma_semaphore, #tpu.memory_space<semaphore_mem>>
        %dma_start3A_24 = tpu.memref_slice %arg3[%multiple_of3A] : memref<320000xi32, #tpu.memory_space<hbm>> -> memref<80xi32, #tpu.memory_space<hbm>>
        %dma_start3A_25 = tpu.memref_slice %arg3[%multiple_of3A] : memref<320000xi32, #tpu.memory_space<hbm>> -> memref<80xi32, #tpu.memory_space<hbm>>
        tpu.enqueue_dma source(%dma_start3A_25 : memref<80xi32, #tpu.memory_space<hbm>>) target(%arg7 : memref<80xi32, #tpu.memory_space<vmem>>) target_semaphore(%run_scoped3A : memref<!tpu.dma_semaphore, #tpu.memory_space<semaphore_mem>>)
        %dma_wait3A_26 = tpu.memref_slice %arg3[%multiple_of3A] : memref<320000xi32, #tpu.memory_space<hbm>> -> memref<80xi32, #tpu.memory_space<hbm>>
        %dma_wait3A_27 = tpu.memref_slice %arg3[%multiple_of3A] : memref<320000xi32, #tpu.memory_space<hbm>> -> memref<80xi32, #tpu.memory_space<hbm>>
        tpu.wait_dma2 semaphore(%run_scoped3A : memref<!tpu.dma_semaphore, #tpu.memory_space<semaphore_mem>>) src(%dma_wait3A_27 : memref<80xi32, #tpu.memory_space<hbm>>) dst(%arg7 : memref<80xi32, #tpu.memory_space<vmem>>)
        tpu.yield
      }) : () -> ()
      "tpu.region"() ({
        %run_scoped3A = tpu.sem_alloc : memref<!tpu.dma_semaphore, #tpu.memory_space<semaphore_mem>>
        %dma_start3A_24 = tpu.memref_slice %arg4[%multiple_of3A] : memref<320000xi32, #tpu.memory_space<hbm>> -> memref<80xi32, #tpu.memory_space<hbm>>
        %dma_start3A_25 = tpu.memref_slice %arg4[%multiple_of3A] : memref<320000xi32, #tpu.memory_space<hbm>> -> memref<80xi32, #tpu.memory_space<hbm>>
        tpu.enqueue_dma source(%dma_start3A_25 : memref<80xi32, #tpu.memory_space<hbm>>) target(%arg8 : memref<80xi32, #tpu.memory_space<vmem>>) target_semaphore(%run_scoped3A : memref<!tpu.dma_semaphore, #tpu.memory_space<semaphore_mem>>)
        %dma_wait3A_26 = tpu.memref_slice %arg4[%multiple_of3A] : memref<320000xi32, #tpu.memory_space<hbm>> -> memref<80xi32, #tpu.memory_space<hbm>>
        %dma_wait3A_27 = tpu.memref_slice %arg4[%multiple_of3A] : memref<320000xi32, #tpu.memory_space<hbm>> -> memref<80xi32, #tpu.memory_space<hbm>>
        tpu.wait_dma2 semaphore(%run_scoped3A : memref<!tpu.dma_semaphore, #tpu.memory_space<semaphore_mem>>) src(%dma_wait3A_27 : memref<80xi32, #tpu.memory_space<hbm>>) dst(%arg8 : memref<80xi32, #tpu.memory_space<vmem>>)
        tpu.yield
      }) : () -> ()
      %dma_start3A = arith.constant 0 : i32
      %dma_start3A_20 = arith.constant 0 : i32
      %dma_start3A_21 = tpu.memref_slice %arg2[%dma_start3A, %dma_start3A_20] : memref<10000x128xf32, #tpu.memory_space<hbm>> -> memref<10000x128xf32, #tpu.memory_space<hbm>>
      tpu.enqueue_indirect_dma source(%dma_start3A_21 : memref<10000x128xf32, #tpu.memory_space<hbm>>) target(%arg9 : memref<80x128xf32, #tpu.memory_space<vmem>>) offsets(%arg7 : memref<80xi32, #tpu.memory_space<vmem>>) semaphore(%arg11 : memref<!tpu.dma_semaphore, #tpu.memory_space<semaphore_mem>>)
      %dma_wait3A = arith.constant 0 : i32
      %dma_wait3A_22 = arith.constant 0 : i32
      %dma_wait3A_23 = tpu.memref_slice %arg2[%dma_wait3A, %dma_wait3A_22] : memref<10000x128xf32, #tpu.memory_space<hbm>> -> memref<10000x128xf32, #tpu.memory_space<hbm>>
      tpu.wait_indirect_dma semaphore(%arg11 : memref<!tpu.dma_semaphore, #tpu.memory_space<semaphore_mem>>) src(%dma_wait3A_23 : memref<10000x128xf32, #tpu.memory_space<hbm>>) dst(%arg9 : memref<80x128xf32, #tpu.memory_space<vmem>>)
      "tpu.region"() ({
        %run_scoped3A = tpu.sem_alloc : memref<!tpu.dma_semaphore, #tpu.memory_space<semaphore_mem>>
        %dma_start3A_24 = arith.constant 0 : i32
        %dma_start3A_25 = arith.constant 0 : i32
        %dma_start3A_26 = tpu.memref_slice %arg10[%dma_start3A_24, %dma_start3A_25] : memref<10000x128xf32, #tpu.memory_space<vmem_shared>> -> memref<10000x128xf32, #tpu.memory_space<vmem_shared>>
        tpu.enqueue_indirect_dma source(%arg9 : memref<80x128xf32, #tpu.memory_space<vmem>>) target(%dma_start3A_26 : memref<10000x128xf32, #tpu.memory_space<vmem_shared>>) offsets(%arg8 : memref<80xi32, #tpu.memory_space<vmem>>) semaphore(%run_scoped3A : memref<!tpu.dma_semaphore, #tpu.memory_space<semaphore_mem>>) {add = true}
        %dma_wait3A_27 = arith.constant 0 : i32
        %dma_wait3A_28 = arith.constant 0 : i32
        %dma_wait3A_29 = tpu.memref_slice %arg10[%dma_wait3A_27, %dma_wait3A_28] : memref<10000x128xf32, #tpu.memory_space<vmem_shared>> -> memref<10000x128xf32, #tpu.memory_space<vmem_shared>>
        tpu.wait_indirect_dma semaphore(%run_scoped3A : memref<!tpu.dma_semaphore, #tpu.memory_space<semaphore_mem>>) src(%arg9 : memref<80x128xf32, #tpu.memory_space<vmem>>) dst(%dma_wait3A_29 : memref<10000x128xf32, #tpu.memory_space<vmem_shared>>)
        tpu.yield
      }) : () -> ()
    }
    %scan3A_9 = arith.constant 125 : i32
    %barrier3A_10 = arith.constant 0 : index
    tpu.barrier barrier_id(%barrier3A_10)
    %eq3A_11 = arith.constant 0 : i32
    %eq3A_12 = arith.cmpi eq, %arg1, %eq3A_11 : i32
    %convert_element_type3A_13 = arith.extui %eq3A_12 : i1 to i32
    %cond3A_14 = arith.constant 0 : i32
    %cond3A_15 = arith.cmpi ne, %convert_element_type3A_13, %cond3A_14 : i32
    scf.if %cond3A_15 {
      "tpu.region"() ({
        %run_scoped3A = tpu.sem_alloc : memref<!tpu.dma_semaphore, #tpu.memory_space<semaphore_mem>>
        %dma_start3A = arith.constant 0 : i32
        %dma_start3A_16 = arith.constant 0 : i32
        %dma_start3A_17 = tpu.memref_slice %arg6[%arg0, %dma_start3A, %dma_start3A_16] : memref<2x10000x128xf32, #tpu.memory_space<hbm>> -> memref<1x10000x128xf32, #tpu.memory_space<hbm>>
        %dma_start3A_18 = tpu.memref_squeeze %dma_start3A_17 : memref<1x10000x128xf32, #tpu.memory_space<hbm>> -> memref<10000x128xf32, #tpu.memory_space<hbm>>
        tpu.enqueue_dma source(%arg10 : memref<10000x128xf32, #tpu.memory_space<vmem_shared>>) target(%dma_start3A_18 : memref<10000x128xf32, #tpu.memory_space<hbm>>) target_semaphore(%run_scoped3A : memref<!tpu.dma_semaphore, #tpu.memory_space<semaphore_mem>>)
        %dma_wait3A = arith.constant 0 : i32
        %dma_wait3A_19 = arith.constant 0 : i32
        %dma_wait3A_20 = tpu.memref_slice %arg6[%arg0, %dma_wait3A, %dma_wait3A_19] : memref<2x10000x128xf32, #tpu.memory_space<hbm>> -> memref<1x10000x128xf32, #tpu.memory_space<hbm>>
        %dma_wait3A_21 = tpu.memref_squeeze %dma_wait3A_20 : memref<1x10000x128xf32, #tpu.memory_space<hbm>> -> memref<10000x128xf32, #tpu.memory_space<hbm>>
        tpu.wait_dma2 semaphore(%run_scoped3A : memref<!tpu.dma_semaphore, #tpu.memory_space<semaphore_mem>>) src(%arg10 : memref<10000x128xf32, #tpu.memory_space<vmem_shared>>) dst(%dma_wait3A_21 : memref<10000x128xf32, #tpu.memory_space<hbm>>)
        tpu.yield
      }) : () -> ()
    } else {
    }
    return
  }
}

#map = affine_map<(d0, d1) -> (0, 0)>
#map1 = affine_map<(d0, d1) -> (0)>
#map2 = affine_map<(d0, d1) -> (0, 0, 0)>
module attributes {stable_mosaic.version = 14 : i64} {
  func.func @body(%arg0: i32, %arg1: i32, %arg2: memref<10000x128xf32, #tpu.memory_space<hbm>>, %arg3: memref<320000xi32, #tpu.memory_space<hbm>>, %arg4: memref<320000xi32, #tpu.memory_space<hbm>>, %arg5: memref<10000x128xf32, #tpu.memory_space<hbm>>, %arg6: memref<2x10000x128xf32, #tpu.memory_space<hbm>>, %arg7: memref<80xi32, #tpu.memory_space<vmem>>, %arg8: memref<80xi32, #tpu.memory_space<vmem>>, %arg9: memref<80x128xf32, #tpu.memory_space<vmem>>, %arg10: memref<10000x128xf32, #tpu.memory_space<vmem_shared>>, %arg11: memref<!tpu.dma_semaphore, #tpu.memory_space<semaphore_mem>>) attributes {dimension_semantics = [#tpu.dimension_semantics<core_parallel>, #tpu.dimension_semantics<subcore_parallel>], iteration_bounds = array<i64: 2, 16>, scalar_prefetch = 0 : i64, scratch_operands = 5 : i64, tpu.core_type = #tpu.core_type<sc_vector_subcore>, window_params = [{transform_indices = #map}, {transform_indices = #map1}, {transform_indices = #map1}, {transform_indices = #map}, {transform_indices = #map2}]} {
    %mul3A = arith.constant 16 : i32
    %mul3A_0 = arith.muli %arg0, %mul3A : i32
    %add3A = arith.addi %mul3A_0, %arg1 : i32
    %eq3A = arith.constant 0 : i32
    %eq3A_1 = arith.cmpi eq, %arg1, %eq3A : i32
    %convert_element_type3A = arith.extui %eq3A_1 : i1 to i32
    %cond3A = arith.constant 0 : i32
    %cond3A_2 = arith.cmpi ne, %convert_element_type3A, %cond3A : i32
    scf.if %cond3A_2 {
      "tpu.region"() ({
        %run_scoped3A = tpu.sem_alloc : memref<!tpu.dma_semaphore, #tpu.memory_space<semaphore_mem>>
        tpu.enqueue_dma source(%arg5 : memref<10000x128xf32, #tpu.memory_space<hbm>>) target(%arg10 : memref<10000x128xf32, #tpu.memory_space<vmem_shared>>) target_semaphore(%run_scoped3A : memref<!tpu.dma_semaphore, #tpu.memory_space<semaphore_mem>>)
        tpu.wait_dma2 semaphore(%run_scoped3A : memref<!tpu.dma_semaphore, #tpu.memory_space<semaphore_mem>>) src(%arg5 : memref<10000x128xf32, #tpu.memory_space<hbm>>) dst(%arg10 : memref<10000x128xf32, #tpu.memory_space<vmem_shared>>)
        tpu.yield
      }) : () -> ()
    } else {
    }
    %barrier3A = arith.constant 0 : index
    tpu.barrier barrier_id(%barrier3A)
    %mul3A_3 = arith.constant 10000 : i32
    %mul3A_4 = arith.muli %add3A, %mul3A_3 : i32
    %scan3A = arith.constant 0 : i32
    %scan3A_5 = arith.constant 0 : i32
    %scan3A_6 = arith.constant 125 : i32
    %scan3A_7 = arith.addi %scan3A_5, %scan3A_6 : i32
    %scan3A_8 = arith.constant 1 : i32
    scf.for %scan3A_16 = %scan3A_5 to %scan3A_7 step %scan3A_8  : i32 {
      %mul3A_17 = arith.constant 80 : i32
      %mul3A_18 = arith.muli %scan3A_16, %mul3A_17 : i32
      %add3A_19 = arith.addi %mul3A_4, %mul3A_18 : i32
      %multiple_of3A = tpu.assume_multiple %add3A_19, 8 : i32
      "tpu.region"() ({
        %run_scoped3A = tpu.sem_alloc : memref<!tpu.dma_semaphore, #tpu.memory_space<semaphore_mem>>
        %dma_start3A_24 = tpu.memref_slice %arg3[%multiple_of3A] : memref<320000xi32, #tpu.memory_space<hbm>> -> memref<80xi32, #tpu.memory_space<hbm>>
        %dma_start3A_25 = tpu.memref_slice %arg3[%multiple_of3A] : memref<320000xi32, #tpu.memory_space<hbm>> -> memref<80xi32, #tpu.memory_space<hbm>>
        tpu.enqueue_dma source(%dma_start3A_25 : memref<80xi32, #tpu.memory_space<hbm>>) target(%arg7 : memref<80xi32, #tpu.memory_space<vmem>>) target_semaphore(%run_scoped3A : memref<!tpu.dma_semaphore, #tpu.memory_space<semaphore_mem>>)
        %dma_wait3A_26 = tpu.memref_slice %arg3[%multiple_of3A] : memref<320000xi32, #tpu.memory_space<hbm>> -> memref<80xi32, #tpu.memory_space<hbm>>
        %dma_wait3A_27 = tpu.memref_slice %arg3[%multiple_of3A] : memref<320000xi32, #tpu.memory_space<hbm>> -> memref<80xi32, #tpu.memory_space<hbm>>
        tpu.wait_dma2 semaphore(%run_scoped3A : memref<!tpu.dma_semaphore, #tpu.memory_space<semaphore_mem>>) src(%dma_wait3A_27 : memref<80xi32, #tpu.memory_space<hbm>>) dst(%arg7 : memref<80xi32, #tpu.memory_space<vmem>>)
        tpu.yield
      }) : () -> ()
      "tpu.region"() ({
        %run_scoped3A = tpu.sem_alloc : memref<!tpu.dma_semaphore, #tpu.memory_space<semaphore_mem>>
        %dma_start3A_24 = tpu.memref_slice %arg4[%multiple_of3A] : memref<320000xi32, #tpu.memory_space<hbm>> -> memref<80xi32, #tpu.memory_space<hbm>>
        %dma_start3A_25 = tpu.memref_slice %arg4[%multiple_of3A] : memref<320000xi32, #tpu.memory_space<hbm>> -> memref<80xi32, #tpu.memory_space<hbm>>
        tpu.enqueue_dma source(%dma_start3A_25 : memref<80xi32, #tpu.memory_space<hbm>>) target(%arg8 : memref<80xi32, #tpu.memory_space<vmem>>) target_semaphore(%run_scoped3A : memref<!tpu.dma_semaphore, #tpu.memory_space<semaphore_mem>>)
        %dma_wait3A_26 = tpu.memref_slice %arg4[%multiple_of3A] : memref<320000xi32, #tpu.memory_space<hbm>> -> memref<80xi32, #tpu.memory_space<hbm>>
        %dma_wait3A_27 = tpu.memref_slice %arg4[%multiple_of3A] : memref<320000xi32, #tpu.memory_space<hbm>> -> memref<80xi32, #tpu.memory_space<hbm>>
        tpu.wait_dma2 semaphore(%run_scoped3A : memref<!tpu.dma_semaphore, #tpu.memory_space<semaphore_mem>>) src(%dma_wait3A_27 : memref<80xi32, #tpu.memory_space<hbm>>) dst(%arg8 : memref<80xi32, #tpu.memory_space<vmem>>)
        tpu.yield
      }) : () -> ()
      %dma_start3A = arith.constant 0 : i32
      %dma_start3A_20 = arith.constant 0 : i32
      %dma_start3A_21 = tpu.memref_slice %arg2[%dma_start3A, %dma_start3A_20] : memref<10000x128xf32, #tpu.memory_space<hbm>> -> memref<10000x128xf32, #tpu.memory_space<hbm>>
      tpu.enqueue_indirect_dma source(%dma_start3A_21 : memref<10000x128xf32, #tpu.memory_space<hbm>>) target(%arg9 : memref<80x128xf32, #tpu.memory_space<vmem>>) offsets(%arg7 : memref<80xi32, #tpu.memory_space<vmem>>) semaphore(%arg11 : memref<!tpu.dma_semaphore, #tpu.memory_space<semaphore_mem>>)
      %dma_wait3A = arith.constant 0 : i32
      %dma_wait3A_22 = arith.constant 0 : i32
      %dma_wait3A_23 = tpu.memref_slice %arg2[%dma_wait3A, %dma_wait3A_22] : memref<10000x128xf32, #tpu.memory_space<hbm>> -> memref<10000x128xf32, #tpu.memory_space<hbm>>
      tpu.wait_indirect_dma semaphore(%arg11 : memref<!tpu.dma_semaphore, #tpu.memory_space<semaphore_mem>>) src(%dma_wait3A_23 : memref<10000x128xf32, #tpu.memory_space<hbm>>) dst(%arg9 : memref<80x128xf32, #tpu.memory_space<vmem>>)
      "tpu.region"() ({
        %run_scoped3A = tpu.sem_alloc : memref<!tpu.dma_semaphore, #tpu.memory_space<semaphore_mem>>
        %dma_start3A_24 = arith.constant 0 : i32
        %dma_start3A_25 = arith.constant 0 : i32
        %dma_start3A_26 = tpu.memref_slice %arg10[%dma_start3A_24, %dma_start3A_25] : memref<10000x128xf32, #tpu.memory_space<vmem_shared>> -> memref<10000x128xf32, #tpu.memory_space<vmem_shared>>
        tpu.enqueue_indirect_dma source(%arg9 : memref<80x128xf32, #tpu.memory_space<vmem>>) target(%dma_start3A_26 : memref<10000x128xf32, #tpu.memory_space<vmem_shared>>) offsets(%arg8 : memref<80xi32, #tpu.memory_space<vmem>>) semaphore(%run_scoped3A : memref<!tpu.dma_semaphore, #tpu.memory_space<semaphore_mem>>) {add = true}
        %dma_wait3A_27 = arith.constant 0 : i32
        %dma_wait3A_28 = arith.constant 0 : i32
        %dma_wait3A_29 = tpu.memref_slice %arg10[%dma_wait3A_27, %dma_wait3A_28] : memref<10000x128xf32, #tpu.memory_space<vmem_shared>> -> memref<10000x128xf32, #tpu.memory_space<vmem_shared>>
        tpu.wait_indirect_dma semaphore(%run_scoped3A : memref<!tpu.dma_semaphore, #tpu.memory_space<semaphore_mem>>) src(%arg9 : memref<80x128xf32, #tpu.memory_space<vmem>>) dst(%dma_wait3A_29 : memref<10000x128xf32, #tpu.memory_space<vmem_shared>>)
        tpu.yield
      }) : () -> ()
    }
    %scan3A_9 = arith.constant 125 : i32
    %barrier3A_10 = arith.constant 0 : index
    tpu.barrier barrier_id(%barrier3A_10)
    %eq3A_11 = arith.constant 0 : i32
    %eq3A_12 = arith.cmpi eq, %arg1, %eq3A_11 : i32
    %convert_element_type3A_13 = arith.extui %eq3A_12 : i1 to i32
    %cond3A_14 = arith.constant 0 : i32
    %cond3A_15 = arith.cmpi ne, %convert_element_type3A_13, %cond3A_14 : i32
    scf.if %cond3A_15 {
      "tpu.region"() ({
        %run_scoped3A = tpu.sem_alloc : memref<!tpu.dma_semaphore, #tpu.memory_space<semaphore_mem>>
        %dma_start3A = arith.constant 0 : i32
        %dma_start3A_16 = arith.constant 0 : i32
        %dma_start3A_17 = tpu.memref_slice %arg6[%arg0, %dma_start3A, %dma_start3A_16] : memref<2x10000x128xf32, #tpu.memory_space<hbm>> -> memref<1x10000x128xf32, #tpu.memory_space<hbm>>
        %dma_start3A_18 = tpu.memref_squeeze %dma_start3A_17 : memref<1x10000x128xf32, #tpu.memory_space<hbm>> -> memref<10000x128xf32, #tpu.memory_space<hbm>>
        tpu.enqueue_dma source(%arg10 : memref<10000x128xf32, #tpu.memory_space<vmem_shared>>) target(%dma_start3A_18 : memref<10000x128xf32, #tpu.memory_space<hbm>>) target_semaphore(%run_scoped3A : memref<!tpu.dma_semaphore, #tpu.memory_space<semaphore_mem>>)
        %dma_wait3A = arith.constant 0 : i32
        %dma_wait3A_19 = arith.constant 0 : i32
        %dma_wait3A_20 = tpu.memref_slice %arg6[%arg0, %dma_wait3A, %dma_wait3A_19] : memref<2x10000x128xf32, #tpu.memory_space<hbm>> -> memref<1x10000x128xf32, #tpu.memory_space<hbm>>
        %dma_wait3A_21 = tpu.memref_squeeze %dma_wait3A_20 : memref<1x10000x128xf32, #tpu.memory_space<hbm>> -> memref<10000x128xf32, #tpu.memory_space<hbm>>
        tpu.wait_dma2 semaphore(%run_scoped3A : memref<!tpu.dma_semaphore, #tpu.memory_space<semaphore_mem>>) src(%arg10 : memref<10000x128xf32, #tpu.memory_space<vmem_shared>>) dst(%dma_wait3A_21 : memref<10000x128xf32, #tpu.memory_space<hbm>>)
        tpu.yield
      }) : () -> ()
    } else {
    }
    return
  }
}

#map = affine_map<(d0, d1) -> (0, 0)>
#map1 = affine_map<(d0, d1) -> (0)>
#map2 = affine_map<(d0, d1) -> (0, 0, 0)>
module attributes {stable_mosaic.version = 14 : i64} {
  func.func @body(%arg0: i32, %arg1: i32, %arg2: memref<10000x128xf32, #tpu.memory_space<hbm>>, %arg3: memref<320000xi32, #tpu.memory_space<hbm>>, %arg4: memref<320000xi32, #tpu.memory_space<hbm>>, %arg5: memref<10000x128xf32, #tpu.memory_space<hbm>>, %arg6: memref<2x10000x128xf32, #tpu.memory_space<hbm>>, %arg7: memref<80xi32, #tpu.memory_space<vmem>>, %arg8: memref<80xi32, #tpu.memory_space<vmem>>, %arg9: memref<80x128xf32, #tpu.memory_space<vmem>>, %arg10: memref<10000x128xf32, #tpu.memory_space<vmem_shared>>, %arg11: memref<!tpu.dma_semaphore, #tpu.memory_space<semaphore_mem>>) attributes {dimension_semantics = [#tpu.dimension_semantics<core_parallel>, #tpu.dimension_semantics<subcore_parallel>], iteration_bounds = array<i64: 2, 16>, scalar_prefetch = 0 : i64, scratch_operands = 5 : i64, tpu.core_type = #tpu.core_type<sc_vector_subcore>, window_params = [{transform_indices = #map}, {transform_indices = #map1}, {transform_indices = #map1}, {transform_indices = #map}, {transform_indices = #map2}]} {
    %mul3A = arith.constant 16 : i32
    %mul3A_0 = arith.muli %arg0, %mul3A : i32
    %add3A = arith.addi %mul3A_0, %arg1 : i32
    %eq3A = arith.constant 0 : i32
    %eq3A_1 = arith.cmpi eq, %arg1, %eq3A : i32
    %convert_element_type3A = arith.extui %eq3A_1 : i1 to i32
    %cond3A = arith.constant 0 : i32
    %cond3A_2 = arith.cmpi ne, %convert_element_type3A, %cond3A : i32
    scf.if %cond3A_2 {
      "tpu.region"() ({
        %run_scoped3A = tpu.sem_alloc : memref<!tpu.dma_semaphore, #tpu.memory_space<semaphore_mem>>
        tpu.enqueue_dma source(%arg5 : memref<10000x128xf32, #tpu.memory_space<hbm>>) target(%arg10 : memref<10000x128xf32, #tpu.memory_space<vmem_shared>>) target_semaphore(%run_scoped3A : memref<!tpu.dma_semaphore, #tpu.memory_space<semaphore_mem>>)
        tpu.wait_dma2 semaphore(%run_scoped3A : memref<!tpu.dma_semaphore, #tpu.memory_space<semaphore_mem>>) src(%arg5 : memref<10000x128xf32, #tpu.memory_space<hbm>>) dst(%arg10 : memref<10000x128xf32, #tpu.memory_space<vmem_shared>>)
        tpu.yield
      }) : () -> ()
    } else {
    }
    %barrier3A = arith.constant 0 : index
    tpu.barrier barrier_id(%barrier3A)
    %mul3A_3 = arith.constant 10000 : i32
    %mul3A_4 = arith.muli %add3A, %mul3A_3 : i32
    %scan3A = arith.constant 0 : i32
    %scan3A_5 = arith.constant 0 : i32
    %scan3A_6 = arith.constant 125 : i32
    %scan3A_7 = arith.addi %scan3A_5, %scan3A_6 : i32
    %scan3A_8 = arith.constant 1 : i32
    scf.for %scan3A_16 = %scan3A_5 to %scan3A_7 step %scan3A_8  : i32 {
      %mul3A_17 = arith.constant 80 : i32
      %mul3A_18 = arith.muli %scan3A_16, %mul3A_17 : i32
      %add3A_19 = arith.addi %mul3A_4, %mul3A_18 : i32
      %multiple_of3A = tpu.assume_multiple %add3A_19, 8 : i32
      "tpu.region"() ({
        %run_scoped3A = tpu.sem_alloc : memref<!tpu.dma_semaphore, #tpu.memory_space<semaphore_mem>>
        %dma_start3A_24 = tpu.memref_slice %arg3[%multiple_of3A] : memref<320000xi32, #tpu.memory_space<hbm>> -> memref<80xi32, #tpu.memory_space<hbm>>
        %dma_start3A_25 = tpu.memref_slice %arg3[%multiple_of3A] : memref<320000xi32, #tpu.memory_space<hbm>> -> memref<80xi32, #tpu.memory_space<hbm>>
        tpu.enqueue_dma source(%dma_start3A_25 : memref<80xi32, #tpu.memory_space<hbm>>) target(%arg7 : memref<80xi32, #tpu.memory_space<vmem>>) target_semaphore(%run_scoped3A : memref<!tpu.dma_semaphore, #tpu.memory_space<semaphore_mem>>)
        %dma_wait3A_26 = tpu.memref_slice %arg3[%multiple_of3A] : memref<320000xi32, #tpu.memory_space<hbm>> -> memref<80xi32, #tpu.memory_space<hbm>>
        %dma_wait3A_27 = tpu.memref_slice %arg3[%multiple_of3A] : memref<320000xi32, #tpu.memory_space<hbm>> -> memref<80xi32, #tpu.memory_space<hbm>>
        tpu.wait_dma2 semaphore(%run_scoped3A : memref<!tpu.dma_semaphore, #tpu.memory_space<semaphore_mem>>) src(%dma_wait3A_27 : memref<80xi32, #tpu.memory_space<hbm>>) dst(%arg7 : memref<80xi32, #tpu.memory_space<vmem>>)
        tpu.yield
      }) : () -> ()
      "tpu.region"() ({
        %run_scoped3A = tpu.sem_alloc : memref<!tpu.dma_semaphore, #tpu.memory_space<semaphore_mem>>
        %dma_start3A_24 = tpu.memref_slice %arg4[%multiple_of3A] : memref<320000xi32, #tpu.memory_space<hbm>> -> memref<80xi32, #tpu.memory_space<hbm>>
        %dma_start3A_25 = tpu.memref_slice %arg4[%multiple_of3A] : memref<320000xi32, #tpu.memory_space<hbm>> -> memref<80xi32, #tpu.memory_space<hbm>>
        tpu.enqueue_dma source(%dma_start3A_25 : memref<80xi32, #tpu.memory_space<hbm>>) target(%arg8 : memref<80xi32, #tpu.memory_space<vmem>>) target_semaphore(%run_scoped3A : memref<!tpu.dma_semaphore, #tpu.memory_space<semaphore_mem>>)
        %dma_wait3A_26 = tpu.memref_slice %arg4[%multiple_of3A] : memref<320000xi32, #tpu.memory_space<hbm>> -> memref<80xi32, #tpu.memory_space<hbm>>
        %dma_wait3A_27 = tpu.memref_slice %arg4[%multiple_of3A] : memref<320000xi32, #tpu.memory_space<hbm>> -> memref<80xi32, #tpu.memory_space<hbm>>
        tpu.wait_dma2 semaphore(%run_scoped3A : memref<!tpu.dma_semaphore, #tpu.memory_space<semaphore_mem>>) src(%dma_wait3A_27 : memref<80xi32, #tpu.memory_space<hbm>>) dst(%arg8 : memref<80xi32, #tpu.memory_space<vmem>>)
        tpu.yield
      }) : () -> ()
      %dma_start3A = arith.constant 0 : i32
      %dma_start3A_20 = arith.constant 0 : i32
      %dma_start3A_21 = tpu.memref_slice %arg2[%dma_start3A, %dma_start3A_20] : memref<10000x128xf32, #tpu.memory_space<hbm>> -> memref<10000x128xf32, #tpu.memory_space<hbm>>
      tpu.enqueue_indirect_dma source(%dma_start3A_21 : memref<10000x128xf32, #tpu.memory_space<hbm>>) target(%arg9 : memref<80x128xf32, #tpu.memory_space<vmem>>) offsets(%arg7 : memref<80xi32, #tpu.memory_space<vmem>>) semaphore(%arg11 : memref<!tpu.dma_semaphore, #tpu.memory_space<semaphore_mem>>)
      %dma_wait3A = arith.constant 0 : i32
      %dma_wait3A_22 = arith.constant 0 : i32
      %dma_wait3A_23 = tpu.memref_slice %arg2[%dma_wait3A, %dma_wait3A_22] : memref<10000x128xf32, #tpu.memory_space<hbm>> -> memref<10000x128xf32, #tpu.memory_space<hbm>>
      tpu.wait_indirect_dma semaphore(%arg11 : memref<!tpu.dma_semaphore, #tpu.memory_space<semaphore_mem>>) src(%dma_wait3A_23 : memref<10000x128xf32, #tpu.memory_space<hbm>>) dst(%arg9 : memref<80x128xf32, #tpu.memory_space<vmem>>)
      "tpu.region"() ({
        %run_scoped3A = tpu.sem_alloc : memref<!tpu.dma_semaphore, #tpu.memory_space<semaphore_mem>>
        %dma_start3A_24 = arith.constant 0 : i32
        %dma_start3A_25 = arith.constant 0 : i32
        %dma_start3A_26 = tpu.memref_slice %arg10[%dma_start3A_24, %dma_start3A_25] : memref<10000x128xf32, #tpu.memory_space<vmem_shared>> -> memref<10000x128xf32, #tpu.memory_space<vmem_shared>>
        tpu.enqueue_indirect_dma source(%arg9 : memref<80x128xf32, #tpu.memory_space<vmem>>) target(%dma_start3A_26 : memref<10000x128xf32, #tpu.memory_space<vmem_shared>>) offsets(%arg8 : memref<80xi32, #tpu.memory_space<vmem>>) semaphore(%run_scoped3A : memref<!tpu.dma_semaphore, #tpu.memory_space<semaphore_mem>>) {add = true}
        %dma_wait3A_27 = arith.constant 0 : i32
        %dma_wait3A_28 = arith.constant 0 : i32
        %dma_wait3A_29 = tpu.memref_slice %arg10[%dma_wait3A_27, %dma_wait3A_28] : memref<10000x128xf32, #tpu.memory_space<vmem_shared>> -> memref<10000x128xf32, #tpu.memory_space<vmem_shared>>
        tpu.wait_indirect_dma semaphore(%run_scoped3A : memref<!tpu.dma_semaphore, #tpu.memory_space<semaphore_mem>>) src(%arg9 : memref<80x128xf32, #tpu.memory_space<vmem>>) dst(%dma_wait3A_29 : memref<10000x128xf32, #tpu.memory_space<vmem_shared>>)
        tpu.yield
      }) : () -> ()
    }
    %scan3A_9 = arith.constant 125 : i32
    %barrier3A_10 = arith.constant 0 : index
    tpu.barrier barrier_id(%barrier3A_10)
    %eq3A_11 = arith.constant 0 : i32
    %eq3A_12 = arith.cmpi eq, %arg1, %eq3A_11 : i32
    %convert_element_type3A_13 = arith.extui %eq3A_12 : i1 to i32
    %cond3A_14 = arith.constant 0 : i32
    %cond3A_15 = arith.cmpi ne, %convert_element_type3A_13, %cond3A_14 : i32
    scf.if %cond3A_15 {
      "tpu.region"() ({
        %run_scoped3A = tpu.sem_alloc : memref<!tpu.dma_semaphore, #tpu.memory_space<semaphore_mem>>
        %dma_start3A = arith.constant 0 : i32
        %dma_start3A_16 = arith.constant 0 : i32
        %dma_start3A_17 = tpu.memref_slice %arg6[%arg0, %dma_start3A, %dma_start3A_16] : memref<2x10000x128xf32, #tpu.memory_space<hbm>> -> memref<1x10000x128xf32, #tpu.memory_space<hbm>>
        %dma_start3A_18 = tpu.memref_squeeze %dma_start3A_17 : memref<1x10000x128xf32, #tpu.memory_space<hbm>> -> memref<10000x128xf32, #tpu.memory_space<hbm>>
        tpu.enqueue_dma source(%arg10 : memref<10000x128xf32, #tpu.memory_space<vmem_shared>>) target(%dma_start3A_18 : memref<10000x128xf32, #tpu.memory_space<hbm>>) target_semaphore(%run_scoped3A : memref<!tpu.dma_semaphore, #tpu.memory_space<semaphore_mem>>)
        %dma_wait3A = arith.constant 0 : i32
        %dma_wait3A_19 = arith.constant 0 : i32
        %dma_wait3A_20 = tpu.memref_slice %arg6[%arg0, %dma_wait3A, %dma_wait3A_19] : memref<2x10000x128xf32, #tpu.memory_space<hbm>> -> memref<1x10000x128xf32, #tpu.memory_space<hbm>>
        %dma_wait3A_21 = tpu.memref_squeeze %dma_wait3A_20 : memref<1x10000x128xf32, #tpu.memory_space<hbm>> -> memref<10000x128xf32, #tpu.memory_space<hbm>>
        tpu.wait_dma2 semaphore(%run_scoped3A : memref<!tpu.dma_semaphore, #tpu.memory_space<semaphore_mem>>) src(%arg10 : memref<10000x128xf32, #tpu.memory_space<vmem_shared>>) dst(%dma_wait3A_21 : memref<10000x128xf32, #tpu.memory_space<hbm>>)
        tpu.yield
      }) : () -> ()
    } else {
    }
    return
  }
}

#map = affine_map<(d0, d1) -> (0, 0)>
#map1 = affine_map<(d0, d1) -> (0)>
#map2 = affine_map<(d0, d1) -> (0, 0, 0)>
module attributes {stable_mosaic.version = 14 : i64} {
  func.func @body(%arg0: i32, %arg1: i32, %arg2: memref<10000x128xf32, #tpu.memory_space<hbm>>, %arg3: memref<320000xi32, #tpu.memory_space<hbm>>, %arg4: memref<320000xi32, #tpu.memory_space<hbm>>, %arg5: memref<10000x128xf32, #tpu.memory_space<hbm>>, %arg6: memref<2x10000x128xf32, #tpu.memory_space<hbm>>, %arg7: memref<80xi32, #tpu.memory_space<vmem>>, %arg8: memref<80xi32, #tpu.memory_space<vmem>>, %arg9: memref<80x128xf32, #tpu.memory_space<vmem>>, %arg10: memref<10000x128xf32, #tpu.memory_space<vmem_shared>>, %arg11: memref<!tpu.dma_semaphore, #tpu.memory_space<semaphore_mem>>) attributes {dimension_semantics = [#tpu.dimension_semantics<core_parallel>, #tpu.dimension_semantics<subcore_parallel>], iteration_bounds = array<i64: 2, 16>, scalar_prefetch = 0 : i64, scratch_operands = 5 : i64, tpu.core_type = #tpu.core_type<sc_vector_subcore>, window_params = [{transform_indices = #map}, {transform_indices = #map1}, {transform_indices = #map1}, {transform_indices = #map}, {transform_indices = #map2}]} {
    %mul3A = arith.constant 16 : i32
    %mul3A_0 = arith.muli %arg0, %mul3A : i32
    %add3A = arith.addi %mul3A_0, %arg1 : i32
    %eq3A = arith.constant 0 : i32
    %eq3A_1 = arith.cmpi eq, %arg1, %eq3A : i32
    %convert_element_type3A = arith.extui %eq3A_1 : i1 to i32
    %cond3A = arith.constant 0 : i32
    %cond3A_2 = arith.cmpi ne, %convert_element_type3A, %cond3A : i32
    scf.if %cond3A_2 {
      "tpu.region"() ({
        %run_scoped3A = tpu.sem_alloc : memref<!tpu.dma_semaphore, #tpu.memory_space<semaphore_mem>>
        tpu.enqueue_dma source(%arg5 : memref<10000x128xf32, #tpu.memory_space<hbm>>) target(%arg10 : memref<10000x128xf32, #tpu.memory_space<vmem_shared>>) target_semaphore(%run_scoped3A : memref<!tpu.dma_semaphore, #tpu.memory_space<semaphore_mem>>)
        tpu.wait_dma2 semaphore(%run_scoped3A : memref<!tpu.dma_semaphore, #tpu.memory_space<semaphore_mem>>) src(%arg5 : memref<10000x128xf32, #tpu.memory_space<hbm>>) dst(%arg10 : memref<10000x128xf32, #tpu.memory_space<vmem_shared>>)
        tpu.yield
      }) : () -> ()
    } else {
    }
    %barrier3A = arith.constant 0 : index
    tpu.barrier barrier_id(%barrier3A)
    %mul3A_3 = arith.constant 10000 : i32
    %mul3A_4 = arith.muli %add3A, %mul3A_3 : i32
    %scan3A = arith.constant 0 : i32
    %scan3A_5 = arith.constant 0 : i32
    %scan3A_6 = arith.constant 125 : i32
    %scan3A_7 = arith.addi %scan3A_5, %scan3A_6 : i32
    %scan3A_8 = arith.constant 1 : i32
    scf.for %scan3A_16 = %scan3A_5 to %scan3A_7 step %scan3A_8  : i32 {
      %mul3A_17 = arith.constant 80 : i32
      %mul3A_18 = arith.muli %scan3A_16, %mul3A_17 : i32
      %add3A_19 = arith.addi %mul3A_4, %mul3A_18 : i32
      %multiple_of3A = tpu.assume_multiple %add3A_19, 8 : i32
      "tpu.region"() ({
        %run_scoped3A = tpu.sem_alloc : memref<!tpu.dma_semaphore, #tpu.memory_space<semaphore_mem>>
        %dma_start3A_24 = tpu.memref_slice %arg3[%multiple_of3A] : memref<320000xi32, #tpu.memory_space<hbm>> -> memref<80xi32, #tpu.memory_space<hbm>>
        %dma_start3A_25 = tpu.memref_slice %arg3[%multiple_of3A] : memref<320000xi32, #tpu.memory_space<hbm>> -> memref<80xi32, #tpu.memory_space<hbm>>
        tpu.enqueue_dma source(%dma_start3A_25 : memref<80xi32, #tpu.memory_space<hbm>>) target(%arg7 : memref<80xi32, #tpu.memory_space<vmem>>) target_semaphore(%run_scoped3A : memref<!tpu.dma_semaphore, #tpu.memory_space<semaphore_mem>>)
        %dma_wait3A_26 = tpu.memref_slice %arg3[%multiple_of3A] : memref<320000xi32, #tpu.memory_space<hbm>> -> memref<80xi32, #tpu.memory_space<hbm>>
        %dma_wait3A_27 = tpu.memref_slice %arg3[%multiple_of3A] : memref<320000xi32, #tpu.memory_space<hbm>> -> memref<80xi32, #tpu.memory_space<hbm>>
        tpu.wait_dma2 semaphore(%run_scoped3A : memref<!tpu.dma_semaphore, #tpu.memory_space<semaphore_mem>>) src(%dma_wait3A_27 : memref<80xi32, #tpu.memory_space<hbm>>) dst(%arg7 : memref<80xi32, #tpu.memory_space<vmem>>)
        tpu.yield
      }) : () -> ()
      "tpu.region"() ({
        %run_scoped3A = tpu.sem_alloc : memref<!tpu.dma_semaphore, #tpu.memory_space<semaphore_mem>>
        %dma_start3A_24 = tpu.memref_slice %arg4[%multiple_of3A] : memref<320000xi32, #tpu.memory_space<hbm>> -> memref<80xi32, #tpu.memory_space<hbm>>
        %dma_start3A_25 = tpu.memref_slice %arg4[%multiple_of3A] : memref<320000xi32, #tpu.memory_space<hbm>> -> memref<80xi32, #tpu.memory_space<hbm>>
        tpu.enqueue_dma source(%dma_start3A_25 : memref<80xi32, #tpu.memory_space<hbm>>) target(%arg8 : memref<80xi32, #tpu.memory_space<vmem>>) target_semaphore(%run_scoped3A : memref<!tpu.dma_semaphore, #tpu.memory_space<semaphore_mem>>)
        %dma_wait3A_26 = tpu.memref_slice %arg4[%multiple_of3A] : memref<320000xi32, #tpu.memory_space<hbm>> -> memref<80xi32, #tpu.memory_space<hbm>>
        %dma_wait3A_27 = tpu.memref_slice %arg4[%multiple_of3A] : memref<320000xi32, #tpu.memory_space<hbm>> -> memref<80xi32, #tpu.memory_space<hbm>>
        tpu.wait_dma2 semaphore(%run_scoped3A : memref<!tpu.dma_semaphore, #tpu.memory_space<semaphore_mem>>) src(%dma_wait3A_27 : memref<80xi32, #tpu.memory_space<hbm>>) dst(%arg8 : memref<80xi32, #tpu.memory_space<vmem>>)
        tpu.yield
      }) : () -> ()
      %dma_start3A = arith.constant 0 : i32
      %dma_start3A_20 = arith.constant 0 : i32
      %dma_start3A_21 = tpu.memref_slice %arg2[%dma_start3A, %dma_start3A_20] : memref<10000x128xf32, #tpu.memory_space<hbm>> -> memref<10000x128xf32, #tpu.memory_space<hbm>>
      tpu.enqueue_indirect_dma source(%dma_start3A_21 : memref<10000x128xf32, #tpu.memory_space<hbm>>) target(%arg9 : memref<80x128xf32, #tpu.memory_space<vmem>>) offsets(%arg7 : memref<80xi32, #tpu.memory_space<vmem>>) semaphore(%arg11 : memref<!tpu.dma_semaphore, #tpu.memory_space<semaphore_mem>>)
      %dma_wait3A = arith.constant 0 : i32
      %dma_wait3A_22 = arith.constant 0 : i32
      %dma_wait3A_23 = tpu.memref_slice %arg2[%dma_wait3A, %dma_wait3A_22] : memref<10000x128xf32, #tpu.memory_space<hbm>> -> memref<10000x128xf32, #tpu.memory_space<hbm>>
      tpu.wait_indirect_dma semaphore(%arg11 : memref<!tpu.dma_semaphore, #tpu.memory_space<semaphore_mem>>) src(%dma_wait3A_23 : memref<10000x128xf32, #tpu.memory_space<hbm>>) dst(%arg9 : memref<80x128xf32, #tpu.memory_space<vmem>>)
      "tpu.region"() ({
        %run_scoped3A = tpu.sem_alloc : memref<!tpu.dma_semaphore, #tpu.memory_space<semaphore_mem>>
        %dma_start3A_24 = arith.constant 0 : i32
        %dma_start3A_25 = arith.constant 0 : i32
        %dma_start3A_26 = tpu.memref_slice %arg10[%dma_start3A_24, %dma_start3A_25] : memref<10000x128xf32, #tpu.memory_space<vmem_shared>> -> memref<10000x128xf32, #tpu.memory_space<vmem_shared>>
        tpu.enqueue_indirect_dma source(%arg9 : memref<80x128xf32, #tpu.memory_space<vmem>>) target(%dma_start3A_26 : memref<10000x128xf32, #tpu.memory_space<vmem_shared>>) offsets(%arg8 : memref<80xi32, #tpu.memory_space<vmem>>) semaphore(%run_scoped3A : memref<!tpu.dma_semaphore, #tpu.memory_space<semaphore_mem>>) {add = true}
        %dma_wait3A_27 = arith.constant 0 : i32
        %dma_wait3A_28 = arith.constant 0 : i32
        %dma_wait3A_29 = tpu.memref_slice %arg10[%dma_wait3A_27, %dma_wait3A_28] : memref<10000x128xf32, #tpu.memory_space<vmem_shared>> -> memref<10000x128xf32, #tpu.memory_space<vmem_shared>>
        tpu.wait_indirect_dma semaphore(%run_scoped3A : memref<!tpu.dma_semaphore, #tpu.memory_space<semaphore_mem>>) src(%arg9 : memref<80x128xf32, #tpu.memory_space<vmem>>) dst(%dma_wait3A_29 : memref<10000x128xf32, #tpu.memory_space<vmem_shared>>)
        tpu.yield
      }) : () -> ()
    }
    %scan3A_9 = arith.constant 125 : i32
    %barrier3A_10 = arith.constant 0 : index
    tpu.barrier barrier_id(%barrier3A_10)
    %eq3A_11 = arith.constant 0 : i32
    %eq3A_12 = arith.cmpi eq, %arg1, %eq3A_11 : i32
    %convert_element_type3A_13 = arith.extui %eq3A_12 : i1 to i32
    %cond3A_14 = arith.constant 0 : i32
    %cond3A_15 = arith.cmpi ne, %convert_element_type3A_13, %cond3A_14 : i32
    scf.if %cond3A_15 {
      "tpu.region"() ({
        %run_scoped3A = tpu.sem_alloc : memref<!tpu.dma_semaphore, #tpu.memory_space<semaphore_mem>>
        %dma_start3A = arith.constant 0 : i32
        %dma_start3A_16 = arith.constant 0 : i32
        %dma_start3A_17 = tpu.memref_slice %arg6[%arg0, %dma_start3A, %dma_start3A_16] : memref<2x10000x128xf32, #tpu.memory_space<hbm>> -> memref<1x10000x128xf32, #tpu.memory_space<hbm>>
        %dma_start3A_18 = tpu.memref_squeeze %dma_start3A_17 : memref<1x10000x128xf32, #tpu.memory_space<hbm>> -> memref<10000x128xf32, #tpu.memory_space<hbm>>
        tpu.enqueue_dma source(%arg10 : memref<10000x128xf32, #tpu.memory_space<vmem_shared>>) target(%dma_start3A_18 : memref<10000x128xf32, #tpu.memory_space<hbm>>) target_semaphore(%run_scoped3A : memref<!tpu.dma_semaphore, #tpu.memory_space<semaphore_mem>>)
        %dma_wait3A = arith.constant 0 : i32
        %dma_wait3A_19 = arith.constant 0 : i32
        %dma_wait3A_20 = tpu.memref_slice %arg6[%arg0, %dma_wait3A, %dma_wait3A_19] : memref<2x10000x128xf32, #tpu.memory_space<hbm>> -> memref<1x10000x128xf32, #tpu.memory_space<hbm>>
        %dma_wait3A_21 = tpu.memref_squeeze %dma_wait3A_20 : memref<1x10000x128xf32, #tpu.memory_space<hbm>> -> memref<10000x128xf32, #tpu.memory_space<hbm>>
        tpu.wait_dma2 semaphore(%run_scoped3A : memref<!tpu.dma_semaphore, #tpu.memory_space<semaphore_mem>>) src(%arg10 : memref<10000x128xf32, #tpu.memory_space<vmem_shared>>) dst(%dma_wait3A_21 : memref<10000x128xf32, #tpu.memory_space<hbm>>)
        tpu.yield
      }) : () -> ()
    } else {
    }
    return
  }
}

#map = affine_map<(d0, d1) -> (0, 0)>
#map1 = affine_map<(d0, d1) -> (0)>
#map2 = affine_map<(d0, d1) -> (0, 0, 0)>
module attributes {stable_mosaic.version = 14 : i64} {
  func.func @body(%arg0: i32, %arg1: i32, %arg2: memref<10000x128xf32, #tpu.memory_space<hbm>>, %arg3: memref<320000xi32, #tpu.memory_space<hbm>>, %arg4: memref<320000xi32, #tpu.memory_space<hbm>>, %arg5: memref<10000x128xf32, #tpu.memory_space<hbm>>, %arg6: memref<2x10000x128xf32, #tpu.memory_space<hbm>>, %arg7: memref<80xi32, #tpu.memory_space<vmem>>, %arg8: memref<80xi32, #tpu.memory_space<vmem>>, %arg9: memref<80x128xf32, #tpu.memory_space<vmem>>, %arg10: memref<10000x128xf32, #tpu.memory_space<vmem_shared>>, %arg11: memref<!tpu.dma_semaphore, #tpu.memory_space<semaphore_mem>>) attributes {dimension_semantics = [#tpu.dimension_semantics<core_parallel>, #tpu.dimension_semantics<subcore_parallel>], iteration_bounds = array<i64: 2, 16>, scalar_prefetch = 0 : i64, scratch_operands = 5 : i64, tpu.core_type = #tpu.core_type<sc_vector_subcore>, window_params = [{transform_indices = #map}, {transform_indices = #map1}, {transform_indices = #map1}, {transform_indices = #map}, {transform_indices = #map2}]} {
    %mul3A = arith.constant 16 : i32
    %mul3A_0 = arith.muli %arg0, %mul3A : i32
    %add3A = arith.addi %mul3A_0, %arg1 : i32
    %eq3A = arith.constant 0 : i32
    %eq3A_1 = arith.cmpi eq, %arg1, %eq3A : i32
    %convert_element_type3A = arith.extui %eq3A_1 : i1 to i32
    %cond3A = arith.constant 0 : i32
    %cond3A_2 = arith.cmpi ne, %convert_element_type3A, %cond3A : i32
    scf.if %cond3A_2 {
      "tpu.region"() ({
        %run_scoped3A = tpu.sem_alloc : memref<!tpu.dma_semaphore, #tpu.memory_space<semaphore_mem>>
        tpu.enqueue_dma source(%arg5 : memref<10000x128xf32, #tpu.memory_space<hbm>>) target(%arg10 : memref<10000x128xf32, #tpu.memory_space<vmem_shared>>) target_semaphore(%run_scoped3A : memref<!tpu.dma_semaphore, #tpu.memory_space<semaphore_mem>>)
        tpu.wait_dma2 semaphore(%run_scoped3A : memref<!tpu.dma_semaphore, #tpu.memory_space<semaphore_mem>>) src(%arg5 : memref<10000x128xf32, #tpu.memory_space<hbm>>) dst(%arg10 : memref<10000x128xf32, #tpu.memory_space<vmem_shared>>)
        tpu.yield
      }) : () -> ()
    } else {
    }
    %barrier3A = arith.constant 0 : index
    tpu.barrier barrier_id(%barrier3A)
    %mul3A_3 = arith.constant 10000 : i32
    %mul3A_4 = arith.muli %add3A, %mul3A_3 : i32
    %scan3A = arith.constant 0 : i32
    %scan3A_5 = arith.constant 0 : i32
    %scan3A_6 = arith.constant 125 : i32
    %scan3A_7 = arith.addi %scan3A_5, %scan3A_6 : i32
    %scan3A_8 = arith.constant 1 : i32
    scf.for %scan3A_16 = %scan3A_5 to %scan3A_7 step %scan3A_8  : i32 {
      %mul3A_17 = arith.constant 80 : i32
      %mul3A_18 = arith.muli %scan3A_16, %mul3A_17 : i32
      %add3A_19 = arith.addi %mul3A_4, %mul3A_18 : i32
      %multiple_of3A = tpu.assume_multiple %add3A_19, 8 : i32
      "tpu.region"() ({
        %run_scoped3A = tpu.sem_alloc : memref<!tpu.dma_semaphore, #tpu.memory_space<semaphore_mem>>
        %dma_start3A_24 = tpu.memref_slice %arg3[%multiple_of3A] : memref<320000xi32, #tpu.memory_space<hbm>> -> memref<80xi32, #tpu.memory_space<hbm>>
        %dma_start3A_25 = tpu.memref_slice %arg3[%multiple_of3A] : memref<320000xi32, #tpu.memory_space<hbm>> -> memref<80xi32, #tpu.memory_space<hbm>>
        tpu.enqueue_dma source(%dma_start3A_25 : memref<80xi32, #tpu.memory_space<hbm>>) target(%arg7 : memref<80xi32, #tpu.memory_space<vmem>>) target_semaphore(%run_scoped3A : memref<!tpu.dma_semaphore, #tpu.memory_space<semaphore_mem>>)
        %dma_wait3A_26 = tpu.memref_slice %arg3[%multiple_of3A] : memref<320000xi32, #tpu.memory_space<hbm>> -> memref<80xi32, #tpu.memory_space<hbm>>
        %dma_wait3A_27 = tpu.memref_slice %arg3[%multiple_of3A] : memref<320000xi32, #tpu.memory_space<hbm>> -> memref<80xi32, #tpu.memory_space<hbm>>
        tpu.wait_dma2 semaphore(%run_scoped3A : memref<!tpu.dma_semaphore, #tpu.memory_space<semaphore_mem>>) src(%dma_wait3A_27 : memref<80xi32, #tpu.memory_space<hbm>>) dst(%arg7 : memref<80xi32, #tpu.memory_space<vmem>>)
        tpu.yield
      }) : () -> ()
      "tpu.region"() ({
        %run_scoped3A = tpu.sem_alloc : memref<!tpu.dma_semaphore, #tpu.memory_space<semaphore_mem>>
        %dma_start3A_24 = tpu.memref_slice %arg4[%multiple_of3A] : memref<320000xi32, #tpu.memory_space<hbm>> -> memref<80xi32, #tpu.memory_space<hbm>>
        %dma_start3A_25 = tpu.memref_slice %arg4[%multiple_of3A] : memref<320000xi32, #tpu.memory_space<hbm>> -> memref<80xi32, #tpu.memory_space<hbm>>
        tpu.enqueue_dma source(%dma_start3A_25 : memref<80xi32, #tpu.memory_space<hbm>>) target(%arg8 : memref<80xi32, #tpu.memory_space<vmem>>) target_semaphore(%run_scoped3A : memref<!tpu.dma_semaphore, #tpu.memory_space<semaphore_mem>>)
        %dma_wait3A_26 = tpu.memref_slice %arg4[%multiple_of3A] : memref<320000xi32, #tpu.memory_space<hbm>> -> memref<80xi32, #tpu.memory_space<hbm>>
        %dma_wait3A_27 = tpu.memref_slice %arg4[%multiple_of3A] : memref<320000xi32, #tpu.memory_space<hbm>> -> memref<80xi32, #tpu.memory_space<hbm>>
        tpu.wait_dma2 semaphore(%run_scoped3A : memref<!tpu.dma_semaphore, #tpu.memory_space<semaphore_mem>>) src(%dma_wait3A_27 : memref<80xi32, #tpu.memory_space<hbm>>) dst(%arg8 : memref<80xi32, #tpu.memory_space<vmem>>)
        tpu.yield
      }) : () -> ()
      %dma_start3A = arith.constant 0 : i32
      %dma_start3A_20 = arith.constant 0 : i32
      %dma_start3A_21 = tpu.memref_slice %arg2[%dma_start3A, %dma_start3A_20] : memref<10000x128xf32, #tpu.memory_space<hbm>> -> memref<10000x128xf32, #tpu.memory_space<hbm>>
      tpu.enqueue_indirect_dma source(%dma_start3A_21 : memref<10000x128xf32, #tpu.memory_space<hbm>>) target(%arg9 : memref<80x128xf32, #tpu.memory_space<vmem>>) offsets(%arg7 : memref<80xi32, #tpu.memory_space<vmem>>) semaphore(%arg11 : memref<!tpu.dma_semaphore, #tpu.memory_space<semaphore_mem>>)
      %dma_wait3A = arith.constant 0 : i32
      %dma_wait3A_22 = arith.constant 0 : i32
      %dma_wait3A_23 = tpu.memref_slice %arg2[%dma_wait3A, %dma_wait3A_22] : memref<10000x128xf32, #tpu.memory_space<hbm>> -> memref<10000x128xf32, #tpu.memory_space<hbm>>
      tpu.wait_indirect_dma semaphore(%arg11 : memref<!tpu.dma_semaphore, #tpu.memory_space<semaphore_mem>>) src(%dma_wait3A_23 : memref<10000x128xf32, #tpu.memory_space<hbm>>) dst(%arg9 : memref<80x128xf32, #tpu.memory_space<vmem>>)
      "tpu.region"() ({
        %run_scoped3A = tpu.sem_alloc : memref<!tpu.dma_semaphore, #tpu.memory_space<semaphore_mem>>
        %dma_start3A_24 = arith.constant 0 : i32
        %dma_start3A_25 = arith.constant 0 : i32
        %dma_start3A_26 = tpu.memref_slice %arg10[%dma_start3A_24, %dma_start3A_25] : memref<10000x128xf32, #tpu.memory_space<vmem_shared>> -> memref<10000x128xf32, #tpu.memory_space<vmem_shared>>
        tpu.enqueue_indirect_dma source(%arg9 : memref<80x128xf32, #tpu.memory_space<vmem>>) target(%dma_start3A_26 : memref<10000x128xf32, #tpu.memory_space<vmem_shared>>) offsets(%arg8 : memref<80xi32, #tpu.memory_space<vmem>>) semaphore(%run_scoped3A : memref<!tpu.dma_semaphore, #tpu.memory_space<semaphore_mem>>) {add = true}
        %dma_wait3A_27 = arith.constant 0 : i32
        %dma_wait3A_28 = arith.constant 0 : i32
        %dma_wait3A_29 = tpu.memref_slice %arg10[%dma_wait3A_27, %dma_wait3A_28] : memref<10000x128xf32, #tpu.memory_space<vmem_shared>> -> memref<10000x128xf32, #tpu.memory_space<vmem_shared>>
        tpu.wait_indirect_dma semaphore(%run_scoped3A : memref<!tpu.dma_semaphore, #tpu.memory_space<semaphore_mem>>) src(%arg9 : memref<80x128xf32, #tpu.memory_space<vmem>>) dst(%dma_wait3A_29 : memref<10000x128xf32, #tpu.memory_space<vmem_shared>>)
        tpu.yield
      }) : () -> ()
    }
    %scan3A_9 = arith.constant 125 : i32
    %barrier3A_10 = arith.constant 0 : index
    tpu.barrier barrier_id(%barrier3A_10)
    %eq3A_11 = arith.constant 0 : i32
    %eq3A_12 = arith.cmpi eq, %arg1, %eq3A_11 : i32
    %convert_element_type3A_13 = arith.extui %eq3A_12 : i1 to i32
    %cond3A_14 = arith.constant 0 : i32
    %cond3A_15 = arith.cmpi ne, %convert_element_type3A_13, %cond3A_14 : i32
    scf.if %cond3A_15 {
      "tpu.region"() ({
        %run_scoped3A = tpu.sem_alloc : memref<!tpu.dma_semaphore, #tpu.memory_space<semaphore_mem>>
        %dma_start3A = arith.constant 0 : i32
        %dma_start3A_16 = arith.constant 0 : i32
        %dma_start3A_17 = tpu.memref_slice %arg6[%arg0, %dma_start3A, %dma_start3A_16] : memref<2x10000x128xf32, #tpu.memory_space<hbm>> -> memref<1x10000x128xf32, #tpu.memory_space<hbm>>
        %dma_start3A_18 = tpu.memref_squeeze %dma_start3A_17 : memref<1x10000x128xf32, #tpu.memory_space<hbm>> -> memref<10000x128xf32, #tpu.memory_space<hbm>>
        tpu.enqueue_dma source(%arg10 : memref<10000x128xf32, #tpu.memory_space<vmem_shared>>) target(%dma_start3A_18 : memref<10000x128xf32, #tpu.memory_space<hbm>>) target_semaphore(%run_scoped3A : memref<!tpu.dma_semaphore, #tpu.memory_space<semaphore_mem>>)
        %dma_wait3A = arith.constant 0 : i32
        %dma_wait3A_19 = arith.constant 0 : i32
        %dma_wait3A_20 = tpu.memref_slice %arg6[%arg0, %dma_wait3A, %dma_wait3A_19] : memref<2x10000x128xf32, #tpu.memory_space<hbm>> -> memref<1x10000x128xf32, #tpu.memory_space<hbm>>
        %dma_wait3A_21 = tpu.memref_squeeze %dma_wait3A_20 : memref<1x10000x128xf32, #tpu.memory_space<hbm>> -> memref<10000x128xf32, #tpu.memory_space<hbm>>
        tpu.wait_dma2 semaphore(%run_scoped3A : memref<!tpu.dma_semaphore, #tpu.memory_space<semaphore_mem>>) src(%arg10 : memref<10000x128xf32, #tpu.memory_space<vmem_shared>>) dst(%dma_wait3A_21 : memref<10000x128xf32, #tpu.memory_space<hbm>>)
        tpu.yield
      }) : () -> ()
    } else {
    }
    return
  }
}

#map = affine_map<(d0, d1) -> (0, 0)>
#map1 = affine_map<(d0, d1) -> (0)>
#map2 = affine_map<(d0, d1) -> (0, 0, 0)>
module attributes {stable_mosaic.version = 14 : i64} {
  func.func @body(%arg0: i32, %arg1: i32, %arg2: memref<10000x128xf32, #tpu.memory_space<hbm>>, %arg3: memref<320000xi32, #tpu.memory_space<hbm>>, %arg4: memref<320000xi32, #tpu.memory_space<hbm>>, %arg5: memref<10000x128xf32, #tpu.memory_space<hbm>>, %arg6: memref<2x10000x128xf32, #tpu.memory_space<hbm>>, %arg7: memref<80xi32, #tpu.memory_space<vmem>>, %arg8: memref<80xi32, #tpu.memory_space<vmem>>, %arg9: memref<80x128xf32, #tpu.memory_space<vmem>>, %arg10: memref<10000x128xf32, #tpu.memory_space<vmem_shared>>, %arg11: memref<!tpu.dma_semaphore, #tpu.memory_space<semaphore_mem>>) attributes {dimension_semantics = [#tpu.dimension_semantics<core_parallel>, #tpu.dimension_semantics<subcore_parallel>], iteration_bounds = array<i64: 2, 16>, scalar_prefetch = 0 : i64, scratch_operands = 5 : i64, tpu.core_type = #tpu.core_type<sc_vector_subcore>, window_params = [{transform_indices = #map}, {transform_indices = #map1}, {transform_indices = #map1}, {transform_indices = #map}, {transform_indices = #map2}]} {
    %mul3A = arith.constant 16 : i32
    %mul3A_0 = arith.muli %arg0, %mul3A : i32
    %add3A = arith.addi %mul3A_0, %arg1 : i32
    %eq3A = arith.constant 0 : i32
    %eq3A_1 = arith.cmpi eq, %arg1, %eq3A : i32
    %convert_element_type3A = arith.extui %eq3A_1 : i1 to i32
    %cond3A = arith.constant 0 : i32
    %cond3A_2 = arith.cmpi ne, %convert_element_type3A, %cond3A : i32
    scf.if %cond3A_2 {
      "tpu.region"() ({
        %run_scoped3A = tpu.sem_alloc : memref<!tpu.dma_semaphore, #tpu.memory_space<semaphore_mem>>
        tpu.enqueue_dma source(%arg5 : memref<10000x128xf32, #tpu.memory_space<hbm>>) target(%arg10 : memref<10000x128xf32, #tpu.memory_space<vmem_shared>>) target_semaphore(%run_scoped3A : memref<!tpu.dma_semaphore, #tpu.memory_space<semaphore_mem>>)
        tpu.wait_dma2 semaphore(%run_scoped3A : memref<!tpu.dma_semaphore, #tpu.memory_space<semaphore_mem>>) src(%arg5 : memref<10000x128xf32, #tpu.memory_space<hbm>>) dst(%arg10 : memref<10000x128xf32, #tpu.memory_space<vmem_shared>>)
        tpu.yield
      }) : () -> ()
    } else {
    }
    %barrier3A = arith.constant 0 : index
    tpu.barrier barrier_id(%barrier3A)
    %mul3A_3 = arith.constant 10000 : i32
    %mul3A_4 = arith.muli %add3A, %mul3A_3 : i32
    %scan3A = arith.constant 0 : i32
    %scan3A_5 = arith.constant 0 : i32
    %scan3A_6 = arith.constant 125 : i32
    %scan3A_7 = arith.addi %scan3A_5, %scan3A_6 : i32
    %scan3A_8 = arith.constant 1 : i32
    scf.for %scan3A_16 = %scan3A_5 to %scan3A_7 step %scan3A_8  : i32 {
      %mul3A_17 = arith.constant 80 : i32
      %mul3A_18 = arith.muli %scan3A_16, %mul3A_17 : i32
      %add3A_19 = arith.addi %mul3A_4, %mul3A_18 : i32
      %multiple_of3A = tpu.assume_multiple %add3A_19, 8 : i32
      "tpu.region"() ({
        %run_scoped3A = tpu.sem_alloc : memref<!tpu.dma_semaphore, #tpu.memory_space<semaphore_mem>>
        %dma_start3A_24 = tpu.memref_slice %arg3[%multiple_of3A] : memref<320000xi32, #tpu.memory_space<hbm>> -> memref<80xi32, #tpu.memory_space<hbm>>
        %dma_start3A_25 = tpu.memref_slice %arg3[%multiple_of3A] : memref<320000xi32, #tpu.memory_space<hbm>> -> memref<80xi32, #tpu.memory_space<hbm>>
        tpu.enqueue_dma source(%dma_start3A_25 : memref<80xi32, #tpu.memory_space<hbm>>) target(%arg7 : memref<80xi32, #tpu.memory_space<vmem>>) target_semaphore(%run_scoped3A : memref<!tpu.dma_semaphore, #tpu.memory_space<semaphore_mem>>)
        %dma_wait3A_26 = tpu.memref_slice %arg3[%multiple_of3A] : memref<320000xi32, #tpu.memory_space<hbm>> -> memref<80xi32, #tpu.memory_space<hbm>>
        %dma_wait3A_27 = tpu.memref_slice %arg3[%multiple_of3A] : memref<320000xi32, #tpu.memory_space<hbm>> -> memref<80xi32, #tpu.memory_space<hbm>>
        tpu.wait_dma2 semaphore(%run_scoped3A : memref<!tpu.dma_semaphore, #tpu.memory_space<semaphore_mem>>) src(%dma_wait3A_27 : memref<80xi32, #tpu.memory_space<hbm>>) dst(%arg7 : memref<80xi32, #tpu.memory_space<vmem>>)
        tpu.yield
      }) : () -> ()
      "tpu.region"() ({
        %run_scoped3A = tpu.sem_alloc : memref<!tpu.dma_semaphore, #tpu.memory_space<semaphore_mem>>
        %dma_start3A_24 = tpu.memref_slice %arg4[%multiple_of3A] : memref<320000xi32, #tpu.memory_space<hbm>> -> memref<80xi32, #tpu.memory_space<hbm>>
        %dma_start3A_25 = tpu.memref_slice %arg4[%multiple_of3A] : memref<320000xi32, #tpu.memory_space<hbm>> -> memref<80xi32, #tpu.memory_space<hbm>>
        tpu.enqueue_dma source(%dma_start3A_25 : memref<80xi32, #tpu.memory_space<hbm>>) target(%arg8 : memref<80xi32, #tpu.memory_space<vmem>>) target_semaphore(%run_scoped3A : memref<!tpu.dma_semaphore, #tpu.memory_space<semaphore_mem>>)
        %dma_wait3A_26 = tpu.memref_slice %arg4[%multiple_of3A] : memref<320000xi32, #tpu.memory_space<hbm>> -> memref<80xi32, #tpu.memory_space<hbm>>
        %dma_wait3A_27 = tpu.memref_slice %arg4[%multiple_of3A] : memref<320000xi32, #tpu.memory_space<hbm>> -> memref<80xi32, #tpu.memory_space<hbm>>
        tpu.wait_dma2 semaphore(%run_scoped3A : memref<!tpu.dma_semaphore, #tpu.memory_space<semaphore_mem>>) src(%dma_wait3A_27 : memref<80xi32, #tpu.memory_space<hbm>>) dst(%arg8 : memref<80xi32, #tpu.memory_space<vmem>>)
        tpu.yield
      }) : () -> ()
      %dma_start3A = arith.constant 0 : i32
      %dma_start3A_20 = arith.constant 0 : i32
      %dma_start3A_21 = tpu.memref_slice %arg2[%dma_start3A, %dma_start3A_20] : memref<10000x128xf32, #tpu.memory_space<hbm>> -> memref<10000x128xf32, #tpu.memory_space<hbm>>
      tpu.enqueue_indirect_dma source(%dma_start3A_21 : memref<10000x128xf32, #tpu.memory_space<hbm>>) target(%arg9 : memref<80x128xf32, #tpu.memory_space<vmem>>) offsets(%arg7 : memref<80xi32, #tpu.memory_space<vmem>>) semaphore(%arg11 : memref<!tpu.dma_semaphore, #tpu.memory_space<semaphore_mem>>)
      %dma_wait3A = arith.constant 0 : i32
      %dma_wait3A_22 = arith.constant 0 : i32
      %dma_wait3A_23 = tpu.memref_slice %arg2[%dma_wait3A, %dma_wait3A_22] : memref<10000x128xf32, #tpu.memory_space<hbm>> -> memref<10000x128xf32, #tpu.memory_space<hbm>>
      tpu.wait_indirect_dma semaphore(%arg11 : memref<!tpu.dma_semaphore, #tpu.memory_space<semaphore_mem>>) src(%dma_wait3A_23 : memref<10000x128xf32, #tpu.memory_space<hbm>>) dst(%arg9 : memref<80x128xf32, #tpu.memory_space<vmem>>)
      "tpu.region"() ({
        %run_scoped3A = tpu.sem_alloc : memref<!tpu.dma_semaphore, #tpu.memory_space<semaphore_mem>>
        %dma_start3A_24 = arith.constant 0 : i32
        %dma_start3A_25 = arith.constant 0 : i32
        %dma_start3A_26 = tpu.memref_slice %arg10[%dma_start3A_24, %dma_start3A_25] : memref<10000x128xf32, #tpu.memory_space<vmem_shared>> -> memref<10000x128xf32, #tpu.memory_space<vmem_shared>>
        tpu.enqueue_indirect_dma source(%arg9 : memref<80x128xf32, #tpu.memory_space<vmem>>) target(%dma_start3A_26 : memref<10000x128xf32, #tpu.memory_space<vmem_shared>>) offsets(%arg8 : memref<80xi32, #tpu.memory_space<vmem>>) semaphore(%run_scoped3A : memref<!tpu.dma_semaphore, #tpu.memory_space<semaphore_mem>>) {add = true}
        %dma_wait3A_27 = arith.constant 0 : i32
        %dma_wait3A_28 = arith.constant 0 : i32
        %dma_wait3A_29 = tpu.memref_slice %arg10[%dma_wait3A_27, %dma_wait3A_28] : memref<10000x128xf32, #tpu.memory_space<vmem_shared>> -> memref<10000x128xf32, #tpu.memory_space<vmem_shared>>
        tpu.wait_indirect_dma semaphore(%run_scoped3A : memref<!tpu.dma_semaphore, #tpu.memory_space<semaphore_mem>>) src(%arg9 : memref<80x128xf32, #tpu.memory_space<vmem>>) dst(%dma_wait3A_29 : memref<10000x128xf32, #tpu.memory_space<vmem_shared>>)
        tpu.yield
      }) : () -> ()
    }
    %scan3A_9 = arith.constant 125 : i32
    %barrier3A_10 = arith.constant 0 : index
    tpu.barrier barrier_id(%barrier3A_10)
    %eq3A_11 = arith.constant 0 : i32
    %eq3A_12 = arith.cmpi eq, %arg1, %eq3A_11 : i32
    %convert_element_type3A_13 = arith.extui %eq3A_12 : i1 to i32
    %cond3A_14 = arith.constant 0 : i32
    %cond3A_15 = arith.cmpi ne, %convert_element_type3A_13, %cond3A_14 : i32
    scf.if %cond3A_15 {
      "tpu.region"() ({
        %run_scoped3A = tpu.sem_alloc : memref<!tpu.dma_semaphore, #tpu.memory_space<semaphore_mem>>
        %dma_start3A = arith.constant 0 : i32
        %dma_start3A_16 = arith.constant 0 : i32
        %dma_start3A_17 = tpu.memref_slice %arg6[%arg0, %dma_start3A, %dma_start3A_16] : memref<2x10000x128xf32, #tpu.memory_space<hbm>> -> memref<1x10000x128xf32, #tpu.memory_space<hbm>>
        %dma_start3A_18 = tpu.memref_squeeze %dma_start3A_17 : memref<1x10000x128xf32, #tpu.memory_space<hbm>> -> memref<10000x128xf32, #tpu.memory_space<hbm>>
        tpu.enqueue_dma source(%arg10 : memref<10000x128xf32, #tpu.memory_space<vmem_shared>>) target(%dma_start3A_18 : memref<10000x128xf32, #tpu.memory_space<hbm>>) target_semaphore(%run_scoped3A : memref<!tpu.dma_semaphore, #tpu.memory_space<semaphore_mem>>)
        %dma_wait3A = arith.constant 0 : i32
        %dma_wait3A_19 = arith.constant 0 : i32
        %dma_wait3A_20 = tpu.memref_slice %arg6[%arg0, %dma_wait3A, %dma_wait3A_19] : memref<2x10000x128xf32, #tpu.memory_space<hbm>> -> memref<1x10000x128xf32, #tpu.memory_space<hbm>>
        %dma_wait3A_21 = tpu.memref_squeeze %dma_wait3A_20 : memref<1x10000x128xf32, #tpu.memory_space<hbm>> -> memref<10000x128xf32, #tpu.memory_space<hbm>>
        tpu.wait_dma2 semaphore(%run_scoped3A : memref<!tpu.dma_semaphore, #tpu.memory_space<semaphore_mem>>) src(%arg10 : memref<10000x128xf32, #tpu.memory_space<vmem_shared>>) dst(%dma_wait3A_21 : memref<10000x128xf32, #tpu.memory_space<hbm>>)
        tpu.yield
      }) : () -> ()
    } else {
    }
    return
  }
}

module attributes {stable_mosaic.version = 14 : i64} {
  func.func @_qkv_kernel(%arg0: i32, %arg1: memref<1000x128xf32, #tpu.memory_space<vmem>>, %arg2: memref<128x384xf32, #tpu.memory_space<vmem>>, %arg3: memref<8x384xf32, #tpu.memory_space<vmem>>, %arg4: memref<1000x384xf32, #tpu.memory_space<vmem>>) attributes {dimension_semantics = [#tpu.dimension_semantics<arbitrary>], iteration_bounds = array<i64: 10>, scalar_prefetch = 0 : i64, scratch_operands = 0 : i64, tpu.core_type = #tpu.core_type<tc>, window_params = [{transform_indices = @transform_0, window_bounds = array<i64: 1000, 128>}, {pipeline_mode = #tpu.pipeline_mode<synchronous>, transform_indices = @transform_1, window_bounds = array<i64: 128, 384>}, {pipeline_mode = #tpu.pipeline_mode<synchronous>, transform_indices = @transform_2, window_bounds = array<i64: 8, 384>}, {transform_indices = @transform_3, window_bounds = array<i64: 1000, 384>}]} {
    %get3A = arith.constant 0 : index
    %get3A_0 = arith.constant 0 : index
    %get3A_1 = vector.load %arg1[%get3A, %get3A_0] : memref<1000x128xf32, #tpu.memory_space<vmem>>, vector<1000x128xf32>
    %get3A_2 = arith.constant 0 : index
    %get3A_3 = arith.constant 0 : index
    %get3A_4 = vector.load %arg2[%get3A_2, %get3A_3] : memref<128x384xf32, #tpu.memory_space<vmem>>, vector<128x384xf32>
    %dot_general3A = arith.constant dense<0.000000e+00> : vector<1000x384xf32>
    %dot_general3A_5 = tpu.matmul %get3A_1, %get3A_4, %dot_general3A {dimension_numbers = #tpu.dot_dimension_numbers<[1], [0], [0], [1], [0, 0, 1, 1], [], []>, transpose_lhs_hint = false} : vector<1000x128xf32>, vector<128x384xf32>, vector<1000x384xf32> -> vector<1000x384xf32>
    %get3A_6 = arith.constant 0 : index
    %get3A_7 = arith.constant 0 : index
    %get3A_8 = vector.load %arg3[%get3A_6, %get3A_7] : memref<8x384xf32, #tpu.memory_space<vmem>>, vector<1x384xf32>
    %add3A = vector.broadcast %get3A_8 : vector<1x384xf32> to vector<1000x384xf32>
    %add3A_9 = arith.addf %dot_general3A_5, %add3A : vector<1000x384xf32>
    %swap3A = arith.constant 0 : index
    %swap3A_10 = arith.constant 0 : index
    %swap3A_11 = vector.load %arg4[%swap3A, %swap3A_10] : memref<1000x384xf32, #tpu.memory_space<vmem>>, vector<1000x384xf32>
    tpu.vector_store %arg4[%swap3A, %swap3A_10], %add3A_9 {strides = array<i32>} : memref<1000x384xf32, #tpu.memory_space<vmem>>, vector<1000x384xf32>,
    return
  }
  func.func @transform_0(%arg0: i32) -> (i32, i32) {
    %c0_i32 = arith.constant 0 : i32
    %c0_i32_0 = arith.constant 0 : i32
    return %arg0, %c0_i32 : i32, i32
  }
  func.func @transform_1(%arg0: i32) -> (i32, i32) {
    %c0_i32 = arith.constant 0 : i32
    %c0_i32_0 = arith.constant 0 : i32
    %c0_i32_1 = arith.constant 0 : i32
    return %c0_i32, %c0_i32_0 : i32, i32
  }
  func.func @transform_2(%arg0: i32) -> (i32, i32) {
    %c0_i32 = arith.constant 0 : i32
    %c0_i32_0 = arith.constant 0 : i32
    %c0_i32_1 = arith.constant 0 : i32
    return %c0_i32, %c0_i32_0 : i32, i32
  }
  func.func @transform_3(%arg0: i32) -> (i32, i32) {
    %c0_i32 = arith.constant 0 : i32
    %c0_i32_0 = arith.constant 0 : i32
    return %arg0, %c0_i32 : i32, i32
  }
}

module attributes {stable_mosaic.version = 14 : i64} {
  func.func @_attn_kernel(%arg0: i32, %arg1: memref<100xi32, #tpu.memory_space<smem>>, %arg2: memref<10000x384xf32, #tpu.memory_space<vmem>>, %arg3: memref<200x1xi32, #tpu.memory_space<vmem>>, %arg4: memref<50x1x200xi32, #tpu.memory_space<vmem>>, %arg5: memref<200x128xf32, #tpu.memory_space<vmem>>) attributes {dimension_semantics = [#tpu.dimension_semantics<arbitrary>], iteration_bounds = array<i64: 50>, scalar_prefetch = 1 : i64, scratch_operands = 0 : i64, tpu.core_type = #tpu.core_type<tc>, window_params = [{pipeline_mode = #tpu.pipeline_mode<synchronous>, transform_indices = @transform_0, window_bounds = array<i64: 10000, 384>}, {transform_indices = @transform_1, window_bounds = array<i64: 200, 1>}, {pipeline_mode = #tpu.pipeline_mode<synchronous>, transform_indices = @transform_2, window_bounds = array<i64: 50, 1, 200>}, {transform_indices = @transform_3, window_bounds = array<i64: 200, 128>}]} {
    %mul3A = arith.constant 2 : i32
    %mul3A_0 = arith.muli %mul3A, %arg0 : i32
    %get3A = arith.index_cast %mul3A_0 : i32 to index
    %get3A_1 = memref.load %arg1[%get3A] : memref<100xi32, #tpu.memory_space<smem>>
    %mul3A_2 = arith.constant 2 : i32
    %mul3A_3 = arith.muli %mul3A_2, %arg0 : i32
    %add3A = arith.constant 1 : i32
    %add3A_4 = arith.addi %mul3A_3, %add3A : i32
    %get3A_5 = arith.index_cast %add3A_4 : i32 to index
    %get3A_6 = memref.load %arg1[%get3A_5] : memref<100xi32, #tpu.memory_space<smem>>
    %mul3A_7 = arith.constant 200 : i32
    %mul3A_8 = arith.muli %arg0, %mul3A_7 : i32
    %multiple_of3A = tpu.assume_multiple %mul3A_8, 8 : i32
    %get3A_9 = arith.index_cast %multiple_of3A : i32 to index
    %get3A_10 = arith.constant 0 : index
    %get3A_11 = vector.load %arg2[%get3A_9, %get3A_10] : memref<10000x384xf32, #tpu.memory_space<vmem>>, vector<200x128xf32>
    %mul3A_12 = arith.constant 2.500000e-01 : f32
    %mul3A_13 = vector.broadcast %mul3A_12 : f32 to vector<200x128xf32>
    %mul3A_14 = arith.mulf %get3A_11, %mul3A_13 : vector<200x128xf32>
    %get3A_15 = arith.constant 0 : index
    %get3A_16 = arith.constant 0 : index
    %get3A_17 = vector.load %arg3[%get3A_15, %get3A_16] : memref<200x1xi32, #tpu.memory_space<vmem>>, vector<200x1xi32>
    %broadcast_in_dim3A = arith.constant 0.000000e+00 : f32
    %broadcast_in_dim3A_18 = vector.broadcast %broadcast_in_dim3A : f32 to vector<200x16xf32>
    %broadcast_in_dim3A_19 = arith.constant -1.000000e+30 : f32
    %broadcast_in_dim3A_20 = vector.broadcast %broadcast_in_dim3A_19 : f32 to vector<200x1xf32>
    %broadcast_in_dim3A_21 = arith.constant 0.000000e+00 : f32
    %broadcast_in_dim3A_22 = vector.broadcast %broadcast_in_dim3A_21 : f32 to vector<200x1xf32>
    %broadcast_in_dim3A_23 = arith.constant 0.000000e+00 : f32
    %broadcast_in_dim3A_24 = vector.broadcast %broadcast_in_dim3A_23 : f32 to vector<200x16xf32>
    %broadcast_in_dim3A_25 = arith.constant -1.000000e+30 : f32
    %broadcast_in_dim3A_26 = vector.broadcast %broadcast_in_dim3A_25 : f32 to vector<200x1xf32>
    %broadcast_in_dim3A_27 = arith.constant 0.000000e+00 : f32
    %broadcast_in_dim3A_28 = vector.broadcast %broadcast_in_dim3A_27 : f32 to vector<200x1xf32>
    %broadcast_in_dim3A_29 = arith.constant 0.000000e+00 : f32
    %broadcast_in_dim3A_30 = vector.broadcast %broadcast_in_dim3A_29 : f32 to vector<200x16xf32>
    %broadcast_in_dim3A_31 = arith.constant -1.000000e+30 : f32
    %broadcast_in_dim3A_32 = vector.broadcast %broadcast_in_dim3A_31 : f32 to vector<200x1xf32>
    %broadcast_in_dim3A_33 = arith.constant 0.000000e+00 : f32
    %broadcast_in_dim3A_34 = vector.broadcast %broadcast_in_dim3A_33 : f32 to vector<200x1xf32>
    %broadcast_in_dim3A_35 = arith.constant 0.000000e+00 : f32
    %broadcast_in_dim3A_36 = vector.broadcast %broadcast_in_dim3A_35 : f32 to vector<200x16xf32>
    %broadcast_in_dim3A_37 = arith.constant -1.000000e+30 : f32
    %broadcast_in_dim3A_38 = vector.broadcast %broadcast_in_dim3A_37 : f32 to vector<200x1xf32>
    %broadcast_in_dim3A_39 = arith.constant 0.000000e+00 : f32
    %broadcast_in_dim3A_40 = vector.broadcast %broadcast_in_dim3A_39 : f32 to vector<200x1xf32>
    %broadcast_in_dim3A_41 = arith.constant 0.000000e+00 : f32
    %broadcast_in_dim3A_42 = vector.broadcast %broadcast_in_dim3A_41 : f32 to vector<200x16xf32>
    %broadcast_in_dim3A_43 = arith.constant -1.000000e+30 : f32
    %broadcast_in_dim3A_44 = vector.broadcast %broadcast_in_dim3A_43 : f32 to vector<200x1xf32>
    %broadcast_in_dim3A_45 = arith.constant 0.000000e+00 : f32
    %broadcast_in_dim3A_46 = vector.broadcast %broadcast_in_dim3A_45 : f32 to vector<200x1xf32>
    %broadcast_in_dim3A_47 = arith.constant 0.000000e+00 : f32
    %broadcast_in_dim3A_48 = vector.broadcast %broadcast_in_dim3A_47 : f32 to vector<200x16xf32>
    %broadcast_in_dim3A_49 = arith.constant -1.000000e+30 : f32
    %broadcast_in_dim3A_50 = vector.broadcast %broadcast_in_dim3A_49 : f32 to vector<200x1xf32>
    %broadcast_in_dim3A_51 = arith.constant 0.000000e+00 : f32
    %broadcast_in_dim3A_52 = vector.broadcast %broadcast_in_dim3A_51 : f32 to vector<200x1xf32>
    %broadcast_in_dim3A_53 = arith.constant 0.000000e+00 : f32
    %broadcast_in_dim3A_54 = vector.broadcast %broadcast_in_dim3A_53 : f32 to vector<200x16xf32>
    %broadcast_in_dim3A_55 = arith.constant -1.000000e+30 : f32
    %broadcast_in_dim3A_56 = vector.broadcast %broadcast_in_dim3A_55 : f32 to vector<200x1xf32>
    %broadcast_in_dim3A_57 = arith.constant 0.000000e+00 : f32
    %broadcast_in_dim3A_58 = vector.broadcast %broadcast_in_dim3A_57 : f32 to vector<200x1xf32>
    %broadcast_in_dim3A_59 = arith.constant 0.000000e+00 : f32
    %broadcast_in_dim3A_60 = vector.broadcast %broadcast_in_dim3A_59 : f32 to vector<200x16xf32>
    %broadcast_in_dim3A_61 = arith.constant -1.000000e+30 : f32
    %broadcast_in_dim3A_62 = vector.broadcast %broadcast_in_dim3A_61 : f32 to vector<200x1xf32>
    %broadcast_in_dim3A_63 = arith.constant 0.000000e+00 : f32
    %broadcast_in_dim3A_64 = vector.broadcast %broadcast_in_dim3A_63 : f32 to vector<200x1xf32>
    %while3A = arith.constant 0 : i32
    %while3A_65 = arith.subi %get3A_6, %while3A : i32
    %while3A_66 = arith.addi %while3A, %while3A_65 : i32
    %while3A_67 = arith.constant 1 : i32
    %while3A_68 = arith.divsi %while3A_65, %while3A_67 : i32
    %while3A_69 = arith.muli %while3A_68, %while3A_67 : i32
    %while3A_70 = arith.addi %while3A, %while3A_69 : i32
    %while3A_71 = arith.constant 1 : i32
    %while3A_72:24 = scf.for %while3A_92 = %while3A to %while3A_70 step %while3A_71 iter_args(%while3A_93 = %broadcast_in_dim3A_18, %while3A_94 = %broadcast_in_dim3A_20, %while3A_95 = %broadcast_in_dim3A_22, %while3A_96 = %broadcast_in_dim3A_24, %while3A_97 = %broadcast_in_dim3A_26, %while3A_98 = %broadcast_in_dim3A_28, %while3A_99 = %broadcast_in_dim3A_30, %while3A_100 = %broadcast_in_dim3A_32, %while3A_101 = %broadcast_in_dim3A_34, %while3A_102 = %broadcast_in_dim3A_36, %while3A_103 = %broadcast_in_dim3A_38, %while3A_104 = %broadcast_in_dim3A_40, %while3A_105 = %broadcast_in_dim3A_42, %while3A_106 = %broadcast_in_dim3A_44, %while3A_107 = %broadcast_in_dim3A_46, %while3A_108 = %broadcast_in_dim3A_48, %while3A_109 = %broadcast_in_dim3A_50, %while3A_110 = %broadcast_in_dim3A_52, %while3A_111 = %broadcast_in_dim3A_54, %while3A_112 = %broadcast_in_dim3A_56, %while3A_113 = %broadcast_in_dim3A_58, %while3A_114 = %broadcast_in_dim3A_60, %while3A_115 = %broadcast_in_dim3A_62, %while3A_116 = %broadcast_in_dim3A_64) -> (vector<200x16xf32>, vector<200x1xf32>, vector<200x1xf32>, vector<200x16xf32>, vector<200x1xf32>, vector<200x1xf32>, vector<200x16xf32>, vector<200x1xf32>, vector<200x1xf32>, vector<200x16xf32>, vector<200x1xf32>, vector<200x1xf32>, vector<200x16xf32>, vector<200x1xf32>, vector<200x1xf32>, vector<200x16xf32>, vector<200x1xf32>, vector<200x1xf32>, vector<200x16xf32>, vector<200x1xf32>, vector<200x1xf32>, vector<200x16xf32>, vector<200x1xf32>, vector<200x1xf32>)  : i32 {
      %add3A_117 = arith.addi %get3A_1, %while3A_92 : i32
      %mul3A_118 = arith.constant 200 : i32
      %mul3A_119 = arith.muli %add3A_117, %mul3A_118 : i32
      %multiple_of3A_120 = tpu.assume_multiple %mul3A_119, 8 : i32
      %get3A_121 = arith.index_cast %multiple_of3A_120 : i32 to index
      %get3A_122 = arith.constant 128 : index
      %get3A_123 = vector.load %arg2[%get3A_121, %get3A_122] : memref<10000x384xf32, #tpu.memory_space<vmem>>, vector<200x128xf32>
      %get3A_124 = arith.index_cast %multiple_of3A_120 : i32 to index
      %get3A_125 = arith.constant 256 : index
      %get3A_126 = vector.load %arg2[%get3A_124, %get3A_125] : memref<10000x384xf32, #tpu.memory_space<vmem>>, vector<200x128xf32>
      %get3A_127 = arith.index_cast %add3A_117 : i32 to index
      %get3A_128 = arith.constant 0 : index
      %get3A_129 = arith.constant 0 : index
      %get3A_130 = vector.load %arg4[%get3A_127, %get3A_128, %get3A_129] : memref<50x1x200xi32, #tpu.memory_space<vmem>>, vector<1x1x200xi32>
      %reshape3A = vector.shape_cast %get3A_130 : vector<1x1x200xi32> to vector<1x200xi32>
      %eq3A = vector.broadcast %get3A_17 : vector<200x1xi32> to vector<200x200xi32>
      %eq3A_131 = vector.broadcast %reshape3A : vector<1x200xi32> to vector<200x200xi32>
      %eq3A_132 = arith.cmpi eq, %eq3A, %eq3A_131 : vector<200x200xi32>
      %slice3A = vector.extract_strided_slice %mul3A_14 {offsets = [0, 0], sizes = [200, 16], strides = [1, 1]} : vector<200x128xf32> to vector<200x16xf32>
      %slice3A_133 = vector.extract_strided_slice %get3A_123 {offsets = [0, 0], sizes = [200, 16], strides = [1, 1]} : vector<200x128xf32> to vector<200x16xf32>
      %dot_general3A = arith.constant dense<0.000000e+00> : vector<200x200xf32>
      %dot_general3A_134 = tpu.matmul %slice3A, %slice3A_133, %dot_general3A {dimension_numbers = #tpu.dot_dimension_numbers<[1], [1], [0], [0], [0, 0, 1, 0], [], []>, transpose_lhs_hint = false} : vector<200x16xf32>, vector<200x16xf32>, vector<200x200xf32> -> vector<200x200xf32>
      %jit3A = arith.constant -1.000000e+09 : f32
      %broadcast_in_dim3A_135 = vector.broadcast %jit3A : f32 to vector<200x200xf32>
      %select_n3A = arith.select %eq3A_132, %dot_general3A_134, %broadcast_in_dim3A_135 : vector<200x200xi1>, vector<200x200xf32>
      %reduce_max3A = arith.constant dense<0xFF800000> : vector<200xf32>
      %reduce_max3A_136 = vector.multi_reduction <maximumf>, %select_n3A, %reduce_max3A [1] : vector<200x200xf32> to vector<200xf32>
      %broadcast_in_dim3A_137 = vector.shape_cast %reduce_max3A_136 : vector<200xf32> to vector<200x1xf32>
      %max3A = arith.maximumf %while3A_94, %broadcast_in_dim3A_137 : vector<200x1xf32>
      %sub3A = vector.broadcast %max3A : vector<200x1xf32> to vector<200x200xf32>
      %sub3A_138 = arith.subf %select_n3A, %sub3A : vector<200x200xf32>
      %exp3A = math.exp %sub3A_138 : vector<200x200xf32>
      %sub3A_139 = arith.subf %while3A_94, %max3A : vector<200x1xf32>
      %exp3A_140 = math.exp %sub3A_139 : vector<200x1xf32>
      %mul3A_141 = arith.mulf %while3A_95, %exp3A_140 : vector<200x1xf32>
      %reduce_sum3A = arith.constant dense<0.000000e+00> : vector<200xf32>
      %reduce_sum3A_142 = vector.multi_reduction <add>, %exp3A, %reduce_sum3A [1] : vector<200x200xf32> to vector<200xf32>
      %broadcast_in_dim3A_143 = vector.shape_cast %reduce_sum3A_142 : vector<200xf32> to vector<200x1xf32>
      %add3A_144 = arith.addf %mul3A_141, %broadcast_in_dim3A_143 : vector<200x1xf32>
      %mul3A_145 = vector.broadcast %exp3A_140 : vector<200x1xf32> to vector<200x16xf32>
      %mul3A_146 = arith.mulf %while3A_93, %mul3A_145 : vector<200x16xf32>
      %slice3A_147 = vector.extract_strided_slice %get3A_126 {offsets = [0, 0], sizes = [200, 16], strides = [1, 1]} : vector<200x128xf32> to vector<200x16xf32>
      %dot_general3A_148 = arith.constant dense<0.000000e+00> : vector<200x16xf32>
      %dot_general3A_149 = tpu.matmul %exp3A, %slice3A_147, %dot_general3A_148 {dimension_numbers = #tpu.dot_dimension_numbers<[1], [0], [0], [1], [0, 0, 1, 1], [], []>, transpose_lhs_hint = false} : vector<200x200xf32>, vector<200x16xf32>, vector<200x16xf32> -> vector<200x16xf32>
      %add3A_150 = arith.addf %mul3A_146, %dot_general3A_149 : vector<200x16xf32>
      %slice3A_151 = vector.extract_strided_slice %mul3A_14 {offsets = [0, 16], sizes = [200, 16], strides = [1, 1]} : vector<200x128xf32> to vector<200x16xf32>
      %slice3A_152 = vector.extract_strided_slice %get3A_123 {offsets = [0, 16], sizes = [200, 16], strides = [1, 1]} : vector<200x128xf32> to vector<200x16xf32>
      %dot_general3A_153 = arith.constant dense<0.000000e+00> : vector<200x200xf32>
      %dot_general3A_154 = tpu.matmul %slice3A_151, %slice3A_152, %dot_general3A_153 {dimension_numbers = #tpu.dot_dimension_numbers<[1], [1], [0], [0], [0, 0, 1, 0], [], []>, transpose_lhs_hint = false} : vector<200x16xf32>, vector<200x16xf32>, vector<200x200xf32> -> vector<200x200xf32>
      %jit3A_155 = arith.constant -1.000000e+09 : f32
      %broadcast_in_dim3A_156 = vector.broadcast %jit3A_155 : f32 to vector<200x200xf32>
      %select_n3A_157 = arith.select %eq3A_132, %dot_general3A_154, %broadcast_in_dim3A_156 : vector<200x200xi1>, vector<200x200xf32>
      %reduce_max3A_158 = arith.constant dense<0xFF800000> : vector<200xf32>
      %reduce_max3A_159 = vector.multi_reduction <maximumf>, %select_n3A_157, %reduce_max3A_158 [1] : vector<200x200xf32> to vector<200xf32>
      %broadcast_in_dim3A_160 = vector.shape_cast %reduce_max3A_159 : vector<200xf32> to vector<200x1xf32>
      %max3A_161 = arith.maximumf %while3A_97, %broadcast_in_dim3A_160 : vector<200x1xf32>
      %sub3A_162 = vector.broadcast %max3A_161 : vector<200x1xf32> to vector<200x200xf32>
      %sub3A_163 = arith.subf %select_n3A_157, %sub3A_162 : vector<200x200xf32>
      %exp3A_164 = math.exp %sub3A_163 : vector<200x200xf32>
      %sub3A_165 = arith.subf %while3A_97, %max3A_161 : vector<200x1xf32>
      %exp3A_166 = math.exp %sub3A_165 : vector<200x1xf32>
      %mul3A_167 = arith.mulf %while3A_98, %exp3A_166 : vector<200x1xf32>
      %reduce_sum3A_168 = arith.constant dense<0.000000e+00> : vector<200xf32>
      %reduce_sum3A_169 = vector.multi_reduction <add>, %exp3A_164, %reduce_sum3A_168 [1] : vector<200x200xf32> to vector<200xf32>
      %broadcast_in_dim3A_170 = vector.shape_cast %reduce_sum3A_169 : vector<200xf32> to vector<200x1xf32>
      %add3A_171 = arith.addf %mul3A_167, %broadcast_in_dim3A_170 : vector<200x1xf32>
      %mul3A_172 = vector.broadcast %exp3A_166 : vector<200x1xf32> to vector<200x16xf32>
      %mul3A_173 = arith.mulf %while3A_96, %mul3A_172 : vector<200x16xf32>
      %slice3A_174 = vector.extract_strided_slice %get3A_126 {offsets = [0, 16], sizes = [200, 16], strides = [1, 1]} : vector<200x128xf32> to vector<200x16xf32>
      %dot_general3A_175 = arith.constant dense<0.000000e+00> : vector<200x16xf32>
      %dot_general3A_176 = tpu.matmul %exp3A_164, %slice3A_174, %dot_general3A_175 {dimension_numbers = #tpu.dot_dimension_numbers<[1], [0], [0], [1], [0, 0, 1, 1], [], []>, transpose_lhs_hint = false} : vector<200x200xf32>, vector<200x16xf32>, vector<200x16xf32> -> vector<200x16xf32>
      %add3A_177 = arith.addf %mul3A_173, %dot_general3A_176 : vector<200x16xf32>
      %slice3A_178 = vector.extract_strided_slice %mul3A_14 {offsets = [0, 32], sizes = [200, 16], strides = [1, 1]} : vector<200x128xf32> to vector<200x16xf32>
      %slice3A_179 = vector.extract_strided_slice %get3A_123 {offsets = [0, 32], sizes = [200, 16], strides = [1, 1]} : vector<200x128xf32> to vector<200x16xf32>
      %dot_general3A_180 = arith.constant dense<0.000000e+00> : vector<200x200xf32>
      %dot_general3A_181 = tpu.matmul %slice3A_178, %slice3A_179, %dot_general3A_180 {dimension_numbers = #tpu.dot_dimension_numbers<[1], [1], [0], [0], [0, 0, 1, 0], [], []>, transpose_lhs_hint = false} : vector<200x16xf32>, vector<200x16xf32>, vector<200x200xf32> -> vector<200x200xf32>
      %jit3A_182 = arith.constant -1.000000e+09 : f32
      %broadcast_in_dim3A_183 = vector.broadcast %jit3A_182 : f32 to vector<200x200xf32>
      %select_n3A_184 = arith.select %eq3A_132, %dot_general3A_181, %broadcast_in_dim3A_183 : vector<200x200xi1>, vector<200x200xf32>
      %reduce_max3A_185 = arith.constant dense<0xFF800000> : vector<200xf32>
      %reduce_max3A_186 = vector.multi_reduction <maximumf>, %select_n3A_184, %reduce_max3A_185 [1] : vector<200x200xf32> to vector<200xf32>
      %broadcast_in_dim3A_187 = vector.shape_cast %reduce_max3A_186 : vector<200xf32> to vector<200x1xf32>
      %max3A_188 = arith.maximumf %while3A_100, %broadcast_in_dim3A_187 : vector<200x1xf32>
      %sub3A_189 = vector.broadcast %max3A_188 : vector<200x1xf32> to vector<200x200xf32>
      %sub3A_190 = arith.subf %select_n3A_184, %sub3A_189 : vector<200x200xf32>
      %exp3A_191 = math.exp %sub3A_190 : vector<200x200xf32>
      %sub3A_192 = arith.subf %while3A_100, %max3A_188 : vector<200x1xf32>
      %exp3A_193 = math.exp %sub3A_192 : vector<200x1xf32>
      %mul3A_194 = arith.mulf %while3A_101, %exp3A_193 : vector<200x1xf32>
      %reduce_sum3A_195 = arith.constant dense<0.000000e+00> : vector<200xf32>
      %reduce_sum3A_196 = vector.multi_reduction <add>, %exp3A_191, %reduce_sum3A_195 [1] : vector<200x200xf32> to vector<200xf32>
      %broadcast_in_dim3A_197 = vector.shape_cast %reduce_sum3A_196 : vector<200xf32> to vector<200x1xf32>
      %add3A_198 = arith.addf %mul3A_194, %broadcast_in_dim3A_197 : vector<200x1xf32>
      %mul3A_199 = vector.broadcast %exp3A_193 : vector<200x1xf32> to vector<200x16xf32>
      %mul3A_200 = arith.mulf %while3A_99, %mul3A_199 : vector<200x16xf32>
      %slice3A_201 = vector.extract_strided_slice %get3A_126 {offsets = [0, 32], sizes = [200, 16], strides = [1, 1]} : vector<200x128xf32> to vector<200x16xf32>
      %dot_general3A_202 = arith.constant dense<0.000000e+00> : vector<200x16xf32>
      %dot_general3A_203 = tpu.matmul %exp3A_191, %slice3A_201, %dot_general3A_202 {dimension_numbers = #tpu.dot_dimension_numbers<[1], [0], [0], [1], [0, 0, 1, 1], [], []>, transpose_lhs_hint = false} : vector<200x200xf32>, vector<200x16xf32>, vector<200x16xf32> -> vector<200x16xf32>
      %add3A_204 = arith.addf %mul3A_200, %dot_general3A_203 : vector<200x16xf32>
      %slice3A_205 = vector.extract_strided_slice %mul3A_14 {offsets = [0, 48], sizes = [200, 16], strides = [1, 1]} : vector<200x128xf32> to vector<200x16xf32>
      %slice3A_206 = vector.extract_strided_slice %get3A_123 {offsets = [0, 48], sizes = [200, 16], strides = [1, 1]} : vector<200x128xf32> to vector<200x16xf32>
      %dot_general3A_207 = arith.constant dense<0.000000e+00> : vector<200x200xf32>
      %dot_general3A_208 = tpu.matmul %slice3A_205, %slice3A_206, %dot_general3A_207 {dimension_numbers = #tpu.dot_dimension_numbers<[1], [1], [0], [0], [0, 0, 1, 0], [], []>, transpose_lhs_hint = false} : vector<200x16xf32>, vector<200x16xf32>, vector<200x200xf32> -> vector<200x200xf32>
      %jit3A_209 = arith.constant -1.000000e+09 : f32
      %broadcast_in_dim3A_210 = vector.broadcast %jit3A_209 : f32 to vector<200x200xf32>
      %select_n3A_211 = arith.select %eq3A_132, %dot_general3A_208, %broadcast_in_dim3A_210 : vector<200x200xi1>, vector<200x200xf32>
      %reduce_max3A_212 = arith.constant dense<0xFF800000> : vector<200xf32>
      %reduce_max3A_213 = vector.multi_reduction <maximumf>, %select_n3A_211, %reduce_max3A_212 [1] : vector<200x200xf32> to vector<200xf32>
      %broadcast_in_dim3A_214 = vector.shape_cast %reduce_max3A_213 : vector<200xf32> to vector<200x1xf32>
      %max3A_215 = arith.maximumf %while3A_103, %broadcast_in_dim3A_214 : vector<200x1xf32>
      %sub3A_216 = vector.broadcast %max3A_215 : vector<200x1xf32> to vector<200x200xf32>
      %sub3A_217 = arith.subf %select_n3A_211, %sub3A_216 : vector<200x200xf32>
      %exp3A_218 = math.exp %sub3A_217 : vector<200x200xf32>
      %sub3A_219 = arith.subf %while3A_103, %max3A_215 : vector<200x1xf32>
      %exp3A_220 = math.exp %sub3A_219 : vector<200x1xf32>
      %mul3A_221 = arith.mulf %while3A_104, %exp3A_220 : vector<200x1xf32>
      %reduce_sum3A_222 = arith.constant dense<0.000000e+00> : vector<200xf32>
      %reduce_sum3A_223 = vector.multi_reduction <add>, %exp3A_218, %reduce_sum3A_222 [1] : vector<200x200xf32> to vector<200xf32>
      %broadcast_in_dim3A_224 = vector.shape_cast %reduce_sum3A_223 : vector<200xf32> to vector<200x1xf32>
      %add3A_225 = arith.addf %mul3A_221, %broadcast_in_dim3A_224 : vector<200x1xf32>
      %mul3A_226 = vector.broadcast %exp3A_220 : vector<200x1xf32> to vector<200x16xf32>
      %mul3A_227 = arith.mulf %while3A_102, %mul3A_226 : vector<200x16xf32>
      %slice3A_228 = vector.extract_strided_slice %get3A_126 {offsets = [0, 48], sizes = [200, 16], strides = [1, 1]} : vector<200x128xf32> to vector<200x16xf32>
      %dot_general3A_229 = arith.constant dense<0.000000e+00> : vector<200x16xf32>
      %dot_general3A_230 = tpu.matmul %exp3A_218, %slice3A_228, %dot_general3A_229 {dimension_numbers = #tpu.dot_dimension_numbers<[1], [0], [0], [1], [0, 0, 1, 1], [], []>, transpose_lhs_hint = false} : vector<200x200xf32>, vector<200x16xf32>, vector<200x16xf32> -> vector<200x16xf32>
      %add3A_231 = arith.addf %mul3A_227, %dot_general3A_230 : vector<200x16xf32>
      %slice3A_232 = vector.extract_strided_slice %mul3A_14 {offsets = [0, 64], sizes = [200, 16], strides = [1, 1]} : vector<200x128xf32> to vector<200x16xf32>
      %slice3A_233 = vector.extract_strided_slice %get3A_123 {offsets = [0, 64], sizes = [200, 16], strides = [1, 1]} : vector<200x128xf32> to vector<200x16xf32>
      %dot_general3A_234 = arith.constant dense<0.000000e+00> : vector<200x200xf32>
      %dot_general3A_235 = tpu.matmul %slice3A_232, %slice3A_233, %dot_general3A_234 {dimension_numbers = #tpu.dot_dimension_numbers<[1], [1], [0], [0], [0, 0, 1, 0], [], []>, transpose_lhs_hint = false} : vector<200x16xf32>, vector<200x16xf32>, vector<200x200xf32> -> vector<200x200xf32>
      %jit3A_236 = arith.constant -1.000000e+09 : f32
      %broadcast_in_dim3A_237 = vector.broadcast %jit3A_236 : f32 to vector<200x200xf32>
      %select_n3A_238 = arith.select %eq3A_132, %dot_general3A_235, %broadcast_in_dim3A_237 : vector<200x200xi1>, vector<200x200xf32>
      %reduce_max3A_239 = arith.constant dense<0xFF800000> : vector<200xf32>
      %reduce_max3A_240 = vector.multi_reduction <maximumf>, %select_n3A_238, %reduce_max3A_239 [1] : vector<200x200xf32> to vector<200xf32>
      %broadcast_in_dim3A_241 = vector.shape_cast %reduce_max3A_240 : vector<200xf32> to vector<200x1xf32>
      %max3A_242 = arith.maximumf %while3A_106, %broadcast_in_dim3A_241 : vector<200x1xf32>
      %sub3A_243 = vector.broadcast %max3A_242 : vector<200x1xf32> to vector<200x200xf32>
      %sub3A_244 = arith.subf %select_n3A_238, %sub3A_243 : vector<200x200xf32>
      %exp3A_245 = math.exp %sub3A_244 : vector<200x200xf32>
      %sub3A_246 = arith.subf %while3A_106, %max3A_242 : vector<200x1xf32>
      %exp3A_247 = math.exp %sub3A_246 : vector<200x1xf32>
      %mul3A_248 = arith.mulf %while3A_107, %exp3A_247 : vector<200x1xf32>
      %reduce_sum3A_249 = arith.constant dense<0.000000e+00> : vector<200xf32>
      %reduce_sum3A_250 = vector.multi_reduction <add>, %exp3A_245, %reduce_sum3A_249 [1] : vector<200x200xf32> to vector<200xf32>
      %broadcast_in_dim3A_251 = vector.shape_cast %reduce_sum3A_250 : vector<200xf32> to vector<200x1xf32>
      %add3A_252 = arith.addf %mul3A_248, %broadcast_in_dim3A_251 : vector<200x1xf32>
      %mul3A_253 = vector.broadcast %exp3A_247 : vector<200x1xf32> to vector<200x16xf32>
      %mul3A_254 = arith.mulf %while3A_105, %mul3A_253 : vector<200x16xf32>
      %slice3A_255 = vector.extract_strided_slice %get3A_126 {offsets = [0, 64], sizes = [200, 16], strides = [1, 1]} : vector<200x128xf32> to vector<200x16xf32>
      %dot_general3A_256 = arith.constant dense<0.000000e+00> : vector<200x16xf32>
      %dot_general3A_257 = tpu.matmul %exp3A_245, %slice3A_255, %dot_general3A_256 {dimension_numbers = #tpu.dot_dimension_numbers<[1], [0], [0], [1], [0, 0, 1, 1], [], []>, transpose_lhs_hint = false} : vector<200x200xf32>, vector<200x16xf32>, vector<200x16xf32> -> vector<200x16xf32>
      %add3A_258 = arith.addf %mul3A_254, %dot_general3A_257 : vector<200x16xf32>
      %slice3A_259 = vector.extract_strided_slice %mul3A_14 {offsets = [0, 80], sizes = [200, 16], strides = [1, 1]} : vector<200x128xf32> to vector<200x16xf32>
      %slice3A_260 = vector.extract_strided_slice %get3A_123 {offsets = [0, 80], sizes = [200, 16], strides = [1, 1]} : vector<200x128xf32> to vector<200x16xf32>
      %dot_general3A_261 = arith.constant dense<0.000000e+00> : vector<200x200xf32>
      %dot_general3A_262 = tpu.matmul %slice3A_259, %slice3A_260, %dot_general3A_261 {dimension_numbers = #tpu.dot_dimension_numbers<[1], [1], [0], [0], [0, 0, 1, 0], [], []>, transpose_lhs_hint = false} : vector<200x16xf32>, vector<200x16xf32>, vector<200x200xf32> -> vector<200x200xf32>
      %jit3A_263 = arith.constant -1.000000e+09 : f32
      %broadcast_in_dim3A_264 = vector.broadcast %jit3A_263 : f32 to vector<200x200xf32>
      %select_n3A_265 = arith.select %eq3A_132, %dot_general3A_262, %broadcast_in_dim3A_264 : vector<200x200xi1>, vector<200x200xf32>
      %reduce_max3A_266 = arith.constant dense<0xFF800000> : vector<200xf32>
      %reduce_max3A_267 = vector.multi_reduction <maximumf>, %select_n3A_265, %reduce_max3A_266 [1] : vector<200x200xf32> to vector<200xf32>
      %broadcast_in_dim3A_268 = vector.shape_cast %reduce_max3A_267 : vector<200xf32> to vector<200x1xf32>
      %max3A_269 = arith.maximumf %while3A_109, %broadcast_in_dim3A_268 : vector<200x1xf32>
      %sub3A_270 = vector.broadcast %max3A_269 : vector<200x1xf32> to vector<200x200xf32>
      %sub3A_271 = arith.subf %select_n3A_265, %sub3A_270 : vector<200x200xf32>
      %exp3A_272 = math.exp %sub3A_271 : vector<200x200xf32>
      %sub3A_273 = arith.subf %while3A_109, %max3A_269 : vector<200x1xf32>
      %exp3A_274 = math.exp %sub3A_273 : vector<200x1xf32>
      %mul3A_275 = arith.mulf %while3A_110, %exp3A_274 : vector<200x1xf32>
      %reduce_sum3A_276 = arith.constant dense<0.000000e+00> : vector<200xf32>
      %reduce_sum3A_277 = vector.multi_reduction <add>, %exp3A_272, %reduce_sum3A_276 [1] : vector<200x200xf32> to vector<200xf32>
      %broadcast_in_dim3A_278 = vector.shape_cast %reduce_sum3A_277 : vector<200xf32> to vector<200x1xf32>
      %add3A_279 = arith.addf %mul3A_275, %broadcast_in_dim3A_278 : vector<200x1xf32>
      %mul3A_280 = vector.broadcast %exp3A_274 : vector<200x1xf32> to vector<200x16xf32>
      %mul3A_281 = arith.mulf %while3A_108, %mul3A_280 : vector<200x16xf32>
      %slice3A_282 = vector.extract_strided_slice %get3A_126 {offsets = [0, 80], sizes = [200, 16], strides = [1, 1]} : vector<200x128xf32> to vector<200x16xf32>
      %dot_general3A_283 = arith.constant dense<0.000000e+00> : vector<200x16xf32>
      %dot_general3A_284 = tpu.matmul %exp3A_272, %slice3A_282, %dot_general3A_283 {dimension_numbers = #tpu.dot_dimension_numbers<[1], [0], [0], [1], [0, 0, 1, 1], [], []>, transpose_lhs_hint = false} : vector<200x200xf32>, vector<200x16xf32>, vector<200x16xf32> -> vector<200x16xf32>
      %add3A_285 = arith.addf %mul3A_281, %dot_general3A_284 : vector<200x16xf32>
      %slice3A_286 = vector.extract_strided_slice %mul3A_14 {offsets = [0, 96], sizes = [200, 16], strides = [1, 1]} : vector<200x128xf32> to vector<200x16xf32>
      %slice3A_287 = vector.extract_strided_slice %get3A_123 {offsets = [0, 96], sizes = [200, 16], strides = [1, 1]} : vector<200x128xf32> to vector<200x16xf32>
      %dot_general3A_288 = arith.constant dense<0.000000e+00> : vector<200x200xf32>
      %dot_general3A_289 = tpu.matmul %slice3A_286, %slice3A_287, %dot_general3A_288 {dimension_numbers = #tpu.dot_dimension_numbers<[1], [1], [0], [0], [0, 0, 1, 0], [], []>, transpose_lhs_hint = false} : vector<200x16xf32>, vector<200x16xf32>, vector<200x200xf32> -> vector<200x200xf32>
      %jit3A_290 = arith.constant -1.000000e+09 : f32
      %broadcast_in_dim3A_291 = vector.broadcast %jit3A_290 : f32 to vector<200x200xf32>
      %select_n3A_292 = arith.select %eq3A_132, %dot_general3A_289, %broadcast_in_dim3A_291 : vector<200x200xi1>, vector<200x200xf32>
      %reduce_max3A_293 = arith.constant dense<0xFF800000> : vector<200xf32>
      %reduce_max3A_294 = vector.multi_reduction <maximumf>, %select_n3A_292, %reduce_max3A_293 [1] : vector<200x200xf32> to vector<200xf32>
      %broadcast_in_dim3A_295 = vector.shape_cast %reduce_max3A_294 : vector<200xf32> to vector<200x1xf32>
      %max3A_296 = arith.maximumf %while3A_112, %broadcast_in_dim3A_295 : vector<200x1xf32>
      %sub3A_297 = vector.broadcast %max3A_296 : vector<200x1xf32> to vector<200x200xf32>
      %sub3A_298 = arith.subf %select_n3A_292, %sub3A_297 : vector<200x200xf32>
      %exp3A_299 = math.exp %sub3A_298 : vector<200x200xf32>
      %sub3A_300 = arith.subf %while3A_112, %max3A_296 : vector<200x1xf32>
      %exp3A_301 = math.exp %sub3A_300 : vector<200x1xf32>
      %mul3A_302 = arith.mulf %while3A_113, %exp3A_301 : vector<200x1xf32>
      %reduce_sum3A_303 = arith.constant dense<0.000000e+00> : vector<200xf32>
      %reduce_sum3A_304 = vector.multi_reduction <add>, %exp3A_299, %reduce_sum3A_303 [1] : vector<200x200xf32> to vector<200xf32>
      %broadcast_in_dim3A_305 = vector.shape_cast %reduce_sum3A_304 : vector<200xf32> to vector<200x1xf32>
      %add3A_306 = arith.addf %mul3A_302, %broadcast_in_dim3A_305 : vector<200x1xf32>
      %mul3A_307 = vector.broadcast %exp3A_301 : vector<200x1xf32> to vector<200x16xf32>
      %mul3A_308 = arith.mulf %while3A_111, %mul3A_307 : vector<200x16xf32>
      %slice3A_309 = vector.extract_strided_slice %get3A_126 {offsets = [0, 96], sizes = [200, 16], strides = [1, 1]} : vector<200x128xf32> to vector<200x16xf32>
      %dot_general3A_310 = arith.constant dense<0.000000e+00> : vector<200x16xf32>
      %dot_general3A_311 = tpu.matmul %exp3A_299, %slice3A_309, %dot_general3A_310 {dimension_numbers = #tpu.dot_dimension_numbers<[1], [0], [0], [1], [0, 0, 1, 1], [], []>, transpose_lhs_hint = false} : vector<200x200xf32>, vector<200x16xf32>, vector<200x16xf32> -> vector<200x16xf32>
      %add3A_312 = arith.addf %mul3A_308, %dot_general3A_311 : vector<200x16xf32>
      %slice3A_313 = vector.extract_strided_slice %mul3A_14 {offsets = [0, 112], sizes = [200, 16], strides = [1, 1]} : vector<200x128xf32> to vector<200x16xf32>
      %slice3A_314 = vector.extract_strided_slice %get3A_123 {offsets = [0, 112], sizes = [200, 16], strides = [1, 1]} : vector<200x128xf32> to vector<200x16xf32>
      %dot_general3A_315 = arith.constant dense<0.000000e+00> : vector<200x200xf32>
      %dot_general3A_316 = tpu.matmul %slice3A_313, %slice3A_314, %dot_general3A_315 {dimension_numbers = #tpu.dot_dimension_numbers<[1], [1], [0], [0], [0, 0, 1, 0], [], []>, transpose_lhs_hint = false} : vector<200x16xf32>, vector<200x16xf32>, vector<200x200xf32> -> vector<200x200xf32>
      %jit3A_317 = arith.constant -1.000000e+09 : f32
      %broadcast_in_dim3A_318 = vector.broadcast %jit3A_317 : f32 to vector<200x200xf32>
      %select_n3A_319 = arith.select %eq3A_132, %dot_general3A_316, %broadcast_in_dim3A_318 : vector<200x200xi1>, vector<200x200xf32>
      %reduce_max3A_320 = arith.constant dense<0xFF800000> : vector<200xf32>
      %reduce_max3A_321 = vector.multi_reduction <maximumf>, %select_n3A_319, %reduce_max3A_320 [1] : vector<200x200xf32> to vector<200xf32>
      %broadcast_in_dim3A_322 = vector.shape_cast %reduce_max3A_321 : vector<200xf32> to vector<200x1xf32>
      %max3A_323 = arith.maximumf %while3A_115, %broadcast_in_dim3A_322 : vector<200x1xf32>
      %sub3A_324 = vector.broadcast %max3A_323 : vector<200x1xf32> to vector<200x200xf32>
      %sub3A_325 = arith.subf %select_n3A_319, %sub3A_324 : vector<200x200xf32>
      %exp3A_326 = math.exp %sub3A_325 : vector<200x200xf32>
      %sub3A_327 = arith.subf %while3A_115, %max3A_323 : vector<200x1xf32>
      %exp3A_328 = math.exp %sub3A_327 : vector<200x1xf32>
      %mul3A_329 = arith.mulf %while3A_116, %exp3A_328 : vector<200x1xf32>
      %reduce_sum3A_330 = arith.constant dense<0.000000e+00> : vector<200xf32>
      %reduce_sum3A_331 = vector.multi_reduction <add>, %exp3A_326, %reduce_sum3A_330 [1] : vector<200x200xf32> to vector<200xf32>
      %broadcast_in_dim3A_332 = vector.shape_cast %reduce_sum3A_331 : vector<200xf32> to vector<200x1xf32>
      %add3A_333 = arith.addf %mul3A_329, %broadcast_in_dim3A_332 : vector<200x1xf32>
      %mul3A_334 = vector.broadcast %exp3A_328 : vector<200x1xf32> to vector<200x16xf32>
      %mul3A_335 = arith.mulf %while3A_114, %mul3A_334 : vector<200x16xf32>
      %slice3A_336 = vector.extract_strided_slice %get3A_126 {offsets = [0, 112], sizes = [200, 16], strides = [1, 1]} : vector<200x128xf32> to vector<200x16xf32>
      %dot_general3A_337 = arith.constant dense<0.000000e+00> : vector<200x16xf32>
      %dot_general3A_338 = tpu.matmul %exp3A_326, %slice3A_336, %dot_general3A_337 {dimension_numbers = #tpu.dot_dimension_numbers<[1], [0], [0], [1], [0, 0, 1, 1], [], []>, transpose_lhs_hint = false} : vector<200x200xf32>, vector<200x16xf32>, vector<200x16xf32> -> vector<200x16xf32>
      %add3A_339 = arith.addf %mul3A_335, %dot_general3A_338 : vector<200x16xf32>
      scf.yield %add3A_150, %max3A, %add3A_144, %add3A_177, %max3A_161, %add3A_171, %add3A_204, %max3A_188, %add3A_198, %add3A_231, %max3A_215, %add3A_225, %add3A_258, %max3A_242, %add3A_252, %add3A_285, %max3A_269, %add3A_279, %add3A_312, %max3A_296, %add3A_306, %add3A_339, %max3A_323, %add3A_333 : vector<200x16xf32>, vector<200x1xf32>, vector<200x1xf32>, vector<200x16xf32>, vector<200x1xf32>, vector<200x1xf32>, vector<200x16xf32>, vector<200x1xf32>, vector<200x1xf32>, vector<200x16xf32>, vector<200x1xf32>, vector<200x1xf32>, vector<200x16xf32>, vector<200x1xf32>, vector<200x1xf32>, vector<200x16xf32>, vector<200x1xf32>, vector<200x1xf32>, vector<200x16xf32>, vector<200x1xf32>, vector<200x1xf32>, vector<200x16xf32>, vector<200x1xf32>, vector<200x1xf32>
    }
    %while3A_73 = arith.constant 1 : i32
    %while3A_74:24 = scf.for %while3A_92 = %while3A_70 to %while3A_66 step %while3A_73 iter_args(%while3A_93 = %while3A_72#0, %while3A_94 = %while3A_72#1, %while3A_95 = %while3A_72#2, %while3A_96 = %while3A_72#3, %while3A_97 = %while3A_72#4, %while3A_98 = %while3A_72#5, %while3A_99 = %while3A_72#6, %while3A_100 = %while3A_72#7, %while3A_101 = %while3A_72#8, %while3A_102 = %while3A_72#9, %while3A_103 = %while3A_72#10, %while3A_104 = %while3A_72#11, %while3A_105 = %while3A_72#12, %while3A_106 = %while3A_72#13, %while3A_107 = %while3A_72#14, %while3A_108 = %while3A_72#15, %while3A_109 = %while3A_72#16, %while3A_110 = %while3A_72#17, %while3A_111 = %while3A_72#18, %while3A_112 = %while3A_72#19, %while3A_113 = %while3A_72#20, %while3A_114 = %while3A_72#21, %while3A_115 = %while3A_72#22, %while3A_116 = %while3A_72#23) -> (vector<200x16xf32>, vector<200x1xf32>, vector<200x1xf32>, vector<200x16xf32>, vector<200x1xf32>, vector<200x1xf32>, vector<200x16xf32>, vector<200x1xf32>, vector<200x1xf32>, vector<200x16xf32>, vector<200x1xf32>, vector<200x1xf32>, vector<200x16xf32>, vector<200x1xf32>, vector<200x1xf32>, vector<200x16xf32>, vector<200x1xf32>, vector<200x1xf32>, vector<200x16xf32>, vector<200x1xf32>, vector<200x1xf32>, vector<200x16xf32>, vector<200x1xf32>, vector<200x1xf32>)  : i32 {
      %add3A_117 = arith.addi %get3A_1, %while3A_92 : i32
      %mul3A_118 = arith.constant 200 : i32
      %mul3A_119 = arith.muli %add3A_117, %mul3A_118 : i32
      %multiple_of3A_120 = tpu.assume_multiple %mul3A_119, 8 : i32
      %get3A_121 = arith.index_cast %multiple_of3A_120 : i32 to index
      %get3A_122 = arith.constant 128 : index
      %get3A_123 = vector.load %arg2[%get3A_121, %get3A_122] : memref<10000x384xf32, #tpu.memory_space<vmem>>, vector<200x128xf32>
      %get3A_124 = arith.index_cast %multiple_of3A_120 : i32 to index
      %get3A_125 = arith.constant 256 : index
      %get3A_126 = vector.load %arg2[%get3A_124, %get3A_125] : memref<10000x384xf32, #tpu.memory_space<vmem>>, vector<200x128xf32>
      %get3A_127 = arith.index_cast %add3A_117 : i32 to index
      %get3A_128 = arith.constant 0 : index
      %get3A_129 = arith.constant 0 : index
      %get3A_130 = vector.load %arg4[%get3A_127, %get3A_128, %get3A_129] : memref<50x1x200xi32, #tpu.memory_space<vmem>>, vector<1x1x200xi32>
      %reshape3A = vector.shape_cast %get3A_130 : vector<1x1x200xi32> to vector<1x200xi32>
      %eq3A = vector.broadcast %get3A_17 : vector<200x1xi32> to vector<200x200xi32>
      %eq3A_131 = vector.broadcast %reshape3A : vector<1x200xi32> to vector<200x200xi32>
      %eq3A_132 = arith.cmpi eq, %eq3A, %eq3A_131 : vector<200x200xi32>
      %slice3A = vector.extract_strided_slice %mul3A_14 {offsets = [0, 0], sizes = [200, 16], strides = [1, 1]} : vector<200x128xf32> to vector<200x16xf32>
      %slice3A_133 = vector.extract_strided_slice %get3A_123 {offsets = [0, 0], sizes = [200, 16], strides = [1, 1]} : vector<200x128xf32> to vector<200x16xf32>
      %dot_general3A = arith.constant dense<0.000000e+00> : vector<200x200xf32>
      %dot_general3A_134 = tpu.matmul %slice3A, %slice3A_133, %dot_general3A {dimension_numbers = #tpu.dot_dimension_numbers<[1], [1], [0], [0], [0, 0, 1, 0], [], []>, transpose_lhs_hint = false} : vector<200x16xf32>, vector<200x16xf32>, vector<200x200xf32> -> vector<200x200xf32>
      %jit3A = arith.constant -1.000000e+09 : f32
      %broadcast_in_dim3A_135 = vector.broadcast %jit3A : f32 to vector<200x200xf32>
      %select_n3A = arith.select %eq3A_132, %dot_general3A_134, %broadcast_in_dim3A_135 : vector<200x200xi1>, vector<200x200xf32>
      %reduce_max3A = arith.constant dense<0xFF800000> : vector<200xf32>
      %reduce_max3A_136 = vector.multi_reduction <maximumf>, %select_n3A, %reduce_max3A [1] : vector<200x200xf32> to vector<200xf32>
      %broadcast_in_dim3A_137 = vector.shape_cast %reduce_max3A_136 : vector<200xf32> to vector<200x1xf32>
      %max3A = arith.maximumf %while3A_94, %broadcast_in_dim3A_137 : vector<200x1xf32>
      %sub3A = vector.broadcast %max3A : vector<200x1xf32> to vector<200x200xf32>
      %sub3A_138 = arith.subf %select_n3A, %sub3A : vector<200x200xf32>
      %exp3A = math.exp %sub3A_138 : vector<200x200xf32>
      %sub3A_139 = arith.subf %while3A_94, %max3A : vector<200x1xf32>
      %exp3A_140 = math.exp %sub3A_139 : vector<200x1xf32>
      %mul3A_141 = arith.mulf %while3A_95, %exp3A_140 : vector<200x1xf32>
      %reduce_sum3A = arith.constant dense<0.000000e+00> : vector<200xf32>
      %reduce_sum3A_142 = vector.multi_reduction <add>, %exp3A, %reduce_sum3A [1] : vector<200x200xf32> to vector<200xf32>
      %broadcast_in_dim3A_143 = vector.shape_cast %reduce_sum3A_142 : vector<200xf32> to vector<200x1xf32>
      %add3A_144 = arith.addf %mul3A_141, %broadcast_in_dim3A_143 : vector<200x1xf32>
      %mul3A_145 = vector.broadcast %exp3A_140 : vector<200x1xf32> to vector<200x16xf32>
      %mul3A_146 = arith.mulf %while3A_93, %mul3A_145 : vector<200x16xf32>
      %slice3A_147 = vector.extract_strided_slice %get3A_126 {offsets = [0, 0], sizes = [200, 16], strides = [1, 1]} : vector<200x128xf32> to vector<200x16xf32>
      %dot_general3A_148 = arith.constant dense<0.000000e+00> : vector<200x16xf32>
      %dot_general3A_149 = tpu.matmul %exp3A, %slice3A_147, %dot_general3A_148 {dimension_numbers = #tpu.dot_dimension_numbers<[1], [0], [0], [1], [0, 0, 1, 1], [], []>, transpose_lhs_hint = false} : vector<200x200xf32>, vector<200x16xf32>, vector<200x16xf32> -> vector<200x16xf32>
      %add3A_150 = arith.addf %mul3A_146, %dot_general3A_149 : vector<200x16xf32>
      %slice3A_151 = vector.extract_strided_slice %mul3A_14 {offsets = [0, 16], sizes = [200, 16], strides = [1, 1]} : vector<200x128xf32> to vector<200x16xf32>
      %slice3A_152 = vector.extract_strided_slice %get3A_123 {offsets = [0, 16], sizes = [200, 16], strides = [1, 1]} : vector<200x128xf32> to vector<200x16xf32>
      %dot_general3A_153 = arith.constant dense<0.000000e+00> : vector<200x200xf32>
      %dot_general3A_154 = tpu.matmul %slice3A_151, %slice3A_152, %dot_general3A_153 {dimension_numbers = #tpu.dot_dimension_numbers<[1], [1], [0], [0], [0, 0, 1, 0], [], []>, transpose_lhs_hint = false} : vector<200x16xf32>, vector<200x16xf32>, vector<200x200xf32> -> vector<200x200xf32>
      %jit3A_155 = arith.constant -1.000000e+09 : f32
      %broadcast_in_dim3A_156 = vector.broadcast %jit3A_155 : f32 to vector<200x200xf32>
      %select_n3A_157 = arith.select %eq3A_132, %dot_general3A_154, %broadcast_in_dim3A_156 : vector<200x200xi1>, vector<200x200xf32>
      %reduce_max3A_158 = arith.constant dense<0xFF800000> : vector<200xf32>
      %reduce_max3A_159 = vector.multi_reduction <maximumf>, %select_n3A_157, %reduce_max3A_158 [1] : vector<200x200xf32> to vector<200xf32>
      %broadcast_in_dim3A_160 = vector.shape_cast %reduce_max3A_159 : vector<200xf32> to vector<200x1xf32>
      %max3A_161 = arith.maximumf %while3A_97, %broadcast_in_dim3A_160 : vector<200x1xf32>
      %sub3A_162 = vector.broadcast %max3A_161 : vector<200x1xf32> to vector<200x200xf32>
      %sub3A_163 = arith.subf %select_n3A_157, %sub3A_162 : vector<200x200xf32>
      %exp3A_164 = math.exp %sub3A_163 : vector<200x200xf32>
      %sub3A_165 = arith.subf %while3A_97, %max3A_161 : vector<200x1xf32>
      %exp3A_166 = math.exp %sub3A_165 : vector<200x1xf32>
      %mul3A_167 = arith.mulf %while3A_98, %exp3A_166 : vector<200x1xf32>
      %reduce_sum3A_168 = arith.constant dense<0.000000e+00> : vector<200xf32>
      %reduce_sum3A_169 = vector.multi_reduction <add>, %exp3A_164, %reduce_sum3A_168 [1] : vector<200x200xf32> to vector<200xf32>
      %broadcast_in_dim3A_170 = vector.shape_cast %reduce_sum3A_169 : vector<200xf32> to vector<200x1xf32>
      %add3A_171 = arith.addf %mul3A_167, %broadcast_in_dim3A_170 : vector<200x1xf32>
      %mul3A_172 = vector.broadcast %exp3A_166 : vector<200x1xf32> to vector<200x16xf32>
      %mul3A_173 = arith.mulf %while3A_96, %mul3A_172 : vector<200x16xf32>
      %slice3A_174 = vector.extract_strided_slice %get3A_126 {offsets = [0, 16], sizes = [200, 16], strides = [1, 1]} : vector<200x128xf32> to vector<200x16xf32>
      %dot_general3A_175 = arith.constant dense<0.000000e+00> : vector<200x16xf32>
      %dot_general3A_176 = tpu.matmul %exp3A_164, %slice3A_174, %dot_general3A_175 {dimension_numbers = #tpu.dot_dimension_numbers<[1], [0], [0], [1], [0, 0, 1, 1], [], []>, transpose_lhs_hint = false} : vector<200x200xf32>, vector<200x16xf32>, vector<200x16xf32> -> vector<200x16xf32>
      %add3A_177 = arith.addf %mul3A_173, %dot_general3A_176 : vector<200x16xf32>
      %slice3A_178 = vector.extract_strided_slice %mul3A_14 {offsets = [0, 32], sizes = [200, 16], strides = [1, 1]} : vector<200x128xf32> to vector<200x16xf32>
      %slice3A_179 = vector.extract_strided_slice %get3A_123 {offsets = [0, 32], sizes = [200, 16], strides = [1, 1]} : vector<200x128xf32> to vector<200x16xf32>
      %dot_general3A_180 = arith.constant dense<0.000000e+00> : vector<200x200xf32>
      %dot_general3A_181 = tpu.matmul %slice3A_178, %slice3A_179, %dot_general3A_180 {dimension_numbers = #tpu.dot_dimension_numbers<[1], [1], [0], [0], [0, 0, 1, 0], [], []>, transpose_lhs_hint = false} : vector<200x16xf32>, vector<200x16xf32>, vector<200x200xf32> -> vector<200x200xf32>
      %jit3A_182 = arith.constant -1.000000e+09 : f32
      %broadcast_in_dim3A_183 = vector.broadcast %jit3A_182 : f32 to vector<200x200xf32>
      %select_n3A_184 = arith.select %eq3A_132, %dot_general3A_181, %broadcast_in_dim3A_183 : vector<200x200xi1>, vector<200x200xf32>
      %reduce_max3A_185 = arith.constant dense<0xFF800000> : vector<200xf32>
      %reduce_max3A_186 = vector.multi_reduction <maximumf>, %select_n3A_184, %reduce_max3A_185 [1] : vector<200x200xf32> to vector<200xf32>
      %broadcast_in_dim3A_187 = vector.shape_cast %reduce_max3A_186 : vector<200xf32> to vector<200x1xf32>
      %max3A_188 = arith.maximumf %while3A_100, %broadcast_in_dim3A_187 : vector<200x1xf32>
      %sub3A_189 = vector.broadcast %max3A_188 : vector<200x1xf32> to vector<200x200xf32>
      %sub3A_190 = arith.subf %select_n3A_184, %sub3A_189 : vector<200x200xf32>
      %exp3A_191 = math.exp %sub3A_190 : vector<200x200xf32>
      %sub3A_192 = arith.subf %while3A_100, %max3A_188 : vector<200x1xf32>
      %exp3A_193 = math.exp %sub3A_192 : vector<200x1xf32>
      %mul3A_194 = arith.mulf %while3A_101, %exp3A_193 : vector<200x1xf32>
      %reduce_sum3A_195 = arith.constant dense<0.000000e+00> : vector<200xf32>
      %reduce_sum3A_196 = vector.multi_reduction <add>, %exp3A_191, %reduce_sum3A_195 [1] : vector<200x200xf32> to vector<200xf32>
      %broadcast_in_dim3A_197 = vector.shape_cast %reduce_sum3A_196 : vector<200xf32> to vector<200x1xf32>
      %add3A_198 = arith.addf %mul3A_194, %broadcast_in_dim3A_197 : vector<200x1xf32>
      %mul3A_199 = vector.broadcast %exp3A_193 : vector<200x1xf32> to vector<200x16xf32>
      %mul3A_200 = arith.mulf %while3A_99, %mul3A_199 : vector<200x16xf32>
      %slice3A_201 = vector.extract_strided_slice %get3A_126 {offsets = [0, 32], sizes = [200, 16], strides = [1, 1]} : vector<200x128xf32> to vector<200x16xf32>
      %dot_general3A_202 = arith.constant dense<0.000000e+00> : vector<200x16xf32>
      %dot_general3A_203 = tpu.matmul %exp3A_191, %slice3A_201, %dot_general3A_202 {dimension_numbers = #tpu.dot_dimension_numbers<[1], [0], [0], [1], [0, 0, 1, 1], [], []>, transpose_lhs_hint = false} : vector<200x200xf32>, vector<200x16xf32>, vector<200x16xf32> -> vector<200x16xf32>
      %add3A_204 = arith.addf %mul3A_200, %dot_general3A_203 : vector<200x16xf32>
      %slice3A_205 = vector.extract_strided_slice %mul3A_14 {offsets = [0, 48], sizes = [200, 16], strides = [1, 1]} : vector<200x128xf32> to vector<200x16xf32>
      %slice3A_206 = vector.extract_strided_slice %get3A_123 {offsets = [0, 48], sizes = [200, 16], strides = [1, 1]} : vector<200x128xf32> to vector<200x16xf32>
      %dot_general3A_207 = arith.constant dense<0.000000e+00> : vector<200x200xf32>
      %dot_general3A_208 = tpu.matmul %slice3A_205, %slice3A_206, %dot_general3A_207 {dimension_numbers = #tpu.dot_dimension_numbers<[1], [1], [0], [0], [0, 0, 1, 0], [], []>, transpose_lhs_hint = false} : vector<200x16xf32>, vector<200x16xf32>, vector<200x200xf32> -> vector<200x200xf32>
      %jit3A_209 = arith.constant -1.000000e+09 : f32
      %broadcast_in_dim3A_210 = vector.broadcast %jit3A_209 : f32 to vector<200x200xf32>
      %select_n3A_211 = arith.select %eq3A_132, %dot_general3A_208, %broadcast_in_dim3A_210 : vector<200x200xi1>, vector<200x200xf32>
      %reduce_max3A_212 = arith.constant dense<0xFF800000> : vector<200xf32>
      %reduce_max3A_213 = vector.multi_reduction <maximumf>, %select_n3A_211, %reduce_max3A_212 [1] : vector<200x200xf32> to vector<200xf32>
      %broadcast_in_dim3A_214 = vector.shape_cast %reduce_max3A_213 : vector<200xf32> to vector<200x1xf32>
      %max3A_215 = arith.maximumf %while3A_103, %broadcast_in_dim3A_214 : vector<200x1xf32>
      %sub3A_216 = vector.broadcast %max3A_215 : vector<200x1xf32> to vector<200x200xf32>
      %sub3A_217 = arith.subf %select_n3A_211, %sub3A_216 : vector<200x200xf32>
      %exp3A_218 = math.exp %sub3A_217 : vector<200x200xf32>
      %sub3A_219 = arith.subf %while3A_103, %max3A_215 : vector<200x1xf32>
      %exp3A_220 = math.exp %sub3A_219 : vector<200x1xf32>
      %mul3A_221 = arith.mulf %while3A_104, %exp3A_220 : vector<200x1xf32>
      %reduce_sum3A_222 = arith.constant dense<0.000000e+00> : vector<200xf32>
      %reduce_sum3A_223 = vector.multi_reduction <add>, %exp3A_218, %reduce_sum3A_222 [1] : vector<200x200xf32> to vector<200xf32>
      %broadcast_in_dim3A_224 = vector.shape_cast %reduce_sum3A_223 : vector<200xf32> to vector<200x1xf32>
      %add3A_225 = arith.addf %mul3A_221, %broadcast_in_dim3A_224 : vector<200x1xf32>
      %mul3A_226 = vector.broadcast %exp3A_220 : vector<200x1xf32> to vector<200x16xf32>
      %mul3A_227 = arith.mulf %while3A_102, %mul3A_226 : vector<200x16xf32>
      %slice3A_228 = vector.extract_strided_slice %get3A_126 {offsets = [0, 48], sizes = [200, 16], strides = [1, 1]} : vector<200x128xf32> to vector<200x16xf32>
      %dot_general3A_229 = arith.constant dense<0.000000e+00> : vector<200x16xf32>
      %dot_general3A_230 = tpu.matmul %exp3A_218, %slice3A_228, %dot_general3A_229 {dimension_numbers = #tpu.dot_dimension_numbers<[1], [0], [0], [1], [0, 0, 1, 1], [], []>, transpose_lhs_hint = false} : vector<200x200xf32>, vector<200x16xf32>, vector<200x16xf32> -> vector<200x16xf32>
      %add3A_231 = arith.addf %mul3A_227, %dot_general3A_230 : vector<200x16xf32>
      %slice3A_232 = vector.extract_strided_slice %mul3A_14 {offsets = [0, 64], sizes = [200, 16], strides = [1, 1]} : vector<200x128xf32> to vector<200x16xf32>
      %slice3A_233 = vector.extract_strided_slice %get3A_123 {offsets = [0, 64], sizes = [200, 16], strides = [1, 1]} : vector<200x128xf32> to vector<200x16xf32>
      %dot_general3A_234 = arith.constant dense<0.000000e+00> : vector<200x200xf32>
      %dot_general3A_235 = tpu.matmul %slice3A_232, %slice3A_233, %dot_general3A_234 {dimension_numbers = #tpu.dot_dimension_numbers<[1], [1], [0], [0], [0, 0, 1, 0], [], []>, transpose_lhs_hint = false} : vector<200x16xf32>, vector<200x16xf32>, vector<200x200xf32> -> vector<200x200xf32>
      %jit3A_236 = arith.constant -1.000000e+09 : f32
      %broadcast_in_dim3A_237 = vector.broadcast %jit3A_236 : f32 to vector<200x200xf32>
      %select_n3A_238 = arith.select %eq3A_132, %dot_general3A_235, %broadcast_in_dim3A_237 : vector<200x200xi1>, vector<200x200xf32>
      %reduce_max3A_239 = arith.constant dense<0xFF800000> : vector<200xf32>
      %reduce_max3A_240 = vector.multi_reduction <maximumf>, %select_n3A_238, %reduce_max3A_239 [1] : vector<200x200xf32> to vector<200xf32>
      %broadcast_in_dim3A_241 = vector.shape_cast %reduce_max3A_240 : vector<200xf32> to vector<200x1xf32>
      %max3A_242 = arith.maximumf %while3A_106, %broadcast_in_dim3A_241 : vector<200x1xf32>
      %sub3A_243 = vector.broadcast %max3A_242 : vector<200x1xf32> to vector<200x200xf32>
      %sub3A_244 = arith.subf %select_n3A_238, %sub3A_243 : vector<200x200xf32>
      %exp3A_245 = math.exp %sub3A_244 : vector<200x200xf32>
      %sub3A_246 = arith.subf %while3A_106, %max3A_242 : vector<200x1xf32>
      %exp3A_247 = math.exp %sub3A_246 : vector<200x1xf32>
      %mul3A_248 = arith.mulf %while3A_107, %exp3A_247 : vector<200x1xf32>
      %reduce_sum3A_249 = arith.constant dense<0.000000e+00> : vector<200xf32>
      %reduce_sum3A_250 = vector.multi_reduction <add>, %exp3A_245, %reduce_sum3A_249 [1] : vector<200x200xf32> to vector<200xf32>
      %broadcast_in_dim3A_251 = vector.shape_cast %reduce_sum3A_250 : vector<200xf32> to vector<200x1xf32>
      %add3A_252 = arith.addf %mul3A_248, %broadcast_in_dim3A_251 : vector<200x1xf32>
      %mul3A_253 = vector.broadcast %exp3A_247 : vector<200x1xf32> to vector<200x16xf32>
      %mul3A_254 = arith.mulf %while3A_105, %mul3A_253 : vector<200x16xf32>
      %slice3A_255 = vector.extract_strided_slice %get3A_126 {offsets = [0, 64], sizes = [200, 16], strides = [1, 1]} : vector<200x128xf32> to vector<200x16xf32>
      %dot_general3A_256 = arith.constant dense<0.000000e+00> : vector<200x16xf32>
      %dot_general3A_257 = tpu.matmul %exp3A_245, %slice3A_255, %dot_general3A_256 {dimension_numbers = #tpu.dot_dimension_numbers<[1], [0], [0], [1], [0, 0, 1, 1], [], []>, transpose_lhs_hint = false} : vector<200x200xf32>, vector<200x16xf32>, vector<200x16xf32> -> vector<200x16xf32>
      %add3A_258 = arith.addf %mul3A_254, %dot_general3A_257 : vector<200x16xf32>
      %slice3A_259 = vector.extract_strided_slice %mul3A_14 {offsets = [0, 80], sizes = [200, 16], strides = [1, 1]} : vector<200x128xf32> to vector<200x16xf32>
      %slice3A_260 = vector.extract_strided_slice %get3A_123 {offsets = [0, 80], sizes = [200, 16], strides = [1, 1]} : vector<200x128xf32> to vector<200x16xf32>
      %dot_general3A_261 = arith.constant dense<0.000000e+00> : vector<200x200xf32>
      %dot_general3A_262 = tpu.matmul %slice3A_259, %slice3A_260, %dot_general3A_261 {dimension_numbers = #tpu.dot_dimension_numbers<[1], [1], [0], [0], [0, 0, 1, 0], [], []>, transpose_lhs_hint = false} : vector<200x16xf32>, vector<200x16xf32>, vector<200x200xf32> -> vector<200x200xf32>
      %jit3A_263 = arith.constant -1.000000e+09 : f32
      %broadcast_in_dim3A_264 = vector.broadcast %jit3A_263 : f32 to vector<200x200xf32>
      %select_n3A_265 = arith.select %eq3A_132, %dot_general3A_262, %broadcast_in_dim3A_264 : vector<200x200xi1>, vector<200x200xf32>
      %reduce_max3A_266 = arith.constant dense<0xFF800000> : vector<200xf32>
      %reduce_max3A_267 = vector.multi_reduction <maximumf>, %select_n3A_265, %reduce_max3A_266 [1] : vector<200x200xf32> to vector<200xf32>
      %broadcast_in_dim3A_268 = vector.shape_cast %reduce_max3A_267 : vector<200xf32> to vector<200x1xf32>
      %max3A_269 = arith.maximumf %while3A_109, %broadcast_in_dim3A_268 : vector<200x1xf32>
      %sub3A_270 = vector.broadcast %max3A_269 : vector<200x1xf32> to vector<200x200xf32>
      %sub3A_271 = arith.subf %select_n3A_265, %sub3A_270 : vector<200x200xf32>
      %exp3A_272 = math.exp %sub3A_271 : vector<200x200xf32>
      %sub3A_273 = arith.subf %while3A_109, %max3A_269 : vector<200x1xf32>
      %exp3A_274 = math.exp %sub3A_273 : vector<200x1xf32>
      %mul3A_275 = arith.mulf %while3A_110, %exp3A_274 : vector<200x1xf32>
      %reduce_sum3A_276 = arith.constant dense<0.000000e+00> : vector<200xf32>
      %reduce_sum3A_277 = vector.multi_reduction <add>, %exp3A_272, %reduce_sum3A_276 [1] : vector<200x200xf32> to vector<200xf32>
      %broadcast_in_dim3A_278 = vector.shape_cast %reduce_sum3A_277 : vector<200xf32> to vector<200x1xf32>
      %add3A_279 = arith.addf %mul3A_275, %broadcast_in_dim3A_278 : vector<200x1xf32>
      %mul3A_280 = vector.broadcast %exp3A_274 : vector<200x1xf32> to vector<200x16xf32>
      %mul3A_281 = arith.mulf %while3A_108, %mul3A_280 : vector<200x16xf32>
      %slice3A_282 = vector.extract_strided_slice %get3A_126 {offsets = [0, 80], sizes = [200, 16], strides = [1, 1]} : vector<200x128xf32> to vector<200x16xf32>
      %dot_general3A_283 = arith.constant dense<0.000000e+00> : vector<200x16xf32>
      %dot_general3A_284 = tpu.matmul %exp3A_272, %slice3A_282, %dot_general3A_283 {dimension_numbers = #tpu.dot_dimension_numbers<[1], [0], [0], [1], [0, 0, 1, 1], [], []>, transpose_lhs_hint = false} : vector<200x200xf32>, vector<200x16xf32>, vector<200x16xf32> -> vector<200x16xf32>
      %add3A_285 = arith.addf %mul3A_281, %dot_general3A_284 : vector<200x16xf32>
      %slice3A_286 = vector.extract_strided_slice %mul3A_14 {offsets = [0, 96], sizes = [200, 16], strides = [1, 1]} : vector<200x128xf32> to vector<200x16xf32>
      %slice3A_287 = vector.extract_strided_slice %get3A_123 {offsets = [0, 96], sizes = [200, 16], strides = [1, 1]} : vector<200x128xf32> to vector<200x16xf32>
      %dot_general3A_288 = arith.constant dense<0.000000e+00> : vector<200x200xf32>
      %dot_general3A_289 = tpu.matmul %slice3A_286, %slice3A_287, %dot_general3A_288 {dimension_numbers = #tpu.dot_dimension_numbers<[1], [1], [0], [0], [0, 0, 1, 0], [], []>, transpose_lhs_hint = false} : vector<200x16xf32>, vector<200x16xf32>, vector<200x200xf32> -> vector<200x200xf32>
      %jit3A_290 = arith.constant -1.000000e+09 : f32
      %broadcast_in_dim3A_291 = vector.broadcast %jit3A_290 : f32 to vector<200x200xf32>
      %select_n3A_292 = arith.select %eq3A_132, %dot_general3A_289, %broadcast_in_dim3A_291 : vector<200x200xi1>, vector<200x200xf32>
      %reduce_max3A_293 = arith.constant dense<0xFF800000> : vector<200xf32>
      %reduce_max3A_294 = vector.multi_reduction <maximumf>, %select_n3A_292, %reduce_max3A_293 [1] : vector<200x200xf32> to vector<200xf32>
      %broadcast_in_dim3A_295 = vector.shape_cast %reduce_max3A_294 : vector<200xf32> to vector<200x1xf32>
      %max3A_296 = arith.maximumf %while3A_112, %broadcast_in_dim3A_295 : vector<200x1xf32>
      %sub3A_297 = vector.broadcast %max3A_296 : vector<200x1xf32> to vector<200x200xf32>
      %sub3A_298 = arith.subf %select_n3A_292, %sub3A_297 : vector<200x200xf32>
      %exp3A_299 = math.exp %sub3A_298 : vector<200x200xf32>
      %sub3A_300 = arith.subf %while3A_112, %max3A_296 : vector<200x1xf32>
      %exp3A_301 = math.exp %sub3A_300 : vector<200x1xf32>
      %mul3A_302 = arith.mulf %while3A_113, %exp3A_301 : vector<200x1xf32>
      %reduce_sum3A_303 = arith.constant dense<0.000000e+00> : vector<200xf32>
      %reduce_sum3A_304 = vector.multi_reduction <add>, %exp3A_299, %reduce_sum3A_303 [1] : vector<200x200xf32> to vector<200xf32>
      %broadcast_in_dim3A_305 = vector.shape_cast %reduce_sum3A_304 : vector<200xf32> to vector<200x1xf32>
      %add3A_306 = arith.addf %mul3A_302, %broadcast_in_dim3A_305 : vector<200x1xf32>
      %mul3A_307 = vector.broadcast %exp3A_301 : vector<200x1xf32> to vector<200x16xf32>
      %mul3A_308 = arith.mulf %while3A_111, %mul3A_307 : vector<200x16xf32>
      %slice3A_309 = vector.extract_strided_slice %get3A_126 {offsets = [0, 96], sizes = [200, 16], strides = [1, 1]} : vector<200x128xf32> to vector<200x16xf32>
      %dot_general3A_310 = arith.constant dense<0.000000e+00> : vector<200x16xf32>
      %dot_general3A_311 = tpu.matmul %exp3A_299, %slice3A_309, %dot_general3A_310 {dimension_numbers = #tpu.dot_dimension_numbers<[1], [0], [0], [1], [0, 0, 1, 1], [], []>, transpose_lhs_hint = false} : vector<200x200xf32>, vector<200x16xf32>, vector<200x16xf32> -> vector<200x16xf32>
      %add3A_312 = arith.addf %mul3A_308, %dot_general3A_311 : vector<200x16xf32>
      %slice3A_313 = vector.extract_strided_slice %mul3A_14 {offsets = [0, 112], sizes = [200, 16], strides = [1, 1]} : vector<200x128xf32> to vector<200x16xf32>
      %slice3A_314 = vector.extract_strided_slice %get3A_123 {offsets = [0, 112], sizes = [200, 16], strides = [1, 1]} : vector<200x128xf32> to vector<200x16xf32>
      %dot_general3A_315 = arith.constant dense<0.000000e+00> : vector<200x200xf32>
      %dot_general3A_316 = tpu.matmul %slice3A_313, %slice3A_314, %dot_general3A_315 {dimension_numbers = #tpu.dot_dimension_numbers<[1], [1], [0], [0], [0, 0, 1, 0], [], []>, transpose_lhs_hint = false} : vector<200x16xf32>, vector<200x16xf32>, vector<200x200xf32> -> vector<200x200xf32>
      %jit3A_317 = arith.constant -1.000000e+09 : f32
      %broadcast_in_dim3A_318 = vector.broadcast %jit3A_317 : f32 to vector<200x200xf32>
      %select_n3A_319 = arith.select %eq3A_132, %dot_general3A_316, %broadcast_in_dim3A_318 : vector<200x200xi1>, vector<200x200xf32>
      %reduce_max3A_320 = arith.constant dense<0xFF800000> : vector<200xf32>
      %reduce_max3A_321 = vector.multi_reduction <maximumf>, %select_n3A_319, %reduce_max3A_320 [1] : vector<200x200xf32> to vector<200xf32>
      %broadcast_in_dim3A_322 = vector.shape_cast %reduce_max3A_321 : vector<200xf32> to vector<200x1xf32>
      %max3A_323 = arith.maximumf %while3A_115, %broadcast_in_dim3A_322 : vector<200x1xf32>
      %sub3A_324 = vector.broadcast %max3A_323 : vector<200x1xf32> to vector<200x200xf32>
      %sub3A_325 = arith.subf %select_n3A_319, %sub3A_324 : vector<200x200xf32>
      %exp3A_326 = math.exp %sub3A_325 : vector<200x200xf32>
      %sub3A_327 = arith.subf %while3A_115, %max3A_323 : vector<200x1xf32>
      %exp3A_328 = math.exp %sub3A_327 : vector<200x1xf32>
      %mul3A_329 = arith.mulf %while3A_116, %exp3A_328 : vector<200x1xf32>
      %reduce_sum3A_330 = arith.constant dense<0.000000e+00> : vector<200xf32>
      %reduce_sum3A_331 = vector.multi_reduction <add>, %exp3A_326, %reduce_sum3A_330 [1] : vector<200x200xf32> to vector<200xf32>
      %broadcast_in_dim3A_332 = vector.shape_cast %reduce_sum3A_331 : vector<200xf32> to vector<200x1xf32>
      %add3A_333 = arith.addf %mul3A_329, %broadcast_in_dim3A_332 : vector<200x1xf32>
      %mul3A_334 = vector.broadcast %exp3A_328 : vector<200x1xf32> to vector<200x16xf32>
      %mul3A_335 = arith.mulf %while3A_114, %mul3A_334 : vector<200x16xf32>
      %slice3A_336 = vector.extract_strided_slice %get3A_126 {offsets = [0, 112], sizes = [200, 16], strides = [1, 1]} : vector<200x128xf32> to vector<200x16xf32>
      %dot_general3A_337 = arith.constant dense<0.000000e+00> : vector<200x16xf32>
      %dot_general3A_338 = tpu.matmul %exp3A_326, %slice3A_336, %dot_general3A_337 {dimension_numbers = #tpu.dot_dimension_numbers<[1], [0], [0], [1], [0, 0, 1, 1], [], []>, transpose_lhs_hint = false} : vector<200x200xf32>, vector<200x16xf32>, vector<200x16xf32> -> vector<200x16xf32>
      %add3A_339 = arith.addf %mul3A_335, %dot_general3A_338 : vector<200x16xf32>
      scf.yield %add3A_150, %max3A, %add3A_144, %add3A_177, %max3A_161, %add3A_171, %add3A_204, %max3A_188, %add3A_198, %add3A_231, %max3A_215, %add3A_225, %add3A_258, %max3A_242, %add3A_252, %add3A_285, %max3A_269, %add3A_279, %add3A_312, %max3A_296, %add3A_306, %add3A_339, %max3A_323, %add3A_333 : vector<200x16xf32>, vector<200x1xf32>, vector<200x1xf32>, vector<200x16xf32>, vector<200x1xf32>, vector<200x1xf32>, vector<200x16xf32>, vector<200x1xf32>, vector<200x1xf32>, vector<200x16xf32>, vector<200x1xf32>, vector<200x1xf32>, vector<200x16xf32>, vector<200x1xf32>, vector<200x1xf32>, vector<200x16xf32>, vector<200x1xf32>, vector<200x1xf32>, vector<200x16xf32>, vector<200x1xf32>, vector<200x1xf32>, vector<200x16xf32>, vector<200x1xf32>, vector<200x1xf32>
    }
    %div3A = vector.broadcast %while3A_74#2 : vector<200x1xf32> to vector<200x16xf32>
    %div3A_75 = arith.divf %while3A_74#0, %div3A : vector<200x16xf32>
    %div3A_76 = vector.broadcast %while3A_74#5 : vector<200x1xf32> to vector<200x16xf32>
    %div3A_77 = arith.divf %while3A_74#3, %div3A_76 : vector<200x16xf32>
    %div3A_78 = vector.broadcast %while3A_74#8 : vector<200x1xf32> to vector<200x16xf32>
    %div3A_79 = arith.divf %while3A_74#6, %div3A_78 : vector<200x16xf32>
    %div3A_80 = vector.broadcast %while3A_74#11 : vector<200x1xf32> to vector<200x16xf32>
    %div3A_81 = arith.divf %while3A_74#9, %div3A_80 : vector<200x16xf32>
    %div3A_82 = vector.broadcast %while3A_74#14 : vector<200x1xf32> to vector<200x16xf32>
    %div3A_83 = arith.divf %while3A_74#12, %div3A_82 : vector<200x16xf32>
    %div3A_84 = vector.broadcast %while3A_74#17 : vector<200x1xf32> to vector<200x16xf32>
    %div3A_85 = arith.divf %while3A_74#15, %div3A_84 : vector<200x16xf32>
    %div3A_86 = vector.broadcast %while3A_74#20 : vector<200x1xf32> to vector<200x16xf32>
    %div3A_87 = arith.divf %while3A_74#18, %div3A_86 : vector<200x16xf32>
    %div3A_88 = vector.broadcast %while3A_74#23 : vector<200x1xf32> to vector<200x16xf32>
    %div3A_89 = arith.divf %while3A_74#21, %div3A_88 : vector<200x16xf32>
    %concatenate3A = tpu.concatenate %div3A_75, %div3A_77, %div3A_79, %div3A_81, %div3A_83, %div3A_85, %div3A_87, %div3A_89 in 1 : vector<200x16xf32>, vector<200x16xf32>, vector<200x16xf32>, vector<200x16xf32>, vector<200x16xf32>, vector<200x16xf32>, vector<200x16xf32>, vector<200x16xf32> -> vector<200x128xf32>
    %swap3A = arith.constant 0 : index
    %swap3A_90 = arith.constant 0 : index
    %swap3A_91 = vector.load %arg5[%swap3A, %swap3A_90] : memref<200x128xf32, #tpu.memory_space<vmem>>, vector<200x128xf32>
    tpu.vector_store %arg5[%swap3A, %swap3A_90], %concatenate3A {strides = array<i32>} : memref<200x128xf32, #tpu.memory_space<vmem>>, vector<200x128xf32>,
    return
  }
  func.func @transform_0(%arg0: i32, %arg1: memref<100xi32, #tpu.memory_space<smem>>) -> (i32, i32) {
    %c0_i32 = arith.constant 0 : i32
    %c0_i32_0 = arith.constant 0 : i32
    %c0_i32_1 = arith.constant 0 : i32
    return %c0_i32, %c0_i32_0 : i32, i32
  }
  func.func @transform_1(%arg0: i32, %arg1: memref<100xi32, #tpu.memory_space<smem>>) -> (i32, i32) {
    %c0_i32 = arith.constant 0 : i32
    %c0_i32_0 = arith.constant 0 : i32
    return %arg0, %c0_i32 : i32, i32
  }
  func.func @transform_2(%arg0: i32, %arg1: memref<100xi32, #tpu.memory_space<smem>>) -> (i32, i32, i32) {
    %c0_i32 = arith.constant 0 : i32
    %c0_i32_0 = arith.constant 0 : i32
    %c0_i32_1 = arith.constant 0 : i32
    %c0_i32_2 = arith.constant 0 : i32
    return %c0_i32, %c0_i32_0, %c0_i32_1 : i32, i32, i32
  }
  func.func @transform_3(%arg0: i32, %arg1: memref<100xi32, #tpu.memory_space<smem>>) -> (i32, i32) {
    %c0_i32 = arith.constant 0 : i32
    %c0_i32_0 = arith.constant 0 : i32
    return %arg0, %c0_i32 : i32, i32
  }
}

module attributes {stable_mosaic.version = 14 : i64} {
  func.func @_dense_kernel(%arg0: memref<10000x128xf32, #tpu.memory_space<vmem>>, %arg1: memref<10000x128xf32, #tpu.memory_space<vmem>>, %arg2: memref<10000x128xf32, #tpu.memory_space<vmem>>, %arg3: memref<10000x128xf32, #tpu.memory_space<vmem>>, %arg4: memref<128x128xf32, #tpu.memory_space<vmem>>, %arg5: memref<8x128xf32, #tpu.memory_space<vmem>>, %arg6: memref<128x128xf32, #tpu.memory_space<vmem>>, %arg7: memref<8x128xf32, #tpu.memory_space<vmem>>, %arg8: memref<128x128xf32, #tpu.memory_space<vmem>>, %arg9: memref<8x128xf32, #tpu.memory_space<vmem>>, %arg10: memref<128x256xf32, #tpu.memory_space<vmem>>, %arg11: memref<8x256xf32, #tpu.memory_space<vmem>>, %arg12: memref<256x128xf32, #tpu.memory_space<vmem>>, %arg13: memref<8x128xf32, #tpu.memory_space<vmem>>, %arg14: memref<8x128xf32, #tpu.memory_space<vmem>>, %arg15: memref<10000x128xf32, #tpu.memory_space<vmem>>) attributes {dimension_semantics = [], scalar_prefetch = 0 : i64, scratch_operands = 0 : i64, tpu.core_type = #tpu.core_type<tc>} {
    %get3A = arith.constant 0 : index
    %get3A_0 = arith.constant 0 : index
    %get3A_1 = vector.load %arg0[%get3A, %get3A_0] : memref<10000x128xf32, #tpu.memory_space<vmem>>, vector<10000x128xf32>
    %get3A_2 = arith.constant 0 : index
    %get3A_3 = arith.constant 0 : index
    %get3A_4 = vector.load %arg1[%get3A_2, %get3A_3] : memref<10000x128xf32, #tpu.memory_space<vmem>>, vector<10000x128xf32>
    %add3A = arith.addf %get3A_1, %get3A_4 : vector<10000x128xf32>
    %get3A_5 = arith.constant 0 : index
    %get3A_6 = arith.constant 0 : index
    %get3A_7 = vector.load %arg2[%get3A_5, %get3A_6] : memref<10000x128xf32, #tpu.memory_space<vmem>>, vector<10000x128xf32>
    %add3A_8 = arith.addf %add3A, %get3A_7 : vector<10000x128xf32>
    %get3A_9 = arith.constant 0 : index
    %get3A_10 = arith.constant 0 : index
    %get3A_11 = vector.load %arg4[%get3A_9, %get3A_10] : memref<128x128xf32, #tpu.memory_space<vmem>>, vector<128x128xf32>
    %dot_general3A = arith.constant dense<0.000000e+00> : vector<10000x128xf32>
    %dot_general3A_12 = tpu.matmul %add3A_8, %get3A_11, %dot_general3A {dimension_numbers = #tpu.dot_dimension_numbers<[1], [0], [0], [1], [0, 0, 1, 1], [], []>, transpose_lhs_hint = false} : vector<10000x128xf32>, vector<128x128xf32>, vector<10000x128xf32> -> vector<10000x128xf32>
    %get3A_13 = arith.constant 0 : index
    %get3A_14 = arith.constant 0 : index
    %get3A_15 = vector.load %arg5[%get3A_13, %get3A_14] : memref<8x128xf32, #tpu.memory_space<vmem>>, vector<1x128xf32>
    %add3A_16 = vector.broadcast %get3A_15 : vector<1x128xf32> to vector<10000x128xf32>
    %add3A_17 = arith.addf %dot_general3A_12, %add3A_16 : vector<10000x128xf32>
    %max3A = arith.constant 0.000000e+00 : f32
    %max3A_18 = vector.broadcast %max3A : f32 to vector<10000x128xf32>
    %max3A_19 = arith.maximumf %add3A_17, %max3A_18 : vector<10000x128xf32>
    %get3A_20 = arith.constant 0 : index
    %get3A_21 = arith.constant 0 : index
    %get3A_22 = vector.load %arg6[%get3A_20, %get3A_21] : memref<128x128xf32, #tpu.memory_space<vmem>>, vector<128x128xf32>
    %dot_general3A_23 = arith.constant dense<0.000000e+00> : vector<10000x128xf32>
    %dot_general3A_24 = tpu.matmul %max3A_19, %get3A_22, %dot_general3A_23 {dimension_numbers = #tpu.dot_dimension_numbers<[1], [0], [0], [1], [0, 0, 1, 1], [], []>, transpose_lhs_hint = false} : vector<10000x128xf32>, vector<128x128xf32>, vector<10000x128xf32> -> vector<10000x128xf32>
    %get3A_25 = arith.constant 0 : index
    %get3A_26 = arith.constant 0 : index
    %get3A_27 = vector.load %arg7[%get3A_25, %get3A_26] : memref<8x128xf32, #tpu.memory_space<vmem>>, vector<1x128xf32>
    %add3A_28 = vector.broadcast %get3A_27 : vector<1x128xf32> to vector<10000x128xf32>
    %add3A_29 = arith.addf %dot_general3A_24, %add3A_28 : vector<10000x128xf32>
    %add3A_30 = arith.addf %add3A_29, %get3A_1 : vector<10000x128xf32>
    %get3A_31 = arith.constant 0 : index
    %get3A_32 = arith.constant 0 : index
    %get3A_33 = vector.load %arg14[%get3A_31, %get3A_32] : memref<8x128xf32, #tpu.memory_space<vmem>>, vector<1x128xf32>
    %get3A_34 = arith.constant 3 : index
    %get3A_35 = arith.constant 0 : index
    %get3A_36 = vector.load %arg14[%get3A_34, %get3A_35] : memref<8x128xf32, #tpu.memory_space<vmem>>, vector<1x128xf32>
    %reduce_sum3A = arith.constant dense<0.000000e+00> : vector<128xf32>
    %reduce_sum3A_37 = vector.multi_reduction <add>, %add3A_30, %reduce_sum3A [0] : vector<10000x128xf32> to vector<128xf32>
    %broadcast_in_dim3A = vector.shape_cast %reduce_sum3A_37 : vector<128xf32> to vector<1x128xf32>
    %div3A = arith.constant 1.000000e+04 : f32
    %div3A_38 = vector.broadcast %div3A : f32 to vector<1x128xf32>
    %div3A_39 = arith.divf %broadcast_in_dim3A, %div3A_38 : vector<1x128xf32>
    %sub3A = vector.broadcast %div3A_39 : vector<1x128xf32> to vector<10000x128xf32>
    %sub3A_40 = arith.subf %add3A_30, %sub3A : vector<10000x128xf32>
    %integer_pow3A = arith.mulf %sub3A_40, %sub3A_40 : vector<10000x128xf32>
    %reduce_sum3A_41 = arith.constant dense<0.000000e+00> : vector<128xf32>
    %reduce_sum3A_42 = vector.multi_reduction <add>, %integer_pow3A, %reduce_sum3A_41 [0] : vector<10000x128xf32> to vector<128xf32>
    %broadcast_in_dim3A_43 = vector.shape_cast %reduce_sum3A_42 : vector<128xf32> to vector<1x128xf32>
    %div3A_44 = arith.constant 1.000000e+04 : f32
    %div3A_45 = vector.broadcast %div3A_44 : f32 to vector<1x128xf32>
    %div3A_46 = arith.divf %broadcast_in_dim3A_43, %div3A_45 : vector<1x128xf32>
    %sub3A_47 = vector.broadcast %div3A_39 : vector<1x128xf32> to vector<10000x128xf32>
    %sub3A_48 = arith.subf %add3A_30, %sub3A_47 : vector<10000x128xf32>
    %mul3A = vector.broadcast %get3A_33 : vector<1x128xf32> to vector<10000x128xf32>
    %mul3A_49 = arith.mulf %mul3A, %sub3A_48 : vector<10000x128xf32>
    %add3A_50 = arith.constant 9.99999974E-6 : f32
    %add3A_51 = vector.broadcast %add3A_50 : f32 to vector<1x128xf32>
    %add3A_52 = arith.addf %div3A_46, %add3A_51 : vector<1x128xf32>
    %sqrt3A = math.sqrt %add3A_52 : vector<1x128xf32>
    %div3A_53 = vector.broadcast %sqrt3A : vector<1x128xf32> to vector<10000x128xf32>
    %div3A_54 = arith.divf %mul3A_49, %div3A_53 : vector<10000x128xf32>
    %add3A_55 = vector.broadcast %get3A_36 : vector<1x128xf32> to vector<10000x128xf32>
    %add3A_56 = arith.addf %div3A_54, %add3A_55 : vector<10000x128xf32>
    %get3A_57 = arith.constant 0 : index
    %get3A_58 = arith.constant 0 : index
    %get3A_59 = vector.load %arg3[%get3A_57, %get3A_58] : memref<10000x128xf32, #tpu.memory_space<vmem>>, vector<10000x128xf32>
    %get3A_60 = arith.constant 0 : index
    %get3A_61 = arith.constant 0 : index
    %get3A_62 = vector.load %arg8[%get3A_60, %get3A_61] : memref<128x128xf32, #tpu.memory_space<vmem>>, vector<128x128xf32>
    %dot_general3A_63 = arith.constant dense<0.000000e+00> : vector<10000x128xf32>
    %dot_general3A_64 = tpu.matmul %get3A_59, %get3A_62, %dot_general3A_63 {dimension_numbers = #tpu.dot_dimension_numbers<[1], [0], [0], [1], [0, 0, 1, 1], [], []>, transpose_lhs_hint = false} : vector<10000x128xf32>, vector<128x128xf32>, vector<10000x128xf32> -> vector<10000x128xf32>
    %get3A_65 = arith.constant 0 : index
    %get3A_66 = arith.constant 0 : index
    %get3A_67 = vector.load %arg9[%get3A_65, %get3A_66] : memref<8x128xf32, #tpu.memory_space<vmem>>, vector<1x128xf32>
    %add3A_68 = vector.broadcast %get3A_67 : vector<1x128xf32> to vector<10000x128xf32>
    %add3A_69 = arith.addf %dot_general3A_64, %add3A_68 : vector<10000x128xf32>
    %add3A_70 = arith.addf %add3A_69, %get3A_1 : vector<10000x128xf32>
    %get3A_71 = arith.constant 1 : index
    %get3A_72 = arith.constant 0 : index
    %get3A_73 = vector.load %arg14[%get3A_71, %get3A_72] : memref<8x128xf32, #tpu.memory_space<vmem>>, vector<1x128xf32>
    %get3A_74 = arith.constant 4 : index
    %get3A_75 = arith.constant 0 : index
    %get3A_76 = vector.load %arg14[%get3A_74, %get3A_75] : memref<8x128xf32, #tpu.memory_space<vmem>>, vector<1x128xf32>
    %reduce_sum3A_77 = arith.constant dense<0.000000e+00> : vector<128xf32>
    %reduce_sum3A_78 = vector.multi_reduction <add>, %add3A_70, %reduce_sum3A_77 [0] : vector<10000x128xf32> to vector<128xf32>
    %broadcast_in_dim3A_79 = vector.shape_cast %reduce_sum3A_78 : vector<128xf32> to vector<1x128xf32>
    %div3A_80 = arith.constant 1.000000e+04 : f32
    %div3A_81 = vector.broadcast %div3A_80 : f32 to vector<1x128xf32>
    %div3A_82 = arith.divf %broadcast_in_dim3A_79, %div3A_81 : vector<1x128xf32>
    %sub3A_83 = vector.broadcast %div3A_82 : vector<1x128xf32> to vector<10000x128xf32>
    %sub3A_84 = arith.subf %add3A_70, %sub3A_83 : vector<10000x128xf32>
    %integer_pow3A_85 = arith.mulf %sub3A_84, %sub3A_84 : vector<10000x128xf32>
    %reduce_sum3A_86 = arith.constant dense<0.000000e+00> : vector<128xf32>
    %reduce_sum3A_87 = vector.multi_reduction <add>, %integer_pow3A_85, %reduce_sum3A_86 [0] : vector<10000x128xf32> to vector<128xf32>
    %broadcast_in_dim3A_88 = vector.shape_cast %reduce_sum3A_87 : vector<128xf32> to vector<1x128xf32>
    %div3A_89 = arith.constant 1.000000e+04 : f32
    %div3A_90 = vector.broadcast %div3A_89 : f32 to vector<1x128xf32>
    %div3A_91 = arith.divf %broadcast_in_dim3A_88, %div3A_90 : vector<1x128xf32>
    %sub3A_92 = vector.broadcast %div3A_82 : vector<1x128xf32> to vector<10000x128xf32>
    %sub3A_93 = arith.subf %add3A_70, %sub3A_92 : vector<10000x128xf32>
    %mul3A_94 = vector.broadcast %get3A_73 : vector<1x128xf32> to vector<10000x128xf32>
    %mul3A_95 = arith.mulf %mul3A_94, %sub3A_93 : vector<10000x128xf32>
    %add3A_96 = arith.constant 9.99999974E-6 : f32
    %add3A_97 = vector.broadcast %add3A_96 : f32 to vector<1x128xf32>
    %add3A_98 = arith.addf %div3A_91, %add3A_97 : vector<1x128xf32>
    %sqrt3A_99 = math.sqrt %add3A_98 : vector<1x128xf32>
    %div3A_100 = vector.broadcast %sqrt3A_99 : vector<1x128xf32> to vector<10000x128xf32>
    %div3A_101 = arith.divf %mul3A_95, %div3A_100 : vector<10000x128xf32>
    %add3A_102 = vector.broadcast %get3A_76 : vector<1x128xf32> to vector<10000x128xf32>
    %add3A_103 = arith.addf %div3A_101, %add3A_102 : vector<10000x128xf32>
    %add3A_104 = arith.addf %add3A_56, %add3A_103 : vector<10000x128xf32>
    %get3A_105 = arith.constant 0 : index
    %get3A_106 = arith.constant 0 : index
    %get3A_107 = vector.load %arg10[%get3A_105, %get3A_106] : memref<128x256xf32, #tpu.memory_space<vmem>>, vector<128x256xf32>
    %dot_general3A_108 = arith.constant dense<0.000000e+00> : vector<10000x256xf32>
    %dot_general3A_109 = tpu.matmul %add3A_104, %get3A_107, %dot_general3A_108 {dimension_numbers = #tpu.dot_dimension_numbers<[1], [0], [0], [1], [0, 0, 1, 1], [], []>, transpose_lhs_hint = false} : vector<10000x128xf32>, vector<128x256xf32>, vector<10000x256xf32> -> vector<10000x256xf32>
    %get3A_110 = arith.constant 0 : index
    %get3A_111 = arith.constant 0 : index
    %get3A_112 = vector.load %arg11[%get3A_110, %get3A_111] : memref<8x256xf32, #tpu.memory_space<vmem>>, vector<1x256xf32>
    %add3A_113 = vector.broadcast %get3A_112 : vector<1x256xf32> to vector<10000x256xf32>
    %add3A_114 = arith.addf %dot_general3A_109, %add3A_113 : vector<10000x256xf32>
    %max3A_115 = arith.constant 0.000000e+00 : f32
    %max3A_116 = vector.broadcast %max3A_115 : f32 to vector<10000x256xf32>
    %max3A_117 = arith.maximumf %add3A_114, %max3A_116 : vector<10000x256xf32>
    %get3A_118 = arith.constant 0 : index
    %get3A_119 = arith.constant 0 : index
    %get3A_120 = vector.load %arg12[%get3A_118, %get3A_119] : memref<256x128xf32, #tpu.memory_space<vmem>>, vector<256x128xf32>
    %dot_general3A_121 = arith.constant dense<0.000000e+00> : vector<10000x128xf32>
    %dot_general3A_122 = tpu.matmul %max3A_117, %get3A_120, %dot_general3A_121 {dimension_numbers = #tpu.dot_dimension_numbers<[1], [0], [0], [1], [0, 0, 1, 1], [], []>, transpose_lhs_hint = false} : vector<10000x256xf32>, vector<256x128xf32>, vector<10000x128xf32> -> vector<10000x128xf32>
    %get3A_123 = arith.constant 0 : index
    %get3A_124 = arith.constant 0 : index
    %get3A_125 = vector.load %arg13[%get3A_123, %get3A_124] : memref<8x128xf32, #tpu.memory_space<vmem>>, vector<1x128xf32>
    %add3A_126 = vector.broadcast %get3A_125 : vector<1x128xf32> to vector<10000x128xf32>
    %add3A_127 = arith.addf %dot_general3A_122, %add3A_126 : vector<10000x128xf32>
    %add3A_128 = arith.addf %add3A_104, %add3A_127 : vector<10000x128xf32>
    %get3A_129 = arith.constant 2 : index
    %get3A_130 = arith.constant 0 : index
    %get3A_131 = vector.load %arg14[%get3A_129, %get3A_130] : memref<8x128xf32, #tpu.memory_space<vmem>>, vector<1x128xf32>
    %get3A_132 = arith.constant 5 : index
    %get3A_133 = arith.constant 0 : index
    %get3A_134 = vector.load %arg14[%get3A_132, %get3A_133] : memref<8x128xf32, #tpu.memory_space<vmem>>, vector<1x128xf32>
    %reduce_sum3A_135 = arith.constant dense<0.000000e+00> : vector<128xf32>
    %reduce_sum3A_136 = vector.multi_reduction <add>, %add3A_128, %reduce_sum3A_135 [0] : vector<10000x128xf32> to vector<128xf32>
    %broadcast_in_dim3A_137 = vector.shape_cast %reduce_sum3A_136 : vector<128xf32> to vector<1x128xf32>
    %div3A_138 = arith.constant 1.000000e+04 : f32
    %div3A_139 = vector.broadcast %div3A_138 : f32 to vector<1x128xf32>
    %div3A_140 = arith.divf %broadcast_in_dim3A_137, %div3A_139 : vector<1x128xf32>
    %sub3A_141 = vector.broadcast %div3A_140 : vector<1x128xf32> to vector<10000x128xf32>
    %sub3A_142 = arith.subf %add3A_128, %sub3A_141 : vector<10000x128xf32>
    %integer_pow3A_143 = arith.mulf %sub3A_142, %sub3A_142 : vector<10000x128xf32>
    %reduce_sum3A_144 = arith.constant dense<0.000000e+00> : vector<128xf32>
    %reduce_sum3A_145 = vector.multi_reduction <add>, %integer_pow3A_143, %reduce_sum3A_144 [0] : vector<10000x128xf32> to vector<128xf32>
    %broadcast_in_dim3A_146 = vector.shape_cast %reduce_sum3A_145 : vector<128xf32> to vector<1x128xf32>
    %div3A_147 = arith.constant 1.000000e+04 : f32
    %div3A_148 = vector.broadcast %div3A_147 : f32 to vector<1x128xf32>
    %div3A_149 = arith.divf %broadcast_in_dim3A_146, %div3A_148 : vector<1x128xf32>
    %sub3A_150 = vector.broadcast %div3A_140 : vector<1x128xf32> to vector<10000x128xf32>
    %sub3A_151 = arith.subf %add3A_128, %sub3A_150 : vector<10000x128xf32>
    %mul3A_152 = vector.broadcast %get3A_131 : vector<1x128xf32> to vector<10000x128xf32>
    %mul3A_153 = arith.mulf %mul3A_152, %sub3A_151 : vector<10000x128xf32>
    %add3A_154 = arith.constant 9.99999974E-6 : f32
    %add3A_155 = vector.broadcast %add3A_154 : f32 to vector<1x128xf32>
    %add3A_156 = arith.addf %div3A_149, %add3A_155 : vector<1x128xf32>
    %sqrt3A_157 = math.sqrt %add3A_156 : vector<1x128xf32>
    %div3A_158 = vector.broadcast %sqrt3A_157 : vector<1x128xf32> to vector<10000x128xf32>
    %div3A_159 = arith.divf %mul3A_153, %div3A_158 : vector<10000x128xf32>
    %add3A_160 = vector.broadcast %get3A_134 : vector<1x128xf32> to vector<10000x128xf32>
    %add3A_161 = arith.addf %div3A_159, %add3A_160 : vector<10000x128xf32>
    %swap3A = arith.constant 0 : index
    %swap3A_162 = arith.constant 0 : index
    %swap3A_163 = vector.load %arg15[%swap3A, %swap3A_162] : memref<10000x128xf32, #tpu.memory_space<vmem>>, vector<10000x128xf32>
    tpu.vector_store %arg15[%swap3A, %swap3A_162], %add3A_161 {strides = array<i32>} : memref<10000x128xf32, #tpu.memory_space<vmem>>, vector<10000x128xf32>,
    return
  }
}

module attributes {stable_mosaic.version = 14 : i64} {
  func.func @_dense_kernel(%arg0: memref<10000x128xf32, #tpu.memory_space<vmem>>, %arg1: memref<10000x128xf32, #tpu.memory_space<vmem>>, %arg2: memref<10000x128xf32, #tpu.memory_space<vmem>>, %arg3: memref<10000x128xf32, #tpu.memory_space<vmem>>, %arg4: memref<128x128xf32, #tpu.memory_space<vmem>>, %arg5: memref<8x128xf32, #tpu.memory_space<vmem>>, %arg6: memref<128x128xf32, #tpu.memory_space<vmem>>, %arg7: memref<8x128xf32, #tpu.memory_space<vmem>>, %arg8: memref<128x128xf32, #tpu.memory_space<vmem>>, %arg9: memref<8x128xf32, #tpu.memory_space<vmem>>, %arg10: memref<128x256xf32, #tpu.memory_space<vmem>>, %arg11: memref<8x256xf32, #tpu.memory_space<vmem>>, %arg12: memref<256x128xf32, #tpu.memory_space<vmem>>, %arg13: memref<8x128xf32, #tpu.memory_space<vmem>>, %arg14: memref<8x128xf32, #tpu.memory_space<vmem>>, %arg15: memref<10000x128xf32, #tpu.memory_space<vmem>>) attributes {dimension_semantics = [], scalar_prefetch = 0 : i64, scratch_operands = 0 : i64, tpu.core_type = #tpu.core_type<tc>} {
    %get3A = arith.constant 0 : index
    %get3A_0 = arith.constant 0 : index
    %get3A_1 = vector.load %arg0[%get3A, %get3A_0] : memref<10000x128xf32, #tpu.memory_space<vmem>>, vector<10000x128xf32>
    %get3A_2 = arith.constant 0 : index
    %get3A_3 = arith.constant 0 : index
    %get3A_4 = vector.load %arg1[%get3A_2, %get3A_3] : memref<10000x128xf32, #tpu.memory_space<vmem>>, vector<10000x128xf32>
    %add3A = arith.addf %get3A_1, %get3A_4 : vector<10000x128xf32>
    %get3A_5 = arith.constant 0 : index
    %get3A_6 = arith.constant 0 : index
    %get3A_7 = vector.load %arg2[%get3A_5, %get3A_6] : memref<10000x128xf32, #tpu.memory_space<vmem>>, vector<10000x128xf32>
    %add3A_8 = arith.addf %add3A, %get3A_7 : vector<10000x128xf32>
    %get3A_9 = arith.constant 0 : index
    %get3A_10 = arith.constant 0 : index
    %get3A_11 = vector.load %arg4[%get3A_9, %get3A_10] : memref<128x128xf32, #tpu.memory_space<vmem>>, vector<128x128xf32>
    %dot_general3A = arith.constant dense<0.000000e+00> : vector<10000x128xf32>
    %dot_general3A_12 = tpu.matmul %add3A_8, %get3A_11, %dot_general3A {dimension_numbers = #tpu.dot_dimension_numbers<[1], [0], [0], [1], [0, 0, 1, 1], [], []>, transpose_lhs_hint = false} : vector<10000x128xf32>, vector<128x128xf32>, vector<10000x128xf32> -> vector<10000x128xf32>
    %get3A_13 = arith.constant 0 : index
    %get3A_14 = arith.constant 0 : index
    %get3A_15 = vector.load %arg5[%get3A_13, %get3A_14] : memref<8x128xf32, #tpu.memory_space<vmem>>, vector<1x128xf32>
    %add3A_16 = vector.broadcast %get3A_15 : vector<1x128xf32> to vector<10000x128xf32>
    %add3A_17 = arith.addf %dot_general3A_12, %add3A_16 : vector<10000x128xf32>
    %max3A = arith.constant 0.000000e+00 : f32
    %max3A_18 = vector.broadcast %max3A : f32 to vector<10000x128xf32>
    %max3A_19 = arith.maximumf %add3A_17, %max3A_18 : vector<10000x128xf32>
    %get3A_20 = arith.constant 0 : index
    %get3A_21 = arith.constant 0 : index
    %get3A_22 = vector.load %arg6[%get3A_20, %get3A_21] : memref<128x128xf32, #tpu.memory_space<vmem>>, vector<128x128xf32>
    %dot_general3A_23 = arith.constant dense<0.000000e+00> : vector<10000x128xf32>
    %dot_general3A_24 = tpu.matmul %max3A_19, %get3A_22, %dot_general3A_23 {dimension_numbers = #tpu.dot_dimension_numbers<[1], [0], [0], [1], [0, 0, 1, 1], [], []>, transpose_lhs_hint = false} : vector<10000x128xf32>, vector<128x128xf32>, vector<10000x128xf32> -> vector<10000x128xf32>
    %get3A_25 = arith.constant 0 : index
    %get3A_26 = arith.constant 0 : index
    %get3A_27 = vector.load %arg7[%get3A_25, %get3A_26] : memref<8x128xf32, #tpu.memory_space<vmem>>, vector<1x128xf32>
    %add3A_28 = vector.broadcast %get3A_27 : vector<1x128xf32> to vector<10000x128xf32>
    %add3A_29 = arith.addf %dot_general3A_24, %add3A_28 : vector<10000x128xf32>
    %add3A_30 = arith.addf %add3A_29, %get3A_1 : vector<10000x128xf32>
    %get3A_31 = arith.constant 0 : index
    %get3A_32 = arith.constant 0 : index
    %get3A_33 = vector.load %arg14[%get3A_31, %get3A_32] : memref<8x128xf32, #tpu.memory_space<vmem>>, vector<1x128xf32>
    %get3A_34 = arith.constant 3 : index
    %get3A_35 = arith.constant 0 : index
    %get3A_36 = vector.load %arg14[%get3A_34, %get3A_35] : memref<8x128xf32, #tpu.memory_space<vmem>>, vector<1x128xf32>
    %reduce_sum3A = arith.constant dense<0.000000e+00> : vector<128xf32>
    %reduce_sum3A_37 = vector.multi_reduction <add>, %add3A_30, %reduce_sum3A [0] : vector<10000x128xf32> to vector<128xf32>
    %broadcast_in_dim3A = vector.shape_cast %reduce_sum3A_37 : vector<128xf32> to vector<1x128xf32>
    %div3A = arith.constant 1.000000e+04 : f32
    %div3A_38 = vector.broadcast %div3A : f32 to vector<1x128xf32>
    %div3A_39 = arith.divf %broadcast_in_dim3A, %div3A_38 : vector<1x128xf32>
    %sub3A = vector.broadcast %div3A_39 : vector<1x128xf32> to vector<10000x128xf32>
    %sub3A_40 = arith.subf %add3A_30, %sub3A : vector<10000x128xf32>
    %integer_pow3A = arith.mulf %sub3A_40, %sub3A_40 : vector<10000x128xf32>
    %reduce_sum3A_41 = arith.constant dense<0.000000e+00> : vector<128xf32>
    %reduce_sum3A_42 = vector.multi_reduction <add>, %integer_pow3A, %reduce_sum3A_41 [0] : vector<10000x128xf32> to vector<128xf32>
    %broadcast_in_dim3A_43 = vector.shape_cast %reduce_sum3A_42 : vector<128xf32> to vector<1x128xf32>
    %div3A_44 = arith.constant 1.000000e+04 : f32
    %div3A_45 = vector.broadcast %div3A_44 : f32 to vector<1x128xf32>
    %div3A_46 = arith.divf %broadcast_in_dim3A_43, %div3A_45 : vector<1x128xf32>
    %sub3A_47 = vector.broadcast %div3A_39 : vector<1x128xf32> to vector<10000x128xf32>
    %sub3A_48 = arith.subf %add3A_30, %sub3A_47 : vector<10000x128xf32>
    %mul3A = vector.broadcast %get3A_33 : vector<1x128xf32> to vector<10000x128xf32>
    %mul3A_49 = arith.mulf %mul3A, %sub3A_48 : vector<10000x128xf32>
    %add3A_50 = arith.constant 9.99999974E-6 : f32
    %add3A_51 = vector.broadcast %add3A_50 : f32 to vector<1x128xf32>
    %add3A_52 = arith.addf %div3A_46, %add3A_51 : vector<1x128xf32>
    %sqrt3A = math.sqrt %add3A_52 : vector<1x128xf32>
    %div3A_53 = vector.broadcast %sqrt3A : vector<1x128xf32> to vector<10000x128xf32>
    %div3A_54 = arith.divf %mul3A_49, %div3A_53 : vector<10000x128xf32>
    %add3A_55 = vector.broadcast %get3A_36 : vector<1x128xf32> to vector<10000x128xf32>
    %add3A_56 = arith.addf %div3A_54, %add3A_55 : vector<10000x128xf32>
    %get3A_57 = arith.constant 0 : index
    %get3A_58 = arith.constant 0 : index
    %get3A_59 = vector.load %arg3[%get3A_57, %get3A_58] : memref<10000x128xf32, #tpu.memory_space<vmem>>, vector<10000x128xf32>
    %get3A_60 = arith.constant 0 : index
    %get3A_61 = arith.constant 0 : index
    %get3A_62 = vector.load %arg8[%get3A_60, %get3A_61] : memref<128x128xf32, #tpu.memory_space<vmem>>, vector<128x128xf32>
    %dot_general3A_63 = arith.constant dense<0.000000e+00> : vector<10000x128xf32>
    %dot_general3A_64 = tpu.matmul %get3A_59, %get3A_62, %dot_general3A_63 {dimension_numbers = #tpu.dot_dimension_numbers<[1], [0], [0], [1], [0, 0, 1, 1], [], []>, transpose_lhs_hint = false} : vector<10000x128xf32>, vector<128x128xf32>, vector<10000x128xf32> -> vector<10000x128xf32>
    %get3A_65 = arith.constant 0 : index
    %get3A_66 = arith.constant 0 : index
    %get3A_67 = vector.load %arg9[%get3A_65, %get3A_66] : memref<8x128xf32, #tpu.memory_space<vmem>>, vector<1x128xf32>
    %add3A_68 = vector.broadcast %get3A_67 : vector<1x128xf32> to vector<10000x128xf32>
    %add3A_69 = arith.addf %dot_general3A_64, %add3A_68 : vector<10000x128xf32>
    %add3A_70 = arith.addf %add3A_69, %get3A_1 : vector<10000x128xf32>
    %get3A_71 = arith.constant 1 : index
    %get3A_72 = arith.constant 0 : index
    %get3A_73 = vector.load %arg14[%get3A_71, %get3A_72] : memref<8x128xf32, #tpu.memory_space<vmem>>, vector<1x128xf32>
    %get3A_74 = arith.constant 4 : index
    %get3A_75 = arith.constant 0 : index
    %get3A_76 = vector.load %arg14[%get3A_74, %get3A_75] : memref<8x128xf32, #tpu.memory_space<vmem>>, vector<1x128xf32>
    %reduce_sum3A_77 = arith.constant dense<0.000000e+00> : vector<128xf32>
    %reduce_sum3A_78 = vector.multi_reduction <add>, %add3A_70, %reduce_sum3A_77 [0] : vector<10000x128xf32> to vector<128xf32>
    %broadcast_in_dim3A_79 = vector.shape_cast %reduce_sum3A_78 : vector<128xf32> to vector<1x128xf32>
    %div3A_80 = arith.constant 1.000000e+04 : f32
    %div3A_81 = vector.broadcast %div3A_80 : f32 to vector<1x128xf32>
    %div3A_82 = arith.divf %broadcast_in_dim3A_79, %div3A_81 : vector<1x128xf32>
    %sub3A_83 = vector.broadcast %div3A_82 : vector<1x128xf32> to vector<10000x128xf32>
    %sub3A_84 = arith.subf %add3A_70, %sub3A_83 : vector<10000x128xf32>
    %integer_pow3A_85 = arith.mulf %sub3A_84, %sub3A_84 : vector<10000x128xf32>
    %reduce_sum3A_86 = arith.constant dense<0.000000e+00> : vector<128xf32>
    %reduce_sum3A_87 = vector.multi_reduction <add>, %integer_pow3A_85, %reduce_sum3A_86 [0] : vector<10000x128xf32> to vector<128xf32>
    %broadcast_in_dim3A_88 = vector.shape_cast %reduce_sum3A_87 : vector<128xf32> to vector<1x128xf32>
    %div3A_89 = arith.constant 1.000000e+04 : f32
    %div3A_90 = vector.broadcast %div3A_89 : f32 to vector<1x128xf32>
    %div3A_91 = arith.divf %broadcast_in_dim3A_88, %div3A_90 : vector<1x128xf32>
    %sub3A_92 = vector.broadcast %div3A_82 : vector<1x128xf32> to vector<10000x128xf32>
    %sub3A_93 = arith.subf %add3A_70, %sub3A_92 : vector<10000x128xf32>
    %mul3A_94 = vector.broadcast %get3A_73 : vector<1x128xf32> to vector<10000x128xf32>
    %mul3A_95 = arith.mulf %mul3A_94, %sub3A_93 : vector<10000x128xf32>
    %add3A_96 = arith.constant 9.99999974E-6 : f32
    %add3A_97 = vector.broadcast %add3A_96 : f32 to vector<1x128xf32>
    %add3A_98 = arith.addf %div3A_91, %add3A_97 : vector<1x128xf32>
    %sqrt3A_99 = math.sqrt %add3A_98 : vector<1x128xf32>
    %div3A_100 = vector.broadcast %sqrt3A_99 : vector<1x128xf32> to vector<10000x128xf32>
    %div3A_101 = arith.divf %mul3A_95, %div3A_100 : vector<10000x128xf32>
    %add3A_102 = vector.broadcast %get3A_76 : vector<1x128xf32> to vector<10000x128xf32>
    %add3A_103 = arith.addf %div3A_101, %add3A_102 : vector<10000x128xf32>
    %add3A_104 = arith.addf %add3A_56, %add3A_103 : vector<10000x128xf32>
    %get3A_105 = arith.constant 0 : index
    %get3A_106 = arith.constant 0 : index
    %get3A_107 = vector.load %arg10[%get3A_105, %get3A_106] : memref<128x256xf32, #tpu.memory_space<vmem>>, vector<128x256xf32>
    %dot_general3A_108 = arith.constant dense<0.000000e+00> : vector<10000x256xf32>
    %dot_general3A_109 = tpu.matmul %add3A_104, %get3A_107, %dot_general3A_108 {dimension_numbers = #tpu.dot_dimension_numbers<[1], [0], [0], [1], [0, 0, 1, 1], [], []>, transpose_lhs_hint = false} : vector<10000x128xf32>, vector<128x256xf32>, vector<10000x256xf32> -> vector<10000x256xf32>
    %get3A_110 = arith.constant 0 : index
    %get3A_111 = arith.constant 0 : index
    %get3A_112 = vector.load %arg11[%get3A_110, %get3A_111] : memref<8x256xf32, #tpu.memory_space<vmem>>, vector<1x256xf32>
    %add3A_113 = vector.broadcast %get3A_112 : vector<1x256xf32> to vector<10000x256xf32>
    %add3A_114 = arith.addf %dot_general3A_109, %add3A_113 : vector<10000x256xf32>
    %max3A_115 = arith.constant 0.000000e+00 : f32
    %max3A_116 = vector.broadcast %max3A_115 : f32 to vector<10000x256xf32>
    %max3A_117 = arith.maximumf %add3A_114, %max3A_116 : vector<10000x256xf32>
    %get3A_118 = arith.constant 0 : index
    %get3A_119 = arith.constant 0 : index
    %get3A_120 = vector.load %arg12[%get3A_118, %get3A_119] : memref<256x128xf32, #tpu.memory_space<vmem>>, vector<256x128xf32>
    %dot_general3A_121 = arith.constant dense<0.000000e+00> : vector<10000x128xf32>
    %dot_general3A_122 = tpu.matmul %max3A_117, %get3A_120, %dot_general3A_121 {dimension_numbers = #tpu.dot_dimension_numbers<[1], [0], [0], [1], [0, 0, 1, 1], [], []>, transpose_lhs_hint = false} : vector<10000x256xf32>, vector<256x128xf32>, vector<10000x128xf32> -> vector<10000x128xf32>
    %get3A_123 = arith.constant 0 : index
    %get3A_124 = arith.constant 0 : index
    %get3A_125 = vector.load %arg13[%get3A_123, %get3A_124] : memref<8x128xf32, #tpu.memory_space<vmem>>, vector<1x128xf32>
    %add3A_126 = vector.broadcast %get3A_125 : vector<1x128xf32> to vector<10000x128xf32>
    %add3A_127 = arith.addf %dot_general3A_122, %add3A_126 : vector<10000x128xf32>
    %add3A_128 = arith.addf %add3A_104, %add3A_127 : vector<10000x128xf32>
    %get3A_129 = arith.constant 2 : index
    %get3A_130 = arith.constant 0 : index
    %get3A_131 = vector.load %arg14[%get3A_129, %get3A_130] : memref<8x128xf32, #tpu.memory_space<vmem>>, vector<1x128xf32>
    %get3A_132 = arith.constant 5 : index
    %get3A_133 = arith.constant 0 : index
    %get3A_134 = vector.load %arg14[%get3A_132, %get3A_133] : memref<8x128xf32, #tpu.memory_space<vmem>>, vector<1x128xf32>
    %reduce_sum3A_135 = arith.constant dense<0.000000e+00> : vector<128xf32>
    %reduce_sum3A_136 = vector.multi_reduction <add>, %add3A_128, %reduce_sum3A_135 [0] : vector<10000x128xf32> to vector<128xf32>
    %broadcast_in_dim3A_137 = vector.shape_cast %reduce_sum3A_136 : vector<128xf32> to vector<1x128xf32>
    %div3A_138 = arith.constant 1.000000e+04 : f32
    %div3A_139 = vector.broadcast %div3A_138 : f32 to vector<1x128xf32>
    %div3A_140 = arith.divf %broadcast_in_dim3A_137, %div3A_139 : vector<1x128xf32>
    %sub3A_141 = vector.broadcast %div3A_140 : vector<1x128xf32> to vector<10000x128xf32>
    %sub3A_142 = arith.subf %add3A_128, %sub3A_141 : vector<10000x128xf32>
    %integer_pow3A_143 = arith.mulf %sub3A_142, %sub3A_142 : vector<10000x128xf32>
    %reduce_sum3A_144 = arith.constant dense<0.000000e+00> : vector<128xf32>
    %reduce_sum3A_145 = vector.multi_reduction <add>, %integer_pow3A_143, %reduce_sum3A_144 [0] : vector<10000x128xf32> to vector<128xf32>
    %broadcast_in_dim3A_146 = vector.shape_cast %reduce_sum3A_145 : vector<128xf32> to vector<1x128xf32>
    %div3A_147 = arith.constant 1.000000e+04 : f32
    %div3A_148 = vector.broadcast %div3A_147 : f32 to vector<1x128xf32>
    %div3A_149 = arith.divf %broadcast_in_dim3A_146, %div3A_148 : vector<1x128xf32>
    %sub3A_150 = vector.broadcast %div3A_140 : vector<1x128xf32> to vector<10000x128xf32>
    %sub3A_151 = arith.subf %add3A_128, %sub3A_150 : vector<10000x128xf32>
    %mul3A_152 = vector.broadcast %get3A_131 : vector<1x128xf32> to vector<10000x128xf32>
    %mul3A_153 = arith.mulf %mul3A_152, %sub3A_151 : vector<10000x128xf32>
    %add3A_154 = arith.constant 9.99999974E-6 : f32
    %add3A_155 = vector.broadcast %add3A_154 : f32 to vector<1x128xf32>
    %add3A_156 = arith.addf %div3A_149, %add3A_155 : vector<1x128xf32>
    %sqrt3A_157 = math.sqrt %add3A_156 : vector<1x128xf32>
    %div3A_158 = vector.broadcast %sqrt3A_157 : vector<1x128xf32> to vector<10000x128xf32>
    %div3A_159 = arith.divf %mul3A_153, %div3A_158 : vector<10000x128xf32>
    %add3A_160 = vector.broadcast %get3A_134 : vector<1x128xf32> to vector<10000x128xf32>
    %add3A_161 = arith.addf %div3A_159, %add3A_160 : vector<10000x128xf32>
    %swap3A = arith.constant 0 : index
    %swap3A_162 = arith.constant 0 : index
    %swap3A_163 = vector.load %arg15[%swap3A, %swap3A_162] : memref<10000x128xf32, #tpu.memory_space<vmem>>, vector<10000x128xf32>
    tpu.vector_store %arg15[%swap3A, %swap3A_162], %add3A_161 {strides = array<i32>} : memref<10000x128xf32, #tpu.memory_space<vmem>>, vector<10000x128xf32>,
    return
  }
}

</mosaic_0001>

<sc_bundles>
// kernel: kernel.34.cloned.1.call-start
scs
__scs_entry_jumppad:
0x0: {  	(pc) =	sbr.rel $0x88, $3  }
0x1: {  	(tag) =	ssettag $0x0;
	lr =	simm.s32 $0x1  }
0x2: {  	[smem:$0x3F90] =	sst lr;
	_ =	strace $0xD0000000  }
0x3: {  	_ = 	snop  }
0x4: {  	_ = 	snop  }
0x5: {  	_ = 	snop  }
0x6: {  	_ = 	snop  }
0x7: {  	_ = 	snop  }
__scs_overlays_trampoline_lowered:
0x8: {  	[smem:$0x3F9F] =	sst s0  }
0x9: {  	[smem:$0x3FA0] =	sst s1  }
0xa: {  	[smem:$0x3FA1] =	sst s2  }
0xb: {  	[smem:$0x3FA2] =	sst s3  }
0xc: {  	[smem:$0x3FA3] =	sst s4  }
0xd: {  	[smem:$0x3FA4] =	sst s5  }
0xe: {  	[smem:$0x3FA5] =	sst s6  }
0xf: {  	[smem:$0x3FA6] =	sst s7  }
0x10: {  	[smem:$0x3FA7] =	sst s8  }
0x11: {  	[smem:$0x3FA8] =	sst s9;
	s0 =	simm.s32 @!p0 $0x0  }
0x12: {  	s1 =	sld [smem:$0x3F8E];
	s0 =	simm.s32 @p0 $0x1  }
0x13: {  	[smem:$0x3FA9] =	sst s0;
	s0 =	simm.s32 @!p1 $0x0  }
0x14: {  	s2 =	sld [smem:$0x3F8D];
	s0 =	simm.s32 @p1 $0x1  }
0x15: {  	[smem:$0x3FAA] =	sst s0;
	s0 =	simm.s32 @!p2 $0x0  }
0x16: {  	s3 =	sld [smem:$0x3FDB];
	s0 =	simm.s32 @p2 $0x1  }
0x17: {  	s4 =	simm.s32 $0x1BF5;
	[smem:$0x3FAC] =	sst s0  }
0x18: {  	s0 =	sld [smem:$0x3F8F];
	_ =	swait.ge [sflag:s4], $0x0  }
0x19: {  	s7 =	sld [smem:$0x3F90]  }
0x1a: {  	s8 =	sadd.s32 $0xFFFFE003, lr  }
0x1b: {  	s9 =	sadd.s32 $0xFFFFFEF7, lr;
	s5 =	simm.s32 $0xFFFFFFFF;
	p2 =	slt.u32 s8, $0xFFFFF086  }
0x1c: {  	p1 =	slt.u32 s9, $0xF7A;
	s5 =	simm.s32 @!p2 $0x0  }
0x1d: {  	s5 =	simm.s32 @p1 $0x1;
	p0 =	seq.s32 s7, s2  }
0x1e: {  	s7 =	smul.u32 @!p0 $0xF7A, s2;
	p2 =	seq.s32 @!p0 s5, $0x0  }
0x1f: {  	s9 =	smul.u32 $0xF7A, s1;
	s8 =	simm.s32 @!p0 $0x1BF5;
	p2 =	por !p2, p0  }
0x20: {  	[sflag:s8] =	ssyncset.s32 @!p0 $0xFFFFF086;
	s6 =	sadd.s32 @!p0 s3, s7;
	s7 =	simm.s32 @!p0 $0x108  }
0x21: {  	s3 =	sadd.s32 s3, s9;
	s6 =	sadd.s32 @!p0 $0x88, s6;
	s7 =	simm.s32 @p2 $0x1082  }
0x22: {  	[simem:s7], [sflag:s8] =	dma.local @!p0 [hbm:s6], $0xF7A  }
0x23: {  	s9 =	sor.u32 $0xD0000000, s2;
	s6 =	simm.s32 $0x108;
	_ =	swait.ge @!p0 [sflag:s8], $0x0  }
0x24: {  	s3 =	sadd.s32 $0x88, s3;
	s6 =	simm.s32 @!p1 $0x1082;
	[sflag:s4] =	ssyncset.s32 $0xFFFFF086  }
0x25: {  	[simem:s6], [sflag:s4] =	dma.local [hbm:s3], $0xF7A  }
0x26: {  	[smem:$0x3F90] =	sst s1;
	(tag) =	ssettag s2;
	_ =	strace s9  }
0x27: {  	s1 =	sld [smem:$0x3FA0]  }
0x28: {  	s2 =	sld [smem:$0x3FA1]  }
0x29: {  	s4 =	sld [smem:$0x3FA3]  }
0x2a: {  	p0 =	seq.s32 s5, $0x0;
	s5 =	sld [smem:$0x3FA4]  }
0x2b: {  	s6 =	sld [smem:$0x3FA5]  }
0x2c: {  	s7 =	sld [smem:$0x3FA6]  }
0x2d: {  	s3 =	simm.s32 $0x108;
	s8 =	sld [smem:$0x3FA7]  }
0x2e: {  	s3 =	simm.s32 @!p0 $0x1082;
	s9 =	sld [smem:$0x3FA8]  }
0x2f: {  	lr =	sadd.s32 s0, s3;
	s0 =	sld [smem:$0x3F9F]  }
0x30: {  	s3 =	sld [smem:$0x3FA2]  }
0x31: {  	[smem:$0x3FAB] =	sst s10  }
0x32: {  	s10 =	sld [smem:$0x3FA9];
	_ =	sdelay $0x3  }
0x33: {  	p0 =	seq.s32 s10, $0x1;
	s10 =	sld [smem:$0x3FAB];
	_ =	sdelay $0x3  }
0x34: {  	[smem:$0x3FAB] =	sst s10  }
0x35: {  	s10 =	sld [smem:$0x3FAA];
	_ =	sdelay $0x3  }
0x36: {  	p1 =	seq.s32 s10, $0x1;
	s10 =	sld [smem:$0x3FAB];
	_ =	sdelay $0x3  }
0x37: {  	[smem:$0x3FAB] =	sst s10  }
0x38: {  	s10 =	sld [smem:$0x3FAC]  }
0x39: {  	_ = 	snop;
	(pc) =	sbr.ind lr, $3  }
0x3a: {  	_ = 	snop  }
0x3b: {  	_ = 	snop  }
0x3c: {  	p2 =	seq.s32 s10, $0x1;
	s10 =	sld [smem:$0x3FAB]  }
0x3d: {  	_ =	shalt  }
0x3e: {  	_ =	shalt  }
0x3f: {  	_ =	shalt  }
0x40: {  	_ =	shalt  }
0x41: {  	_ =	shalt  }
0x42: {  	_ =	shalt  }
0x43: {  	_ =	shalt  }
0x44: {  	_ =	shalt  }
0x45: {  	_ =	shalt  }
0x46: {  	_ =	shalt  }
0x47: {  	_ =	shalt  }
0x48: {  	_ =	shalt  }
0x49: {  	_ =	shalt  }
0x4a: {  	_ =	shalt  }
0x4b: {  	_ =	shalt  }
0x4c: {  	_ =	shalt  }
0x4d: {  	_ =	shalt  }
0x4e: {  	_ =	shalt  }
0x4f: {  	_ =	shalt  }
0x50: {  	_ =	shalt  }
0x51: {  	_ =	shalt  }
0x52: {  	_ =	shalt  }
0x53: {  	_ =	shalt  }
0x54: {  	_ =	shalt  }
0x55: {  	_ =	shalt  }
0x56: {  	_ =	shalt  }
0x57: {  	_ =	shalt  }
0x58: {  	_ =	shalt  }
0x59: {  	_ =	shalt  }
0x5a: {  	_ =	shalt  }
0x5b: {  	_ =	shalt  }
0x5c: {  	_ =	shalt  }
0x5d: {  	_ =	shalt  }
0x5e: {  	_ =	shalt  }
0x5f: {  	_ =	shalt  }
0x60: {  	_ =	shalt  }
0x61: {  	_ =	shalt  }
0x62: {  	_ =	shalt  }
0x63: {  	_ =	shalt  }
0x64: {  	_ =	shalt  }
0x65: {  	_ =	shalt  }
0x66: {  	_ =	shalt  }
0x67: {  	_ =	shalt  }
0x68: {  	_ =	shalt  }
0x69: {  	_ =	shalt  }
0x6a: {  	_ =	shalt  }
0x6b: {  	_ =	shalt  }
0x6c: {  	_ =	shalt  }
0x6d: {  	_ =	shalt  }
0x6e: {  	_ =	shalt  }
0x6f: {  	_ =	shalt  }
0x70: {  	_ =	shalt  }
0x71: {  	_ =	shalt  }
0x72: {  	_ =	shalt  }
0x73: {  	_ =	shalt  }
0x74: {  	_ =	shalt  }
0x75: {  	_ =	shalt  }
0x76: {  	_ =	shalt  }
0x77: {  	_ =	shalt  }
0x78: {  	_ =	shalt  }
0x79: {  	_ =	shalt  }
0x7a: {  	_ =	shalt  }
0x7b: {  	_ =	shalt  }
0x7c: {  	_ =	shalt  }
0x7d: {  	_ =	shalt  }
0x7e: {  	_ =	shalt  }
0x7f: {  	_ =	shalt  }
0x80: {  	_ =	shalt  }
0x81: {  	_ =	shalt  }
0x82: {  	_ =	shalt  }
0x83: {  	_ =	shalt  }
0x84: {  	_ =	shalt  }
0x85: {  	_ =	shalt  }
0x86: {  	_ =	shalt  }
0x87: {  	_ =	shalt  }
.Lfunc_end0:
.L_simem_size_0:
called_computation_lowered:
.L_overlay_start_0:
0x88: {  	s2 =	sld [smem:$0x3FD9]  }
0x89: {  	s3 =	sld [smem:$0x3FFE];
	_ =	sdelay $0x1  }
0x8a: {  	s1 =	srdreg.scid  }
0x8b: {  	s0 =	sand.u32 $0x1, s1  }
0x8c: {  	s17 =	sshll.u32 s0, $0xA;
	s2 =	sadd.s32 s3, s2  }
0x8d: {  	s2 =	sadd.s32 s2, s17  }
0x8e: {  	[smem:$0x3FB7] =	sst s2  }
0x8f: {  	_ = 	snop  }
0x90: {  	s2 =	sld [smem:$0x3FC9]  }
0x91: {  	s18 =	sld [smem:$0x3FD0];
	(tm) =	ssettm $0x1  }
0x92: {  	s4 =	sld [smem:$0x3FFB];
	_ =	sdelay $0x3  }
0x93: {  	_ =	strace s4  }
0x94: {  	s4 =	sld [smem:$0x3FFC];
	_ =	sdelay $0x3  }
0x95: {  	_ =	strace s4  }
0x96: {  	s4 =	sld [smem:$0x3FFD];
	_ =	sdelay $0x3  }
0x97: {  	_ =	strace s4  }
0x98: {  	_ =	strace $0x8FFFFFFF  }
0x99: {  	s19 =	sld [smem:$0x3FDB];
	_ =	sdelay $0x1  }
0x9a: {  	s5 =	simm.s32 $_scs_section_size  }
0x9b: {  	s6 =	simm.s32 $_size__tile_overlayer_lowered;
	s7 =	simm.s32 $_tile_overlayer_lowered  }
0x9c: {  	s22 =	simm.s32 $0x1BFF;
	s21 =	sshll.u32 s7, $0x1;
	s4 =	sadd.s32 s5, s19  }
0x9d: {  	s8 =	simm.s32 $0x0;
	s20 =	sshll.u32 s6, $0x1;
	s6 =	sadd.s32 s21, s4  }
0x9e: {  	[timem:s8], [sflag:s22] =	dma.local [hbm:s6], s20  }
0x9f: {  	_ =	swait.ge [sflag:s22], s20  }
0xa0: {  	s5 =	ssub.s32 $0x0, s20;
	[sflag:s22] =	ssyncset.done $0x0  }
0xa1: {  	[sflag:s22] =	ssyncadd.s32 s5;
	_ =	sdelay $0x1  }
0xa2: {  	s23 =	simm.s32 $0x1B8B  }
0xa3: {  	_ =	swait.ge [sflag:s23], $0x1  }
0xa4: {  	[sflag:s23] =	ssyncset.done $0x0  }
0xa5: {  	s25 =	simm.s32 $0x1B8E;
	s24 =	sld [smem:$0x3FFE];
	[sflag:s23] =	ssyncadd.s32 $0xFFFFFFFF  }
0xa6: {  	s26 =	simm.s32 $execute0_lowered;
	[smem:$0x3FD2] =	sst s25  }
0xa7: {  	s6 =	sshll.u32 s26, $0x1;
	_ =	strace $0x80000046;
	[dreg:$0x1] =	wrdreg $0xFFFFFFFF  }
0xa8: {  	s28 =	simm.s32 $_size_execute0_lowered;
	s4 =	sadd.s32 s4, s6;
	[dreg:$0x0] =	wrdreg $0x0  }
0xa9: {  	s6 =	sshll.u32 s28, $0x1;
	[dreg:$0x2] =	wrdreg s4  }
0xaa: {  	[dreg:$0x3] =	wrdreg s6  }
0xab: {  	[dreg:$0x4] =	wrdreg $0xC0  }
0xac: {  	_ =	task [dreg:s8], $0x5FFFF  }
0xad: {  	[dreg:$0x1] =	wrdreg $0xFFFFFFFF  }
0xae: {  	[dreg:$0x0] =	wrdreg $0x60  }
0xaf: {  	[dreg:$0x2] =	wrdreg s2  }
0xb0: {  	[dreg:$0x3] =	wrdreg s24  }
0xb1: {  	[dreg:$0x4] =	wrdreg s18  }
0xb2: {  	[dreg:$0x5] =	wrdreg $0x29000  }
0xb3: {  	[dreg:$0x6] =	wrdreg $0x9  }
0xb4: {  	_ =	task.clear_ibuf [dreg:s8], $0x7FFFF;
	_ =	strace $0x90000046  }
0xb5: {  	s29 =	simm.s32 $0x9;
	_ =	strace $0x80000048  }
0xb6: {  	_ =	swait.ge [sflag:s29], $0x1  }
0xb7: {  	[sflag:s29] =	ssyncadd.s32 $0xFFFFFFFF  }
0xb8: {  	_ =	strace $0x90000048  }
0xb9: {  	_ =	sfence  }
0xba: {  	s30 =	sld [smem:$0x0];
	_ =	sdelay $0x2  }
0xbb: {  	s31 =	sshll.u32 s1, $0xD;
	s1 =	sshrl.u32 s1, $0x2  }
0xbc: {  	s3 =	sand.u32 $0x4000, s31;
	s1 =	sadd.s32 s1, s30  }
0xbd: {  	s0 =	sor.u32 s3, s0;
	s1 =	sshll.u32 s1, $0x11  }
0xbe: {  	s0 =	sor.u32 s1, s0  }
0xbf: {  	s0 =	sadd.s32 $0x8F2B, s0  }
0xc0: {  	[sflag:s0] =	ssyncadd.remote.s32 $0x1  }
0xc1: {  	_ =	sfence.sel $0xFFFF  }
0xc2: {  	[dreg:$0x0] =	wrdreg $0xFFFFFFFF;
	(pc) =	sbr.abs _section_cstart, $3  }
0xc3: {  	[dreg:$0x1] =	wrdreg $0xFFFFFFFF  }
0xc4: {  	_ =	task.clear_ibuf [dreg:s8], $0x2FFFF;
	_ =	strace $0x9FFFFFFF  }
0xc5: {  	(tm) =	ssettm $0x7FFFFFFF  }
tec
execute0_lowered:
.L_overlay_start_1:
0x0: {  	(tag) =	ssettag $0x1  }
0x1: {  	s0 =	rddreg [dreg:$0x0]  }
0x2: {  	s5 =	rddreg [dreg:$0x1];
	s2 =	srdreg.scid  }
0x3: {  	s1 =	rddreg [dreg:$0x2];
	s7 =	stileid.u32  }
0x4: {  	s3 =	rddreg [dreg:$0x3];
	s4 =	simm.s32 $0x0;
	s11 =	simm.s32 $0x80  }
0x5: {  	s12 =	simm.s32 $0x50;
	s6 =	sand.u32 $0x1, s2;
	s9 =	smul.u32 $0x2710, s7  }
0x6: {  	s13 =	simm.s32 $0x100;
	s2 =	rddreg [dreg:$0x4];
	s8 =	smul.u32 $0x27100, s6  }
0x7: {  	s14 =	simm.s32 $0x1;
	s15 =	simm.s32 $0x0;
	[smem:$0x7FF] =	sst s4  }
0x8: {  	p0 =	sne.s32 s7, $0x0;
	s6 =	ssub.s32 $0x2, s6;
	s9 =	sadd.s32 s9, s8  }
0x9: {  	_ =	strace $0x80000047;
	s10 =	sshrl.u32 s6, $0x1;
	s9 =	sshrl.u32 s9, $0x3  }
0xa: {  	s6 =	ssub.s32 s6, s10;
	s9 =	sadd.s32 s9, s5;
	s5 =	sadd.s32 s8, s5  }
0xb: {  	s10 =	simm.s32 $0x2;
	s6 =	smax.u32 s6, $0x1;
	s5 =	sadd.s32 $0x23000, s5  }
0xc: {  	s7 =	sadd.s32 $0xF400, s9;
	s8 =	sadd.s32 $0x19200, s9;
	s9 =	sshrl.u32 @!p0 s3, $0x3  }
.LBB2_1:
0xd: {  	s16 =	simm.s32 @!p0 $0x1C02  }
0xe: {  	[spmem:s9], [sflag:s16] =	dma.local @!p0 [hbm:s1], $0x27100  }
0xf: {  	s16 =	simm.s32 @!p0 $0x2  }
0x10: {  	_ =	swait.ge @!p0 [sflag:s16], $0x27100  }
0x11: {  	[sflag:s16] =	ssyncset.done @!p0 $0x0  }
0x12: {  	[sflag:s16] =	ssyncadd.s32 @!p0 $0xFFFD8F00  }
0x13: {  	s30 =	sadd.s32 $0x0, s8;
	[bflag:$0x0] =	sbarrier.arrive $0xFFFF  }
0x14: {  	[tilespmem:s4], [sflag:$0x2] =	stream.linear.gather [hbm4b:s30+s4], $0x50, $0x38;
	[tilespmem:$0x16180] =	vst v63  }
0x15: {  	_ =	swait.ge [sflag:s10], $0x50  }
0x16: {  	[sflag:s10] =	ssyncset.done $0x0  }
0x17: {  	s31 =	sadd.s32 $0x0, s7;
	[sflag:s10] =	ssyncadd.s32 $0xFFFFFFB0  }
0x18: {  	[tilespmem:s11], [sflag:$0x2] =	stream.linear.gather [hbm4b:s31+s4], $0x50, $0x38;
	[tilespmem:$0x16180] =	vst v63  }
0x19: {  	_ =	swait.ge [sflag:s10], $0x50  }
0x1a: {  	[sflag:s10] =	ssyncset.done $0x0  }
0x1b: {  	[sflag:s10] =	ssyncadd.s32 $0xFFFFFFB0  }
0x1c: {  	[tilespmem:s13], [sflag:$0x1] =	stream.indirect.gather [hbm4b:s0+s12], $0x80, s4, s12, $0xb8;
	[tilespmem:$0x16180] =	vst v63  }
0x1d: {  	_ =	swait.ge [sflag:s14], $0x2800  }
0x1e: {  	[sflag:s14] =	ssyncset.done $0x0  }
0x1f: {  	[sflag:s14] =	ssyncadd.s32 $0xFFFFD800  }
0x20: {  	[spmem:s3] =	stream.indirect.scatter.add.f32 [tilespmem:s13], [sflag:$0x2], $0x80, s11, s12, $0xb8;
	[tilespmem:$0x16180] =	vst v63  }
0x21: {  	_ =	swait.ge [sflag:s10], $0x2800  }
0x22: {  	s17 =	simm.s32 $0x14;
	s16 =	simm.s32 $0xA;
	[sflag:s10] =	ssyncset.done $0x0  }
.LBB2_2:
0x23: {  	s18 =	sadd.s32 s16, s8  }
0x24: {  	[sflag:s10] =	ssyncadd.s32 $0xFFFFD800;
	s19 =	smov.u32 s17;
	s20 =	sadd.s32 $0xA, s17  }
0x25: {  	[tilespmem:s4], [sflag:$0x2] =	stream.linear.gather [hbm4b:s18+s4], $0x50, $0x38;
	[tilespmem:$0x16180] =	vst v63  }
0x26: {  	p1 =	sne.s32 s17, $0x4D8;
	_ =	swait.ge [sflag:s10], $0x50  }
0x27: {  	[sflag:s10] =	ssyncset.done $0x0  }
0x28: {  	s17 =	sadd.s32 s16, s7;
	s16 =	smov.u32 s19;
	[sflag:s10] =	ssyncadd.s32 $0xFFFFFFB0  }
0x29: {  	[tilespmem:s11], [sflag:$0x2] =	stream.linear.gather [hbm4b:s17+s4], $0x50, $0x38;
	[tilespmem:$0x16180] =	vst v63  }
0x2a: {  	_ =	swait.ge [sflag:s10], $0x50  }
0x2b: {  	[sflag:s10] =	ssyncset.done $0x0  }
0x2c: {  	[sflag:s10] =	ssyncadd.s32 $0xFFFFFFB0  }
0x2d: {  	[tilespmem:s13], [sflag:$0x1] =	stream.indirect.gather [hbm4b:s0+s12], $0x80, s4, s12, $0xb8;
	[tilespmem:$0x16180] =	vst v63  }
0x2e: {  	_ =	swait.ge [sflag:s14], $0x2800  }
.Ltmp0:
0x2f: {  	[sflag:s14] =	ssyncset.done $0x0;
	(pc) =	sbr.rel @p1 .LBB2_2-.Ltmp0, $4  }
0x30: {  	[sflag:s14] =	ssyncadd.s32 $0xFFFFD800  }
0x31: {  	[spmem:s3] =	stream.indirect.scatter.add.f32 [tilespmem:s13], [sflag:$0x2], $0x80, s11, s12, $0xb8;
	[tilespmem:$0x16180] =	vst v63  }
0x32: {  	_ =	swait.ge [sflag:s10], $0x2800  }
0x33: {  	s17 =	smov.u32 s20;
	[sflag:s10] =	ssyncset.done $0x0  }
0x34: {  	s17 =	sadd.s32 s16, s8;
	[sflag:s10] =	ssyncadd.s32 $0xFFFFD800  }
0x35: {  	[tilespmem:s4], [sflag:$0x2] =	stream.linear.gather [hbm4b:s17+s4], $0x50, $0x38;
	[tilespmem:$0x16180] =	vst v63  }
0x36: {  	_ =	swait.ge [sflag:s10], $0x50  }
0x37: {  	[sflag:s10] =	ssyncset.done $0x0  }
0x38: {  	s31 =	sadd.s32 s16, s7;
	[sflag:s10] =	ssyncadd.s32 $0xFFFFFFB0  }
0x39: {  	[tilespmem:s11], [sflag:$0x2] =	stream.linear.gather [hbm4b:s31+s4], $0x50, $0x38;
	[tilespmem:$0x16180] =	vst v63  }
0x3a: {  	_ =	swait.ge [sflag:s10], $0x50  }
0x3b: {  	[sflag:s10] =	ssyncset.done $0x0  }
0x3c: {  	[sflag:s10] =	ssyncadd.s32 $0xFFFFFFB0  }
0x3d: {  	[tilespmem:s13], [sflag:$0x1] =	stream.indirect.gather [hbm4b:s0+s12], $0x80, s4, s12, $0xb8;
	[tilespmem:$0x16180] =	vst v63  }
0x3e: {  	_ =	swait.ge [sflag:s14], $0x2800  }
0x3f: {  	[sflag:s14] =	ssyncset.done $0x0  }
0x40: {  	[sflag:s14] =	ssyncadd.s32 $0xFFFFD800  }
0x41: {  	[spmem:s3] =	stream.indirect.scatter.add.f32 [tilespmem:s13], [sflag:$0x2], $0x80, s11, s12, $0xb8;
	[tilespmem:$0x16180] =	vst v63  }
0x42: {  	_ =	swait.ge [sflag:s10], $0x2800  }
0x43: {  	[sflag:s10] =	ssyncset.done $0x0  }
0x44: {  	s15 =	sadd.s32 $0x1, s15;
	[sflag:s10] =	ssyncadd.s32 $0xFFFFD800  }
0x45: {  	s16 =	simm.s32 @!p0 $0x1C02;
	p1 =	sne.s32 s15, s6;
	[bflag:$0x0] =	sbarrier.arrive $0xFFFF  }
0x46: {  	[hbm:s5], [sflag:s16] =	dma.local @!p0 [spmem:s9], $0x27100  }
.Ltmp1:
0x47: {  	_ = 	snop;
	(pc) =	sbr.rel @p1 .LBB2_1-.Ltmp1, $4  }
0x48: {  	s16 =	simm.s32 @!p0 $0x2  }
0x49: {  	_ =	swait.ge @!p0 [sflag:s16], $0x27100  }
0x4a: {  	[sflag:s16] =	ssyncset.done @!p0 $0x0  }
0x4b: {  	[sflag:s16] =	ssyncadd.s32 @!p0 $0xFFFD8F00  }
0x4c: {  	_ =	sfence.sel $0x180000  }
0x4d: {  	[bflag:$0x0] =	sbarrier.arrive $0xFFFF  }
0x4e: {  	_ =	strace $0x90000047  }
0x4f: {  	s0 =	sadd.s32 @!p0 $0x100000, s2;
	[bflag:$0x2] =	sbarrier.arrive $0xFFFF  }
0x50: {  	[sflag:s0] =	ssyncadd.tile.s32 @!p0 $0x1;
	_ =	shalt  }
.Lfunc_end2:
_tile_overlayer_lowered:
.L_overlay_start_2:
0x51: {  	(tag) =	ssettag $0x2  }
0x52: {  	s0 =	rddreg [dreg:$0x0];
	s2 =	stileid.u32  }
0x53: {  	s1 =	rddreg [dreg:$0x1];
	p0 =	sne.s32 s2, $0x0  }
0x54: {  	s3 =	rddreg [dreg:$0x2];
	[bflag:$0x3] =	sbarrier.arrive $0xFFFF;
	s2 =	simm.s32 @!p0 $0x1C02  }
0x55: {  	[timem:s3], [sflag:s2] =	dma.local @!p0 [hbm:s0], s1  }
0x56: {  	s0 =	simm.s32 @!p0 $0x2  }
0x57: {  	_ =	swait.ge @!p0 [sflag:s0], s1  }
0x58: {  	s1 =	ssub.s32 @!p0 $0x0, s1;
	[sflag:s0] =	ssyncset.done @!p0 $0x0  }
0x59: {  	[sflag:s0] =	ssyncadd.s32 @!p0 s1  }
0x5a: {  	[bflag:$0x3] =	sbarrier.arrive $0xFFFF  }
0x5b: {  	_ =	shalt  }

// kernel: kernel.37.cloned.1.call-start
scs
__scs_entry_jumppad:
0x0: {  	(pc) =	sbr.rel $0x88, $3  }
0x1: {  	(tag) =	ssettag $0x0;
	lr =	simm.s32 $0x1  }
0x2: {  	[smem:$0x3F90] =	sst lr;
	_ =	strace $0xD0000000  }
0x3: {  	_ = 	snop  }
0x4: {  	_ = 	snop  }
0x5: {  	_ = 	snop  }
0x6: {  	_ = 	snop  }
0x7: {  	_ = 	snop  }
__scs_overlays_trampoline_lowered:
0x8: {  	[smem:$0x3F9F] =	sst s0  }
0x9: {  	[smem:$0x3FA0] =	sst s1  }
0xa: {  	[smem:$0x3FA1] =	sst s2  }
0xb: {  	[smem:$0x3FA2] =	sst s3  }
0xc: {  	[smem:$0x3FA3] =	sst s4  }
0xd: {  	[smem:$0x3FA4] =	sst s5  }
0xe: {  	[smem:$0x3FA5] =	sst s6  }
0xf: {  	[smem:$0x3FA6] =	sst s7  }
0x10: {  	[smem:$0x3FA7] =	sst s8  }
0x11: {  	[smem:$0x3FA8] =	sst s9;
	s0 =	simm.s32 @!p0 $0x0  }
0x12: {  	s1 =	sld [smem:$0x3F8E];
	s0 =	simm.s32 @p0 $0x1  }
0x13: {  	[smem:$0x3FA9] =	sst s0;
	s0 =	simm.s32 @!p1 $0x0  }
0x14: {  	s2 =	sld [smem:$0x3F8D];
	s0 =	simm.s32 @p1 $0x1  }
0x15: {  	[smem:$0x3FAA] =	sst s0;
	s0 =	simm.s32 @!p2 $0x0  }
0x16: {  	s3 =	sld [smem:$0x3FDB];
	s0 =	simm.s32 @p2 $0x1  }
0x17: {  	s4 =	simm.s32 $0x1BF5;
	[smem:$0x3FAC] =	sst s0  }
0x18: {  	s0 =	sld [smem:$0x3F8F];
	_ =	swait.ge [sflag:s4], $0x0  }
0x19: {  	s7 =	sld [smem:$0x3F90]  }
0x1a: {  	s8 =	sadd.s32 $0xFFFFE003, lr  }
0x1b: {  	s9 =	sadd.s32 $0xFFFFFEF7, lr;
	s5 =	simm.s32 $0xFFFFFFFF;
	p2 =	slt.u32 s8, $0xFFFFF086  }
0x1c: {  	p1 =	slt.u32 s9, $0xF7A;
	s5 =	simm.s32 @!p2 $0x0  }
0x1d: {  	s5 =	simm.s32 @p1 $0x1;
	p0 =	seq.s32 s7, s2  }
0x1e: {  	s7 =	smul.u32 @!p0 $0xF7A, s2;
	p2 =	seq.s32 @!p0 s5, $0x0  }
0x1f: {  	s9 =	smul.u32 $0xF7A, s1;
	s8 =	simm.s32 @!p0 $0x1BF5;
	p2 =	por !p2, p0  }
0x20: {  	[sflag:s8] =	ssyncset.s32 @!p0 $0xFFFFF086;
	s6 =	sadd.s32 @!p0 s3, s7;
	s7 =	simm.s32 @!p0 $0x108  }
0x21: {  	s3 =	sadd.s32 s3, s9;
	s6 =	sadd.s32 @!p0 $0x88, s6;
	s7 =	simm.s32 @p2 $0x1082  }
0x22: {  	[simem:s7], [sflag:s8] =	dma.local @!p0 [hbm:s6], $0xF7A  }
0x23: {  	s9 =	sor.u32 $0xD0000000, s2;
	s6 =	simm.s32 $0x108;
	_ =	swait.ge @!p0 [sflag:s8], $0x0  }
0x24: {  	s3 =	sadd.s32 $0x88, s3;
	s6 =	simm.s32 @!p1 $0x1082;
	[sflag:s4] =	ssyncset.s32 $0xFFFFF086  }
0x25: {  	[simem:s6], [sflag:s4] =	dma.local [hbm:s3], $0xF7A  }
0x26: {  	[smem:$0x3F90] =	sst s1;
	(tag) =	ssettag s2;
	_ =	strace s9  }
0x27: {  	s1 =	sld [smem:$0x3FA0]  }
0x28: {  	s2 =	sld [smem:$0x3FA1]  }
0x29: {  	s4 =	sld [smem:$0x3FA3]  }
0x2a: {  	p0 =	seq.s32 s5, $0x0;
	s5 =	sld [smem:$0x3FA4]  }
0x2b: {  	s6 =	sld [smem:$0x3FA5]  }
0x2c: {  	s7 =	sld [smem:$0x3FA6]  }
0x2d: {  	s3 =	simm.s32 $0x108;
	s8 =	sld [smem:$0x3FA7]  }
0x2e: {  	s3 =	simm.s32 @!p0 $0x1082;
	s9 =	sld [smem:$0x3FA8]  }
0x2f: {  	lr =	sadd.s32 s0, s3;
	s0 =	sld [smem:$0x3F9F]  }
0x30: {  	s3 =	sld [smem:$0x3FA2]  }
0x31: {  	[smem:$0x3FAB] =	sst s10  }
0x32: {  	s10 =	sld [smem:$0x3FA9];
	_ =	sdelay $0x3  }
0x33: {  	p0 =	seq.s32 s10, $0x1;
	s10 =	sld [smem:$0x3FAB];
	_ =	sdelay $0x3  }
0x34: {  	[smem:$0x3FAB] =	sst s10  }
0x35: {  	s10 =	sld [smem:$0x3FAA];
	_ =	sdelay $0x3  }
0x36: {  	p1 =	seq.s32 s10, $0x1;
	s10 =	sld [smem:$0x3FAB];
	_ =	sdelay $0x3  }
0x37: {  	[smem:$0x3FAB] =	sst s10  }
0x38: {  	s10 =	sld [smem:$0x3FAC]  }
0x39: {  	_ = 	snop;
	(pc) =	sbr.ind lr, $3  }
0x3a: {  	_ = 	snop  }
0x3b: {  	_ = 	snop  }
0x3c: {  	p2 =	seq.s32 s10, $0x1;
	s10 =	sld [smem:$0x3FAB]  }
0x3d: {  	_ =	shalt  }
0x3e: {  	_ =	shalt  }
0x3f: {  	_ =	shalt  }
0x40: {  	_ =	shalt  }
0x41: {  	_ =	shalt  }
0x42: {  	_ =	shalt  }
0x43: {  	_ =	shalt  }
0x44: {  	_ =	shalt  }
0x45: {  	_ =	shalt  }
0x46: {  	_ =	shalt  }
0x47: {  	_ =	shalt  }
0x48: {  	_ =	shalt  }
0x49: {  	_ =	shalt  }
0x4a: {  	_ =	shalt  }
0x4b: {  	_ =	shalt  }
0x4c: {  	_ =	shalt  }
0x4d: {  	_ =	shalt  }
0x4e: {  	_ =	shalt  }
0x4f: {  	_ =	shalt  }
0x50: {  	_ =	shalt  }
0x51: {  	_ =	shalt  }
0x52: {  	_ =	shalt  }
0x53: {  	_ =	shalt  }
0x54: {  	_ =	shalt  }
0x55: {  	_ =	shalt  }
0x56: {  	_ =	shalt  }
0x57: {  	_ =	shalt  }
0x58: {  	_ =	shalt  }
0x59: {  	_ =	shalt  }
0x5a: {  	_ =	shalt  }
0x5b: {  	_ =	shalt  }
0x5c: {  	_ =	shalt  }
0x5d: {  	_ =	shalt  }
0x5e: {  	_ =	shalt  }
0x5f: {  	_ =	shalt  }
0x60: {  	_ =	shalt  }
0x61: {  	_ =	shalt  }
0x62: {  	_ =	shalt  }
0x63: {  	_ =	shalt  }
0x64: {  	_ =	shalt  }
0x65: {  	_ =	shalt  }
0x66: {  	_ =	shalt  }
0x67: {  	_ =	shalt  }
0x68: {  	_ =	shalt  }
0x69: {  	_ =	shalt  }
0x6a: {  	_ =	shalt  }
0x6b: {  	_ =	shalt  }
0x6c: {  	_ =	shalt  }
0x6d: {  	_ =	shalt  }
0x6e: {  	_ =	shalt  }
0x6f: {  	_ =	shalt  }
0x70: {  	_ =	shalt  }
0x71: {  	_ =	shalt  }
0x72: {  	_ =	shalt  }
0x73: {  	_ =	shalt  }
0x74: {  	_ =	shalt  }
0x75: {  	_ =	shalt  }
0x76: {  	_ =	shalt  }
0x77: {  	_ =	shalt  }
0x78: {  	_ =	shalt  }
0x79: {  	_ =	shalt  }
0x7a: {  	_ =	shalt  }
0x7b: {  	_ =	shalt  }
0x7c: {  	_ =	shalt  }
0x7d: {  	_ =	shalt  }
0x7e: {  	_ =	shalt  }
0x7f: {  	_ =	shalt  }
0x80: {  	_ =	shalt  }
0x81: {  	_ =	shalt  }
0x82: {  	_ =	shalt  }
0x83: {  	_ =	shalt  }
0x84: {  	_ =	shalt  }
0x85: {  	_ =	shalt  }
0x86: {  	_ =	shalt  }
0x87: {  	_ =	shalt  }
.Lfunc_end0:
.L_simem_size_0:
called_computation.1_lowered:
.L_overlay_start_0:
0x88: {  	s2 =	sld [smem:$0x3FD9]  }
0x89: {  	s3 =	sld [smem:$0x3FFE];
	_ =	sdelay $0x1  }
0x8a: {  	s1 =	srdreg.scid  }
0x8b: {  	s0 =	sand.u32 $0x1, s1  }
0x8c: {  	s17 =	sshll.u32 s0, $0xA;
	s2 =	sadd.s32 s3, s2  }
0x8d: {  	s2 =	sadd.s32 s2, s17  }
0x8e: {  	[smem:$0x3FB7] =	sst s2  }
0x8f: {  	_ = 	snop  }
0x90: {  	s2 =	sld [smem:$0x3FD0];
	(tm) =	ssettm $0x1  }
0x91: {  	s18 =	sld [smem:$0x3FFB];
	_ =	sdelay $0x3  }
0x92: {  	_ =	strace s18  }
0x93: {  	s3 =	sld [smem:$0x3FFC];
	_ =	sdelay $0x3  }
0x94: {  	_ =	strace s3  }
0x95: {  	s3 =	sld [smem:$0x3FFD];
	_ =	sdelay $0x3  }
0x96: {  	_ =	strace s3  }
0x97: {  	_ =	strace $0x8FFFFFFF  }
0x98: {  	s19 =	sld [smem:$0x3FDB];
	_ =	sdelay $0x1  }
0x99: {  	s4 =	simm.s32 $_scs_section_size  }
0x9a: {  	s5 =	simm.s32 $_size__tile_overlayer_lowered;
	s6 =	simm.s32 $_tile_overlayer_lowered  }
0x9b: {  	s22 =	simm.s32 $0x1BFF;
	s21 =	sshll.u32 s6, $0x1;
	s3 =	sadd.s32 s4, s19  }
0x9c: {  	s7 =	simm.s32 $0x0;
	s20 =	sshll.u32 s5, $0x1;
	s5 =	sadd.s32 s21, s3  }
0x9d: {  	[timem:s7], [sflag:s22] =	dma.local [hbm:s5], s20  }
0x9e: {  	_ =	swait.ge [sflag:s22], s20  }
0x9f: {  	s4 =	ssub.s32 $0x0, s20;
	[sflag:s22] =	ssyncset.done $0x0  }
0xa0: {  	[sflag:s22] =	ssyncadd.s32 s4;
	_ =	sdelay $0x1  }
0xa1: {  	s23 =	simm.s32 $0x1B8B  }
0xa2: {  	_ =	swait.ge [sflag:s23], $0x1  }
0xa3: {  	[sflag:s23] =	ssyncset.done $0x0  }
0xa4: {  	s25 =	simm.s32 $0x1B8E;
	s24 =	sld [smem:$0x3FFE];
	[sflag:s23] =	ssyncadd.s32 $0xFFFFFFFF  }
0xa5: {  	s26 =	simm.s32 $execute0_lowered;
	[smem:$0x3FD2] =	sst s25  }
0xa6: {  	s5 =	sshll.u32 s26, $0x1;
	_ =	strace $0x80000049;
	[dreg:$0x1] =	wrdreg $0xFFFFFFFF  }
0xa7: {  	s28 =	simm.s32 $_size_execute0_lowered;
	s3 =	sadd.s32 s3, s5;
	[dreg:$0x0] =	wrdreg $0x0  }
0xa8: {  	s5 =	sshll.u32 s28, $0x1;
	[dreg:$0x2] =	wrdreg s3  }
0xa9: {  	[dreg:$0x3] =	wrdreg s5  }
0xaa: {  	[dreg:$0x4] =	wrdreg $0xC0  }
0xab: {  	_ =	task [dreg:s7], $0x5FFFF  }
0xac: {  	[dreg:$0x1] =	wrdreg $0xFFFFFFFF  }
0xad: {  	[dreg:$0x0] =	wrdreg $0x60  }
0xae: {  	[dreg:$0x2] =	wrdreg s24  }
0xaf: {  	[dreg:$0x3] =	wrdreg s2  }
0xb0: {  	[dreg:$0x4] =	wrdreg $0x29000  }
0xb1: {  	[dreg:$0x5] =	wrdreg $0x9  }
0xb2: {  	_ =	task.clear_ibuf [dreg:s7], $0x6FFFF;
	_ =	strace $0x90000049  }
0xb3: {  	s29 =	simm.s32 $0x9;
	_ =	strace $0x8000004B  }
0xb4: {  	_ =	swait.ge [sflag:s29], $0x1  }
0xb5: {  	[sflag:s29] =	ssyncadd.s32 $0xFFFFFFFF  }
0xb6: {  	_ =	strace $0x9000004B  }
0xb7: {  	_ =	sfence  }
0xb8: {  	s30 =	sld [smem:$0x0];
	_ =	sdelay $0x2  }
0xb9: {  	s31 =	sshll.u32 s1, $0xD;
	s1 =	sshrl.u32 s1, $0x2  }
0xba: {  	s3 =	sand.u32 $0x4000, s31;
	s1 =	sadd.s32 s1, s30  }
0xbb: {  	s0 =	sor.u32 s3, s0;
	s1 =	sshll.u32 s1, $0x11  }
0xbc: {  	s0 =	sor.u32 s1, s0  }
0xbd: {  	s0 =	sadd.s32 $0x8F2B, s0  }
0xbe: {  	[sflag:s0] =	ssyncadd.remote.s32 $0x1  }
0xbf: {  	_ =	sfence.sel $0xFFFF  }
0xc0: {  	[dreg:$0x0] =	wrdreg $0xFFFFFFFF;
	(pc) =	sbr.abs _section_cstart, $3  }
0xc1: {  	[dreg:$0x1] =	wrdreg $0xFFFFFFFF  }
0xc2: {  	_ =	task.clear_ibuf [dreg:s7], $0x2FFFF;
	_ =	strace $0x9FFFFFFF  }
0xc3: {  	(tm) =	ssettm $0x7FFFFFFF  }
tec
execute0_lowered:
.L_overlay_start_1:
0x0: {  	(tag) =	ssettag $0x1  }
0x1: {  	s5 =	rddreg [dreg:$0x0]  }
0x2: {  	s0 =	rddreg [dreg:$0x1];
	s1 =	srdreg.scid  }
0x3: {  	s2 =	rddreg [dreg:$0x2];
	s7 =	stileid.u32  }
0x4: {  	s3 =	simm.s32 $0x0;
	s11 =	simm.s32 $0x80;
	s12 =	simm.s32 $0x50  }
0x5: {  	s13 =	simm.s32 $0x100;
	s14 =	simm.s32 $0x1;
	s15 =	simm.s32 $0x0  }
0x6: {  	s4 =	sand.u32 $0x1, s1;
	s1 =	rddreg [dreg:$0x3];
	s8 =	smul.u32 $0x2710, s7  }
0x7: {  	[smem:$0x7FF] =	sst s3;
	s6 =	smul.u32 $0x27100, s4;
	s9 =	ssub.s32 $0x2, s4  }
0x8: {  	p0 =	sne.s32 s7, $0x0;
	_ =	strace $0x8000004A;
	s10 =	sshrl.u32 s9, $0x1  }
0x9: {  	s4 =	sadd.s32 $0x77A00, s5;
	s8 =	sadd.s32 s8, s6;
	s31 =	ssub.s32 s9, s10  }
0xa: {  	s9 =	sshrl.u32 @!p0 s2, $0x3;
	s10 =	simm.s32 $0x2;
	s8 =	sshrl.u32 s8, $0x3  }
0xb: {  	s8 =	sadd.s32 s8, s5;
	s5 =	sadd.s32 s6, s5;
	s6 =	smax.u32 s31, $0x1  }
0xc: {  	s5 =	sadd.s32 $0x23000, s5;
	s7 =	sadd.s32 $0xF400, s8;
	s8 =	sadd.s32 $0x19200, s8  }
.LBB2_1:
0xd: {  	s16 =	simm.s32 @!p0 $0x1C02  }
0xe: {  	[spmem:s9], [sflag:s16] =	dma.local @!p0 [hbm:s0], $0x27100  }
0xf: {  	s16 =	simm.s32 @!p0 $0x2  }
0x10: {  	_ =	swait.ge @!p0 [sflag:s16], $0x27100  }
0x11: {  	[sflag:s16] =	ssyncset.done @!p0 $0x0  }
0x12: {  	[sflag:s16] =	ssyncadd.s32 @!p0 $0xFFFD8F00  }
0x13: {  	s30 =	sadd.s32 $0x0, s8;
	[bflag:$0x0] =	sbarrier.arrive $0xFFFF  }
0x14: {  	[tilespmem:s3], [sflag:$0x2] =	stream.linear.gather [hbm4b:s30+s3], $0x50, $0x38;
	[tilespmem:$0x16180] =	vst v63  }
0x15: {  	_ =	swait.ge [sflag:s10], $0x50  }
0x16: {  	[sflag:s10] =	ssyncset.done $0x0  }
0x17: {  	s31 =	sadd.s32 $0x0, s7;
	[sflag:s10] =	ssyncadd.s32 $0xFFFFFFB0  }
0x18: {  	[tilespmem:s11], [sflag:$0x2] =	stream.linear.gather [hbm4b:s31+s3], $0x50, $0x38;
	[tilespmem:$0x16180] =	vst v63  }
0x19: {  	_ =	swait.ge [sflag:s10], $0x50  }
0x1a: {  	[sflag:s10] =	ssyncset.done $0x0  }
0x1b: {  	[sflag:s10] =	ssyncadd.s32 $0xFFFFFFB0  }
0x1c: {  	[tilespmem:s13], [sflag:$0x1] =	stream.indirect.gather [hbm4b:s4+s12], $0x80, s3, s12, $0xb8;
	[tilespmem:$0x16180] =	vst v63  }
0x1d: {  	_ =	swait.ge [sflag:s14], $0x2800  }
0x1e: {  	[sflag:s14] =	ssyncset.done $0x0  }
0x1f: {  	[sflag:s14] =	ssyncadd.s32 $0xFFFFD800  }
0x20: {  	[spmem:s2] =	stream.indirect.scatter.add.f32 [tilespmem:s13], [sflag:$0x2], $0x80, s11, s12, $0xb8;
	[tilespmem:$0x16180] =	vst v63  }
0x21: {  	_ =	swait.ge [sflag:s10], $0x2800  }
0x22: {  	s17 =	simm.s32 $0x14;
	s16 =	simm.s32 $0xA;
	[sflag:s10] =	ssyncset.done $0x0  }
.LBB2_2:
0x23: {  	s18 =	sadd.s32 s16, s8  }
0x24: {  	[sflag:s10] =	ssyncadd.s32 $0xFFFFD800;
	s19 =	smov.u32 s17;
	s20 =	sadd.s32 $0xA, s17  }
0x25: {  	[tilespmem:s3], [sflag:$0x2] =	stream.linear.gather [hbm4b:s18+s3], $0x50, $0x38;
	[tilespmem:$0x16180] =	vst v63  }
0x26: {  	p1 =	sne.s32 s17, $0x4D8;
	_ =	swait.ge [sflag:s10], $0x50  }
0x27: {  	[sflag:s10] =	ssyncset.done $0x0  }
0x28: {  	s17 =	sadd.s32 s16, s7;
	s16 =	smov.u32 s19;
	[sflag:s10] =	ssyncadd.s32 $0xFFFFFFB0  }
0x29: {  	[tilespmem:s11], [sflag:$0x2] =	stream.linear.gather [hbm4b:s17+s3], $0x50, $0x38;
	[tilespmem:$0x16180] =	vst v63  }
0x2a: {  	_ =	swait.ge [sflag:s10], $0x50  }
0x2b: {  	[sflag:s10] =	ssyncset.done $0x0  }
0x2c: {  	[sflag:s10] =	ssyncadd.s32 $0xFFFFFFB0  }
0x2d: {  	[tilespmem:s13], [sflag:$0x1] =	stream.indirect.gather [hbm4b:s4+s12], $0x80, s3, s12, $0xb8;
	[tilespmem:$0x16180] =	vst v63  }
0x2e: {  	_ =	swait.ge [sflag:s14], $0x2800  }
.Ltmp0:
0x2f: {  	[sflag:s14] =	ssyncset.done $0x0;
	(pc) =	sbr.rel @p1 .LBB2_2-.Ltmp0, $4  }
0x30: {  	[sflag:s14] =	ssyncadd.s32 $0xFFFFD800  }
0x31: {  	[spmem:s2] =	stream.indirect.scatter.add.f32 [tilespmem:s13], [sflag:$0x2], $0x80, s11, s12, $0xb8;
	[tilespmem:$0x16180] =	vst v63  }
0x32: {  	_ =	swait.ge [sflag:s10], $0x2800  }
0x33: {  	s17 =	smov.u32 s20;
	[sflag:s10] =	ssyncset.done $0x0  }
0x34: {  	s17 =	sadd.s32 s16, s8;
	[sflag:s10] =	ssyncadd.s32 $0xFFFFD800  }
0x35: {  	[tilespmem:s3], [sflag:$0x2] =	stream.linear.gather [hbm4b:s17+s3], $0x50, $0x38;
	[tilespmem:$0x16180] =	vst v63  }
0x36: {  	_ =	swait.ge [sflag:s10], $0x50  }
0x37: {  	[sflag:s10] =	ssyncset.done $0x0  }
0x38: {  	s31 =	sadd.s32 s16, s7;
	[sflag:s10] =	ssyncadd.s32 $0xFFFFFFB0  }
0x39: {  	[tilespmem:s11], [sflag:$0x2] =	stream.linear.gather [hbm4b:s31+s3], $0x50, $0x38;
	[tilespmem:$0x16180] =	vst v63  }
0x3a: {  	_ =	swait.ge [sflag:s10], $0x50  }
0x3b: {  	[sflag:s10] =	ssyncset.done $0x0  }
0x3c: {  	[sflag:s10] =	ssyncadd.s32 $0xFFFFFFB0  }
0x3d: {  	[tilespmem:s13], [sflag:$0x1] =	stream.indirect.gather [hbm4b:s4+s12], $0x80, s3, s12, $0xb8;
	[tilespmem:$0x16180] =	vst v63  }
0x3e: {  	_ =	swait.ge [sflag:s14], $0x2800  }
0x3f: {  	[sflag:s14] =	ssyncset.done $0x0  }
0x40: {  	[sflag:s14] =	ssyncadd.s32 $0xFFFFD800  }
0x41: {  	[spmem:s2] =	stream.indirect.scatter.add.f32 [tilespmem:s13], [sflag:$0x2], $0x80, s11, s12, $0xb8;
	[tilespmem:$0x16180] =	vst v63  }
0x42: {  	_ =	swait.ge [sflag:s10], $0x2800  }
0x43: {  	[sflag:s10] =	ssyncset.done $0x0  }
0x44: {  	s15 =	sadd.s32 $0x1, s15;
	[sflag:s10] =	ssyncadd.s32 $0xFFFFD800  }
0x45: {  	s16 =	simm.s32 @!p0 $0x1C02;
	p1 =	sne.s32 s15, s6;
	[bflag:$0x0] =	sbarrier.arrive $0xFFFF  }
0x46: {  	[hbm:s5], [sflag:s16] =	dma.local @!p0 [spmem:s9], $0x27100  }
.Ltmp1:
0x47: {  	_ = 	snop;
	(pc) =	sbr.rel @p1 .LBB2_1-.Ltmp1, $4  }
0x48: {  	s16 =	simm.s32 @!p0 $0x2  }
0x49: {  	_ =	swait.ge @!p0 [sflag:s16], $0x27100  }
0x4a: {  	[sflag:s16] =	ssyncset.done @!p0 $0x0  }
0x4b: {  	[sflag:s16] =	ssyncadd.s32 @!p0 $0xFFFD8F00  }
0x4c: {  	_ =	sfence.sel $0x180000  }
0x4d: {  	[bflag:$0x0] =	sbarrier.arrive $0xFFFF  }
0x4e: {  	_ =	strace $0x9000004A  }
0x4f: {  	s0 =	sadd.s32 @!p0 $0x100000, s1;
	[bflag:$0x2] =	sbarrier.arrive $0xFFFF  }
0x50: {  	[sflag:s0] =	ssyncadd.tile.s32 @!p0 $0x1;
	_ =	shalt  }
.Lfunc_end2:
_tile_overlayer_lowered:
.L_overlay_start_2:
0x51: {  	(tag) =	ssettag $0x2  }
0x52: {  	s0 =	rddreg [dreg:$0x0];
	s2 =	stileid.u32  }
0x53: {  	s1 =	rddreg [dreg:$0x1];
	p0 =	sne.s32 s2, $0x0  }
0x54: {  	s3 =	rddreg [dreg:$0x2];
	[bflag:$0x3] =	sbarrier.arrive $0xFFFF;
	s2 =	simm.s32 @!p0 $0x1C02  }
0x55: {  	[timem:s3], [sflag:s2] =	dma.local @!p0 [hbm:s0], s1  }
0x56: {  	s0 =	simm.s32 @!p0 $0x2  }
0x57: {  	_ =	swait.ge @!p0 [sflag:s0], s1  }
0x58: {  	s1 =	ssub.s32 @!p0 $0x0, s1;
	[sflag:s0] =	ssyncset.done @!p0 $0x0  }
0x59: {  	[sflag:s0] =	ssyncadd.s32 @!p0 s1  }
0x5a: {  	[bflag:$0x3] =	sbarrier.arrive $0xFFFF  }
0x5b: {  	_ =	shalt  }

// kernel: kernel.40.cloned.1.call-start
scs
__scs_entry_jumppad:
0x0: {  	(pc) =	sbr.rel $0x88, $3  }
0x1: {  	(tag) =	ssettag $0x0;
	lr =	simm.s32 $0x1  }
0x2: {  	[smem:$0x3F90] =	sst lr;
	_ =	strace $0xD0000000  }
0x3: {  	_ = 	snop  }
0x4: {  	_ = 	snop  }
0x5: {  	_ = 	snop  }
0x6: {  	_ = 	snop  }
0x7: {  	_ = 	snop  }
__scs_overlays_trampoline_lowered:
0x8: {  	[smem:$0x3F9F] =	sst s0  }
0x9: {  	[smem:$0x3FA0] =	sst s1  }
0xa: {  	[smem:$0x3FA1] =	sst s2  }
0xb: {  	[smem:$0x3FA2] =	sst s3  }
0xc: {  	[smem:$0x3FA3] =	sst s4  }
0xd: {  	[smem:$0x3FA4] =	sst s5  }
0xe: {  	[smem:$0x3FA5] =	sst s6  }
0xf: {  	[smem:$0x3FA6] =	sst s7  }
0x10: {  	[smem:$0x3FA7] =	sst s8  }
0x11: {  	[smem:$0x3FA8] =	sst s9;
	s0 =	simm.s32 @!p0 $0x0  }
0x12: {  	s1 =	sld [smem:$0x3F8E];
	s0 =	simm.s32 @p0 $0x1  }
0x13: {  	[smem:$0x3FA9] =	sst s0;
	s0 =	simm.s32 @!p1 $0x0  }
0x14: {  	s2 =	sld [smem:$0x3F8D];
	s0 =	simm.s32 @p1 $0x1  }
0x15: {  	[smem:$0x3FAA] =	sst s0;
	s0 =	simm.s32 @!p2 $0x0  }
0x16: {  	s3 =	sld [smem:$0x3FDB];
	s0 =	simm.s32 @p2 $0x1  }
0x17: {  	s4 =	simm.s32 $0x1BF5;
	[smem:$0x3FAC] =	sst s0  }
0x18: {  	s0 =	sld [smem:$0x3F8F];
	_ =	swait.ge [sflag:s4], $0x0  }
0x19: {  	s7 =	sld [smem:$0x3F90]  }
0x1a: {  	s8 =	sadd.s32 $0xFFFFE003, lr  }
0x1b: {  	s9 =	sadd.s32 $0xFFFFFEF7, lr;
	s5 =	simm.s32 $0xFFFFFFFF;
	p2 =	slt.u32 s8, $0xFFFFF086  }
0x1c: {  	p1 =	slt.u32 s9, $0xF7A;
	s5 =	simm.s32 @!p2 $0x0  }
0x1d: {  	s5 =	simm.s32 @p1 $0x1;
	p0 =	seq.s32 s7, s2  }
0x1e: {  	s7 =	smul.u32 @!p0 $0xF7A, s2;
	p2 =	seq.s32 @!p0 s5, $0x0  }
0x1f: {  	s9 =	smul.u32 $0xF7A, s1;
	s8 =	simm.s32 @!p0 $0x1BF5;
	p2 =	por !p2, p0  }
0x20: {  	[sflag:s8] =	ssyncset.s32 @!p0 $0xFFFFF086;
	s6 =	sadd.s32 @!p0 s3, s7;
	s7 =	simm.s32 @!p0 $0x108  }
0x21: {  	s3 =	sadd.s32 s3, s9;
	s6 =	sadd.s32 @!p0 $0x88, s6;
	s7 =	simm.s32 @p2 $0x1082  }
0x22: {  	[simem:s7], [sflag:s8] =	dma.local @!p0 [hbm:s6], $0xF7A  }
0x23: {  	s9 =	sor.u32 $0xD0000000, s2;
	s6 =	simm.s32 $0x108;
	_ =	swait.ge @!p0 [sflag:s8], $0x0  }
0x24: {  	s3 =	sadd.s32 $0x88, s3;
	s6 =	simm.s32 @!p1 $0x1082;
	[sflag:s4] =	ssyncset.s32 $0xFFFFF086  }
0x25: {  	[simem:s6], [sflag:s4] =	dma.local [hbm:s3], $0xF7A  }
0x26: {  	[smem:$0x3F90] =	sst s1;
	(tag) =	ssettag s2;
	_ =	strace s9  }
0x27: {  	s1 =	sld [smem:$0x3FA0]  }
0x28: {  	s2 =	sld [smem:$0x3FA1]  }
0x29: {  	s4 =	sld [smem:$0x3FA3]  }
0x2a: {  	p0 =	seq.s32 s5, $0x0;
	s5 =	sld [smem:$0x3FA4]  }
0x2b: {  	s6 =	sld [smem:$0x3FA5]  }
0x2c: {  	s7 =	sld [smem:$0x3FA6]  }
0x2d: {  	s3 =	simm.s32 $0x108;
	s8 =	sld [smem:$0x3FA7]  }
0x2e: {  	s3 =	simm.s32 @!p0 $0x1082;
	s9 =	sld [smem:$0x3FA8]  }
0x2f: {  	lr =	sadd.s32 s0, s3;
	s0 =	sld [smem:$0x3F9F]  }
0x30: {  	s3 =	sld [smem:$0x3FA2]  }
0x31: {  	[smem:$0x3FAB] =	sst s10  }
0x32: {  	s10 =	sld [smem:$0x3FA9];
	_ =	sdelay $0x3  }
0x33: {  	p0 =	seq.s32 s10, $0x1;
	s10 =	sld [smem:$0x3FAB];
	_ =	sdelay $0x3  }
0x34: {  	[smem:$0x3FAB] =	sst s10  }
0x35: {  	s10 =	sld [smem:$0x3FAA];
	_ =	sdelay $0x3  }
0x36: {  	p1 =	seq.s32 s10, $0x1;
	s10 =	sld [smem:$0x3FAB];
	_ =	sdelay $0x3  }
0x37: {  	[smem:$0x3FAB] =	sst s10  }
0x38: {  	s10 =	sld [smem:$0x3FAC]  }
0x39: {  	_ = 	snop;
	(pc) =	sbr.ind lr, $3  }
0x3a: {  	_ = 	snop  }
0x3b: {  	_ = 	snop  }
0x3c: {  	p2 =	seq.s32 s10, $0x1;
	s10 =	sld [smem:$0x3FAB]  }
0x3d: {  	_ =	shalt  }
0x3e: {  	_ =	shalt  }
0x3f: {  	_ =	shalt  }
0x40: {  	_ =	shalt  }
0x41: {  	_ =	shalt  }
0x42: {  	_ =	shalt  }
0x43: {  	_ =	shalt  }
0x44: {  	_ =	shalt  }
0x45: {  	_ =	shalt  }
0x46: {  	_ =	shalt  }
0x47: {  	_ =	shalt  }
0x48: {  	_ =	shalt  }
0x49: {  	_ =	shalt  }
0x4a: {  	_ =	shalt  }
0x4b: {  	_ =	shalt  }
0x4c: {  	_ =	shalt  }
0x4d: {  	_ =	shalt  }
0x4e: {  	_ =	shalt  }
0x4f: {  	_ =	shalt  }
0x50: {  	_ =	shalt  }
0x51: {  	_ =	shalt  }
0x52: {  	_ =	shalt  }
0x53: {  	_ =	shalt  }
0x54: {  	_ =	shalt  }
0x55: {  	_ =	shalt  }
0x56: {  	_ =	shalt  }
0x57: {  	_ =	shalt  }
0x58: {  	_ =	shalt  }
0x59: {  	_ =	shalt  }
0x5a: {  	_ =	shalt  }
0x5b: {  	_ =	shalt  }
0x5c: {  	_ =	shalt  }
0x5d: {  	_ =	shalt  }
0x5e: {  	_ =	shalt  }
0x5f: {  	_ =	shalt  }
0x60: {  	_ =	shalt  }
0x61: {  	_ =	shalt  }
0x62: {  	_ =	shalt  }
0x63: {  	_ =	shalt  }
0x64: {  	_ =	shalt  }
0x65: {  	_ =	shalt  }
0x66: {  	_ =	shalt  }
0x67: {  	_ =	shalt  }
0x68: {  	_ =	shalt  }
0x69: {  	_ =	shalt  }
0x6a: {  	_ =	shalt  }
0x6b: {  	_ =	shalt  }
0x6c: {  	_ =	shalt  }
0x6d: {  	_ =	shalt  }
0x6e: {  	_ =	shalt  }
0x6f: {  	_ =	shalt  }
0x70: {  	_ =	shalt  }
0x71: {  	_ =	shalt  }
0x72: {  	_ =	shalt  }
0x73: {  	_ =	shalt  }
0x74: {  	_ =	shalt  }
0x75: {  	_ =	shalt  }
0x76: {  	_ =	shalt  }
0x77: {  	_ =	shalt  }
0x78: {  	_ =	shalt  }
0x79: {  	_ =	shalt  }
0x7a: {  	_ =	shalt  }
0x7b: {  	_ =	shalt  }
0x7c: {  	_ =	shalt  }
0x7d: {  	_ =	shalt  }
0x7e: {  	_ =	shalt  }
0x7f: {  	_ =	shalt  }
0x80: {  	_ =	shalt  }
0x81: {  	_ =	shalt  }
0x82: {  	_ =	shalt  }
0x83: {  	_ =	shalt  }
0x84: {  	_ =	shalt  }
0x85: {  	_ =	shalt  }
0x86: {  	_ =	shalt  }
0x87: {  	_ =	shalt  }
.Lfunc_end0:
.L_simem_size_0:
called_computation.2_lowered:
.L_overlay_start_0:
0x88: {  	s2 =	sld [smem:$0x3FD9]  }
0x89: {  	s3 =	sld [smem:$0x3FFE];
	_ =	sdelay $0x1  }
0x8a: {  	s1 =	srdreg.scid  }
0x8b: {  	s0 =	sand.u32 $0x1, s1  }
0x8c: {  	s17 =	sshll.u32 s0, $0xA;
	s2 =	sadd.s32 s3, s2  }
0x8d: {  	s2 =	sadd.s32 s2, s17  }
0x8e: {  	[smem:$0x3FB7] =	sst s2  }
0x8f: {  	_ = 	snop  }
0x90: {  	s2 =	sld [smem:$0x3FD0];
	(tm) =	ssettm $0x1  }
0x91: {  	s18 =	sld [smem:$0x3FFB];
	_ =	sdelay $0x3  }
0x92: {  	_ =	strace s18  }
0x93: {  	s3 =	sld [smem:$0x3FFC];
	_ =	sdelay $0x3  }
0x94: {  	_ =	strace s3  }
0x95: {  	s3 =	sld [smem:$0x3FFD];
	_ =	sdelay $0x3  }
0x96: {  	_ =	strace s3  }
0x97: {  	_ =	strace $0x8FFFFFFF  }
0x98: {  	s19 =	sld [smem:$0x3FDB];
	_ =	sdelay $0x1  }
0x99: {  	s4 =	simm.s32 $_scs_section_size  }
0x9a: {  	s5 =	simm.s32 $_size__tile_overlayer_lowered;
	s6 =	simm.s32 $_tile_overlayer_lowered  }
0x9b: {  	s22 =	simm.s32 $0x1BFF;
	s21 =	sshll.u32 s6, $0x1;
	s3 =	sadd.s32 s4, s19  }
0x9c: {  	s7 =	simm.s32 $0x0;
	s20 =	sshll.u32 s5, $0x1;
	s5 =	sadd.s32 s21, s3  }
0x9d: {  	[timem:s7], [sflag:s22] =	dma.local [hbm:s5], s20  }
0x9e: {  	_ =	swait.ge [sflag:s22], s20  }
0x9f: {  	s4 =	ssub.s32 $0x0, s20;
	[sflag:s22] =	ssyncset.done $0x0  }
0xa0: {  	[sflag:s22] =	ssyncadd.s32 s4;
	_ =	sdelay $0x1  }
0xa1: {  	s23 =	simm.s32 $0x1B8B  }
0xa2: {  	_ =	swait.ge [sflag:s23], $0x1  }
0xa3: {  	[sflag:s23] =	ssyncset.done $0x0  }
0xa4: {  	s25 =	simm.s32 $0x1B8E;
	s24 =	sld [smem:$0x3FFE];
	[sflag:s23] =	ssyncadd.s32 $0xFFFFFFFF  }
0xa5: {  	s26 =	simm.s32 $execute0_lowered;
	[smem:$0x3FD2] =	sst s25  }
0xa6: {  	s5 =	sshll.u32 s26, $0x1;
	_ =	strace $0x8000004C;
	[dreg:$0x1] =	wrdreg $0xFFFFFFFF  }
0xa7: {  	s28 =	simm.s32 $_size_execute0_lowered;
	s3 =	sadd.s32 s3, s5;
	[dreg:$0x0] =	wrdreg $0x0  }
0xa8: {  	s5 =	sshll.u32 s28, $0x1;
	[dreg:$0x2] =	wrdreg s3  }
0xa9: {  	[dreg:$0x3] =	wrdreg s5  }
0xaa: {  	[dreg:$0x4] =	wrdreg $0xC0  }
0xab: {  	_ =	task [dreg:s7], $0x5FFFF  }
0xac: {  	[dreg:$0x1] =	wrdreg $0xFFFFFFFF  }
0xad: {  	[dreg:$0x0] =	wrdreg $0x60  }
0xae: {  	[dreg:$0x2] =	wrdreg s24  }
0xaf: {  	[dreg:$0x3] =	wrdreg s2  }
0xb0: {  	[dreg:$0x4] =	wrdreg $0x29000  }
0xb1: {  	[dreg:$0x5] =	wrdreg $0x9  }
0xb2: {  	_ =	task.clear_ibuf [dreg:s7], $0x6FFFF;
	_ =	strace $0x9000004C  }
0xb3: {  	s29 =	simm.s32 $0x9;
	_ =	strace $0x8000004E  }
0xb4: {  	_ =	swait.ge [sflag:s29], $0x1  }
0xb5: {  	[sflag:s29] =	ssyncadd.s32 $0xFFFFFFFF  }
0xb6: {  	_ =	strace $0x9000004E  }
0xb7: {  	_ =	sfence  }
0xb8: {  	s30 =	sld [smem:$0x0];
	_ =	sdelay $0x2  }
0xb9: {  	s31 =	sshll.u32 s1, $0xD;
	s1 =	sshrl.u32 s1, $0x2  }
0xba: {  	s3 =	sand.u32 $0x4000, s31;
	s1 =	sadd.s32 s1, s30  }
0xbb: {  	s0 =	sor.u32 s3, s0;
	s1 =	sshll.u32 s1, $0x11  }
0xbc: {  	s0 =	sor.u32 s1, s0  }
0xbd: {  	s0 =	sadd.s32 $0x8F2B, s0  }
0xbe: {  	[sflag:s0] =	ssyncadd.remote.s32 $0x1  }
0xbf: {  	_ =	sfence.sel $0xFFFF  }
0xc0: {  	[dreg:$0x0] =	wrdreg $0xFFFFFFFF;
	(pc) =	sbr.abs _section_cstart, $3  }
0xc1: {  	[dreg:$0x1] =	wrdreg $0xFFFFFFFF  }
0xc2: {  	_ =	task.clear_ibuf [dreg:s7], $0x2FFFF;
	_ =	strace $0x9FFFFFFF  }
0xc3: {  	(tm) =	ssettm $0x7FFFFFFF  }
tec
execute0_lowered:
.L_overlay_start_1:
0x0: {  	(tag) =	ssettag $0x1  }
0x1: {  	s5 =	rddreg [dreg:$0x0]  }
0x2: {  	s0 =	rddreg [dreg:$0x1];
	s1 =	srdreg.scid  }
0x3: {  	s2 =	rddreg [dreg:$0x2];
	s7 =	stileid.u32  }
0x4: {  	s3 =	simm.s32 $0x0;
	s11 =	simm.s32 $0x80;
	s12 =	simm.s32 $0x50  }
0x5: {  	s13 =	simm.s32 $0x100;
	s14 =	simm.s32 $0x1;
	s15 =	simm.s32 $0x0  }
0x6: {  	s4 =	sand.u32 $0x1, s1;
	s1 =	rddreg [dreg:$0x3];
	s8 =	smul.u32 $0x2710, s7  }
0x7: {  	[smem:$0x7FF] =	sst s3;
	s6 =	smul.u32 $0x27100, s4;
	s9 =	ssub.s32 $0x2, s4  }
0x8: {  	p0 =	sne.s32 s7, $0x0;
	_ =	strace $0x8000004D;
	s10 =	sshrl.u32 s9, $0x1  }
0x9: {  	s4 =	sadd.s32 $0x77A00, s5;
	s8 =	sadd.s32 s8, s6;
	s31 =	ssub.s32 s9, s10  }
0xa: {  	s9 =	sshrl.u32 @!p0 s2, $0x3;
	s10 =	simm.s32 $0x2;
	s8 =	sshrl.u32 s8, $0x3  }
0xb: {  	s8 =	sadd.s32 s8, s5;
	s5 =	sadd.s32 s6, s5;
	s6 =	smax.u32 s31, $0x1  }
0xc: {  	s5 =	sadd.s32 $0x23000, s5;
	s7 =	sadd.s32 $0xF400, s8;
	s8 =	sadd.s32 $0x19200, s8  }
.LBB2_1:
0xd: {  	s16 =	simm.s32 @!p0 $0x1C02  }
0xe: {  	[spmem:s9], [sflag:s16] =	dma.local @!p0 [hbm:s0], $0x27100  }
0xf: {  	s16 =	simm.s32 @!p0 $0x2  }
0x10: {  	_ =	swait.ge @!p0 [sflag:s16], $0x27100  }
0x11: {  	[sflag:s16] =	ssyncset.done @!p0 $0x0  }
0x12: {  	[sflag:s16] =	ssyncadd.s32 @!p0 $0xFFFD8F00  }
0x13: {  	s30 =	sadd.s32 $0x0, s8;
	[bflag:$0x0] =	sbarrier.arrive $0xFFFF  }
0x14: {  	[tilespmem:s3], [sflag:$0x2] =	stream.linear.gather [hbm4b:s30+s3], $0x50, $0x38;
	[tilespmem:$0x16180] =	vst v63  }
0x15: {  	_ =	swait.ge [sflag:s10], $0x50  }
0x16: {  	[sflag:s10] =	ssyncset.done $0x0  }
0x17: {  	s31 =	sadd.s32 $0x0, s7;
	[sflag:s10] =	ssyncadd.s32 $0xFFFFFFB0  }
0x18: {  	[tilespmem:s11], [sflag:$0x2] =	stream.linear.gather [hbm4b:s31+s3], $0x50, $0x38;
	[tilespmem:$0x16180] =	vst v63  }
0x19: {  	_ =	swait.ge [sflag:s10], $0x50  }
0x1a: {  	[sflag:s10] =	ssyncset.done $0x0  }
0x1b: {  	[sflag:s10] =	ssyncadd.s32 $0xFFFFFFB0  }
0x1c: {  	[tilespmem:s13], [sflag:$0x1] =	stream.indirect.gather [hbm4b:s4+s12], $0x80, s3, s12, $0xb8;
	[tilespmem:$0x16180] =	vst v63  }
0x1d: {  	_ =	swait.ge [sflag:s14], $0x2800  }
0x1e: {  	[sflag:s14] =	ssyncset.done $0x0  }
0x1f: {  	[sflag:s14] =	ssyncadd.s32 $0xFFFFD800  }
0x20: {  	[spmem:s2] =	stream.indirect.scatter.add.f32 [tilespmem:s13], [sflag:$0x2], $0x80, s11, s12, $0xb8;
	[tilespmem:$0x16180] =	vst v63  }
0x21: {  	_ =	swait.ge [sflag:s10], $0x2800  }
0x22: {  	s17 =	simm.s32 $0x14;
	s16 =	simm.s32 $0xA;
	[sflag:s10] =	ssyncset.done $0x0  }
.LBB2_2:
0x23: {  	s18 =	sadd.s32 s16, s8  }
0x24: {  	[sflag:s10] =	ssyncadd.s32 $0xFFFFD800;
	s19 =	smov.u32 s17;
	s20 =	sadd.s32 $0xA, s17  }
0x25: {  	[tilespmem:s3], [sflag:$0x2] =	stream.linear.gather [hbm4b:s18+s3], $0x50, $0x38;
	[tilespmem:$0x16180] =	vst v63  }
0x26: {  	p1 =	sne.s32 s17, $0x4D8;
	_ =	swait.ge [sflag:s10], $0x50  }
0x27: {  	[sflag:s10] =	ssyncset.done $0x0  }
0x28: {  	s17 =	sadd.s32 s16, s7;
	s16 =	smov.u32 s19;
	[sflag:s10] =	ssyncadd.s32 $0xFFFFFFB0  }
0x29: {  	[tilespmem:s11], [sflag:$0x2] =	stream.linear.gather [hbm4b:s17+s3], $0x50, $0x38;
	[tilespmem:$0x16180] =	vst v63  }
0x2a: {  	_ =	swait.ge [sflag:s10], $0x50  }
0x2b: {  	[sflag:s10] =	ssyncset.done $0x0  }
0x2c: {  	[sflag:s10] =	ssyncadd.s32 $0xFFFFFFB0  }
0x2d: {  	[tilespmem:s13], [sflag:$0x1] =	stream.indirect.gather [hbm4b:s4+s12], $0x80, s3, s12, $0xb8;
	[tilespmem:$0x16180] =	vst v63  }
0x2e: {  	_ =	swait.ge [sflag:s14], $0x2800  }
.Ltmp0:
0x2f: {  	[sflag:s14] =	ssyncset.done $0x0;
	(pc) =	sbr.rel @p1 .LBB2_2-.Ltmp0, $4  }
0x30: {  	[sflag:s14] =	ssyncadd.s32 $0xFFFFD800  }
0x31: {  	[spmem:s2] =	stream.indirect.scatter.add.f32 [tilespmem:s13], [sflag:$0x2], $0x80, s11, s12, $0xb8;
	[tilespmem:$0x16180] =	vst v63  }
0x32: {  	_ =	swait.ge [sflag:s10], $0x2800  }
0x33: {  	s17 =	smov.u32 s20;
	[sflag:s10] =	ssyncset.done $0x0  }
0x34: {  	s17 =	sadd.s32 s16, s8;
	[sflag:s10] =	ssyncadd.s32 $0xFFFFD800  }
0x35: {  	[tilespmem:s3], [sflag:$0x2] =	stream.linear.gather [hbm4b:s17+s3], $0x50, $0x38;
	[tilespmem:$0x16180] =	vst v63  }
0x36: {  	_ =	swait.ge [sflag:s10], $0x50  }
0x37: {  	[sflag:s10] =	ssyncset.done $0x0  }
0x38: {  	s31 =	sadd.s32 s16, s7;
	[sflag:s10] =	ssyncadd.s32 $0xFFFFFFB0  }
0x39: {  	[tilespmem:s11], [sflag:$0x2] =	stream.linear.gather [hbm4b:s31+s3], $0x50, $0x38;
	[tilespmem:$0x16180] =	vst v63  }
0x3a: {  	_ =	swait.ge [sflag:s10], $0x50  }
0x3b: {  	[sflag:s10] =	ssyncset.done $0x0  }
0x3c: {  	[sflag:s10] =	ssyncadd.s32 $0xFFFFFFB0  }
0x3d: {  	[tilespmem:s13], [sflag:$0x1] =	stream.indirect.gather [hbm4b:s4+s12], $0x80, s3, s12, $0xb8;
	[tilespmem:$0x16180] =	vst v63  }
0x3e: {  	_ =	swait.ge [sflag:s14], $0x2800  }
0x3f: {  	[sflag:s14] =	ssyncset.done $0x0  }
0x40: {  	[sflag:s14] =	ssyncadd.s32 $0xFFFFD800  }
0x41: {  	[spmem:s2] =	stream.indirect.scatter.add.f32 [tilespmem:s13], [sflag:$0x2], $0x80, s11, s12, $0xb8;
	[tilespmem:$0x16180] =	vst v63  }
0x42: {  	_ =	swait.ge [sflag:s10], $0x2800  }
0x43: {  	[sflag:s10] =	ssyncset.done $0x0  }
0x44: {  	s15 =	sadd.s32 $0x1, s15;
	[sflag:s10] =	ssyncadd.s32 $0xFFFFD800  }
0x45: {  	s16 =	simm.s32 @!p0 $0x1C02;
	p1 =	sne.s32 s15, s6;
	[bflag:$0x0] =	sbarrier.arrive $0xFFFF  }
0x46: {  	[hbm:s5], [sflag:s16] =	dma.local @!p0 [spmem:s9], $0x27100  }
.Ltmp1:
0x47: {  	_ = 	snop;
	(pc) =	sbr.rel @p1 .LBB2_1-.Ltmp1, $4  }
0x48: {  	s16 =	simm.s32 @!p0 $0x2  }
0x49: {  	_ =	swait.ge @!p0 [sflag:s16], $0x27100  }
0x4a: {  	[sflag:s16] =	ssyncset.done @!p0 $0x0  }
0x4b: {  	[sflag:s16] =	ssyncadd.s32 @!p0 $0xFFFD8F00  }
0x4c: {  	_ =	sfence.sel $0x180000  }
0x4d: {  	[bflag:$0x0] =	sbarrier.arrive $0xFFFF  }
0x4e: {  	_ =	strace $0x9000004D  }
0x4f: {  	s0 =	sadd.s32 @!p0 $0x100000, s1;
	[bflag:$0x2] =	sbarrier.arrive $0xFFFF  }
0x50: {  	[sflag:s0] =	ssyncadd.tile.s32 @!p0 $0x1;
	_ =	shalt  }
.Lfunc_end2:
_tile_overlayer_lowered:
.L_overlay_start_2:
0x51: {  	(tag) =	ssettag $0x2  }
0x52: {  	s0 =	rddreg [dreg:$0x0];
	s2 =	stileid.u32  }
0x53: {  	s1 =	rddreg [dreg:$0x1];
	p0 =	sne.s32 s2, $0x0  }
0x54: {  	s3 =	rddreg [dreg:$0x2];
	[bflag:$0x3] =	sbarrier.arrive $0xFFFF;
	s2 =	simm.s32 @!p0 $0x1C02  }
0x55: {  	[timem:s3], [sflag:s2] =	dma.local @!p0 [hbm:s0], s1  }
0x56: {  	s0 =	simm.s32 @!p0 $0x2  }
0x57: {  	_ =	swait.ge @!p0 [sflag:s0], s1  }
0x58: {  	s1 =	ssub.s32 @!p0 $0x0, s1;
	[sflag:s0] =	ssyncset.done @!p0 $0x0  }
0x59: {  	[sflag:s0] =	ssyncadd.s32 @!p0 s1  }
0x5a: {  	[bflag:$0x3] =	sbarrier.arrive $0xFFFF  }
0x5b: {  	_ =	shalt  }

// kernel: kernel.43.cloned.1.call-start
scs
__scs_entry_jumppad:
0x0: {  	(pc) =	sbr.rel $0x88, $3  }
0x1: {  	(tag) =	ssettag $0x0;
	lr =	simm.s32 $0x1  }
0x2: {  	[smem:$0x3F90] =	sst lr;
	_ =	strace $0xD0000000  }
0x3: {  	_ = 	snop  }
0x4: {  	_ = 	snop  }
0x5: {  	_ = 	snop  }
0x6: {  	_ = 	snop  }
0x7: {  	_ = 	snop  }
__scs_overlays_trampoline_lowered:
0x8: {  	[smem:$0x3F9F] =	sst s0  }
0x9: {  	[smem:$0x3FA0] =	sst s1  }
0xa: {  	[smem:$0x3FA1] =	sst s2  }
0xb: {  	[smem:$0x3FA2] =	sst s3  }
0xc: {  	[smem:$0x3FA3] =	sst s4  }
0xd: {  	[smem:$0x3FA4] =	sst s5  }
0xe: {  	[smem:$0x3FA5] =	sst s6  }
0xf: {  	[smem:$0x3FA6] =	sst s7  }
0x10: {  	[smem:$0x3FA7] =	sst s8  }
0x11: {  	[smem:$0x3FA8] =	sst s9;
	s0 =	simm.s32 @!p0 $0x0  }
0x12: {  	s1 =	sld [smem:$0x3F8E];
	s0 =	simm.s32 @p0 $0x1  }
0x13: {  	[smem:$0x3FA9] =	sst s0;
	s0 =	simm.s32 @!p1 $0x0  }
0x14: {  	s2 =	sld [smem:$0x3F8D];
	s0 =	simm.s32 @p1 $0x1  }
0x15: {  	[smem:$0x3FAA] =	sst s0;
	s0 =	simm.s32 @!p2 $0x0  }
0x16: {  	s3 =	sld [smem:$0x3FDB];
	s0 =	simm.s32 @p2 $0x1  }
0x17: {  	s4 =	simm.s32 $0x1BF5;
	[smem:$0x3FAC] =	sst s0  }
0x18: {  	s0 =	sld [smem:$0x3F8F];
	_ =	swait.ge [sflag:s4], $0x0  }
0x19: {  	s7 =	sld [smem:$0x3F90]  }
0x1a: {  	s8 =	sadd.s32 $0xFFFFE003, lr  }
0x1b: {  	s9 =	sadd.s32 $0xFFFFFEF7, lr;
	s5 =	simm.s32 $0xFFFFFFFF;
	p2 =	slt.u32 s8, $0xFFFFF086  }
0x1c: {  	p1 =	slt.u32 s9, $0xF7A;
	s5 =	simm.s32 @!p2 $0x0  }
0x1d: {  	s5 =	simm.s32 @p1 $0x1;
	p0 =	seq.s32 s7, s2  }
0x1e: {  	s7 =	smul.u32 @!p0 $0xF7A, s2;
	p2 =	seq.s32 @!p0 s5, $0x0  }
0x1f: {  	s9 =	smul.u32 $0xF7A, s1;
	s8 =	simm.s32 @!p0 $0x1BF5;
	p2 =	por !p2, p0  }
0x20: {  	[sflag:s8] =	ssyncset.s32 @!p0 $0xFFFFF086;
	s6 =	sadd.s32 @!p0 s3, s7;
	s7 =	simm.s32 @!p0 $0x108  }
0x21: {  	s3 =	sadd.s32 s3, s9;
	s6 =	sadd.s32 @!p0 $0x88, s6;
	s7 =	simm.s32 @p2 $0x1082  }
0x22: {  	[simem:s7], [sflag:s8] =	dma.local @!p0 [hbm:s6], $0xF7A  }
0x23: {  	s9 =	sor.u32 $0xD0000000, s2;
	s6 =	simm.s32 $0x108;
	_ =	swait.ge @!p0 [sflag:s8], $0x0  }
0x24: {  	s3 =	sadd.s32 $0x88, s3;
	s6 =	simm.s32 @!p1 $0x1082;
	[sflag:s4] =	ssyncset.s32 $0xFFFFF086  }
0x25: {  	[simem:s6], [sflag:s4] =	dma.local [hbm:s3], $0xF7A  }
0x26: {  	[smem:$0x3F90] =	sst s1;
	(tag) =	ssettag s2;
	_ =	strace s9  }
0x27: {  	s1 =	sld [smem:$0x3FA0]  }
0x28: {  	s2 =	sld [smem:$0x3FA1]  }
0x29: {  	s4 =	sld [smem:$0x3FA3]  }
0x2a: {  	p0 =	seq.s32 s5, $0x0;
	s5 =	sld [smem:$0x3FA4]  }
0x2b: {  	s6 =	sld [smem:$0x3FA5]  }
0x2c: {  	s7 =	sld [smem:$0x3FA6]  }
0x2d: {  	s3 =	simm.s32 $0x108;
	s8 =	sld [smem:$0x3FA7]  }
0x2e: {  	s3 =	simm.s32 @!p0 $0x1082;
	s9 =	sld [smem:$0x3FA8]  }
0x2f: {  	lr =	sadd.s32 s0, s3;
	s0 =	sld [smem:$0x3F9F]  }
0x30: {  	s3 =	sld [smem:$0x3FA2]  }
0x31: {  	[smem:$0x3FAB] =	sst s10  }
0x32: {  	s10 =	sld [smem:$0x3FA9];
	_ =	sdelay $0x3  }
0x33: {  	p0 =	seq.s32 s10, $0x1;
	s10 =	sld [smem:$0x3FAB];
	_ =	sdelay $0x3  }
0x34: {  	[smem:$0x3FAB] =	sst s10  }
0x35: {  	s10 =	sld [smem:$0x3FAA];
	_ =	sdelay $0x3  }
0x36: {  	p1 =	seq.s32 s10, $0x1;
	s10 =	sld [smem:$0x3FAB];
	_ =	sdelay $0x3  }
0x37: {  	[smem:$0x3FAB] =	sst s10  }
0x38: {  	s10 =	sld [smem:$0x3FAC]  }
0x39: {  	_ = 	snop;
	(pc) =	sbr.ind lr, $3  }
0x3a: {  	_ = 	snop  }
0x3b: {  	_ = 	snop  }
0x3c: {  	p2 =	seq.s32 s10, $0x1;
	s10 =	sld [smem:$0x3FAB]  }
0x3d: {  	_ =	shalt  }
0x3e: {  	_ =	shalt  }
0x3f: {  	_ =	shalt  }
0x40: {  	_ =	shalt  }
0x41: {  	_ =	shalt  }
0x42: {  	_ =	shalt  }
0x43: {  	_ =	shalt  }
0x44: {  	_ =	shalt  }
0x45: {  	_ =	shalt  }
0x46: {  	_ =	shalt  }
0x47: {  	_ =	shalt  }
0x48: {  	_ =	shalt  }
0x49: {  	_ =	shalt  }
0x4a: {  	_ =	shalt  }
0x4b: {  	_ =	shalt  }
0x4c: {  	_ =	shalt  }
0x4d: {  	_ =	shalt  }
0x4e: {  	_ =	shalt  }
0x4f: {  	_ =	shalt  }
0x50: {  	_ =	shalt  }
0x51: {  	_ =	shalt  }
0x52: {  	_ =	shalt  }
0x53: {  	_ =	shalt  }
0x54: {  	_ =	shalt  }
0x55: {  	_ =	shalt  }
0x56: {  	_ =	shalt  }
0x57: {  	_ =	shalt  }
0x58: {  	_ =	shalt  }
0x59: {  	_ =	shalt  }
0x5a: {  	_ =	shalt  }
0x5b: {  	_ =	shalt  }
0x5c: {  	_ =	shalt  }
0x5d: {  	_ =	shalt  }
0x5e: {  	_ =	shalt  }
0x5f: {  	_ =	shalt  }
0x60: {  	_ =	shalt  }
0x61: {  	_ =	shalt  }
0x62: {  	_ =	shalt  }
0x63: {  	_ =	shalt  }
0x64: {  	_ =	shalt  }
0x65: {  	_ =	shalt  }
0x66: {  	_ =	shalt  }
0x67: {  	_ =	shalt  }
0x68: {  	_ =	shalt  }
0x69: {  	_ =	shalt  }
0x6a: {  	_ =	shalt  }
0x6b: {  	_ =	shalt  }
0x6c: {  	_ =	shalt  }
0x6d: {  	_ =	shalt  }
0x6e: {  	_ =	shalt  }
0x6f: {  	_ =	shalt  }
0x70: {  	_ =	shalt  }
0x71: {  	_ =	shalt  }
0x72: {  	_ =	shalt  }
0x73: {  	_ =	shalt  }
0x74: {  	_ =	shalt  }
0x75: {  	_ =	shalt  }
0x76: {  	_ =	shalt  }
0x77: {  	_ =	shalt  }
0x78: {  	_ =	shalt  }
0x79: {  	_ =	shalt  }
0x7a: {  	_ =	shalt  }
0x7b: {  	_ =	shalt  }
0x7c: {  	_ =	shalt  }
0x7d: {  	_ =	shalt  }
0x7e: {  	_ =	shalt  }
0x7f: {  	_ =	shalt  }
0x80: {  	_ =	shalt  }
0x81: {  	_ =	shalt  }
0x82: {  	_ =	shalt  }
0x83: {  	_ =	shalt  }
0x84: {  	_ =	shalt  }
0x85: {  	_ =	shalt  }
0x86: {  	_ =	shalt  }
0x87: {  	_ =	shalt  }
.Lfunc_end0:
.L_simem_size_0:
called_computation.3_lowered:
.L_overlay_start_0:
0x88: {  	s2 =	sld [smem:$0x3FD9]  }
0x89: {  	s3 =	sld [smem:$0x3FFE];
	_ =	sdelay $0x1  }
0x8a: {  	s1 =	srdreg.scid  }
0x8b: {  	s0 =	sand.u32 $0x1, s1  }
0x8c: {  	s17 =	sshll.u32 s0, $0xA;
	s2 =	sadd.s32 s3, s2  }
0x8d: {  	s2 =	sadd.s32 s2, s17  }
0x8e: {  	[smem:$0x3FB7] =	sst s2  }
0x8f: {  	_ = 	snop  }
0x90: {  	s2 =	sld [smem:$0x3FD0];
	(tm) =	ssettm $0x1  }
0x91: {  	s18 =	sld [smem:$0x3FFB];
	_ =	sdelay $0x3  }
0x92: {  	_ =	strace s18  }
0x93: {  	s3 =	sld [smem:$0x3FFC];
	_ =	sdelay $0x3  }
0x94: {  	_ =	strace s3  }
0x95: {  	s3 =	sld [smem:$0x3FFD];
	_ =	sdelay $0x3  }
0x96: {  	_ =	strace s3  }
0x97: {  	_ =	strace $0x8FFFFFFF  }
0x98: {  	s19 =	sld [smem:$0x3FDB];
	_ =	sdelay $0x1  }
0x99: {  	s4 =	simm.s32 $_scs_section_size  }
0x9a: {  	s5 =	simm.s32 $_size__tile_overlayer_lowered;
	s6 =	simm.s32 $_tile_overlayer_lowered  }
0x9b: {  	s22 =	simm.s32 $0x1BFF;
	s21 =	sshll.u32 s6, $0x1;
	s3 =	sadd.s32 s4, s19  }
0x9c: {  	s7 =	simm.s32 $0x0;
	s20 =	sshll.u32 s5, $0x1;
	s5 =	sadd.s32 s21, s3  }
0x9d: {  	[timem:s7], [sflag:s22] =	dma.local [hbm:s5], s20  }
0x9e: {  	_ =	swait.ge [sflag:s22], s20  }
0x9f: {  	s4 =	ssub.s32 $0x0, s20;
	[sflag:s22] =	ssyncset.done $0x0  }
0xa0: {  	[sflag:s22] =	ssyncadd.s32 s4;
	_ =	sdelay $0x1  }
0xa1: {  	s23 =	simm.s32 $0x1B8B  }
0xa2: {  	_ =	swait.ge [sflag:s23], $0x1  }
0xa3: {  	[sflag:s23] =	ssyncset.done $0x0  }
0xa4: {  	s25 =	simm.s32 $0x1B8E;
	s24 =	sld [smem:$0x3FFE];
	[sflag:s23] =	ssyncadd.s32 $0xFFFFFFFF  }
0xa5: {  	s26 =	simm.s32 $execute0_lowered;
	[smem:$0x3FD2] =	sst s25  }
0xa6: {  	s5 =	sshll.u32 s26, $0x1;
	_ =	strace $0x8000004F;
	[dreg:$0x1] =	wrdreg $0xFFFFFFFF  }
0xa7: {  	s28 =	simm.s32 $_size_execute0_lowered;
	s3 =	sadd.s32 s3, s5;
	[dreg:$0x0] =	wrdreg $0x0  }
0xa8: {  	s5 =	sshll.u32 s28, $0x1;
	[dreg:$0x2] =	wrdreg s3  }
0xa9: {  	[dreg:$0x3] =	wrdreg s5  }
0xaa: {  	[dreg:$0x4] =	wrdreg $0xC0  }
0xab: {  	_ =	task [dreg:s7], $0x5FFFF  }
0xac: {  	[dreg:$0x1] =	wrdreg $0xFFFFFFFF  }
0xad: {  	[dreg:$0x0] =	wrdreg $0x60  }
0xae: {  	[dreg:$0x2] =	wrdreg s24  }
0xaf: {  	[dreg:$0x3] =	wrdreg s2  }
0xb0: {  	[dreg:$0x4] =	wrdreg $0x29000  }
0xb1: {  	[dreg:$0x5] =	wrdreg $0x9  }
0xb2: {  	_ =	task.clear_ibuf [dreg:s7], $0x6FFFF;
	_ =	strace $0x9000004F  }
0xb3: {  	s29 =	simm.s32 $0x9;
	_ =	strace $0x80000051  }
0xb4: {  	_ =	swait.ge [sflag:s29], $0x1  }
0xb5: {  	[sflag:s29] =	ssyncadd.s32 $0xFFFFFFFF  }
0xb6: {  	_ =	strace $0x90000051  }
0xb7: {  	_ =	sfence  }
0xb8: {  	s30 =	sld [smem:$0x0];
	_ =	sdelay $0x2  }
0xb9: {  	s31 =	sshll.u32 s1, $0xD;
	s1 =	sshrl.u32 s1, $0x2  }
0xba: {  	s3 =	sand.u32 $0x4000, s31;
	s1 =	sadd.s32 s1, s30  }
0xbb: {  	s0 =	sor.u32 s3, s0;
	s1 =	sshll.u32 s1, $0x11  }
0xbc: {  	s0 =	sor.u32 s1, s0  }
0xbd: {  	s0 =	sadd.s32 $0x8F2B, s0  }
0xbe: {  	[sflag:s0] =	ssyncadd.remote.s32 $0x1  }
0xbf: {  	_ =	sfence.sel $0xFFFF  }
0xc0: {  	[dreg:$0x0] =	wrdreg $0xFFFFFFFF;
	(pc) =	sbr.abs _section_cstart, $3  }
0xc1: {  	[dreg:$0x1] =	wrdreg $0xFFFFFFFF  }
0xc2: {  	_ =	task.clear_ibuf [dreg:s7], $0x2FFFF;
	_ =	strace $0x9FFFFFFF  }
0xc3: {  	(tm) =	ssettm $0x7FFFFFFF  }
tec
execute0_lowered:
.L_overlay_start_1:
0x0: {  	(tag) =	ssettag $0x1  }
0x1: {  	s5 =	rddreg [dreg:$0x0]  }
0x2: {  	s0 =	rddreg [dreg:$0x1];
	s1 =	srdreg.scid  }
0x3: {  	s2 =	rddreg [dreg:$0x2];
	s7 =	stileid.u32  }
0x4: {  	s3 =	simm.s32 $0x0;
	s11 =	simm.s32 $0x80;
	s12 =	simm.s32 $0x50  }
0x5: {  	s13 =	simm.s32 $0x100;
	s14 =	simm.s32 $0x1;
	s15 =	simm.s32 $0x0  }
0x6: {  	s4 =	sand.u32 $0x1, s1;
	s1 =	rddreg [dreg:$0x3];
	s8 =	smul.u32 $0x2710, s7  }
0x7: {  	[smem:$0x7FF] =	sst s3;
	s6 =	smul.u32 $0x27100, s4;
	s9 =	ssub.s32 $0x2, s4  }
0x8: {  	p0 =	sne.s32 s7, $0x0;
	_ =	strace $0x80000050;
	s10 =	sshrl.u32 s9, $0x1  }
0x9: {  	s4 =	sadd.s32 $0x77A00, s5;
	s8 =	sadd.s32 s8, s6;
	s31 =	ssub.s32 s9, s10  }
0xa: {  	s9 =	sshrl.u32 @!p0 s2, $0x3;
	s10 =	simm.s32 $0x2;
	s8 =	sshrl.u32 s8, $0x3  }
0xb: {  	s8 =	sadd.s32 s8, s5;
	s5 =	sadd.s32 s6, s5;
	s6 =	smax.u32 s31, $0x1  }
0xc: {  	s5 =	sadd.s32 $0x23000, s5;
	s7 =	sadd.s32 $0xF400, s8;
	s8 =	sadd.s32 $0x19200, s8  }
.LBB2_1:
0xd: {  	s16 =	simm.s32 @!p0 $0x1C02  }
0xe: {  	[spmem:s9], [sflag:s16] =	dma.local @!p0 [hbm:s0], $0x27100  }
0xf: {  	s16 =	simm.s32 @!p0 $0x2  }
0x10: {  	_ =	swait.ge @!p0 [sflag:s16], $0x27100  }
0x11: {  	[sflag:s16] =	ssyncset.done @!p0 $0x0  }
0x12: {  	[sflag:s16] =	ssyncadd.s32 @!p0 $0xFFFD8F00  }
0x13: {  	s30 =	sadd.s32 $0x0, s8;
	[bflag:$0x0] =	sbarrier.arrive $0xFFFF  }
0x14: {  	[tilespmem:s3], [sflag:$0x2] =	stream.linear.gather [hbm4b:s30+s3], $0x50, $0x38;
	[tilespmem:$0x16180] =	vst v63  }
0x15: {  	_ =	swait.ge [sflag:s10], $0x50  }
0x16: {  	[sflag:s10] =	ssyncset.done $0x0  }
0x17: {  	s31 =	sadd.s32 $0x0, s7;
	[sflag:s10] =	ssyncadd.s32 $0xFFFFFFB0  }
0x18: {  	[tilespmem:s11], [sflag:$0x2] =	stream.linear.gather [hbm4b:s31+s3], $0x50, $0x38;
	[tilespmem:$0x16180] =	vst v63  }
0x19: {  	_ =	swait.ge [sflag:s10], $0x50  }
0x1a: {  	[sflag:s10] =	ssyncset.done $0x0  }
0x1b: {  	[sflag:s10] =	ssyncadd.s32 $0xFFFFFFB0  }
0x1c: {  	[tilespmem:s13], [sflag:$0x1] =	stream.indirect.gather [hbm4b:s4+s12], $0x80, s3, s12, $0xb8;
	[tilespmem:$0x16180] =	vst v63  }
0x1d: {  	_ =	swait.ge [sflag:s14], $0x2800  }
0x1e: {  	[sflag:s14] =	ssyncset.done $0x0  }
0x1f: {  	[sflag:s14] =	ssyncadd.s32 $0xFFFFD800  }
0x20: {  	[spmem:s2] =	stream.indirect.scatter.add.f32 [tilespmem:s13], [sflag:$0x2], $0x80, s11, s12, $0xb8;
	[tilespmem:$0x16180] =	vst v63  }
0x21: {  	_ =	swait.ge [sflag:s10], $0x2800  }
0x22: {  	s17 =	simm.s32 $0x14;
	s16 =	simm.s32 $0xA;
	[sflag:s10] =	ssyncset.done $0x0  }
.LBB2_2:
0x23: {  	s18 =	sadd.s32 s16, s8  }
0x24: {  	[sflag:s10] =	ssyncadd.s32 $0xFFFFD800;
	s19 =	smov.u32 s17;
	s20 =	sadd.s32 $0xA, s17  }
0x25: {  	[tilespmem:s3], [sflag:$0x2] =	stream.linear.gather [hbm4b:s18+s3], $0x50, $0x38;
	[tilespmem:$0x16180] =	vst v63  }
0x26: {  	p1 =	sne.s32 s17, $0x4D8;
	_ =	swait.ge [sflag:s10], $0x50  }
0x27: {  	[sflag:s10] =	ssyncset.done $0x0  }
0x28: {  	s17 =	sadd.s32 s16, s7;
	s16 =	smov.u32 s19;
	[sflag:s10] =	ssyncadd.s32 $0xFFFFFFB0  }
0x29: {  	[tilespmem:s11], [sflag:$0x2] =	stream.linear.gather [hbm4b:s17+s3], $0x50, $0x38;
	[tilespmem:$0x16180] =	vst v63  }
0x2a: {  	_ =	swait.ge [sflag:s10], $0x50  }
0x2b: {  	[sflag:s10] =	ssyncset.done $0x0  }
0x2c: {  	[sflag:s10] =	ssyncadd.s32 $0xFFFFFFB0  }
0x2d: {  	[tilespmem:s13], [sflag:$0x1] =	stream.indirect.gather [hbm4b:s4+s12], $0x80, s3, s12, $0xb8;
	[tilespmem:$0x16180] =	vst v63  }
0x2e: {  	_ =	swait.ge [sflag:s14], $0x2800  }
.Ltmp0:
0x2f: {  	[sflag:s14] =	ssyncset.done $0x0;
	(pc) =	sbr.rel @p1 .LBB2_2-.Ltmp0, $4  }
0x30: {  	[sflag:s14] =	ssyncadd.s32 $0xFFFFD800  }
0x31: {  	[spmem:s2] =	stream.indirect.scatter.add.f32 [tilespmem:s13], [sflag:$0x2], $0x80, s11, s12, $0xb8;
	[tilespmem:$0x16180] =	vst v63  }
0x32: {  	_ =	swait.ge [sflag:s10], $0x2800  }
0x33: {  	s17 =	smov.u32 s20;
	[sflag:s10] =	ssyncset.done $0x0  }
0x34: {  	s17 =	sadd.s32 s16, s8;
	[sflag:s10] =	ssyncadd.s32 $0xFFFFD800  }
0x35: {  	[tilespmem:s3], [sflag:$0x2] =	stream.linear.gather [hbm4b:s17+s3], $0x50, $0x38;
	[tilespmem:$0x16180] =	vst v63  }
0x36: {  	_ =	swait.ge [sflag:s10], $0x50  }
0x37: {  	[sflag:s10] =	ssyncset.done $0x0  }
0x38: {  	s31 =	sadd.s32 s16, s7;
	[sflag:s10] =	ssyncadd.s32 $0xFFFFFFB0  }
0x39: {  	[tilespmem:s11], [sflag:$0x2] =	stream.linear.gather [hbm4b:s31+s3], $0x50, $0x38;
	[tilespmem:$0x16180] =	vst v63  }
0x3a: {  	_ =	swait.ge [sflag:s10], $0x50  }
0x3b: {  	[sflag:s10] =	ssyncset.done $0x0  }
0x3c: {  	[sflag:s10] =	ssyncadd.s32 $0xFFFFFFB0  }
0x3d: {  	[tilespmem:s13], [sflag:$0x1] =	stream.indirect.gather [hbm4b:s4+s12], $0x80, s3, s12, $0xb8;
	[tilespmem:$0x16180] =	vst v63  }
0x3e: {  	_ =	swait.ge [sflag:s14], $0x2800  }
0x3f: {  	[sflag:s14] =	ssyncset.done $0x0  }
0x40: {  	[sflag:s14] =	ssyncadd.s32 $0xFFFFD800  }
0x41: {  	[spmem:s2] =	stream.indirect.scatter.add.f32 [tilespmem:s13], [sflag:$0x2], $0x80, s11, s12, $0xb8;
	[tilespmem:$0x16180] =	vst v63  }
0x42: {  	_ =	swait.ge [sflag:s10], $0x2800  }
0x43: {  	[sflag:s10] =	ssyncset.done $0x0  }
0x44: {  	s15 =	sadd.s32 $0x1, s15;
	[sflag:s10] =	ssyncadd.s32 $0xFFFFD800  }
0x45: {  	s16 =	simm.s32 @!p0 $0x1C02;
	p1 =	sne.s32 s15, s6;
	[bflag:$0x0] =	sbarrier.arrive $0xFFFF  }
0x46: {  	[hbm:s5], [sflag:s16] =	dma.local @!p0 [spmem:s9], $0x27100  }
.Ltmp1:
0x47: {  	_ = 	snop;
	(pc) =	sbr.rel @p1 .LBB2_1-.Ltmp1, $4  }
0x48: {  	s16 =	simm.s32 @!p0 $0x2  }
0x49: {  	_ =	swait.ge @!p0 [sflag:s16], $0x27100  }
0x4a: {  	[sflag:s16] =	ssyncset.done @!p0 $0x0  }
0x4b: {  	[sflag:s16] =	ssyncadd.s32 @!p0 $0xFFFD8F00  }
0x4c: {  	_ =	sfence.sel $0x180000  }
0x4d: {  	[bflag:$0x0] =	sbarrier.arrive $0xFFFF  }
0x4e: {  	_ =	strace $0x90000050  }
0x4f: {  	s0 =	sadd.s32 @!p0 $0x100000, s1;
	[bflag:$0x2] =	sbarrier.arrive $0xFFFF  }
0x50: {  	[sflag:s0] =	ssyncadd.tile.s32 @!p0 $0x1;
	_ =	shalt  }
.Lfunc_end2:
_tile_overlayer_lowered:
.L_overlay_start_2:
0x51: {  	(tag) =	ssettag $0x2  }
0x52: {  	s0 =	rddreg [dreg:$0x0];
	s2 =	stileid.u32  }
0x53: {  	s1 =	rddreg [dreg:$0x1];
	p0 =	sne.s32 s2, $0x0  }
0x54: {  	s3 =	rddreg [dreg:$0x2];
	[bflag:$0x3] =	sbarrier.arrive $0xFFFF;
	s2 =	simm.s32 @!p0 $0x1C02  }
0x55: {  	[timem:s3], [sflag:s2] =	dma.local @!p0 [hbm:s0], s1  }
0x56: {  	s0 =	simm.s32 @!p0 $0x2  }
0x57: {  	_ =	swait.ge @!p0 [sflag:s0], s1  }
0x58: {  	s1 =	ssub.s32 @!p0 $0x0, s1;
	[sflag:s0] =	ssyncset.done @!p0 $0x0  }
0x59: {  	[sflag:s0] =	ssyncadd.s32 @!p0 s1  }
0x5a: {  	[bflag:$0x3] =	sbarrier.arrive $0xFFFF  }
0x5b: {  	_ =	shalt  }

// kernel: kernel.46.cloned.1.call-start
scs
__scs_entry_jumppad:
0x0: {  	(pc) =	sbr.rel $0x88, $3  }
0x1: {  	(tag) =	ssettag $0x0;
	lr =	simm.s32 $0x1  }
0x2: {  	[smem:$0x3F90] =	sst lr;
	_ =	strace $0xD0000000  }
0x3: {  	_ = 	snop  }
0x4: {  	_ = 	snop  }
0x5: {  	_ = 	snop  }
0x6: {  	_ = 	snop  }
0x7: {  	_ = 	snop  }
__scs_overlays_trampoline_lowered:
0x8: {  	[smem:$0x3F9F] =	sst s0  }
0x9: {  	[smem:$0x3FA0] =	sst s1  }
0xa: {  	[smem:$0x3FA1] =	sst s2  }
0xb: {  	[smem:$0x3FA2] =	sst s3  }
0xc: {  	[smem:$0x3FA3] =	sst s4  }
0xd: {  	[smem:$0x3FA4] =	sst s5  }
0xe: {  	[smem:$0x3FA5] =	sst s6  }
0xf: {  	[smem:$0x3FA6] =	sst s7  }
0x10: {  	[smem:$0x3FA7] =	sst s8  }
0x11: {  	[smem:$0x3FA8] =	sst s9;
	s0 =	simm.s32 @!p0 $0x0  }
0x12: {  	s1 =	sld [smem:$0x3F8E];
	s0 =	simm.s32 @p0 $0x1  }
0x13: {  	[smem:$0x3FA9] =	sst s0;
	s0 =	simm.s32 @!p1 $0x0  }
0x14: {  	s2 =	sld [smem:$0x3F8D];
	s0 =	simm.s32 @p1 $0x1  }
0x15: {  	[smem:$0x3FAA] =	sst s0;
	s0 =	simm.s32 @!p2 $0x0  }
0x16: {  	s3 =	sld [smem:$0x3FDB];
	s0 =	simm.s32 @p2 $0x1  }
0x17: {  	s4 =	simm.s32 $0x1BF5;
	[smem:$0x3FAC] =	sst s0  }
0x18: {  	s0 =	sld [smem:$0x3F8F];
	_ =	swait.ge [sflag:s4], $0x0  }
0x19: {  	s7 =	sld [smem:$0x3F90]  }
0x1a: {  	s8 =	sadd.s32 $0xFFFFE003, lr  }
0x1b: {  	s9 =	sadd.s32 $0xFFFFFEF7, lr;
	s5 =	simm.s32 $0xFFFFFFFF;
	p2 =	slt.u32 s8, $0xFFFFF086  }
0x1c: {  	p1 =	slt.u32 s9, $0xF7A;
	s5 =	simm.s32 @!p2 $0x0  }
0x1d: {  	s5 =	simm.s32 @p1 $0x1;
	p0 =	seq.s32 s7, s2  }
0x1e: {  	s7 =	smul.u32 @!p0 $0xF7A, s2;
	p2 =	seq.s32 @!p0 s5, $0x0  }
0x1f: {  	s9 =	smul.u32 $0xF7A, s1;
	s8 =	simm.s32 @!p0 $0x1BF5;
	p2 =	por !p2, p0  }
0x20: {  	[sflag:s8] =	ssyncset.s32 @!p0 $0xFFFFF086;
	s6 =	sadd.s32 @!p0 s3, s7;
	s7 =	simm.s32 @!p0 $0x108  }
0x21: {  	s3 =	sadd.s32 s3, s9;
	s6 =	sadd.s32 @!p0 $0x88, s6;
	s7 =	simm.s32 @p2 $0x1082  }
0x22: {  	[simem:s7], [sflag:s8] =	dma.local @!p0 [hbm:s6], $0xF7A  }
0x23: {  	s9 =	sor.u32 $0xD0000000, s2;
	s6 =	simm.s32 $0x108;
	_ =	swait.ge @!p0 [sflag:s8], $0x0  }
0x24: {  	s3 =	sadd.s32 $0x88, s3;
	s6 =	simm.s32 @!p1 $0x1082;
	[sflag:s4] =	ssyncset.s32 $0xFFFFF086  }
0x25: {  	[simem:s6], [sflag:s4] =	dma.local [hbm:s3], $0xF7A  }
0x26: {  	[smem:$0x3F90] =	sst s1;
	(tag) =	ssettag s2;
	_ =	strace s9  }
0x27: {  	s1 =	sld [smem:$0x3FA0]  }
0x28: {  	s2 =	sld [smem:$0x3FA1]  }
0x29: {  	s4 =	sld [smem:$0x3FA3]  }
0x2a: {  	p0 =	seq.s32 s5, $0x0;
	s5 =	sld [smem:$0x3FA4]  }
0x2b: {  	s6 =	sld [smem:$0x3FA5]  }
0x2c: {  	s7 =	sld [smem:$0x3FA6]  }
0x2d: {  	s3 =	simm.s32 $0x108;
	s8 =	sld [smem:$0x3FA7]  }
0x2e: {  	s3 =	simm.s32 @!p0 $0x1082;
	s9 =	sld [smem:$0x3FA8]  }
0x2f: {  	lr =	sadd.s32 s0, s3;
	s0 =	sld [smem:$0x3F9F]  }
0x30: {  	s3 =	sld [smem:$0x3FA2]  }
0x31: {  	[smem:$0x3FAB] =	sst s10  }
0x32: {  	s10 =	sld [smem:$0x3FA9];
	_ =	sdelay $0x3  }
0x33: {  	p0 =	seq.s32 s10, $0x1;
	s10 =	sld [smem:$0x3FAB];
	_ =	sdelay $0x3  }
0x34: {  	[smem:$0x3FAB] =	sst s10  }
0x35: {  	s10 =	sld [smem:$0x3FAA];
	_ =	sdelay $0x3  }
0x36: {  	p1 =	seq.s32 s10, $0x1;
	s10 =	sld [smem:$0x3FAB];
	_ =	sdelay $0x3  }
0x37: {  	[smem:$0x3FAB] =	sst s10  }
0x38: {  	s10 =	sld [smem:$0x3FAC]  }
0x39: {  	_ = 	snop;
	(pc) =	sbr.ind lr, $3  }
0x3a: {  	_ = 	snop  }
0x3b: {  	_ = 	snop  }
0x3c: {  	p2 =	seq.s32 s10, $0x1;
	s10 =	sld [smem:$0x3FAB]  }
0x3d: {  	_ =	shalt  }
0x3e: {  	_ =	shalt  }
0x3f: {  	_ =	shalt  }
0x40: {  	_ =	shalt  }
0x41: {  	_ =	shalt  }
0x42: {  	_ =	shalt  }
0x43: {  	_ =	shalt  }
0x44: {  	_ =	shalt  }
0x45: {  	_ =	shalt  }
0x46: {  	_ =	shalt  }
0x47: {  	_ =	shalt  }
0x48: {  	_ =	shalt  }
0x49: {  	_ =	shalt  }
0x4a: {  	_ =	shalt  }
0x4b: {  	_ =	shalt  }
0x4c: {  	_ =	shalt  }
0x4d: {  	_ =	shalt  }
0x4e: {  	_ =	shalt  }
0x4f: {  	_ =	shalt  }
0x50: {  	_ =	shalt  }
0x51: {  	_ =	shalt  }
0x52: {  	_ =	shalt  }
0x53: {  	_ =	shalt  }
0x54: {  	_ =	shalt  }
0x55: {  	_ =	shalt  }
0x56: {  	_ =	shalt  }
0x57: {  	_ =	shalt  }
0x58: {  	_ =	shalt  }
0x59: {  	_ =	shalt  }
0x5a: {  	_ =	shalt  }
0x5b: {  	_ =	shalt  }
0x5c: {  	_ =	shalt  }
0x5d: {  	_ =	shalt  }
0x5e: {  	_ =	shalt  }
0x5f: {  	_ =	shalt  }
0x60: {  	_ =	shalt  }
0x61: {  	_ =	shalt  }
0x62: {  	_ =	shalt  }
0x63: {  	_ =	shalt  }
0x64: {  	_ =	shalt  }
0x65: {  	_ =	shalt  }
0x66: {  	_ =	shalt  }
0x67: {  	_ =	shalt  }
0x68: {  	_ =	shalt  }
0x69: {  	_ =	shalt  }
0x6a: {  	_ =	shalt  }
0x6b: {  	_ =	shalt  }
0x6c: {  	_ =	shalt  }
0x6d: {  	_ =	shalt  }
0x6e: {  	_ =	shalt  }
0x6f: {  	_ =	shalt  }
0x70: {  	_ =	shalt  }
0x71: {  	_ =	shalt  }
0x72: {  	_ =	shalt  }
0x73: {  	_ =	shalt  }
0x74: {  	_ =	shalt  }
0x75: {  	_ =	shalt  }
0x76: {  	_ =	shalt  }
0x77: {  	_ =	shalt  }
0x78: {  	_ =	shalt  }
0x79: {  	_ =	shalt  }
0x7a: {  	_ =	shalt  }
0x7b: {  	_ =	shalt  }
0x7c: {  	_ =	shalt  }
0x7d: {  	_ =	shalt  }
0x7e: {  	_ =	shalt  }
0x7f: {  	_ =	shalt  }
0x80: {  	_ =	shalt  }
0x81: {  	_ =	shalt  }
0x82: {  	_ =	shalt  }
0x83: {  	_ =	shalt  }
0x84: {  	_ =	shalt  }
0x85: {  	_ =	shalt  }
0x86: {  	_ =	shalt  }
0x87: {  	_ =	shalt  }
.Lfunc_end0:
.L_simem_size_0:
called_computation.4_lowered:
.L_overlay_start_0:
0x88: {  	s2 =	sld [smem:$0x3FD9]  }
0x89: {  	s3 =	sld [smem:$0x3FFE];
	_ =	sdelay $0x1  }
0x8a: {  	s1 =	srdreg.scid  }
0x8b: {  	s0 =	sand.u32 $0x1, s1  }
0x8c: {  	s17 =	sshll.u32 s0, $0xA;
	s2 =	sadd.s32 s3, s2  }
0x8d: {  	s2 =	sadd.s32 s2, s17  }
0x8e: {  	[smem:$0x3FB7] =	sst s2  }
0x8f: {  	_ = 	snop  }
0x90: {  	s2 =	sld [smem:$0x3FD0];
	(tm) =	ssettm $0x1  }
0x91: {  	s18 =	sld [smem:$0x3FFB];
	_ =	sdelay $0x3  }
0x92: {  	_ =	strace s18  }
0x93: {  	s3 =	sld [smem:$0x3FFC];
	_ =	sdelay $0x3  }
0x94: {  	_ =	strace s3  }
0x95: {  	s3 =	sld [smem:$0x3FFD];
	_ =	sdelay $0x3  }
0x96: {  	_ =	strace s3  }
0x97: {  	_ =	strace $0x8FFFFFFF  }
0x98: {  	s19 =	sld [smem:$0x3FDB];
	_ =	sdelay $0x1  }
0x99: {  	s4 =	simm.s32 $_scs_section_size  }
0x9a: {  	s5 =	simm.s32 $_size__tile_overlayer_lowered;
	s6 =	simm.s32 $_tile_overlayer_lowered  }
0x9b: {  	s22 =	simm.s32 $0x1BFF;
	s21 =	sshll.u32 s6, $0x1;
	s3 =	sadd.s32 s4, s19  }
0x9c: {  	s7 =	simm.s32 $0x0;
	s20 =	sshll.u32 s5, $0x1;
	s5 =	sadd.s32 s21, s3  }
0x9d: {  	[timem:s7], [sflag:s22] =	dma.local [hbm:s5], s20  }
0x9e: {  	_ =	swait.ge [sflag:s22], s20  }
0x9f: {  	s4 =	ssub.s32 $0x0, s20;
	[sflag:s22] =	ssyncset.done $0x0  }
0xa0: {  	[sflag:s22] =	ssyncadd.s32 s4;
	_ =	sdelay $0x1  }
0xa1: {  	s23 =	simm.s32 $0x1B8B  }
0xa2: {  	_ =	swait.ge [sflag:s23], $0x1  }
0xa3: {  	[sflag:s23] =	ssyncset.done $0x0  }
0xa4: {  	s25 =	simm.s32 $0x1B8E;
	s24 =	sld [smem:$0x3FFE];
	[sflag:s23] =	ssyncadd.s32 $0xFFFFFFFF  }
0xa5: {  	s26 =	simm.s32 $execute0_lowered;
	[smem:$0x3FD2] =	sst s25  }
0xa6: {  	s5 =	sshll.u32 s26, $0x1;
	_ =	strace $0x80000052;
	[dreg:$0x1] =	wrdreg $0xFFFFFFFF  }
0xa7: {  	s28 =	simm.s32 $_size_execute0_lowered;
	s3 =	sadd.s32 s3, s5;
	[dreg:$0x0] =	wrdreg $0x0  }
0xa8: {  	s5 =	sshll.u32 s28, $0x1;
	[dreg:$0x2] =	wrdreg s3  }
0xa9: {  	[dreg:$0x3] =	wrdreg s5  }
0xaa: {  	[dreg:$0x4] =	wrdreg $0xC0  }
0xab: {  	_ =	task [dreg:s7], $0x5FFFF  }
0xac: {  	[dreg:$0x1] =	wrdreg $0xFFFFFFFF  }
0xad: {  	[dreg:$0x0] =	wrdreg $0x60  }
0xae: {  	[dreg:$0x2] =	wrdreg s24  }
0xaf: {  	[dreg:$0x3] =	wrdreg s2  }
0xb0: {  	[dreg:$0x4] =	wrdreg $0x29000  }
0xb1: {  	[dreg:$0x5] =	wrdreg $0x9  }
0xb2: {  	_ =	task.clear_ibuf [dreg:s7], $0x6FFFF;
	_ =	strace $0x90000052  }
0xb3: {  	s29 =	simm.s32 $0x9;
	_ =	strace $0x80000054  }
0xb4: {  	_ =	swait.ge [sflag:s29], $0x1  }
0xb5: {  	[sflag:s29] =	ssyncadd.s32 $0xFFFFFFFF  }
0xb6: {  	_ =	strace $0x90000054  }
0xb7: {  	_ =	sfence  }
0xb8: {  	s30 =	sld [smem:$0x0];
	_ =	sdelay $0x2  }
0xb9: {  	s31 =	sshll.u32 s1, $0xD;
	s1 =	sshrl.u32 s1, $0x2  }
0xba: {  	s3 =	sand.u32 $0x4000, s31;
	s1 =	sadd.s32 s1, s30  }
0xbb: {  	s0 =	sor.u32 s3, s0;
	s1 =	sshll.u32 s1, $0x11  }
0xbc: {  	s0 =	sor.u32 s1, s0  }
0xbd: {  	s0 =	sadd.s32 $0x8F2B, s0  }
0xbe: {  	[sflag:s0] =	ssyncadd.remote.s32 $0x1  }
0xbf: {  	_ =	sfence.sel $0xFFFF  }
0xc0: {  	[dreg:$0x0] =	wrdreg $0xFFFFFFFF;
	(pc) =	sbr.abs _section_cstart, $3  }
0xc1: {  	[dreg:$0x1] =	wrdreg $0xFFFFFFFF  }
0xc2: {  	_ =	task.clear_ibuf [dreg:s7], $0x2FFFF;
	_ =	strace $0x9FFFFFFF  }
0xc3: {  	(tm) =	ssettm $0x7FFFFFFF  }
tec
execute0_lowered:
.L_overlay_start_1:
0x0: {  	(tag) =	ssettag $0x1  }
0x1: {  	s5 =	rddreg [dreg:$0x0]  }
0x2: {  	s0 =	rddreg [dreg:$0x1];
	s1 =	srdreg.scid  }
0x3: {  	s2 =	rddreg [dreg:$0x2];
	s7 =	stileid.u32  }
0x4: {  	s3 =	simm.s32 $0x0;
	s11 =	simm.s32 $0x80;
	s12 =	simm.s32 $0x50  }
0x5: {  	s13 =	simm.s32 $0x100;
	s14 =	simm.s32 $0x1;
	s15 =	simm.s32 $0x0  }
0x6: {  	s4 =	sand.u32 $0x1, s1;
	s1 =	rddreg [dreg:$0x3];
	s8 =	smul.u32 $0x2710, s7  }
0x7: {  	[smem:$0x7FF] =	sst s3;
	s6 =	smul.u32 $0x27100, s4;
	s9 =	ssub.s32 $0x2, s4  }
0x8: {  	p0 =	sne.s32 s7, $0x0;
	_ =	strace $0x80000053;
	s10 =	sshrl.u32 s9, $0x1  }
0x9: {  	s4 =	sadd.s32 $0x77A00, s5;
	s8 =	sadd.s32 s8, s6;
	s31 =	ssub.s32 s9, s10  }
0xa: {  	s9 =	sshrl.u32 @!p0 s2, $0x3;
	s10 =	simm.s32 $0x2;
	s8 =	sshrl.u32 s8, $0x3  }
0xb: {  	s8 =	sadd.s32 s8, s5;
	s5 =	sadd.s32 s6, s5;
	s6 =	smax.u32 s31, $0x1  }
0xc: {  	s5 =	sadd.s32 $0x23000, s5;
	s7 =	sadd.s32 $0xF400, s8;
	s8 =	sadd.s32 $0x19200, s8  }
.LBB2_1:
0xd: {  	s16 =	simm.s32 @!p0 $0x1C02  }
0xe: {  	[spmem:s9], [sflag:s16] =	dma.local @!p0 [hbm:s0], $0x27100  }
0xf: {  	s16 =	simm.s32 @!p0 $0x2  }
0x10: {  	_ =	swait.ge @!p0 [sflag:s16], $0x27100  }
0x11: {  	[sflag:s16] =	ssyncset.done @!p0 $0x0  }
0x12: {  	[sflag:s16] =	ssyncadd.s32 @!p0 $0xFFFD8F00  }
0x13: {  	s30 =	sadd.s32 $0x0, s8;
	[bflag:$0x0] =	sbarrier.arrive $0xFFFF  }
0x14: {  	[tilespmem:s3], [sflag:$0x2] =	stream.linear.gather [hbm4b:s30+s3], $0x50, $0x38;
	[tilespmem:$0x16180] =	vst v63  }
0x15: {  	_ =	swait.ge [sflag:s10], $0x50  }
0x16: {  	[sflag:s10] =	ssyncset.done $0x0  }
0x17: {  	s31 =	sadd.s32 $0x0, s7;
	[sflag:s10] =	ssyncadd.s32 $0xFFFFFFB0  }
0x18: {  	[tilespmem:s11], [sflag:$0x2] =	stream.linear.gather [hbm4b:s31+s3], $0x50, $0x38;
	[tilespmem:$0x16180] =	vst v63  }
0x19: {  	_ =	swait.ge [sflag:s10], $0x50  }
0x1a: {  	[sflag:s10] =	ssyncset.done $0x0  }
0x1b: {  	[sflag:s10] =	ssyncadd.s32 $0xFFFFFFB0  }
0x1c: {  	[tilespmem:s13], [sflag:$0x1] =	stream.indirect.gather [hbm4b:s4+s12], $0x80, s3, s12, $0xb8;
	[tilespmem:$0x16180] =	vst v63  }
0x1d: {  	_ =	swait.ge [sflag:s14], $0x2800  }
0x1e: {  	[sflag:s14] =	ssyncset.done $0x0  }
0x1f: {  	[sflag:s14] =	ssyncadd.s32 $0xFFFFD800  }
0x20: {  	[spmem:s2] =	stream.indirect.scatter.add.f32 [tilespmem:s13], [sflag:$0x2], $0x80, s11, s12, $0xb8;
	[tilespmem:$0x16180] =	vst v63  }
0x21: {  	_ =	swait.ge [sflag:s10], $0x2800  }
0x22: {  	s17 =	simm.s32 $0x14;
	s16 =	simm.s32 $0xA;
	[sflag:s10] =	ssyncset.done $0x0  }
.LBB2_2:
0x23: {  	s18 =	sadd.s32 s16, s8  }
0x24: {  	[sflag:s10] =	ssyncadd.s32 $0xFFFFD800;
	s19 =	smov.u32 s17;
	s20 =	sadd.s32 $0xA, s17  }
0x25: {  	[tilespmem:s3], [sflag:$0x2] =	stream.linear.gather [hbm4b:s18+s3], $0x50, $0x38;
	[tilespmem:$0x16180] =	vst v63  }
0x26: {  	p1 =	sne.s32 s17, $0x4D8;
	_ =	swait.ge [sflag:s10], $0x50  }
0x27: {  	[sflag:s10] =	ssyncset.done $0x0  }
0x28: {  	s17 =	sadd.s32 s16, s7;
	s16 =	smov.u32 s19;
	[sflag:s10] =	ssyncadd.s32 $0xFFFFFFB0  }
0x29: {  	[tilespmem:s11], [sflag:$0x2] =	stream.linear.gather [hbm4b:s17+s3], $0x50, $0x38;
	[tilespmem:$0x16180] =	vst v63  }
0x2a: {  	_ =	swait.ge [sflag:s10], $0x50  }
0x2b: {  	[sflag:s10] =	ssyncset.done $0x0  }
0x2c: {  	[sflag:s10] =	ssyncadd.s32 $0xFFFFFFB0  }
0x2d: {  	[tilespmem:s13], [sflag:$0x1] =	stream.indirect.gather [hbm4b:s4+s12], $0x80, s3, s12, $0xb8;
	[tilespmem:$0x16180] =	vst v63  }
0x2e: {  	_ =	swait.ge [sflag:s14], $0x2800  }
.Ltmp0:
0x2f: {  	[sflag:s14] =	ssyncset.done $0x0;
	(pc) =	sbr.rel @p1 .LBB2_2-.Ltmp0, $4  }
0x30: {  	[sflag:s14] =	ssyncadd.s32 $0xFFFFD800  }
0x31: {  	[spmem:s2] =	stream.indirect.scatter.add.f32 [tilespmem:s13], [sflag:$0x2], $0x80, s11, s12, $0xb8;
	[tilespmem:$0x16180] =	vst v63  }
0x32: {  	_ =	swait.ge [sflag:s10], $0x2800  }
0x33: {  	s17 =	smov.u32 s20;
	[sflag:s10] =	ssyncset.done $0x0  }
0x34: {  	s17 =	sadd.s32 s16, s8;
	[sflag:s10] =	ssyncadd.s32 $0xFFFFD800  }
0x35: {  	[tilespmem:s3], [sflag:$0x2] =	stream.linear.gather [hbm4b:s17+s3], $0x50, $0x38;
	[tilespmem:$0x16180] =	vst v63  }
0x36: {  	_ =	swait.ge [sflag:s10], $0x50  }
0x37: {  	[sflag:s10] =	ssyncset.done $0x0  }
0x38: {  	s31 =	sadd.s32 s16, s7;
	[sflag:s10] =	ssyncadd.s32 $0xFFFFFFB0  }
0x39: {  	[tilespmem:s11], [sflag:$0x2] =	stream.linear.gather [hbm4b:s31+s3], $0x50, $0x38;
	[tilespmem:$0x16180] =	vst v63  }
0x3a: {  	_ =	swait.ge [sflag:s10], $0x50  }
0x3b: {  	[sflag:s10] =	ssyncset.done $0x0  }
0x3c: {  	[sflag:s10] =	ssyncadd.s32 $0xFFFFFFB0  }
0x3d: {  	[tilespmem:s13], [sflag:$0x1] =	stream.indirect.gather [hbm4b:s4+s12], $0x80, s3, s12, $0xb8;
	[tilespmem:$0x16180] =	vst v63  }
0x3e: {  	_ =	swait.ge [sflag:s14], $0x2800  }
0x3f: {  	[sflag:s14] =	ssyncset.done $0x0  }
0x40: {  	[sflag:s14] =	ssyncadd.s32 $0xFFFFD800  }
0x41: {  	[spmem:s2] =	stream.indirect.scatter.add.f32 [tilespmem:s13], [sflag:$0x2], $0x80, s11, s12, $0xb8;
	[tilespmem:$0x16180] =	vst v63  }
0x42: {  	_ =	swait.ge [sflag:s10], $0x2800  }
0x43: {  	[sflag:s10] =	ssyncset.done $0x0  }
0x44: {  	s15 =	sadd.s32 $0x1, s15;
	[sflag:s10] =	ssyncadd.s32 $0xFFFFD800  }
0x45: {  	s16 =	simm.s32 @!p0 $0x1C02;
	p1 =	sne.s32 s15, s6;
	[bflag:$0x0] =	sbarrier.arrive $0xFFFF  }
0x46: {  	[hbm:s5], [sflag:s16] =	dma.local @!p0 [spmem:s9], $0x27100  }
.Ltmp1:
0x47: {  	_ = 	snop;
	(pc) =	sbr.rel @p1 .LBB2_1-.Ltmp1, $4  }
0x48: {  	s16 =	simm.s32 @!p0 $0x2  }
0x49: {  	_ =	swait.ge @!p0 [sflag:s16], $0x27100  }
0x4a: {  	[sflag:s16] =	ssyncset.done @!p0 $0x0  }
0x4b: {  	[sflag:s16] =	ssyncadd.s32 @!p0 $0xFFFD8F00  }
0x4c: {  	_ =	sfence.sel $0x180000  }
0x4d: {  	[bflag:$0x0] =	sbarrier.arrive $0xFFFF  }
0x4e: {  	_ =	strace $0x90000053  }
0x4f: {  	s0 =	sadd.s32 @!p0 $0x100000, s1;
	[bflag:$0x2] =	sbarrier.arrive $0xFFFF  }
0x50: {  	[sflag:s0] =	ssyncadd.tile.s32 @!p0 $0x1;
	_ =	shalt  }
.Lfunc_end2:
_tile_overlayer_lowered:
.L_overlay_start_2:
0x51: {  	(tag) =	ssettag $0x2  }
0x52: {  	s0 =	rddreg [dreg:$0x0];
	s2 =	stileid.u32  }
0x53: {  	s1 =	rddreg [dreg:$0x1];
	p0 =	sne.s32 s2, $0x0  }
0x54: {  	s3 =	rddreg [dreg:$0x2];
	[bflag:$0x3] =	sbarrier.arrive $0xFFFF;
	s2 =	simm.s32 @!p0 $0x1C02  }
0x55: {  	[timem:s3], [sflag:s2] =	dma.local @!p0 [hbm:s0], s1  }
0x56: {  	s0 =	simm.s32 @!p0 $0x2  }
0x57: {  	_ =	swait.ge @!p0 [sflag:s0], s1  }
0x58: {  	s1 =	ssub.s32 @!p0 $0x0, s1;
	[sflag:s0] =	ssyncset.done @!p0 $0x0  }
0x59: {  	[sflag:s0] =	ssyncadd.s32 @!p0 s1  }
0x5a: {  	[bflag:$0x3] =	sbarrier.arrive $0xFFFF  }
0x5b: {  	_ =	shalt  }

// kernel: kernel.49.cloned.1.call-start
scs
__scs_entry_jumppad:
0x0: {  	(pc) =	sbr.rel $0x88, $3  }
0x1: {  	(tag) =	ssettag $0x0;
	lr =	simm.s32 $0x1  }
0x2: {  	[smem:$0x3F90] =	sst lr;
	_ =	strace $0xD0000000  }
0x3: {  	_ = 	snop  }
0x4: {  	_ = 	snop  }
0x5: {  	_ = 	snop  }
0x6: {  	_ = 	snop  }
0x7: {  	_ = 	snop  }
__scs_overlays_trampoline_lowered:
0x8: {  	[smem:$0x3F9F] =	sst s0  }
0x9: {  	[smem:$0x3FA0] =	sst s1  }
0xa: {  	[smem:$0x3FA1] =	sst s2  }
0xb: {  	[smem:$0x3FA2] =	sst s3  }
0xc: {  	[smem:$0x3FA3] =	sst s4  }
0xd: {  	[smem:$0x3FA4] =	sst s5  }
0xe: {  	[smem:$0x3FA5] =	sst s6  }
0xf: {  	[smem:$0x3FA6] =	sst s7  }
0x10: {  	[smem:$0x3FA7] =	sst s8  }
0x11: {  	[smem:$0x3FA8] =	sst s9;
	s0 =	simm.s32 @!p0 $0x0  }
0x12: {  	s1 =	sld [smem:$0x3F8E];
	s0 =	simm.s32 @p0 $0x1  }
0x13: {  	[smem:$0x3FA9] =	sst s0;
	s0 =	simm.s32 @!p1 $0x0  }
0x14: {  	s2 =	sld [smem:$0x3F8D];
	s0 =	simm.s32 @p1 $0x1  }
0x15: {  	[smem:$0x3FAA] =	sst s0;
	s0 =	simm.s32 @!p2 $0x0  }
0x16: {  	s3 =	sld [smem:$0x3FDB];
	s0 =	simm.s32 @p2 $0x1  }
0x17: {  	s4 =	simm.s32 $0x1BF5;
	[smem:$0x3FAC] =	sst s0  }
0x18: {  	s0 =	sld [smem:$0x3F8F];
	_ =	swait.ge [sflag:s4], $0x0  }
0x19: {  	s7 =	sld [smem:$0x3F90]  }
0x1a: {  	s8 =	sadd.s32 $0xFFFFE003, lr  }
0x1b: {  	s9 =	sadd.s32 $0xFFFFFEF7, lr;
	s5 =	simm.s32 $0xFFFFFFFF;
	p2 =	slt.u32 s8, $0xFFFFF086  }
0x1c: {  	p1 =	slt.u32 s9, $0xF7A;
	s5 =	simm.s32 @!p2 $0x0  }
0x1d: {  	s5 =	simm.s32 @p1 $0x1;
	p0 =	seq.s32 s7, s2  }
0x1e: {  	s7 =	smul.u32 @!p0 $0xF7A, s2;
	p2 =	seq.s32 @!p0 s5, $0x0  }
0x1f: {  	s9 =	smul.u32 $0xF7A, s1;
	s8 =	simm.s32 @!p0 $0x1BF5;
	p2 =	por !p2, p0  }
0x20: {  	[sflag:s8] =	ssyncset.s32 @!p0 $0xFFFFF086;
	s6 =	sadd.s32 @!p0 s3, s7;
	s7 =	simm.s32 @!p0 $0x108  }
0x21: {  	s3 =	sadd.s32 s3, s9;
	s6 =	sadd.s32 @!p0 $0x88, s6;
	s7 =	simm.s32 @p2 $0x1082  }
0x22: {  	[simem:s7], [sflag:s8] =	dma.local @!p0 [hbm:s6], $0xF7A  }
0x23: {  	s9 =	sor.u32 $0xD0000000, s2;
	s6 =	simm.s32 $0x108;
	_ =	swait.ge @!p0 [sflag:s8], $0x0  }
0x24: {  	s3 =	sadd.s32 $0x88, s3;
	s6 =	simm.s32 @!p1 $0x1082;
	[sflag:s4] =	ssyncset.s32 $0xFFFFF086  }
0x25: {  	[simem:s6], [sflag:s4] =	dma.local [hbm:s3], $0xF7A  }
0x26: {  	[smem:$0x3F90] =	sst s1;
	(tag) =	ssettag s2;
	_ =	strace s9  }
0x27: {  	s1 =	sld [smem:$0x3FA0]  }
0x28: {  	s2 =	sld [smem:$0x3FA1]  }
0x29: {  	s4 =	sld [smem:$0x3FA3]  }
0x2a: {  	p0 =	seq.s32 s5, $0x0;
	s5 =	sld [smem:$0x3FA4]  }
0x2b: {  	s6 =	sld [smem:$0x3FA5]  }
0x2c: {  	s7 =	sld [smem:$0x3FA6]  }
0x2d: {  	s3 =	simm.s32 $0x108;
	s8 =	sld [smem:$0x3FA7]  }
0x2e: {  	s3 =	simm.s32 @!p0 $0x1082;
	s9 =	sld [smem:$0x3FA8]  }
0x2f: {  	lr =	sadd.s32 s0, s3;
	s0 =	sld [smem:$0x3F9F]  }
0x30: {  	s3 =	sld [smem:$0x3FA2]  }
0x31: {  	[smem:$0x3FAB] =	sst s10  }
0x32: {  	s10 =	sld [smem:$0x3FA9];
	_ =	sdelay $0x3  }
0x33: {  	p0 =	seq.s32 s10, $0x1;
	s10 =	sld [smem:$0x3FAB];
	_ =	sdelay $0x3  }
0x34: {  	[smem:$0x3FAB] =	sst s10  }
0x35: {  	s10 =	sld [smem:$0x3FAA];
	_ =	sdelay $0x3  }
0x36: {  	p1 =	seq.s32 s10, $0x1;
	s10 =	sld [smem:$0x3FAB];
	_ =	sdelay $0x3  }
0x37: {  	[smem:$0x3FAB] =	sst s10  }
0x38: {  	s10 =	sld [smem:$0x3FAC]  }
0x39: {  	_ = 	snop;
	(pc) =	sbr.ind lr, $3  }
0x3a: {  	_ = 	snop  }
0x3b: {  	_ = 	snop  }
0x3c: {  	p2 =	seq.s32 s10, $0x1;
	s10 =	sld [smem:$0x3FAB]  }
0x3d: {  	_ =	shalt  }
0x3e: {  	_ =	shalt  }
0x3f: {  	_ =	shalt  }
0x40: {  	_ =	shalt  }
0x41: {  	_ =	shalt  }
0x42: {  	_ =	shalt  }
0x43: {  	_ =	shalt  }
0x44: {  	_ =	shalt  }
0x45: {  	_ =	shalt  }
0x46: {  	_ =	shalt  }
0x47: {  	_ =	shalt  }
0x48: {  	_ =	shalt  }
0x49: {  	_ =	shalt  }
0x4a: {  	_ =	shalt  }
0x4b: {  	_ =	shalt  }
0x4c: {  	_ =	shalt  }
0x4d: {  	_ =	shalt  }
0x4e: {  	_ =	shalt  }
0x4f: {  	_ =	shalt  }
0x50: {  	_ =	shalt  }
0x51: {  	_ =	shalt  }
0x52: {  	_ =	shalt  }
0x53: {  	_ =	shalt  }
0x54: {  	_ =	shalt  }
0x55: {  	_ =	shalt  }
0x56: {  	_ =	shalt  }
0x57: {  	_ =	shalt  }
0x58: {  	_ =	shalt  }
0x59: {  	_ =	shalt  }
0x5a: {  	_ =	shalt  }
0x5b: {  	_ =	shalt  }
0x5c: {  	_ =	shalt  }
0x5d: {  	_ =	shalt  }
0x5e: {  	_ =	shalt  }
0x5f: {  	_ =	shalt  }
0x60: {  	_ =	shalt  }
0x61: {  	_ =	shalt  }
0x62: {  	_ =	shalt  }
0x63: {  	_ =	shalt  }
0x64: {  	_ =	shalt  }
0x65: {  	_ =	shalt  }
0x66: {  	_ =	shalt  }
0x67: {  	_ =	shalt  }
0x68: {  	_ =	shalt  }
0x69: {  	_ =	shalt  }
0x6a: {  	_ =	shalt  }
0x6b: {  	_ =	shalt  }
0x6c: {  	_ =	shalt  }
0x6d: {  	_ =	shalt  }
0x6e: {  	_ =	shalt  }
0x6f: {  	_ =	shalt  }
0x70: {  	_ =	shalt  }
0x71: {  	_ =	shalt  }
0x72: {  	_ =	shalt  }
0x73: {  	_ =	shalt  }
0x74: {  	_ =	shalt  }
0x75: {  	_ =	shalt  }
0x76: {  	_ =	shalt  }
0x77: {  	_ =	shalt  }
0x78: {  	_ =	shalt  }
0x79: {  	_ =	shalt  }
0x7a: {  	_ =	shalt  }
0x7b: {  	_ =	shalt  }
0x7c: {  	_ =	shalt  }
0x7d: {  	_ =	shalt  }
0x7e: {  	_ =	shalt  }
0x7f: {  	_ =	shalt  }
0x80: {  	_ =	shalt  }
0x81: {  	_ =	shalt  }
0x82: {  	_ =	shalt  }
0x83: {  	_ =	shalt  }
0x84: {  	_ =	shalt  }
0x85: {  	_ =	shalt  }
0x86: {  	_ =	shalt  }
0x87: {  	_ =	shalt  }
.Lfunc_end0:
.L_simem_size_0:
called_computation.5_lowered:
.L_overlay_start_0:
0x88: {  	s2 =	sld [smem:$0x3FD9]  }
0x89: {  	s3 =	sld [smem:$0x3FFE];
	_ =	sdelay $0x1  }
0x8a: {  	s1 =	srdreg.scid  }
0x8b: {  	s0 =	sand.u32 $0x1, s1  }
0x8c: {  	s17 =	sshll.u32 s0, $0xA;
	s2 =	sadd.s32 s3, s2  }
0x8d: {  	s2 =	sadd.s32 s2, s17  }
0x8e: {  	[smem:$0x3FB7] =	sst s2  }
0x8f: {  	_ = 	snop  }
0x90: {  	s2 =	sld [smem:$0x3FD0];
	(tm) =	ssettm $0x1  }
0x91: {  	s18 =	sld [smem:$0x3FFB];
	_ =	sdelay $0x3  }
0x92: {  	_ =	strace s18  }
0x93: {  	s3 =	sld [smem:$0x3FFC];
	_ =	sdelay $0x3  }
0x94: {  	_ =	strace s3  }
0x95: {  	s3 =	sld [smem:$0x3FFD];
	_ =	sdelay $0x3  }
0x96: {  	_ =	strace s3  }
0x97: {  	_ =	strace $0x8FFFFFFF  }
0x98: {  	s19 =	sld [smem:$0x3FDB];
	_ =	sdelay $0x1  }
0x99: {  	s4 =	simm.s32 $_scs_section_size  }
0x9a: {  	s5 =	simm.s32 $_size__tile_overlayer_lowered;
	s6 =	simm.s32 $_tile_overlayer_lowered  }
0x9b: {  	s22 =	simm.s32 $0x1BFF;
	s21 =	sshll.u32 s6, $0x1;
	s3 =	sadd.s32 s4, s19  }
0x9c: {  	s7 =	simm.s32 $0x0;
	s20 =	sshll.u32 s5, $0x1;
	s5 =	sadd.s32 s21, s3  }
0x9d: {  	[timem:s7], [sflag:s22] =	dma.local [hbm:s5], s20  }
0x9e: {  	_ =	swait.ge [sflag:s22], s20  }
0x9f: {  	s4 =	ssub.s32 $0x0, s20;
	[sflag:s22] =	ssyncset.done $0x0  }
0xa0: {  	[sflag:s22] =	ssyncadd.s32 s4;
	_ =	sdelay $0x1  }
0xa1: {  	s23 =	simm.s32 $0x1B8B  }
0xa2: {  	_ =	swait.ge [sflag:s23], $0x1  }
0xa3: {  	[sflag:s23] =	ssyncset.done $0x0  }
0xa4: {  	s25 =	simm.s32 $0x1B8E;
	s24 =	sld [smem:$0x3FFE];
	[sflag:s23] =	ssyncadd.s32 $0xFFFFFFFF  }
0xa5: {  	s26 =	simm.s32 $execute0_lowered;
	[smem:$0x3FD2] =	sst s25  }
0xa6: {  	s5 =	sshll.u32 s26, $0x1;
	_ =	strace $0x80000055;
	[dreg:$0x1] =	wrdreg $0xFFFFFFFF  }
0xa7: {  	s28 =	simm.s32 $_size_execute0_lowered;
	s3 =	sadd.s32 s3, s5;
	[dreg:$0x0] =	wrdreg $0x0  }
0xa8: {  	s5 =	sshll.u32 s28, $0x1;
	[dreg:$0x2] =	wrdreg s3  }
0xa9: {  	[dreg:$0x3] =	wrdreg s5  }
0xaa: {  	[dreg:$0x4] =	wrdreg $0xC0  }
0xab: {  	_ =	task [dreg:s7], $0x5FFFF  }
0xac: {  	[dreg:$0x1] =	wrdreg $0xFFFFFFFF  }
0xad: {  	[dreg:$0x0] =	wrdreg $0x60  }
0xae: {  	[dreg:$0x2] =	wrdreg s24  }
0xaf: {  	[dreg:$0x3] =	wrdreg s2  }
0xb0: {  	[dreg:$0x4] =	wrdreg $0x29000  }
0xb1: {  	[dreg:$0x5] =	wrdreg $0x9  }
0xb2: {  	_ =	task.clear_ibuf [dreg:s7], $0x6FFFF;
	_ =	strace $0x90000055  }
0xb3: {  	s29 =	simm.s32 $0x9;
	_ =	strace $0x80000057  }
0xb4: {  	_ =	swait.ge [sflag:s29], $0x1  }
0xb5: {  	[sflag:s29] =	ssyncadd.s32 $0xFFFFFFFF  }
0xb6: {  	_ =	strace $0x90000057  }
0xb7: {  	_ =	sfence  }
0xb8: {  	s30 =	sld [smem:$0x0];
	_ =	sdelay $0x2  }
0xb9: {  	s31 =	sshll.u32 s1, $0xD;
	s1 =	sshrl.u32 s1, $0x2  }
0xba: {  	s3 =	sand.u32 $0x4000, s31;
	s1 =	sadd.s32 s1, s30  }
0xbb: {  	s0 =	sor.u32 s3, s0;
	s1 =	sshll.u32 s1, $0x11  }
0xbc: {  	s0 =	sor.u32 s1, s0  }
0xbd: {  	s0 =	sadd.s32 $0x8F2B, s0  }
0xbe: {  	[sflag:s0] =	ssyncadd.remote.s32 $0x1  }
0xbf: {  	_ =	sfence.sel $0xFFFF  }
0xc0: {  	[dreg:$0x0] =	wrdreg $0xFFFFFFFF;
	(pc) =	sbr.abs _section_cstart, $3  }
0xc1: {  	[dreg:$0x1] =	wrdreg $0xFFFFFFFF  }
0xc2: {  	_ =	task.clear_ibuf [dreg:s7], $0x2FFFF;
	_ =	strace $0x9FFFFFFF  }
0xc3: {  	(tm) =	ssettm $0x7FFFFFFF  }
tec
execute0_lowered:
.L_overlay_start_1:
0x0: {  	(tag) =	ssettag $0x1  }
0x1: {  	s5 =	rddreg [dreg:$0x0]  }
0x2: {  	s0 =	rddreg [dreg:$0x1];
	s1 =	srdreg.scid  }
0x3: {  	s2 =	rddreg [dreg:$0x2];
	s7 =	stileid.u32  }
0x4: {  	s3 =	simm.s32 $0x0;
	s11 =	simm.s32 $0x80;
	s12 =	simm.s32 $0x50  }
0x5: {  	s13 =	simm.s32 $0x100;
	s14 =	simm.s32 $0x1;
	s15 =	simm.s32 $0x0  }
0x6: {  	s4 =	sand.u32 $0x1, s1;
	s1 =	rddreg [dreg:$0x3];
	s8 =	smul.u32 $0x2710, s7  }
0x7: {  	[smem:$0x7FF] =	sst s3;
	s6 =	smul.u32 $0x27100, s4;
	s9 =	ssub.s32 $0x2, s4  }
0x8: {  	p0 =	sne.s32 s7, $0x0;
	_ =	strace $0x80000056;
	s10 =	sshrl.u32 s9, $0x1  }
0x9: {  	s4 =	sadd.s32 $0x77A00, s5;
	s8 =	sadd.s32 s8, s6;
	s31 =	ssub.s32 s9, s10  }
0xa: {  	s9 =	sshrl.u32 @!p0 s2, $0x3;
	s10 =	simm.s32 $0x2;
	s8 =	sshrl.u32 s8, $0x3  }
0xb: {  	s8 =	sadd.s32 s8, s5;
	s5 =	sadd.s32 s6, s5;
	s6 =	smax.u32 s31, $0x1  }
0xc: {  	s5 =	sadd.s32 $0x23000, s5;
	s7 =	sadd.s32 $0xF400, s8;
	s8 =	sadd.s32 $0x19200, s8  }
.LBB2_1:
0xd: {  	s16 =	simm.s32 @!p0 $0x1C02  }
0xe: {  	[spmem:s9], [sflag:s16] =	dma.local @!p0 [hbm:s0], $0x27100  }
0xf: {  	s16 =	simm.s32 @!p0 $0x2  }
0x10: {  	_ =	swait.ge @!p0 [sflag:s16], $0x27100  }
0x11: {  	[sflag:s16] =	ssyncset.done @!p0 $0x0  }
0x12: {  	[sflag:s16] =	ssyncadd.s32 @!p0 $0xFFFD8F00  }
0x13: {  	s30 =	sadd.s32 $0x0, s8;
	[bflag:$0x0] =	sbarrier.arrive $0xFFFF  }
0x14: {  	[tilespmem:s3], [sflag:$0x2] =	stream.linear.gather [hbm4b:s30+s3], $0x50, $0x38;
	[tilespmem:$0x16180] =	vst v63  }
0x15: {  	_ =	swait.ge [sflag:s10], $0x50  }
0x16: {  	[sflag:s10] =	ssyncset.done $0x0  }
0x17: {  	s31 =	sadd.s32 $0x0, s7;
	[sflag:s10] =	ssyncadd.s32 $0xFFFFFFB0  }
0x18: {  	[tilespmem:s11], [sflag:$0x2] =	stream.linear.gather [hbm4b:s31+s3], $0x50, $0x38;
	[tilespmem:$0x16180] =	vst v63  }
0x19: {  	_ =	swait.ge [sflag:s10], $0x50  }
0x1a: {  	[sflag:s10] =	ssyncset.done $0x0  }
0x1b: {  	[sflag:s10] =	ssyncadd.s32 $0xFFFFFFB0  }
0x1c: {  	[tilespmem:s13], [sflag:$0x1] =	stream.indirect.gather [hbm4b:s4+s12], $0x80, s3, s12, $0xb8;
	[tilespmem:$0x16180] =	vst v63  }
0x1d: {  	_ =	swait.ge [sflag:s14], $0x2800  }
0x1e: {  	[sflag:s14] =	ssyncset.done $0x0  }
0x1f: {  	[sflag:s14] =	ssyncadd.s32 $0xFFFFD800  }
0x20: {  	[spmem:s2] =	stream.indirect.scatter.add.f32 [tilespmem:s13], [sflag:$0x2], $0x80, s11, s12, $0xb8;
	[tilespmem:$0x16180] =	vst v63  }
0x21: {  	_ =	swait.ge [sflag:s10], $0x2800  }
0x22: {  	s17 =	simm.s32 $0x14;
	s16 =	simm.s32 $0xA;
	[sflag:s10] =	ssyncset.done $0x0  }
.LBB2_2:
0x23: {  	s18 =	sadd.s32 s16, s8  }
0x24: {  	[sflag:s10] =	ssyncadd.s32 $0xFFFFD800;
	s19 =	smov.u32 s17;
	s20 =	sadd.s32 $0xA, s17  }
0x25: {  	[tilespmem:s3], [sflag:$0x2] =	stream.linear.gather [hbm4b:s18+s3], $0x50, $0x38;
	[tilespmem:$0x16180] =	vst v63  }
0x26: {  	p1 =	sne.s32 s17, $0x4D8;
	_ =	swait.ge [sflag:s10], $0x50  }
0x27: {  	[sflag:s10] =	ssyncset.done $0x0  }
0x28: {  	s17 =	sadd.s32 s16, s7;
	s16 =	smov.u32 s19;
	[sflag:s10] =	ssyncadd.s32 $0xFFFFFFB0  }
0x29: {  	[tilespmem:s11], [sflag:$0x2] =	stream.linear.gather [hbm4b:s17+s3], $0x50, $0x38;
	[tilespmem:$0x16180] =	vst v63  }
0x2a: {  	_ =	swait.ge [sflag:s10], $0x50  }
0x2b: {  	[sflag:s10] =	ssyncset.done $0x0  }
0x2c: {  	[sflag:s10] =	ssyncadd.s32 $0xFFFFFFB0  }
0x2d: {  	[tilespmem:s13], [sflag:$0x1] =	stream.indirect.gather [hbm4b:s4+s12], $0x80, s3, s12, $0xb8;
	[tilespmem:$0x16180] =	vst v63  }
0x2e: {  	_ =	swait.ge [sflag:s14], $0x2800  }
.Ltmp0:
0x2f: {  	[sflag:s14] =	ssyncset.done $0x0;
	(pc) =	sbr.rel @p1 .LBB2_2-.Ltmp0, $4  }
0x30: {  	[sflag:s14] =	ssyncadd.s32 $0xFFFFD800  }
0x31: {  	[spmem:s2] =	stream.indirect.scatter.add.f32 [tilespmem:s13], [sflag:$0x2], $0x80, s11, s12, $0xb8;
	[tilespmem:$0x16180] =	vst v63  }
0x32: {  	_ =	swait.ge [sflag:s10], $0x2800  }
0x33: {  	s17 =	smov.u32 s20;
	[sflag:s10] =	ssyncset.done $0x0  }
0x34: {  	s17 =	sadd.s32 s16, s8;
	[sflag:s10] =	ssyncadd.s32 $0xFFFFD800  }
0x35: {  	[tilespmem:s3], [sflag:$0x2] =	stream.linear.gather [hbm4b:s17+s3], $0x50, $0x38;
	[tilespmem:$0x16180] =	vst v63  }
0x36: {  	_ =	swait.ge [sflag:s10], $0x50  }
0x37: {  	[sflag:s10] =	ssyncset.done $0x0  }
0x38: {  	s31 =	sadd.s32 s16, s7;
	[sflag:s10] =	ssyncadd.s32 $0xFFFFFFB0  }
0x39: {  	[tilespmem:s11], [sflag:$0x2] =	stream.linear.gather [hbm4b:s31+s3], $0x50, $0x38;
	[tilespmem:$0x16180] =	vst v63  }
0x3a: {  	_ =	swait.ge [sflag:s10], $0x50  }
0x3b: {  	[sflag:s10] =	ssyncset.done $0x0  }
0x3c: {  	[sflag:s10] =	ssyncadd.s32 $0xFFFFFFB0  }
0x3d: {  	[tilespmem:s13], [sflag:$0x1] =	stream.indirect.gather [hbm4b:s4+s12], $0x80, s3, s12, $0xb8;
	[tilespmem:$0x16180] =	vst v63  }
0x3e: {  	_ =	swait.ge [sflag:s14], $0x2800  }
0x3f: {  	[sflag:s14] =	ssyncset.done $0x0  }
0x40: {  	[sflag:s14] =	ssyncadd.s32 $0xFFFFD800  }
0x41: {  	[spmem:s2] =	stream.indirect.scatter.add.f32 [tilespmem:s13], [sflag:$0x2], $0x80, s11, s12, $0xb8;
	[tilespmem:$0x16180] =	vst v63  }
0x42: {  	_ =	swait.ge [sflag:s10], $0x2800  }
0x43: {  	[sflag:s10] =	ssyncset.done $0x0  }
0x44: {  	s15 =	sadd.s32 $0x1, s15;
	[sflag:s10] =	ssyncadd.s32 $0xFFFFD800  }
0x45: {  	s16 =	simm.s32 @!p0 $0x1C02;
	p1 =	sne.s32 s15, s6;
	[bflag:$0x0] =	sbarrier.arrive $0xFFFF  }
0x46: {  	[hbm:s5], [sflag:s16] =	dma.local @!p0 [spmem:s9], $0x27100  }
.Ltmp1:
0x47: {  	_ = 	snop;
	(pc) =	sbr.rel @p1 .LBB2_1-.Ltmp1, $4  }
0x48: {  	s16 =	simm.s32 @!p0 $0x2  }
0x49: {  	_ =	swait.ge @!p0 [sflag:s16], $0x27100  }
0x4a: {  	[sflag:s16] =	ssyncset.done @!p0 $0x0  }
0x4b: {  	[sflag:s16] =	ssyncadd.s32 @!p0 $0xFFFD8F00  }
0x4c: {  	_ =	sfence.sel $0x180000  }
0x4d: {  	[bflag:$0x0] =	sbarrier.arrive $0xFFFF  }
0x4e: {  	_ =	strace $0x90000056  }
0x4f: {  	s0 =	sadd.s32 @!p0 $0x100000, s1;
	[bflag:$0x2] =	sbarrier.arrive $0xFFFF  }
0x50: {  	[sflag:s0] =	ssyncadd.tile.s32 @!p0 $0x1;
	_ =	shalt  }
.Lfunc_end2:
_tile_overlayer_lowered:
.L_overlay_start_2:
0x51: {  	(tag) =	ssettag $0x2  }
0x52: {  	s0 =	rddreg [dreg:$0x0];
	s2 =	stileid.u32  }
0x53: {  	s1 =	rddreg [dreg:$0x1];
	p0 =	sne.s32 s2, $0x0  }
0x54: {  	s3 =	rddreg [dreg:$0x2];
	[bflag:$0x3] =	sbarrier.arrive $0xFFFF;
	s2 =	simm.s32 @!p0 $0x1C02  }
0x55: {  	[timem:s3], [sflag:s2] =	dma.local @!p0 [hbm:s0], s1  }
0x56: {  	s0 =	simm.s32 @!p0 $0x2  }
0x57: {  	_ =	swait.ge @!p0 [sflag:s0], s1  }
0x58: {  	s1 =	ssub.s32 @!p0 $0x0, s1;
	[sflag:s0] =	ssyncset.done @!p0 $0x0  }
0x59: {  	[sflag:s0] =	ssyncadd.s32 @!p0 s1  }
0x5a: {  	[bflag:$0x3] =	sbarrier.arrive $0xFFFF  }
0x5b: {  	_ =	shalt  }

// kernel: kernel.52.cloned.1.call-start
scs
__scs_entry_jumppad:
0x0: {  	(pc) =	sbr.rel $0x88, $3  }
0x1: {  	(tag) =	ssettag $0x0;
	lr =	simm.s32 $0x1  }
0x2: {  	[smem:$0x3F90] =	sst lr;
	_ =	strace $0xD0000000  }
0x3: {  	_ = 	snop  }
0x4: {  	_ = 	snop  }
0x5: {  	_ = 	snop  }
0x6: {  	_ = 	snop  }
0x7: {  	_ = 	snop  }
__scs_overlays_trampoline_lowered:
0x8: {  	[smem:$0x3F9F] =	sst s0  }
0x9: {  	[smem:$0x3FA0] =	sst s1  }
0xa: {  	[smem:$0x3FA1] =	sst s2  }
0xb: {  	[smem:$0x3FA2] =	sst s3  }
0xc: {  	[smem:$0x3FA3] =	sst s4  }
0xd: {  	[smem:$0x3FA4] =	sst s5  }
0xe: {  	[smem:$0x3FA5] =	sst s6  }
0xf: {  	[smem:$0x3FA6] =	sst s7  }
0x10: {  	[smem:$0x3FA7] =	sst s8  }
0x11: {  	[smem:$0x3FA8] =	sst s9;
	s0 =	simm.s32 @!p0 $0x0  }
0x12: {  	s1 =	sld [smem:$0x3F8E];
	s0 =	simm.s32 @p0 $0x1  }
0x13: {  	[smem:$0x3FA9] =	sst s0;
	s0 =	simm.s32 @!p1 $0x0  }
0x14: {  	s2 =	sld [smem:$0x3F8D];
	s0 =	simm.s32 @p1 $0x1  }
0x15: {  	[smem:$0x3FAA] =	sst s0;
	s0 =	simm.s32 @!p2 $0x0  }
0x16: {  	s3 =	sld [smem:$0x3FDB];
	s0 =	simm.s32 @p2 $0x1  }
0x17: {  	s4 =	simm.s32 $0x1BF5;
	[smem:$0x3FAC] =	sst s0  }
0x18: {  	s0 =	sld [smem:$0x3F8F];
	_ =	swait.ge [sflag:s4], $0x0  }
0x19: {  	s7 =	sld [smem:$0x3F90]  }
0x1a: {  	s8 =	sadd.s32 $0xFFFFE003, lr  }
0x1b: {  	s9 =	sadd.s32 $0xFFFFFEF7, lr;
	s5 =	simm.s32 $0xFFFFFFFF;
	p2 =	slt.u32 s8, $0xFFFFF086  }
0x1c: {  	p1 =	slt.u32 s9, $0xF7A;
	s5 =	simm.s32 @!p2 $0x0  }
0x1d: {  	s5 =	simm.s32 @p1 $0x1;
	p0 =	seq.s32 s7, s2  }
0x1e: {  	s7 =	smul.u32 @!p0 $0xF7A, s2;
	p2 =	seq.s32 @!p0 s5, $0x0  }
0x1f: {  	s9 =	smul.u32 $0xF7A, s1;
	s8 =	simm.s32 @!p0 $0x1BF5;
	p2 =	por !p2, p0  }
0x20: {  	[sflag:s8] =	ssyncset.s32 @!p0 $0xFFFFF086;
	s6 =	sadd.s32 @!p0 s3, s7;
	s7 =	simm.s32 @!p0 $0x108  }
0x21: {  	s3 =	sadd.s32 s3, s9;
	s6 =	sadd.s32 @!p0 $0x88, s6;
	s7 =	simm.s32 @p2 $0x1082  }
0x22: {  	[simem:s7], [sflag:s8] =	dma.local @!p0 [hbm:s6], $0xF7A  }
0x23: {  	s9 =	sor.u32 $0xD0000000, s2;
	s6 =	simm.s32 $0x108;
	_ =	swait.ge @!p0 [sflag:s8], $0x0  }
0x24: {  	s3 =	sadd.s32 $0x88, s3;
	s6 =	simm.s32 @!p1 $0x1082;
	[sflag:s4] =	ssyncset.s32 $0xFFFFF086  }
0x25: {  	[simem:s6], [sflag:s4] =	dma.local [hbm:s3], $0xF7A  }
0x26: {  	[smem:$0x3F90] =	sst s1;
	(tag) =	ssettag s2;
	_ =	strace s9  }
0x27: {  	s1 =	sld [smem:$0x3FA0]  }
0x28: {  	s2 =	sld [smem:$0x3FA1]  }
0x29: {  	s4 =	sld [smem:$0x3FA3]  }
0x2a: {  	p0 =	seq.s32 s5, $0x0;
	s5 =	sld [smem:$0x3FA4]  }
0x2b: {  	s6 =	sld [smem:$0x3FA5]  }
0x2c: {  	s7 =	sld [smem:$0x3FA6]  }
0x2d: {  	s3 =	simm.s32 $0x108;
	s8 =	sld [smem:$0x3FA7]  }
0x2e: {  	s3 =	simm.s32 @!p0 $0x1082;
	s9 =	sld [smem:$0x3FA8]  }
0x2f: {  	lr =	sadd.s32 s0, s3;
	s0 =	sld [smem:$0x3F9F]  }
0x30: {  	s3 =	sld [smem:$0x3FA2]  }
0x31: {  	[smem:$0x3FAB] =	sst s10  }
0x32: {  	s10 =	sld [smem:$0x3FA9];
	_ =	sdelay $0x3  }
0x33: {  	p0 =	seq.s32 s10, $0x1;
	s10 =	sld [smem:$0x3FAB];
	_ =	sdelay $0x3  }
0x34: {  	[smem:$0x3FAB] =	sst s10  }
0x35: {  	s10 =	sld [smem:$0x3FAA];
	_ =	sdelay $0x3  }
0x36: {  	p1 =	seq.s32 s10, $0x1;
	s10 =	sld [smem:$0x3FAB];
	_ =	sdelay $0x3  }
0x37: {  	[smem:$0x3FAB] =	sst s10  }
0x38: {  	s10 =	sld [smem:$0x3FAC]  }
0x39: {  	_ = 	snop;
	(pc) =	sbr.ind lr, $3  }
0x3a: {  	_ = 	snop  }
0x3b: {  	_ = 	snop  }
0x3c: {  	p2 =	seq.s32 s10, $0x1;
	s10 =	sld [smem:$0x3FAB]  }
0x3d: {  	_ =	shalt  }
0x3e: {  	_ =	shalt  }
0x3f: {  	_ =	shalt  }
0x40: {  	_ =	shalt  }
0x41: {  	_ =	shalt  }
0x42: {  	_ =	shalt  }
0x43: {  	_ =	shalt  }
0x44: {  	_ =	shalt  }
0x45: {  	_ =	shalt  }
0x46: {  	_ =	shalt  }
0x47: {  	_ =	shalt  }
0x48: {  	_ =	shalt  }
0x49: {  	_ =	shalt  }
0x4a: {  	_ =	shalt  }
0x4b: {  	_ =	shalt  }
0x4c: {  	_ =	shalt  }
0x4d: {  	_ =	shalt  }
0x4e: {  	_ =	shalt  }
0x4f: {  	_ =	shalt  }
0x50: {  	_ =	shalt  }
0x51: {  	_ =	shalt  }
0x52: {  	_ =	shalt  }
0x53: {  	_ =	shalt  }
0x54: {  	_ =	shalt  }
0x55: {  	_ =	shalt  }
0x56: {  	_ =	shalt  }
0x57: {  	_ =	shalt  }
0x58: {  	_ =	shalt  }
0x59: {  	_ =	shalt  }
0x5a: {  	_ =	shalt  }
0x5b: {  	_ =	shalt  }
0x5c: {  	_ =	shalt  }
0x5d: {  	_ =	shalt  }
0x5e: {  	_ =	shalt  }
0x5f: {  	_ =	shalt  }
0x60: {  	_ =	shalt  }
0x61: {  	_ =	shalt  }
0x62: {  	_ =	shalt  }
0x63: {  	_ =	shalt  }
0x64: {  	_ =	shalt  }
0x65: {  	_ =	shalt  }
0x66: {  	_ =	shalt  }
0x67: {  	_ =	shalt  }
0x68: {  	_ =	shalt  }
0x69: {  	_ =	shalt  }
0x6a: {  	_ =	shalt  }
0x6b: {  	_ =	shalt  }
0x6c: {  	_ =	shalt  }
0x6d: {  	_ =	shalt  }
0x6e: {  	_ =	shalt  }
0x6f: {  	_ =	shalt  }
0x70: {  	_ =	shalt  }
0x71: {  	_ =	shalt  }
0x72: {  	_ =	shalt  }
0x73: {  	_ =	shalt  }
0x74: {  	_ =	shalt  }
0x75: {  	_ =	shalt  }
0x76: {  	_ =	shalt  }
0x77: {  	_ =	shalt  }
0x78: {  	_ =	shalt  }
0x79: {  	_ =	shalt  }
0x7a: {  	_ =	shalt  }
0x7b: {  	_ =	shalt  }
0x7c: {  	_ =	shalt  }
0x7d: {  	_ =	shalt  }
0x7e: {  	_ =	shalt  }
0x7f: {  	_ =	shalt  }
0x80: {  	_ =	shalt  }
0x81: {  	_ =	shalt  }
0x82: {  	_ =	shalt  }
0x83: {  	_ =	shalt  }
0x84: {  	_ =	shalt  }
0x85: {  	_ =	shalt  }
0x86: {  	_ =	shalt  }
0x87: {  	_ =	shalt  }
.Lfunc_end0:
.L_simem_size_0:
called_computation.6_lowered:
.L_overlay_start_0:
0x88: {  	s2 =	sld [smem:$0x3FD9]  }
0x89: {  	s3 =	sld [smem:$0x3FFE];
	_ =	sdelay $0x1  }
0x8a: {  	s1 =	srdreg.scid  }
0x8b: {  	s0 =	sand.u32 $0x1, s1  }
0x8c: {  	s17 =	sshll.u32 s0, $0xA;
	s2 =	sadd.s32 s3, s2  }
0x8d: {  	s2 =	sadd.s32 s2, s17  }
0x8e: {  	[smem:$0x3FB7] =	sst s2  }
0x8f: {  	_ = 	snop  }
0x90: {  	s2 =	sld [smem:$0x3FD0];
	(tm) =	ssettm $0x1  }
0x91: {  	s18 =	sld [smem:$0x3FFB];
	_ =	sdelay $0x3  }
0x92: {  	_ =	strace s18  }
0x93: {  	s3 =	sld [smem:$0x3FFC];
	_ =	sdelay $0x3  }
0x94: {  	_ =	strace s3  }
0x95: {  	s3 =	sld [smem:$0x3FFD];
	_ =	sdelay $0x3  }
0x96: {  	_ =	strace s3  }
0x97: {  	_ =	strace $0x8FFFFFFF  }
0x98: {  	s19 =	sld [smem:$0x3FDB];
	_ =	sdelay $0x1  }
0x99: {  	s4 =	simm.s32 $_scs_section_size  }
0x9a: {  	s5 =	simm.s32 $_size__tile_overlayer_lowered;
	s6 =	simm.s32 $_tile_overlayer_lowered  }
0x9b: {  	s22 =	simm.s32 $0x1BFF;
	s21 =	sshll.u32 s6, $0x1;
	s3 =	sadd.s32 s4, s19  }
0x9c: {  	s7 =	simm.s32 $0x0;
	s20 =	sshll.u32 s5, $0x1;
	s5 =	sadd.s32 s21, s3  }
0x9d: {  	[timem:s7], [sflag:s22] =	dma.local [hbm:s5], s20  }
0x9e: {  	_ =	swait.ge [sflag:s22], s20  }
0x9f: {  	s4 =	ssub.s32 $0x0, s20;
	[sflag:s22] =	ssyncset.done $0x0  }
0xa0: {  	[sflag:s22] =	ssyncadd.s32 s4;
	_ =	sdelay $0x1  }
0xa1: {  	s23 =	simm.s32 $0x1B8B  }
0xa2: {  	_ =	swait.ge [sflag:s23], $0x1  }
0xa3: {  	[sflag:s23] =	ssyncset.done $0x0  }
0xa4: {  	s25 =	simm.s32 $0x1B8E;
	s24 =	sld [smem:$0x3FFE];
	[sflag:s23] =	ssyncadd.s32 $0xFFFFFFFF  }
0xa5: {  	s26 =	simm.s32 $execute0_lowered;
	[smem:$0x3FD2] =	sst s25  }
0xa6: {  	s5 =	sshll.u32 s26, $0x1;
	_ =	strace $0x80000058;
	[dreg:$0x1] =	wrdreg $0xFFFFFFFF  }
0xa7: {  	s28 =	simm.s32 $_size_execute0_lowered;
	s3 =	sadd.s32 s3, s5;
	[dreg:$0x0] =	wrdreg $0x0  }
0xa8: {  	s5 =	sshll.u32 s28, $0x1;
	[dreg:$0x2] =	wrdreg s3  }
0xa9: {  	[dreg:$0x3] =	wrdreg s5  }
0xaa: {  	[dreg:$0x4] =	wrdreg $0xC0  }
0xab: {  	_ =	task [dreg:s7], $0x5FFFF  }
0xac: {  	[dreg:$0x1] =	wrdreg $0xFFFFFFFF  }
0xad: {  	[dreg:$0x0] =	wrdreg $0x60  }
0xae: {  	[dreg:$0x2] =	wrdreg s24  }
0xaf: {  	[dreg:$0x3] =	wrdreg s2  }
0xb0: {  	[dreg:$0x4] =	wrdreg $0x29000  }
0xb1: {  	[dreg:$0x5] =	wrdreg $0x9  }
0xb2: {  	_ =	task.clear_ibuf [dreg:s7], $0x6FFFF;
	_ =	strace $0x90000058  }
0xb3: {  	s29 =	simm.s32 $0x9;
	_ =	strace $0x8000005A  }
0xb4: {  	_ =	swait.ge [sflag:s29], $0x1  }
0xb5: {  	[sflag:s29] =	ssyncadd.s32 $0xFFFFFFFF  }
0xb6: {  	_ =	strace $0x9000005A  }
0xb7: {  	_ =	sfence  }
0xb8: {  	s30 =	sld [smem:$0x0];
	_ =	sdelay $0x2  }
0xb9: {  	s31 =	sshll.u32 s1, $0xD;
	s1 =	sshrl.u32 s1, $0x2  }
0xba: {  	s3 =	sand.u32 $0x4000, s31;
	s1 =	sadd.s32 s1, s30  }
0xbb: {  	s0 =	sor.u32 s3, s0;
	s1 =	sshll.u32 s1, $0x11  }
0xbc: {  	s0 =	sor.u32 s1, s0  }
0xbd: {  	s0 =	sadd.s32 $0x8F2B, s0  }
0xbe: {  	[sflag:s0] =	ssyncadd.remote.s32 $0x1  }
0xbf: {  	_ =	sfence.sel $0xFFFF  }
0xc0: {  	[dreg:$0x0] =	wrdreg $0xFFFFFFFF;
	(pc) =	sbr.abs _section_cstart, $3  }
0xc1: {  	[dreg:$0x1] =	wrdreg $0xFFFFFFFF  }
0xc2: {  	_ =	task.clear_ibuf [dreg:s7], $0x2FFFF;
	_ =	strace $0x9FFFFFFF  }
0xc3: {  	(tm) =	ssettm $0x7FFFFFFF  }
tec
execute0_lowered:
.L_overlay_start_1:
0x0: {  	(tag) =	ssettag $0x1  }
0x1: {  	s5 =	rddreg [dreg:$0x0]  }
0x2: {  	s0 =	rddreg [dreg:$0x1];
	s1 =	srdreg.scid  }
0x3: {  	s2 =	rddreg [dreg:$0x2];
	s7 =	stileid.u32  }
0x4: {  	s3 =	simm.s32 $0x0;
	s11 =	simm.s32 $0x80;
	s12 =	simm.s32 $0x50  }
0x5: {  	s13 =	simm.s32 $0x100;
	s14 =	simm.s32 $0x1;
	s15 =	simm.s32 $0x0  }
0x6: {  	s4 =	sand.u32 $0x1, s1;
	s1 =	rddreg [dreg:$0x3];
	s8 =	smul.u32 $0x2710, s7  }
0x7: {  	[smem:$0x7FF] =	sst s3;
	s6 =	smul.u32 $0x27100, s4;
	s9 =	ssub.s32 $0x2, s4  }
0x8: {  	p0 =	sne.s32 s7, $0x0;
	_ =	strace $0x80000059;
	s10 =	sshrl.u32 s9, $0x1  }
0x9: {  	s4 =	sadd.s32 $0x77A00, s5;
	s8 =	sadd.s32 s8, s6;
	s31 =	ssub.s32 s9, s10  }
0xa: {  	s9 =	sshrl.u32 @!p0 s2, $0x3;
	s10 =	simm.s32 $0x2;
	s8 =	sshrl.u32 s8, $0x3  }
0xb: {  	s8 =	sadd.s32 s8, s5;
	s5 =	sadd.s32 s6, s5;
	s6 =	smax.u32 s31, $0x1  }
0xc: {  	s5 =	sadd.s32 $0x23000, s5;
	s7 =	sadd.s32 $0xF400, s8;
	s8 =	sadd.s32 $0x19200, s8  }
.LBB2_1:
0xd: {  	s16 =	simm.s32 @!p0 $0x1C02  }
0xe: {  	[spmem:s9], [sflag:s16] =	dma.local @!p0 [hbm:s0], $0x27100  }
0xf: {  	s16 =	simm.s32 @!p0 $0x2  }
0x10: {  	_ =	swait.ge @!p0 [sflag:s16], $0x27100  }
0x11: {  	[sflag:s16] =	ssyncset.done @!p0 $0x0  }
0x12: {  	[sflag:s16] =	ssyncadd.s32 @!p0 $0xFFFD8F00  }
0x13: {  	s30 =	sadd.s32 $0x0, s8;
	[bflag:$0x0] =	sbarrier.arrive $0xFFFF  }
0x14: {  	[tilespmem:s3], [sflag:$0x2] =	stream.linear.gather [hbm4b:s30+s3], $0x50, $0x38;
	[tilespmem:$0x16180] =	vst v63  }
0x15: {  	_ =	swait.ge [sflag:s10], $0x50  }
0x16: {  	[sflag:s10] =	ssyncset.done $0x0  }
0x17: {  	s31 =	sadd.s32 $0x0, s7;
	[sflag:s10] =	ssyncadd.s32 $0xFFFFFFB0  }
0x18: {  	[tilespmem:s11], [sflag:$0x2] =	stream.linear.gather [hbm4b:s31+s3], $0x50, $0x38;
	[tilespmem:$0x16180] =	vst v63  }
0x19: {  	_ =	swait.ge [sflag:s10], $0x50  }
0x1a: {  	[sflag:s10] =	ssyncset.done $0x0  }
0x1b: {  	[sflag:s10] =	ssyncadd.s32 $0xFFFFFFB0  }
0x1c: {  	[tilespmem:s13], [sflag:$0x1] =	stream.indirect.gather [hbm4b:s4+s12], $0x80, s3, s12, $0xb8;
	[tilespmem:$0x16180] =	vst v63  }
0x1d: {  	_ =	swait.ge [sflag:s14], $0x2800  }
0x1e: {  	[sflag:s14] =	ssyncset.done $0x0  }
0x1f: {  	[sflag:s14] =	ssyncadd.s32 $0xFFFFD800  }
0x20: {  	[spmem:s2] =	stream.indirect.scatter.add.f32 [tilespmem:s13], [sflag:$0x2], $0x80, s11, s12, $0xb8;
	[tilespmem:$0x16180] =	vst v63  }
0x21: {  	_ =	swait.ge [sflag:s10], $0x2800  }
0x22: {  	s17 =	simm.s32 $0x14;
	s16 =	simm.s32 $0xA;
	[sflag:s10] =	ssyncset.done $0x0  }
.LBB2_2:
0x23: {  	s18 =	sadd.s32 s16, s8  }
0x24: {  	[sflag:s10] =	ssyncadd.s32 $0xFFFFD800;
	s19 =	smov.u32 s17;
	s20 =	sadd.s32 $0xA, s17  }
0x25: {  	[tilespmem:s3], [sflag:$0x2] =	stream.linear.gather [hbm4b:s18+s3], $0x50, $0x38;
	[tilespmem:$0x16180] =	vst v63  }
0x26: {  	p1 =	sne.s32 s17, $0x4D8;
	_ =	swait.ge [sflag:s10], $0x50  }
0x27: {  	[sflag:s10] =	ssyncset.done $0x0  }
0x28: {  	s17 =	sadd.s32 s16, s7;
	s16 =	smov.u32 s19;
	[sflag:s10] =	ssyncadd.s32 $0xFFFFFFB0  }
0x29: {  	[tilespmem:s11], [sflag:$0x2] =	stream.linear.gather [hbm4b:s17+s3], $0x50, $0x38;
	[tilespmem:$0x16180] =	vst v63  }
0x2a: {  	_ =	swait.ge [sflag:s10], $0x50  }
0x2b: {  	[sflag:s10] =	ssyncset.done $0x0  }
0x2c: {  	[sflag:s10] =	ssyncadd.s32 $0xFFFFFFB0  }
0x2d: {  	[tilespmem:s13], [sflag:$0x1] =	stream.indirect.gather [hbm4b:s4+s12], $0x80, s3, s12, $0xb8;
	[tilespmem:$0x16180] =	vst v63  }
0x2e: {  	_ =	swait.ge [sflag:s14], $0x2800  }
.Ltmp0:
0x2f: {  	[sflag:s14] =	ssyncset.done $0x0;
	(pc) =	sbr.rel @p1 .LBB2_2-.Ltmp0, $4  }
0x30: {  	[sflag:s14] =	ssyncadd.s32 $0xFFFFD800  }
0x31: {  	[spmem:s2] =	stream.indirect.scatter.add.f32 [tilespmem:s13], [sflag:$0x2], $0x80, s11, s12, $0xb8;
	[tilespmem:$0x16180] =	vst v63  }
0x32: {  	_ =	swait.ge [sflag:s10], $0x2800  }
0x33: {  	s17 =	smov.u32 s20;
	[sflag:s10] =	ssyncset.done $0x0  }
0x34: {  	s17 =	sadd.s32 s16, s8;
	[sflag:s10] =	ssyncadd.s32 $0xFFFFD800  }
0x35: {  	[tilespmem:s3], [sflag:$0x2] =	stream.linear.gather [hbm4b:s17+s3], $0x50, $0x38;
	[tilespmem:$0x16180] =	vst v63  }
0x36: {  	_ =	swait.ge [sflag:s10], $0x50  }
0x37: {  	[sflag:s10] =	ssyncset.done $0x0  }
0x38: {  	s31 =	sadd.s32 s16, s7;
	[sflag:s10] =	ssyncadd.s32 $0xFFFFFFB0  }
0x39: {  	[tilespmem:s11], [sflag:$0x2] =	stream.linear.gather [hbm4b:s31+s3], $0x50, $0x38;
	[tilespmem:$0x16180] =	vst v63  }
0x3a: {  	_ =	swait.ge [sflag:s10], $0x50  }
0x3b: {  	[sflag:s10] =	ssyncset.done $0x0  }
0x3c: {  	[sflag:s10] =	ssyncadd.s32 $0xFFFFFFB0  }
0x3d: {  	[tilespmem:s13], [sflag:$0x1] =	stream.indirect.gather [hbm4b:s4+s12], $0x80, s3, s12, $0xb8;
	[tilespmem:$0x16180] =	vst v63  }
0x3e: {  	_ =	swait.ge [sflag:s14], $0x2800  }
0x3f: {  	[sflag:s14] =	ssyncset.done $0x0  }
0x40: {  	[sflag:s14] =	ssyncadd.s32 $0xFFFFD800  }
0x41: {  	[spmem:s2] =	stream.indirect.scatter.add.f32 [tilespmem:s13], [sflag:$0x2], $0x80, s11, s12, $0xb8;
	[tilespmem:$0x16180] =	vst v63  }
0x42: {  	_ =	swait.ge [sflag:s10], $0x2800  }
0x43: {  	[sflag:s10] =	ssyncset.done $0x0  }
0x44: {  	s15 =	sadd.s32 $0x1, s15;
	[sflag:s10] =	ssyncadd.s32 $0xFFFFD800  }
0x45: {  	s16 =	simm.s32 @!p0 $0x1C02;
	p1 =	sne.s32 s15, s6;
	[bflag:$0x0] =	sbarrier.arrive $0xFFFF  }
0x46: {  	[hbm:s5], [sflag:s16] =	dma.local @!p0 [spmem:s9], $0x27100  }
.Ltmp1:
0x47: {  	_ = 	snop;
	(pc) =	sbr.rel @p1 .LBB2_1-.Ltmp1, $4  }
0x48: {  	s16 =	simm.s32 @!p0 $0x2  }
0x49: {  	_ =	swait.ge @!p0 [sflag:s16], $0x27100  }
0x4a: {  	[sflag:s16] =	ssyncset.done @!p0 $0x0  }
0x4b: {  	[sflag:s16] =	ssyncadd.s32 @!p0 $0xFFFD8F00  }
0x4c: {  	_ =	sfence.sel $0x180000  }
0x4d: {  	[bflag:$0x0] =	sbarrier.arrive $0xFFFF  }
0x4e: {  	_ =	strace $0x90000059  }
0x4f: {  	s0 =	sadd.s32 @!p0 $0x100000, s1;
	[bflag:$0x2] =	sbarrier.arrive $0xFFFF  }
0x50: {  	[sflag:s0] =	ssyncadd.tile.s32 @!p0 $0x1;
	_ =	shalt  }
.Lfunc_end2:
_tile_overlayer_lowered:
.L_overlay_start_2:
0x51: {  	(tag) =	ssettag $0x2  }
0x52: {  	s0 =	rddreg [dreg:$0x0];
	s2 =	stileid.u32  }
0x53: {  	s1 =	rddreg [dreg:$0x1];
	p0 =	sne.s32 s2, $0x0  }
0x54: {  	s3 =	rddreg [dreg:$0x2];
	[bflag:$0x3] =	sbarrier.arrive $0xFFFF;
	s2 =	simm.s32 @!p0 $0x1C02  }
0x55: {  	[timem:s3], [sflag:s2] =	dma.local @!p0 [hbm:s0], s1  }
0x56: {  	s0 =	simm.s32 @!p0 $0x2  }
0x57: {  	_ =	swait.ge @!p0 [sflag:s0], s1  }
0x58: {  	s1 =	ssub.s32 @!p0 $0x0, s1;
	[sflag:s0] =	ssyncset.done @!p0 $0x0  }
0x59: {  	[sflag:s0] =	ssyncadd.s32 @!p0 s1  }
0x5a: {  	[bflag:$0x3] =	sbarrier.arrive $0xFFFF  }
0x5b: {  	_ =	shalt  }

// kernel: kernel.55.cloned.1.call-start
scs
__scs_entry_jumppad:
0x0: {  	(pc) =	sbr.rel $0x88, $3  }
0x1: {  	(tag) =	ssettag $0x0;
	lr =	simm.s32 $0x1  }
0x2: {  	[smem:$0x3F90] =	sst lr;
	_ =	strace $0xD0000000  }
0x3: {  	_ = 	snop  }
0x4: {  	_ = 	snop  }
0x5: {  	_ = 	snop  }
0x6: {  	_ = 	snop  }
0x7: {  	_ = 	snop  }
__scs_overlays_trampoline_lowered:
0x8: {  	[smem:$0x3F9F] =	sst s0  }
0x9: {  	[smem:$0x3FA0] =	sst s1  }
0xa: {  	[smem:$0x3FA1] =	sst s2  }
0xb: {  	[smem:$0x3FA2] =	sst s3  }
0xc: {  	[smem:$0x3FA3] =	sst s4  }
0xd: {  	[smem:$0x3FA4] =	sst s5  }
0xe: {  	[smem:$0x3FA5] =	sst s6  }
0xf: {  	[smem:$0x3FA6] =	sst s7  }
0x10: {  	[smem:$0x3FA7] =	sst s8  }
0x11: {  	[smem:$0x3FA8] =	sst s9;
	s0 =	simm.s32 @!p0 $0x0  }
0x12: {  	s1 =	sld [smem:$0x3F8E];
	s0 =	simm.s32 @p0 $0x1  }
0x13: {  	[smem:$0x3FA9] =	sst s0;
	s0 =	simm.s32 @!p1 $0x0  }
0x14: {  	s2 =	sld [smem:$0x3F8D];
	s0 =	simm.s32 @p1 $0x1  }
0x15: {  	[smem:$0x3FAA] =	sst s0;
	s0 =	simm.s32 @!p2 $0x0  }
0x16: {  	s3 =	sld [smem:$0x3FDB];
	s0 =	simm.s32 @p2 $0x1  }
0x17: {  	s4 =	simm.s32 $0x1BF5;
	[smem:$0x3FAC] =	sst s0  }
0x18: {  	s0 =	sld [smem:$0x3F8F];
	_ =	swait.ge [sflag:s4], $0x0  }
0x19: {  	s7 =	sld [smem:$0x3F90]  }
0x1a: {  	s8 =	sadd.s32 $0xFFFFE003, lr  }
0x1b: {  	s9 =	sadd.s32 $0xFFFFFEF7, lr;
	s5 =	simm.s32 $0xFFFFFFFF;
	p2 =	slt.u32 s8, $0xFFFFF086  }
0x1c: {  	p1 =	slt.u32 s9, $0xF7A;
	s5 =	simm.s32 @!p2 $0x0  }
0x1d: {  	s5 =	simm.s32 @p1 $0x1;
	p0 =	seq.s32 s7, s2  }
0x1e: {  	s7 =	smul.u32 @!p0 $0xF7A, s2;
	p2 =	seq.s32 @!p0 s5, $0x0  }
0x1f: {  	s9 =	smul.u32 $0xF7A, s1;
	s8 =	simm.s32 @!p0 $0x1BF5;
	p2 =	por !p2, p0  }
0x20: {  	[sflag:s8] =	ssyncset.s32 @!p0 $0xFFFFF086;
	s6 =	sadd.s32 @!p0 s3, s7;
	s7 =	simm.s32 @!p0 $0x108  }
0x21: {  	s3 =	sadd.s32 s3, s9;
	s6 =	sadd.s32 @!p0 $0x88, s6;
	s7 =	simm.s32 @p2 $0x1082  }
0x22: {  	[simem:s7], [sflag:s8] =	dma.local @!p0 [hbm:s6], $0xF7A  }
0x23: {  	s9 =	sor.u32 $0xD0000000, s2;
	s6 =	simm.s32 $0x108;
	_ =	swait.ge @!p0 [sflag:s8], $0x0  }
0x24: {  	s3 =	sadd.s32 $0x88, s3;
	s6 =	simm.s32 @!p1 $0x1082;
	[sflag:s4] =	ssyncset.s32 $0xFFFFF086  }
0x25: {  	[simem:s6], [sflag:s4] =	dma.local [hbm:s3], $0xF7A  }
0x26: {  	[smem:$0x3F90] =	sst s1;
	(tag) =	ssettag s2;
	_ =	strace s9  }
0x27: {  	s1 =	sld [smem:$0x3FA0]  }
0x28: {  	s2 =	sld [smem:$0x3FA1]  }
0x29: {  	s4 =	sld [smem:$0x3FA3]  }
0x2a: {  	p0 =	seq.s32 s5, $0x0;
	s5 =	sld [smem:$0x3FA4]  }
0x2b: {  	s6 =	sld [smem:$0x3FA5]  }
0x2c: {  	s7 =	sld [smem:$0x3FA6]  }
0x2d: {  	s3 =	simm.s32 $0x108;
	s8 =	sld [smem:$0x3FA7]  }
0x2e: {  	s3 =	simm.s32 @!p0 $0x1082;
	s9 =	sld [smem:$0x3FA8]  }
0x2f: {  	lr =	sadd.s32 s0, s3;
	s0 =	sld [smem:$0x3F9F]  }
0x30: {  	s3 =	sld [smem:$0x3FA2]  }
0x31: {  	[smem:$0x3FAB] =	sst s10  }
0x32: {  	s10 =	sld [smem:$0x3FA9];
	_ =	sdelay $0x3  }
0x33: {  	p0 =	seq.s32 s10, $0x1;
	s10 =	sld [smem:$0x3FAB];
	_ =	sdelay $0x3  }
0x34: {  	[smem:$0x3FAB] =	sst s10  }
0x35: {  	s10 =	sld [smem:$0x3FAA];
	_ =	sdelay $0x3  }
0x36: {  	p1 =	seq.s32 s10, $0x1;
	s10 =	sld [smem:$0x3FAB];
	_ =	sdelay $0x3  }
0x37: {  	[smem:$0x3FAB] =	sst s10  }
0x38: {  	s10 =	sld [smem:$0x3FAC]  }
0x39: {  	_ = 	snop;
	(pc) =	sbr.ind lr, $3  }
0x3a: {  	_ = 	snop  }
0x3b: {  	_ = 	snop  }
0x3c: {  	p2 =	seq.s32 s10, $0x1;
	s10 =	sld [smem:$0x3FAB]  }
0x3d: {  	_ =	shalt  }
0x3e: {  	_ =	shalt  }
0x3f: {  	_ =	shalt  }
0x40: {  	_ =	shalt  }
0x41: {  	_ =	shalt  }
0x42: {  	_ =	shalt  }
0x43: {  	_ =	shalt  }
0x44: {  	_ =	shalt  }
0x45: {  	_ =	shalt  }
0x46: {  	_ =	shalt  }
0x47: {  	_ =	shalt  }
0x48: {  	_ =	shalt  }
0x49: {  	_ =	shalt  }
0x4a: {  	_ =	shalt  }
0x4b: {  	_ =	shalt  }
0x4c: {  	_ =	shalt  }
0x4d: {  	_ =	shalt  }
0x4e: {  	_ =	shalt  }
0x4f: {  	_ =	shalt  }
0x50: {  	_ =	shalt  }
0x51: {  	_ =	shalt  }
0x52: {  	_ =	shalt  }
0x53: {  	_ =	shalt  }
0x54: {  	_ =	shalt  }
0x55: {  	_ =	shalt  }
0x56: {  	_ =	shalt  }
0x57: {  	_ =	shalt  }
0x58: {  	_ =	shalt  }
0x59: {  	_ =	shalt  }
0x5a: {  	_ =	shalt  }
0x5b: {  	_ =	shalt  }
0x5c: {  	_ =	shalt  }
0x5d: {  	_ =	shalt  }
0x5e: {  	_ =	shalt  }
0x5f: {  	_ =	shalt  }
0x60: {  	_ =	shalt  }
0x61: {  	_ =	shalt  }
0x62: {  	_ =	shalt  }
0x63: {  	_ =	shalt  }
0x64: {  	_ =	shalt  }
0x65: {  	_ =	shalt  }
0x66: {  	_ =	shalt  }
0x67: {  	_ =	shalt  }
0x68: {  	_ =	shalt  }
0x69: {  	_ =	shalt  }
0x6a: {  	_ =	shalt  }
0x6b: {  	_ =	shalt  }
0x6c: {  	_ =	shalt  }
0x6d: {  	_ =	shalt  }
0x6e: {  	_ =	shalt  }
0x6f: {  	_ =	shalt  }
0x70: {  	_ =	shalt  }
0x71: {  	_ =	shalt  }
0x72: {  	_ =	shalt  }
0x73: {  	_ =	shalt  }
0x74: {  	_ =	shalt  }
0x75: {  	_ =	shalt  }
0x76: {  	_ =	shalt  }
0x77: {  	_ =	shalt  }
0x78: {  	_ =	shalt  }
0x79: {  	_ =	shalt  }
0x7a: {  	_ =	shalt  }
0x7b: {  	_ =	shalt  }
0x7c: {  	_ =	shalt  }
0x7d: {  	_ =	shalt  }
0x7e: {  	_ =	shalt  }
0x7f: {  	_ =	shalt  }
0x80: {  	_ =	shalt  }
0x81: {  	_ =	shalt  }
0x82: {  	_ =	shalt  }
0x83: {  	_ =	shalt  }
0x84: {  	_ =	shalt  }
0x85: {  	_ =	shalt  }
0x86: {  	_ =	shalt  }
0x87: {  	_ =	shalt  }
.Lfunc_end0:
.L_simem_size_0:
called_computation.7_lowered:
.L_overlay_start_0:
0x88: {  	s2 =	sld [smem:$0x3FD9]  }
0x89: {  	s3 =	sld [smem:$0x3FFE];
	_ =	sdelay $0x1  }
0x8a: {  	s1 =	srdreg.scid  }
0x8b: {  	s0 =	sand.u32 $0x1, s1  }
0x8c: {  	s17 =	sshll.u32 s0, $0xA;
	s2 =	sadd.s32 s3, s2  }
0x8d: {  	s2 =	sadd.s32 s2, s17  }
0x8e: {  	[smem:$0x3FB7] =	sst s2  }
0x8f: {  	_ = 	snop  }
0x90: {  	s2 =	sld [smem:$0x3FD0];
	(tm) =	ssettm $0x1  }
0x91: {  	s18 =	sld [smem:$0x3FFB];
	_ =	sdelay $0x3  }
0x92: {  	_ =	strace s18  }
0x93: {  	s3 =	sld [smem:$0x3FFC];
	_ =	sdelay $0x3  }
0x94: {  	_ =	strace s3  }
0x95: {  	s3 =	sld [smem:$0x3FFD];
	_ =	sdelay $0x3  }
0x96: {  	_ =	strace s3  }
0x97: {  	_ =	strace $0x8FFFFFFF  }
0x98: {  	s19 =	sld [smem:$0x3FDB];
	_ =	sdelay $0x1  }
0x99: {  	s4 =	simm.s32 $_scs_section_size  }
0x9a: {  	s5 =	simm.s32 $_size__tile_overlayer_lowered;
	s6 =	simm.s32 $_tile_overlayer_lowered  }
0x9b: {  	s22 =	simm.s32 $0x1BFF;
	s21 =	sshll.u32 s6, $0x1;
	s3 =	sadd.s32 s4, s19  }
0x9c: {  	s7 =	simm.s32 $0x0;
	s20 =	sshll.u32 s5, $0x1;
	s5 =	sadd.s32 s21, s3  }
0x9d: {  	[timem:s7], [sflag:s22] =	dma.local [hbm:s5], s20  }
0x9e: {  	_ =	swait.ge [sflag:s22], s20  }
0x9f: {  	s4 =	ssub.s32 $0x0, s20;
	[sflag:s22] =	ssyncset.done $0x0  }
0xa0: {  	[sflag:s22] =	ssyncadd.s32 s4;
	_ =	sdelay $0x1  }
0xa1: {  	s23 =	simm.s32 $0x1B8B  }
0xa2: {  	_ =	swait.ge [sflag:s23], $0x1  }
0xa3: {  	[sflag:s23] =	ssyncset.done $0x0  }
0xa4: {  	s25 =	simm.s32 $0x1B8E;
	s24 =	sld [smem:$0x3FFE];
	[sflag:s23] =	ssyncadd.s32 $0xFFFFFFFF  }
0xa5: {  	s26 =	simm.s32 $execute0_lowered;
	[smem:$0x3FD2] =	sst s25  }
0xa6: {  	s5 =	sshll.u32 s26, $0x1;
	_ =	strace $0x8000005B;
	[dreg:$0x1] =	wrdreg $0xFFFFFFFF  }
0xa7: {  	s28 =	simm.s32 $_size_execute0_lowered;
	s3 =	sadd.s32 s3, s5;
	[dreg:$0x0] =	wrdreg $0x0  }
0xa8: {  	s5 =	sshll.u32 s28, $0x1;
	[dreg:$0x2] =	wrdreg s3  }
0xa9: {  	[dreg:$0x3] =	wrdreg s5  }
0xaa: {  	[dreg:$0x4] =	wrdreg $0xC0  }
0xab: {  	_ =	task [dreg:s7], $0x5FFFF  }
0xac: {  	[dreg:$0x1] =	wrdreg $0xFFFFFFFF  }
0xad: {  	[dreg:$0x0] =	wrdreg $0x60  }
0xae: {  	[dreg:$0x2] =	wrdreg s24  }
0xaf: {  	[dreg:$0x3] =	wrdreg s2  }
0xb0: {  	[dreg:$0x4] =	wrdreg $0x29000  }
0xb1: {  	[dreg:$0x5] =	wrdreg $0x9  }
0xb2: {  	_ =	task.clear_ibuf [dreg:s7], $0x6FFFF;
	_ =	strace $0x9000005B  }
0xb3: {  	s29 =	simm.s32 $0x9;
	_ =	strace $0x8000005D  }
0xb4: {  	_ =	swait.ge [sflag:s29], $0x1  }
0xb5: {  	[sflag:s29] =	ssyncadd.s32 $0xFFFFFFFF  }
0xb6: {  	_ =	strace $0x9000005D  }
0xb7: {  	_ =	sfence  }
0xb8: {  	s30 =	sld [smem:$0x0];
	_ =	sdelay $0x2  }
0xb9: {  	s31 =	sshll.u32 s1, $0xD;
	s1 =	sshrl.u32 s1, $0x2  }
0xba: {  	s3 =	sand.u32 $0x4000, s31;
	s1 =	sadd.s32 s1, s30  }
0xbb: {  	s0 =	sor.u32 s3, s0;
	s1 =	sshll.u32 s1, $0x11  }
0xbc: {  	s0 =	sor.u32 s1, s0  }
0xbd: {  	s0 =	sadd.s32 $0x8F2B, s0  }
0xbe: {  	[sflag:s0] =	ssyncadd.remote.s32 $0x1  }
0xbf: {  	_ =	sfence.sel $0xFFFF  }
0xc0: {  	[dreg:$0x0] =	wrdreg $0xFFFFFFFF;
	(pc) =	sbr.abs _section_cstart, $3  }
0xc1: {  	[dreg:$0x1] =	wrdreg $0xFFFFFFFF  }
0xc2: {  	_ =	task.clear_ibuf [dreg:s7], $0x2FFFF;
	_ =	strace $0x9FFFFFFF  }
0xc3: {  	(tm) =	ssettm $0x7FFFFFFF  }
tec
execute0_lowered:
.L_overlay_start_1:
0x0: {  	(tag) =	ssettag $0x1  }
0x1: {  	s5 =	rddreg [dreg:$0x0]  }
0x2: {  	s0 =	rddreg [dreg:$0x1];
	s1 =	srdreg.scid  }
0x3: {  	s2 =	rddreg [dreg:$0x2];
	s7 =	stileid.u32  }
0x4: {  	s3 =	simm.s32 $0x0;
	s11 =	simm.s32 $0x80;
	s12 =	simm.s32 $0x50  }
0x5: {  	s13 =	simm.s32 $0x100;
	s14 =	simm.s32 $0x1;
	s15 =	simm.s32 $0x0  }
0x6: {  	s4 =	sand.u32 $0x1, s1;
	s1 =	rddreg [dreg:$0x3];
	s8 =	smul.u32 $0x2710, s7  }
0x7: {  	[smem:$0x7FF] =	sst s3;
	s6 =	smul.u32 $0x27100, s4;
	s9 =	ssub.s32 $0x2, s4  }
0x8: {  	p0 =	sne.s32 s7, $0x0;
	_ =	strace $0x8000005C;
	s10 =	sshrl.u32 s9, $0x1  }
0x9: {  	s4 =	sadd.s32 $0x77A00, s5;
	s8 =	sadd.s32 s8, s6;
	s31 =	ssub.s32 s9, s10  }
0xa: {  	s9 =	sshrl.u32 @!p0 s2, $0x3;
	s10 =	simm.s32 $0x2;
	s8 =	sshrl.u32 s8, $0x3  }
0xb: {  	s8 =	sadd.s32 s8, s5;
	s5 =	sadd.s32 s6, s5;
	s6 =	smax.u32 s31, $0x1  }
0xc: {  	s5 =	sadd.s32 $0x23000, s5;
	s7 =	sadd.s32 $0xF400, s8;
	s8 =	sadd.s32 $0x19200, s8  }
.LBB2_1:
0xd: {  	s16 =	simm.s32 @!p0 $0x1C02  }
0xe: {  	[spmem:s9], [sflag:s16] =	dma.local @!p0 [hbm:s0], $0x27100  }
0xf: {  	s16 =	simm.s32 @!p0 $0x2  }
0x10: {  	_ =	swait.ge @!p0 [sflag:s16], $0x27100  }
0x11: {  	[sflag:s16] =	ssyncset.done @!p0 $0x0  }
0x12: {  	[sflag:s16] =	ssyncadd.s32 @!p0 $0xFFFD8F00  }
0x13: {  	s30 =	sadd.s32 $0x0, s8;
	[bflag:$0x0] =	sbarrier.arrive $0xFFFF  }
0x14: {  	[tilespmem:s3], [sflag:$0x2] =	stream.linear.gather [hbm4b:s30+s3], $0x50, $0x38;
	[tilespmem:$0x16180] =	vst v63  }
0x15: {  	_ =	swait.ge [sflag:s10], $0x50  }
0x16: {  	[sflag:s10] =	ssyncset.done $0x0  }
0x17: {  	s31 =	sadd.s32 $0x0, s7;
	[sflag:s10] =	ssyncadd.s32 $0xFFFFFFB0  }
0x18: {  	[tilespmem:s11], [sflag:$0x2] =	stream.linear.gather [hbm4b:s31+s3], $0x50, $0x38;
	[tilespmem:$0x16180] =	vst v63  }
0x19: {  	_ =	swait.ge [sflag:s10], $0x50  }
0x1a: {  	[sflag:s10] =	ssyncset.done $0x0  }
0x1b: {  	[sflag:s10] =	ssyncadd.s32 $0xFFFFFFB0  }
0x1c: {  	[tilespmem:s13], [sflag:$0x1] =	stream.indirect.gather [hbm4b:s4+s12], $0x80, s3, s12, $0xb8;
	[tilespmem:$0x16180] =	vst v63  }
0x1d: {  	_ =	swait.ge [sflag:s14], $0x2800  }
0x1e: {  	[sflag:s14] =	ssyncset.done $0x0  }
0x1f: {  	[sflag:s14] =	ssyncadd.s32 $0xFFFFD800  }
0x20: {  	[spmem:s2] =	stream.indirect.scatter.add.f32 [tilespmem:s13], [sflag:$0x2], $0x80, s11, s12, $0xb8;
	[tilespmem:$0x16180] =	vst v63  }
0x21: {  	_ =	swait.ge [sflag:s10], $0x2800  }
0x22: {  	s17 =	simm.s32 $0x14;
	s16 =	simm.s32 $0xA;
	[sflag:s10] =	ssyncset.done $0x0  }
.LBB2_2:
0x23: {  	s18 =	sadd.s32 s16, s8  }
0x24: {  	[sflag:s10] =	ssyncadd.s32 $0xFFFFD800;
	s19 =	smov.u32 s17;
	s20 =	sadd.s32 $0xA, s17  }
0x25: {  	[tilespmem:s3], [sflag:$0x2] =	stream.linear.gather [hbm4b:s18+s3], $0x50, $0x38;
	[tilespmem:$0x16180] =	vst v63  }
0x26: {  	p1 =	sne.s32 s17, $0x4D8;
	_ =	swait.ge [sflag:s10], $0x50  }
0x27: {  	[sflag:s10] =	ssyncset.done $0x0  }
0x28: {  	s17 =	sadd.s32 s16, s7;
	s16 =	smov.u32 s19;
	[sflag:s10] =	ssyncadd.s32 $0xFFFFFFB0  }
0x29: {  	[tilespmem:s11], [sflag:$0x2] =	stream.linear.gather [hbm4b:s17+s3], $0x50, $0x38;
	[tilespmem:$0x16180] =	vst v63  }
0x2a: {  	_ =	swait.ge [sflag:s10], $0x50  }
0x2b: {  	[sflag:s10] =	ssyncset.done $0x0  }
0x2c: {  	[sflag:s10] =	ssyncadd.s32 $0xFFFFFFB0  }
0x2d: {  	[tilespmem:s13], [sflag:$0x1] =	stream.indirect.gather [hbm4b:s4+s12], $0x80, s3, s12, $0xb8;
	[tilespmem:$0x16180] =	vst v63  }
0x2e: {  	_ =	swait.ge [sflag:s14], $0x2800  }
.Ltmp0:
0x2f: {  	[sflag:s14] =	ssyncset.done $0x0;
	(pc) =	sbr.rel @p1 .LBB2_2-.Ltmp0, $4  }
0x30: {  	[sflag:s14] =	ssyncadd.s32 $0xFFFFD800  }
0x31: {  	[spmem:s2] =	stream.indirect.scatter.add.f32 [tilespmem:s13], [sflag:$0x2], $0x80, s11, s12, $0xb8;
	[tilespmem:$0x16180] =	vst v63  }
0x32: {  	_ =	swait.ge [sflag:s10], $0x2800  }
0x33: {  	s17 =	smov.u32 s20;
	[sflag:s10] =	ssyncset.done $0x0  }
0x34: {  	s17 =	sadd.s32 s16, s8;
	[sflag:s10] =	ssyncadd.s32 $0xFFFFD800  }
0x35: {  	[tilespmem:s3], [sflag:$0x2] =	stream.linear.gather [hbm4b:s17+s3], $0x50, $0x38;
	[tilespmem:$0x16180] =	vst v63  }
0x36: {  	_ =	swait.ge [sflag:s10], $0x50  }
0x37: {  	[sflag:s10] =	ssyncset.done $0x0  }
0x38: {  	s31 =	sadd.s32 s16, s7;
	[sflag:s10] =	ssyncadd.s32 $0xFFFFFFB0  }
0x39: {  	[tilespmem:s11], [sflag:$0x2] =	stream.linear.gather [hbm4b:s31+s3], $0x50, $0x38;
	[tilespmem:$0x16180] =	vst v63  }
0x3a: {  	_ =	swait.ge [sflag:s10], $0x50  }
0x3b: {  	[sflag:s10] =	ssyncset.done $0x0  }
0x3c: {  	[sflag:s10] =	ssyncadd.s32 $0xFFFFFFB0  }
0x3d: {  	[tilespmem:s13], [sflag:$0x1] =	stream.indirect.gather [hbm4b:s4+s12], $0x80, s3, s12, $0xb8;
	[tilespmem:$0x16180] =	vst v63  }
0x3e: {  	_ =	swait.ge [sflag:s14], $0x2800  }
0x3f: {  	[sflag:s14] =	ssyncset.done $0x0  }
0x40: {  	[sflag:s14] =	ssyncadd.s32 $0xFFFFD800  }
0x41: {  	[spmem:s2] =	stream.indirect.scatter.add.f32 [tilespmem:s13], [sflag:$0x2], $0x80, s11, s12, $0xb8;
	[tilespmem:$0x16180] =	vst v63  }
0x42: {  	_ =	swait.ge [sflag:s10], $0x2800  }
0x43: {  	[sflag:s10] =	ssyncset.done $0x0  }
0x44: {  	s15 =	sadd.s32 $0x1, s15;
	[sflag:s10] =	ssyncadd.s32 $0xFFFFD800  }
0x45: {  	s16 =	simm.s32 @!p0 $0x1C02;
	p1 =	sne.s32 s15, s6;
	[bflag:$0x0] =	sbarrier.arrive $0xFFFF  }
0x46: {  	[hbm:s5], [sflag:s16] =	dma.local @!p0 [spmem:s9], $0x27100  }
.Ltmp1:
0x47: {  	_ = 	snop;
	(pc) =	sbr.rel @p1 .LBB2_1-.Ltmp1, $4  }
0x48: {  	s16 =	simm.s32 @!p0 $0x2  }
0x49: {  	_ =	swait.ge @!p0 [sflag:s16], $0x27100  }
0x4a: {  	[sflag:s16] =	ssyncset.done @!p0 $0x0  }
0x4b: {  	[sflag:s16] =	ssyncadd.s32 @!p0 $0xFFFD8F00  }
0x4c: {  	_ =	sfence.sel $0x180000  }
0x4d: {  	[bflag:$0x0] =	sbarrier.arrive $0xFFFF  }
0x4e: {  	_ =	strace $0x9000005C  }
0x4f: {  	s0 =	sadd.s32 @!p0 $0x100000, s1;
	[bflag:$0x2] =	sbarrier.arrive $0xFFFF  }
0x50: {  	[sflag:s0] =	ssyncadd.tile.s32 @!p0 $0x1;
	_ =	shalt  }
.Lfunc_end2:
_tile_overlayer_lowered:
.L_overlay_start_2:
0x51: {  	(tag) =	ssettag $0x2  }
0x52: {  	s0 =	rddreg [dreg:$0x0];
	s2 =	stileid.u32  }
0x53: {  	s1 =	rddreg [dreg:$0x1];
	p0 =	sne.s32 s2, $0x0  }
0x54: {  	s3 =	rddreg [dreg:$0x2];
	[bflag:$0x3] =	sbarrier.arrive $0xFFFF;
	s2 =	simm.s32 @!p0 $0x1C02  }
0x55: {  	[timem:s3], [sflag:s2] =	dma.local @!p0 [hbm:s0], s1  }
0x56: {  	s0 =	simm.s32 @!p0 $0x2  }
0x57: {  	_ =	swait.ge @!p0 [sflag:s0], s1  }
0x58: {  	s1 =	ssub.s32 @!p0 $0x0, s1;
	[sflag:s0] =	ssyncset.done @!p0 $0x0  }
0x59: {  	[sflag:s0] =	ssyncadd.s32 @!p0 s1  }
0x5a: {  	[bflag:$0x3] =	sbarrier.arrive $0xFFFF  }
0x5b: {  	_ =	shalt  }

</sc_bundles>
